<compile_context>
chip_gen: v7x
topology: tpu7x:2x2x1
jax: 0.10.2.dev20260603
libtpu: 0.0.44.dev20260713+nightly
codegen_flags: <defaults>
</compile_context>

<pallas_src>
import functools

import jax
import jax.numpy as jnp
from jax import lax
from jax.experimental import pallas as pl
from jax.experimental.pallas import tpu as pltpu
from jax.experimental.pallas import tpu_sc as plsc

_NW = 32
_B = 64


def _pre_tail(nsteps, hcur, w_ref, as_ref, ad_ref,
              hw_ref, ss_ref, sd_ref, m_ref, mscr):
    i = pl.program_id(0)
    hw = jnp.dot(hcur, w_ref[...], preferred_element_type=jnp.float32)
    hw_ref[...] = hw
    ss = jnp.dot(hw, as_ref[...], preferred_element_type=jnp.float32)
    sd = jnp.dot(hw, ad_ref[...], preferred_element_type=jnp.float32)
    ss_ref[...] = ss
    sd_ref[...] = sd
    bs = jnp.max(ss)
    bd = jnp.max(sd)

    @pl.when(i == 0)
    def _():
        mscr[0] = bs
        mscr[1] = bd

    @pl.when(i > 0)
    def _():
        mscr[0] = jnp.maximum(mscr[0], bs)
        mscr[1] = jnp.maximum(mscr[1], bd)

    @pl.when(i == nsteps - 1)
    def _():
        m = mscr[0] + mscr[1]
        m = jnp.where(m < 0.0, 0.2 * m, m)
        m_ref[...] = jnp.full((8, 128), m, jnp.float32)


def _pre_body(nsteps, x_ref, w_ref, as_ref, ad_ref,
              hw_ref, ss_ref, sd_ref, m_ref, mscr):
    _pre_tail(nsteps, x_ref[...], w_ref, as_ref, ad_ref,
              hw_ref, ss_ref, sd_ref, m_ref, mscr)


def _dense_outs(n, h, blk):
    return (
        [
            pl.BlockSpec((blk, h), lambda i: (i, 0)),
            pl.BlockSpec((blk, 1), lambda i: (i, 0)),
            pl.BlockSpec((blk, 1), lambda i: (i, 0)),
            pl.BlockSpec((8, 128), lambda i: (0, 0)),
        ],
        [
            jax.ShapeDtypeStruct((n, h), jnp.float32),
            jax.ShapeDtypeStruct((n, 1), jnp.float32),
            jax.ShapeDtypeStruct((n, 1), jnp.float32),
            jax.ShapeDtypeStruct((8, 128), jnp.float32),
        ],
    )


def _tc_pre(x, w, a_s, a_d, blk):
    n, d = x.shape
    h = w.shape[1]
    nsteps = n // blk
    out_specs, out_shape = _dense_outs(n, h, blk)
    return pl.pallas_call(
        functools.partial(_pre_body, nsteps),
        grid=(nsteps,),
        in_specs=[
            pl.BlockSpec((blk, d), lambda i: (i, 0)),
            pl.BlockSpec((d, h), lambda i: (0, 0)),
            pl.BlockSpec((h, 1), lambda i: (0, 0)),
            pl.BlockSpec((h, 1), lambda i: (0, 0)),
        ],
        out_specs=out_specs,
        out_shape=out_shape,
        scratch_shapes=[pltpu.SMEM((2,), jnp.float32)],
    )(x, w, a_s, a_d)


def _combine(q_refs, pd_ref, b_ref):
    num = jnp.concatenate([q[0] + q[1] for q in q_refs], axis=1)
    den = (pd_ref[0] + pd_ref[1])[:, 0:1]
    return jnp.maximum(num / (den + 1e-16) + b_ref[...], 0.0)


def _mid_body(nsteps, q0, q1, pd_ref, b_ref,
              w_ref, as_ref, ad_ref,
              hw_ref, ss_ref, sd_ref, m_ref, mscr):
    hcur = _combine((q0, q1), pd_ref, b_ref)
    _pre_tail(nsteps, hcur, w_ref, as_ref, ad_ref,
              hw_ref, ss_ref, sd_ref, m_ref, mscr)


def _part_specs(blk, h):
    qspec = pl.BlockSpec((2, blk, h // 2), lambda i: (0, i, 0))
    return [qspec, qspec, qspec]


def _tc_mid(p_n, p_d, b, w, a_s, a_d, n, blk):
    h = w.shape[0]
    nsteps = n // blk
    out_specs, out_shape = _dense_outs(n, h, blk)
    return pl.pallas_call(
        functools.partial(_mid_body, nsteps),
        grid=(nsteps,),
        in_specs=_part_specs(blk, h) + [
            pl.BlockSpec((1, h), lambda i: (0, 0)),
            pl.BlockSpec((h, h), lambda i: (0, 0)),
            pl.BlockSpec((h, 1), lambda i: (0, 0)),
            pl.BlockSpec((h, 1), lambda i: (0, 0)),
        ],
        out_specs=out_specs,
        out_shape=out_shape,
        scratch_shapes=[pltpu.SMEM((2,), jnp.float32)],
    )(*p_n, p_d, b, w, a_s, a_d)


def _post_body(nsteps, g, q0, q1, pd_ref, b_ref,
               wih_ref, bih_ref, bhh_ref, batch_ref, wfc_ref, bfc_ref,
               pooled_ref, sn_ref):
    i = pl.program_id(0)
    h = b_ref.shape[1]
    blk = q0.shape[1]
    hcur = _combine((q0, q1), pd_ref, b_ref)
    gx = jnp.dot(hcur, wih_ref[...], preferred_element_type=jnp.float32) + bih_ref[...]
    bhh = bhh_ref[...]
    r = jax.nn.sigmoid(gx[:, 0:h] + bhh[:, 0:h])
    z = jax.nn.sigmoid(gx[:, h:2 * h] + bhh[:, h:2 * h])
    nn_ = jnp.tanh(gx[:, 2 * h:3 * h] + r * bhh[:, 2 * h:3 * h])
    hg = (1.0 - z) * nn_
    gids = lax.broadcasted_iota(jnp.int32, (g, blk), 0)
    onehot = (gids == batch_ref[0]).astype(jnp.float32)
    contrib = jnp.dot(onehot, hg, preferred_element_type=jnp.float32)

    @pl.when(i == 0)
    def _():
        pooled_ref[...] = contrib

    @pl.when(i > 0)
    def _():
        pooled_ref[...] += contrib

    @pl.when(i == nsteps - 1)
    def _():
        pooled = pooled_ref[...]
        sn = jnp.sum(pooled, axis=0, keepdims=True) * (1.0 / g)
        sn = jnp.dot(sn, wfc_ref[...], preferred_element_type=jnp.float32) + bfc_ref[...]
        sn_ref[...] = jnp.maximum(sn, 0.0)


def _tc_post(p_n, p_d, b, w_ih_t, b_ih, b_hh, batch_row,
             w_fc_t, b_fc, g, n, blk):
    h = b.shape[1]
    nsteps = n // blk
    batch_row = batch_row.reshape(nsteps, 1, blk)
    return pl.pallas_call(
        functools.partial(_post_body, nsteps, g),
        grid=(nsteps,),
        in_specs=_part_specs(blk, h) + [
            pl.BlockSpec((1, h), lambda i: (0, 0)),
            pl.BlockSpec((h, 3 * h), lambda i: (0, 0)),
            pl.BlockSpec((1, 3 * h), lambda i: (0, 0)),
            pl.BlockSpec((1, 3 * h), lambda i: (0, 0)),
            pl.BlockSpec((1, 1, blk), lambda i: (i, 0, 0)),
            pl.BlockSpec((h, h), lambda i: (0, 0)),
            pl.BlockSpec((1, h), lambda i: (0, 0)),
        ],
        out_specs=[
            pl.BlockSpec((g, h), lambda i: (0, 0)),
            pl.BlockSpec((1, h), lambda i: (0, 0)),
        ],
        out_shape=[
            jax.ShapeDtypeStruct((g, h), jnp.float32),
            jax.ShapeDtypeStruct((1, h), jnp.float32),
        ],
    )(*p_n, p_d, b, w_ih_t, b_ih, b_hh, batch_row, w_fc_t, b_fc)


def _make_sc_edge_pass(n, n_pad, h, nb, ept):
    np2 = n_pad // 2
    npc = np2 // 16
    nck = 64
    hq = h // 2
    mesh = plsc.VectorSubcoreMesh(core_axis_name="c", subcore_axis_name="s")

    @functools.partial(
        pl.kernel,
        mesh=mesh,
        compiler_params=pltpu.CompilerParams(needs_layout_passes=False),
        out_type=jax.ShapeDtypeStruct((3, 2, np2, h), jnp.float32),
        scratch_types=[
            pltpu.VMEM((2, _B), jnp.int32),
            pltpu.VMEM((2, _B), jnp.int32),
            pltpu.VMEM((2, _B), jnp.int32),
            pltpu.VMEM((2, _B), jnp.float32),
            pltpu.VMEM((n,), jnp.float32),
            pltpu.VMEM((n,), jnp.float32),
            pltpu.VMEM((16,), jnp.float32),
            pltpu.VMEM((_B, h), jnp.float32),
            pltpu.VMEM((_B, h), jnp.float32),
            pltpu.VMEM((_B, h), jnp.float32),
            pltpu.VMEM((_B, h), jnp.float32),
            pltpu.VMEM_SHARED((np2, h), jnp.float32),
            pltpu.SemaphoreType.DMA,
            pltpu.SemaphoreType.DMA,
            pltpu.SemaphoreType.DMA,
            pltpu.SemaphoreType.DMA,
            pltpu.SemaphoreType.DMA,
        ],
    )
    def sc_kernel(hw_hbm, ssrc_hbm, sdst_hbm, m_hbm, src_hbm, dst_hbm,
                  out_n, srcr_v, dstr_v, d2r_v, exr_v, ssrc_v, sdst_v, m_v,
                  gbuf0, gbuf1, sbuf0, sbuf1, acc_n,
                  gsem0, gsem1, ssem0, ssem1, isem):
        cid = lax.axis_index("c")
        sid = lax.axis_index("s")
        wid = sid * 2 + cid
        pltpu.sync_copy(ssrc_hbm, ssrc_v)
        pltpu.sync_copy(sdst_hbm, sdst_v)
        pltpu.sync_copy(m_hbm, m_v)

        zero16 = jnp.zeros((16,), jnp.float32)
        lanes = lax.iota(jnp.int32, 16)
        base = sid * npc
        gbufs = (gbuf0, gbuf1)
        sbufs = (sbuf0, sbuf1)
        gsems = (gsem0, gsem1)
        ssems = (ssem0, ssem1)

        def _zrow(bi, c_):
            for c in range(h // 16):
                sbuf0[bi, pl.ds(16 * c, 16)] = zero16
            return c_

        lax.fori_loop(0, _B, _zrow, 0)
        for t in range(npc // nck):
            pltpu.sync_copy(sbuf0.at[pl.ds(0, nck)],
                            acc_n.at[pl.ds(base + nck * t, nck)])
        plsc.subcore_barrier()

        def _stage_idx(j, u, sem):
            pltpu.async_copy(src_hbm.at[wid, j], srcr_v.at[u], sem)
            pltpu.async_copy(dst_hbm.at[wid, j], dstr_v.at[u], sem)

        def _wait_idx():
            pltpu.make_async_copy(src_hbm.at[wid, 0], srcr_v.at[0],
                                  isem).wait()
            pltpu.make_async_copy(dst_hbm.at[wid, 0], dstr_v.at[0],
                                  isem).wait()

        def _pass(p, cp_):
            pm = jnp.minimum(p, 1)
            isd = jnp.full((16,), p, jnp.int32) >= 2

            pltpu.sync_copy(src_hbm.at[wid, 0], srcr_v.at[0])
            pltpu.sync_copy(dst_hbm.at[wid, 0], dstr_v.at[0])
            _stage_idx(1, 1, isem)

            @pl.when(p < 2)
            def _():
                pltpu.async_copy(hw_hbm.at[srcr_v.at[0]], gbuf0, gsem0)

            def _one(j, u):
                gbuf = gbufs[u]
                sbuf = sbufs[u]

                @pl.when(j + 1 < nb)
                def _():
                    _wait_idx()

                    @pl.when(p < 2)
                    def _():
                        pltpu.async_copy(hw_hbm.at[srcr_v.at[1 - u]],
                                         gbufs[1 - u], gsems[1 - u])

                @pl.when(p < 2)
                def _():
                    pltpu.make_async_copy(hw_hbm.at[pl.ds(0, _B)], gbuf,
                                          gsems[u]).wait()

                @pl.when(j >= 2)
                def _():
                    pltpu.make_async_copy(hw_hbm.at[pl.ds(0, _B)], sbuf,
                                          ssems[u]).wait()

                for c in range(_B // 16):
                    si = srcr_v[u, pl.ds(16 * c, 16)]
                    di = dstr_v[u, pl.ds(16 * c, 16)]
                    sv = plsc.load_gather(ssrc_v, [si])
                    dv = plsc.load_gather(sdst_v, [di])
                    e = sv + dv
                    e = jnp.where(e < 0.0, e * 0.2, e)
                    ex = jnp.exp(e - m_v[...])
                    pos = j * _B + 16 * c + lanes
                    ex = jnp.where(pos < ept, ex, 0.0)
                    par = jnp.bitwise_and(di, 1)
                    exr_v[u, pl.ds(16 * c, 16)] = jnp.where(
                        par == 1, -ex, ex)
                    d2r_v[u, pl.ds(16 * c, 16)] = lax.shift_right_logical(
                        di, 1)

                @pl.when(j + 2 < nb)
                def _():
                    _stage_idx(j + 2, u, isem)

                usplat = jnp.full((16,), u, jnp.int32)

                def _row(bi, c2_):
                    bsplat = jnp.full((16,), bi, jnp.int32)
                    exs = plsc.load_gather(exr_v, [usplat, bsplat])
                    odd = exs < 0.0
                    exb = jnp.abs(exs)
                    for c in range(h // 16):
                        gv = gbuf[bi, pl.ds(hq * pm + 16 * (c % 4), 16)] * exb
                        dv_ = jnp.where(lanes == 0, exb, 0.0) if c % 4 == 0 \
                            else jnp.zeros((16,), jnp.float32)
                        val = jnp.where(isd, dv_, gv)
                        sel = odd if c >= 4 else jnp.logical_not(odd)
                        sbuf[bi, pl.ds(16 * c, 16)] = jnp.where(
                            sel, val, 0.0)
                    return c2_

                lax.fori_loop(0, _B, _row, 0)
                pltpu.async_copy(sbuf, acc_n.at[d2r_v.at[u]], ssems[u],
                                 add=True)

            def _batch(jj, c_):
                _one(jj * 2, 0)
                _one(jj * 2 + 1, 1)
                return c_

            lax.fori_loop(0, nb // 2, _batch, 0)
            for u in range(2):
                pltpu.make_async_copy(hw_hbm.at[pl.ds(0, _B)], sbufs[u],
                                      ssems[u]).wait()
            plsc.subcore_barrier()
            for t in range(npc // nck):
                pltpu.sync_copy(acc_n.at[pl.ds(base + nck * t, nck)],
                                out_n.at[p, cid, pl.ds(base + nck * t, nck)])

            @pl.when(p < 2)
            def _():
                def _zrow2(bi, c_):
                    for c in range(h // 16):
                        sbuf0[bi, pl.ds(16 * c, 16)] = zero16
                    return c_

                lax.fori_loop(0, _B, _zrow2, 0)
                for t in range(npc // nck):
                    pltpu.sync_copy(sbuf0.at[pl.ds(0, nck)],
                                    acc_n.at[pl.ds(base + nck * t, nck)])

            plsc.subcore_barrier()
            return cp_

        lax.fori_loop(0, 3, _pass, 0)

    return sc_kernel


def kernel(x, edge_index, batch, W1, a_src1, a_dst1, b1,
           W2, a_src2, a_dst2, b2, W_ih, W_hh, b_ih, b_hh, W_fc, b_fc):
    n, d = x.shape
    h = W1.shape[1]
    e = edge_index.shape[1]
    g = 128
    blk = 2000

    ept = e // _NW
    nb = (ept + _B - 1) // _B
    nb += nb % 2
    pad = nb * _B - ept
    src_t = jnp.pad(edge_index[0].reshape(_NW, ept), ((0, 0), (0, pad))
                    ).reshape(_NW, nb, _B)
    dst_t = jnp.pad(edge_index[1].reshape(_NW, ept), ((0, 0), (0, pad))
                    ).reshape(_NW, nb, _B)

    npc = -(-(n // 16) // _B) * _B
    n_pad = 16 * npc
    sc_pass = _make_sc_edge_pass(n, n_pad, h, nb, ept)

    def unpack(out_q):
        qs = [out_q[p].reshape(2, n_pad, h // 2) for p in range(2)]
        return qs, out_q[2].reshape(2, n_pad, h // 2)

    hw1, ss1, sd1, m1 = _tc_pre(x, W1, a_src1.reshape(h, 1),
                                a_dst1.reshape(h, 1), blk)
    pn1, pd1 = unpack(sc_pass(hw1, ss1.reshape(n), sd1.reshape(n),
                              m1.reshape(-1)[:16], src_t, dst_t))
    hw2, ss2, sd2, m2 = _tc_mid(pn1, pd1, b1.reshape(1, h),
                                W2, a_src2.reshape(h, 1),
                                a_dst2.reshape(h, 1), n, blk)
    pn2, pd2 = unpack(sc_pass(hw2, ss2.reshape(n), sd2.reshape(n),
                              m2.reshape(-1)[:16], src_t, dst_t))
    pooled, sn = _tc_post(pn2, pd2, b2.reshape(1, h),
                          W_ih.T, b_ih.reshape(1, 3 * h),
                          b_hh.reshape(1, 3 * h), batch.reshape(1, n),
                          W_fc.T, b_fc.reshape(1, h), g, n, blk)
    return jnp.concatenate([pooled, jnp.tile(sn, (g, 1))], axis=1)

# --- scband reference (transcript-rebuilt; emitter-appended) ---
"""Pipeline reference for scband-attentive-fp-68487548502615 (READ-ONLY COPY).

The authoritative reference and input builder live on the scoring server;
editing this copy changes nothing except your own understanding.
"""

import jax, jax.numpy as jnp
import numpy as np

N = 10000
E = 320000
D = 128
H = 128
G = 128


def _glorot(key, shape):
    fan = shape[0] + (shape[1] if len(shape) > 1 else 1)
    return jax.random.normal(key, shape, dtype=jnp.float32) * (2.0 / fan) ** 0.5


def setup_inputs(seed: int = 0):
    key = jax.random.key(seed)
    ks = jax.random.split(key, 20)
    inp = {}
    inp["x"] = jax.random.normal(ks[0], (N, D), dtype=jnp.float32)
    inp["edge_index"] = jax.random.randint(ks[1], (2, E), 0, N, dtype=jnp.int32)
    inp["batch"] = jnp.sort(jax.random.randint(ks[2], (N,), 0, G, dtype=jnp.int32))
    inp["W1"] = _glorot(ks[3], (D, H))
    inp["a_src1"] = _glorot(ks[4], (H,))
    inp["a_dst1"] = _glorot(ks[5], (H,))
    inp["b1"] = jnp.zeros((H,), dtype=jnp.float32)
    inp["W2"] = _glorot(ks[6], (H, H))
    inp["a_src2"] = _glorot(ks[7], (H,))
    inp["a_dst2"] = _glorot(ks[8], (H,))
    inp["b2"] = jnp.zeros((H,), dtype=jnp.float32)
    inp["W_ih"] = _glorot(ks[9], (3 * H, H))
    inp["W_hh"] = _glorot(ks[10], (3 * H, H))
    inp["b_ih"] = jnp.zeros((3 * H,), dtype=jnp.float32)
    inp["b_hh"] = jnp.zeros((3 * H,), dtype=jnp.float32)
    inp["W_fc"] = _glorot(ks[11], (H, H))
    inp["b_fc"] = jnp.zeros((H,), dtype=jnp.float32)
    return inp


def _gat(h, edge_index, W, a_s, a_d, b):
    hw = h @ W
    src = edge_index[0]
    dst = edge_index[1]
    e = jax.nn.leaky_relu((hw @ a_s)[src] + (hw @ a_d)[dst], negative_slope=0.2)
    emax = jax.lax.stop_gradient(jax.ops.segment_max(e, dst, num_segments=N))
    emax = jnp.where(jnp.isfinite(emax), emax, 0.0)
    ex = jnp.exp(e - emax[dst])
    denom = jax.ops.segment_sum(ex, dst, num_segments=N)
    alpha = ex / (denom[dst] + 1e-16)
    return jax.ops.segment_sum(hw[src] * alpha[:, None], dst, num_segments=N) + b


def _forward(x, edge_index, batch, W1, a_src1, a_dst1, b1, W2, a_src2, a_dst2, b2, W_ih, W_hh, b_ih, b_hh, W_fc, b_fc):
    h = jax.nn.relu(_gat(x, edge_index, W1, a_src1, a_dst1, b1))
    h = jax.nn.relu(_gat(h, edge_index, W2, a_src2, a_dst2, b2))
    # dropout is identity in eval mode
    # GRU: seq_len 1, initial hidden state h0 = 0
    h0 = jnp.zeros_like(h)
    gx = h @ W_ih.T + b_ih
    gh = h0 @ W_hh.T + b_hh
    xr, xz, xn = jnp.split(gx, 3, axis=1)
    hr, hz, hn = jnp.split(gh, 3, axis=1)
    r = jax.nn.sigmoid(xr + hr)
    z = jax.nn.sigmoid(xz + hz)
    n = jnp.tanh(xn + r * hn)
    h = (1.0 - z) * n + z * h0
    pooled = jax.ops.segment_sum(h, batch, num_segments=G)
    sn = jnp.mean(pooled, axis=0, keepdims=True)
    sn = jax.nn.relu(sn @ W_fc.T + b_fc)
    return jnp.concatenate([pooled, jnp.tile(sn, (G, 1))], axis=1)


def reference(x, edge_index, batch, W1, a_src1, a_dst1, b1, W2, a_src2, a_dst2, b2, W_ih, W_hh, b_ih, b_hh, W_fc, b_fc):
    return _forward(x, edge_index, batch, W1, a_src1, a_dst1, b1, W2, a_src2, a_dst2, b2, W_ih, W_hh, b_ih, b_hh, W_fc, b_fc)

if __name__ == "__main__":
    import jax
    _d = setup_inputs()
    print(jax.jit(kernel)(*tuple(_d.values())))

</pallas_src>

<mosaic_0001>
#map = affine_map<(d0, d1) -> (0, 0)>
#map1 = affine_map<(d0, d1) -> (0)>
#map2 = affine_map<(d0, d1) -> (0, 0, 0)>
#map3 = affine_map<(d0, d1) -> (0, 0, 0, 0)>
module attributes {stable_mosaic.version = 14 : i64} {
  func.func @sc_kernel(%arg0: i32, %arg1: i32, %arg2: memref<10000x128xf32, #tpu.memory_space<hbm>>, %arg3: memref<10000xf32, #tpu.memory_space<hbm>>, %arg4: memref<10000xf32, #tpu.memory_space<hbm>>, %arg5: memref<16xf32, #tpu.memory_space<hbm>>, %arg6: memref<32x158x64xi32, #tpu.memory_space<hbm>>, %arg7: memref<32x158x64xi32, #tpu.memory_space<hbm>>, %arg8: memref<3x2x5120x128xf32, #tpu.memory_space<hbm>>, %arg9: memref<2x64xi32, #tpu.memory_space<vmem>>, %arg10: memref<2x64xi32, #tpu.memory_space<vmem>>, %arg11: memref<2x64xi32, #tpu.memory_space<vmem>>, %arg12: memref<2x64xf32, #tpu.memory_space<vmem>>, %arg13: memref<10000xf32, #tpu.memory_space<vmem>>, %arg14: memref<10000xf32, #tpu.memory_space<vmem>>, %arg15: memref<16xf32, #tpu.memory_space<vmem>>, %arg16: memref<64x128xf32, #tpu.memory_space<vmem>>, %arg17: memref<64x128xf32, #tpu.memory_space<vmem>>, %arg18: memref<64x128xf32, #tpu.memory_space<vmem>>, %arg19: memref<64x128xf32, #tpu.memory_space<vmem>>, %arg20: memref<5120x128xf32, #tpu.memory_space<vmem_shared>>, %arg21: memref<!tpu.dma_semaphore, #tpu.memory_space<semaphore_mem>>, %arg22: memref<!tpu.dma_semaphore, #tpu.memory_space<semaphore_mem>>, %arg23: memref<!tpu.dma_semaphore, #tpu.memory_space<semaphore_mem>>, %arg24: memref<!tpu.dma_semaphore, #tpu.memory_space<semaphore_mem>>, %arg25: memref<!tpu.dma_semaphore, #tpu.memory_space<semaphore_mem>>) attributes {dimension_semantics = [#tpu.dimension_semantics<core_parallel>, #tpu.dimension_semantics<subcore_parallel>], iteration_bounds = array<i64: 2, 16>, scalar_prefetch = 0 : i64, scratch_operands = 17 : i64, tpu.core_type = #tpu.core_type<sc_vector_subcore>, window_params = [{transform_indices = #map}, {transform_indices = #map1}, {transform_indices = #map1}, {transform_indices = #map1}, {transform_indices = #map2}, {transform_indices = #map2}, {transform_indices = #map3}]} {
    %mul3A = arith.constant 2 : i32
    %mul3A_0 = arith.muli %arg1, %mul3A : i32
    %add3A = arith.addi %mul3A_0, %arg0 : i32
    "tpu.region"() ({
      %run_scoped3A = tpu.sem_alloc : memref<!tpu.dma_semaphore, #tpu.memory_space<semaphore_mem>>
      tpu.enqueue_dma source(%arg3 : memref<10000xf32, #tpu.memory_space<hbm>>) target(%arg13 : memref<10000xf32, #tpu.memory_space<vmem>>) target_semaphore(%run_scoped3A : memref<!tpu.dma_semaphore, #tpu.memory_space<semaphore_mem>>)
      tpu.wait_dma2 semaphore(%run_scoped3A : memref<!tpu.dma_semaphore, #tpu.memory_space<semaphore_mem>>) src(%arg3 : memref<10000xf32, #tpu.memory_space<hbm>>) dst(%arg13 : memref<10000xf32, #tpu.memory_space<vmem>>)
      tpu.yield
    }) : () -> ()
    "tpu.region"() ({
      %run_scoped3A = tpu.sem_alloc : memref<!tpu.dma_semaphore, #tpu.memory_space<semaphore_mem>>
      tpu.enqueue_dma source(%arg4 : memref<10000xf32, #tpu.memory_space<hbm>>) target(%arg14 : memref<10000xf32, #tpu.memory_space<vmem>>) target_semaphore(%run_scoped3A : memref<!tpu.dma_semaphore, #tpu.memory_space<semaphore_mem>>)
      tpu.wait_dma2 semaphore(%run_scoped3A : memref<!tpu.dma_semaphore, #tpu.memory_space<semaphore_mem>>) src(%arg4 : memref<10000xf32, #tpu.memory_space<hbm>>) dst(%arg14 : memref<10000xf32, #tpu.memory_space<vmem>>)
      tpu.yield
    }) : () -> ()
    "tpu.region"() ({
      %run_scoped3A = tpu.sem_alloc : memref<!tpu.dma_semaphore, #tpu.memory_space<semaphore_mem>>
      tpu.enqueue_dma source(%arg5 : memref<16xf32, #tpu.memory_space<hbm>>) target(%arg15 : memref<16xf32, #tpu.memory_space<vmem>>) target_semaphore(%run_scoped3A : memref<!tpu.dma_semaphore, #tpu.memory_space<semaphore_mem>>)
      tpu.wait_dma2 semaphore(%run_scoped3A : memref<!tpu.dma_semaphore, #tpu.memory_space<semaphore_mem>>) src(%arg5 : memref<16xf32, #tpu.memory_space<hbm>>) dst(%arg15 : memref<16xf32, #tpu.memory_space<vmem>>)
      tpu.yield
    }) : () -> ()
    %broadcast_in_dim3A = arith.constant 0.000000e+00 : f32
    %broadcast_in_dim3A_1 = vector.broadcast %broadcast_in_dim3A : f32 to vector<16xf32>
    %iota3A = tpu.iota {dimensions = array<i32: 0>} : vector<16xi32>
    %mul3A_2 = arith.constant 320 : i32
    %mul3A_3 = arith.muli %arg1, %mul3A_2 : i32
    %scan3A = arith.constant 0 : i32
    %scan3A_4 = arith.constant 0 : i32
    %scan3A_5 = arith.constant 64 : i32
    %scan3A_6 = arith.addi %scan3A_4, %scan3A_5 : i32
    %scan3A_7 = arith.constant 1 : i32
    scf.for %scan3A_25 = %scan3A_4 to %scan3A_6 step %scan3A_7  : i32 {
      %swap3A = arith.index_cast %scan3A_25 : i32 to index
      %swap3A_26 = arith.constant 0 : index
      %swap3A_27 = tpu.vector_load %arg18[%swap3A, %swap3A_26] {strides = array<i32>} : memref<64x128xf32, #tpu.memory_space<vmem>>, vector<16xf32>,
      tpu.vector_store %arg18[%swap3A, %swap3A_26], %broadcast_in_dim3A_1 {strides = array<i32>} : memref<64x128xf32, #tpu.memory_space<vmem>>, vector<16xf32>,
      %swap3A_28 = arith.index_cast %scan3A_25 : i32 to index
      %swap3A_29 = arith.constant 16 : index
      %swap3A_30 = tpu.vector_load %arg18[%swap3A_28, %swap3A_29] {strides = array<i32>} : memref<64x128xf32, #tpu.memory_space<vmem>>, vector<16xf32>,
      tpu.vector_store %arg18[%swap3A_28, %swap3A_29], %broadcast_in_dim3A_1 {strides = array<i32>} : memref<64x128xf32, #tpu.memory_space<vmem>>, vector<16xf32>,
      %swap3A_31 = arith.index_cast %scan3A_25 : i32 to index
      %swap3A_32 = arith.constant 32 : index
      %swap3A_33 = tpu.vector_load %arg18[%swap3A_31, %swap3A_32] {strides = array<i32>} : memref<64x128xf32, #tpu.memory_space<vmem>>, vector<16xf32>,
      tpu.vector_store %arg18[%swap3A_31, %swap3A_32], %broadcast_in_dim3A_1 {strides = array<i32>} : memref<64x128xf32, #tpu.memory_space<vmem>>, vector<16xf32>,
      %swap3A_34 = arith.index_cast %scan3A_25 : i32 to index
      %swap3A_35 = arith.constant 48 : index
      %swap3A_36 = tpu.vector_load %arg18[%swap3A_34, %swap3A_35] {strides = array<i32>} : memref<64x128xf32, #tpu.memory_space<vmem>>, vector<16xf32>,
      tpu.vector_store %arg18[%swap3A_34, %swap3A_35], %broadcast_in_dim3A_1 {strides = array<i32>} : memref<64x128xf32, #tpu.memory_space<vmem>>, vector<16xf32>,
      %swap3A_37 = arith.index_cast %scan3A_25 : i32 to index
      %swap3A_38 = arith.constant 64 : index
      %swap3A_39 = tpu.vector_load %arg18[%swap3A_37, %swap3A_38] {strides = array<i32>} : memref<64x128xf32, #tpu.memory_space<vmem>>, vector<16xf32>,
      tpu.vector_store %arg18[%swap3A_37, %swap3A_38], %broadcast_in_dim3A_1 {strides = array<i32>} : memref<64x128xf32, #tpu.memory_space<vmem>>, vector<16xf32>,
      %swap3A_40 = arith.index_cast %scan3A_25 : i32 to index
      %swap3A_41 = arith.constant 80 : index
      %swap3A_42 = tpu.vector_load %arg18[%swap3A_40, %swap3A_41] {strides = array<i32>} : memref<64x128xf32, #tpu.memory_space<vmem>>, vector<16xf32>,
      tpu.vector_store %arg18[%swap3A_40, %swap3A_41], %broadcast_in_dim3A_1 {strides = array<i32>} : memref<64x128xf32, #tpu.memory_space<vmem>>, vector<16xf32>,
      %swap3A_43 = arith.index_cast %scan3A_25 : i32 to index
      %swap3A_44 = arith.constant 96 : index
      %swap3A_45 = tpu.vector_load %arg18[%swap3A_43, %swap3A_44] {strides = array<i32>} : memref<64x128xf32, #tpu.memory_space<vmem>>, vector<16xf32>,
      tpu.vector_store %arg18[%swap3A_43, %swap3A_44], %broadcast_in_dim3A_1 {strides = array<i32>} : memref<64x128xf32, #tpu.memory_space<vmem>>, vector<16xf32>,
      %swap3A_46 = arith.index_cast %scan3A_25 : i32 to index
      %swap3A_47 = arith.constant 112 : index
      %swap3A_48 = tpu.vector_load %arg18[%swap3A_46, %swap3A_47] {strides = array<i32>} : memref<64x128xf32, #tpu.memory_space<vmem>>, vector<16xf32>,
      tpu.vector_store %arg18[%swap3A_46, %swap3A_47], %broadcast_in_dim3A_1 {strides = array<i32>} : memref<64x128xf32, #tpu.memory_space<vmem>>, vector<16xf32>,
    }
    %scan3A_8 = arith.constant 64 : i32
    %add3A_9 = arith.constant 0 : i32
    %add3A_10 = arith.addi %mul3A_3, %add3A_9 : i32
    "tpu.region"() ({
      %run_scoped3A = tpu.sem_alloc : memref<!tpu.dma_semaphore, #tpu.memory_space<semaphore_mem>>
      %dma_start3A = arith.constant 0 : i32
      %dma_start3A_25 = arith.constant 0 : i32
      %dma_start3A_26 = tpu.memref_slice %arg18[%dma_start3A, %dma_start3A_25] : memref<64x128xf32, #tpu.memory_space<vmem>> -> memref<64x128xf32, #tpu.memory_space<vmem>>
      %dma_start3A_27 = arith.constant 0 : i32
      %dma_start3A_28 = tpu.memref_slice %arg20[%add3A_10, %dma_start3A_27] : memref<5120x128xf32, #tpu.memory_space<vmem_shared>> -> memref<64x128xf32, #tpu.memory_space<vmem_shared>>
      %dma_start3A_29 = arith.constant 0 : i32
      %dma_start3A_30 = tpu.memref_slice %arg20[%add3A_10, %dma_start3A_29] : memref<5120x128xf32, #tpu.memory_space<vmem_shared>> -> memref<64x128xf32, #tpu.memory_space<vmem_shared>>
      %dma_start3A_31 = arith.constant 0 : i32
      %dma_start3A_32 = arith.constant 0 : i32
      %dma_start3A_33 = tpu.memref_slice %arg18[%dma_start3A_31, %dma_start3A_32] : memref<64x128xf32, #tpu.memory_space<vmem>> -> memref<64x128xf32, #tpu.memory_space<vmem>>
      tpu.enqueue_dma source(%dma_start3A_33 : memref<64x128xf32, #tpu.memory_space<vmem>>) target(%dma_start3A_30 : memref<64x128xf32, #tpu.memory_space<vmem_shared>>) target_semaphore(%run_scoped3A : memref<!tpu.dma_semaphore, #tpu.memory_space<semaphore_mem>>)
      %dma_wait3A = arith.constant 0 : i32
      %dma_wait3A_34 = arith.constant 0 : i32
      %dma_wait3A_35 = tpu.memref_slice %arg18[%dma_wait3A, %dma_wait3A_34] : memref<64x128xf32, #tpu.memory_space<vmem>> -> memref<64x128xf32, #tpu.memory_space<vmem>>
      %dma_wait3A_36 = arith.constant 0 : i32
      %dma_wait3A_37 = tpu.memref_slice %arg20[%add3A_10, %dma_wait3A_36] : memref<5120x128xf32, #tpu.memory_space<vmem_shared>> -> memref<64x128xf32, #tpu.memory_space<vmem_shared>>
      %dma_wait3A_38 = arith.constant 0 : i32
      %dma_wait3A_39 = tpu.memref_slice %arg20[%add3A_10, %dma_wait3A_38] : memref<5120x128xf32, #tpu.memory_space<vmem_shared>> -> memref<64x128xf32, #tpu.memory_space<vmem_shared>>
      %dma_wait3A_40 = arith.constant 0 : i32
      %dma_wait3A_41 = arith.constant 0 : i32
      %dma_wait3A_42 = tpu.memref_slice %arg18[%dma_wait3A_40, %dma_wait3A_41] : memref<64x128xf32, #tpu.memory_space<vmem>> -> memref<64x128xf32, #tpu.memory_space<vmem>>
      tpu.wait_dma2 semaphore(%run_scoped3A : memref<!tpu.dma_semaphore, #tpu.memory_space<semaphore_mem>>) src(%dma_wait3A_42 : memref<64x128xf32, #tpu.memory_space<vmem>>) dst(%dma_wait3A_39 : memref<64x128xf32, #tpu.memory_space<vmem_shared>>)
      tpu.yield
    }) : () -> ()
    %add3A_11 = arith.constant 64 : i32
    %add3A_12 = arith.addi %mul3A_3, %add3A_11 : i32
    "tpu.region"() ({
      %run_scoped3A = tpu.sem_alloc : memref<!tpu.dma_semaphore, #tpu.memory_space<semaphore_mem>>
      %dma_start3A = arith.constant 0 : i32
      %dma_start3A_25 = arith.constant 0 : i32
      %dma_start3A_26 = tpu.memref_slice %arg18[%dma_start3A, %dma_start3A_25] : memref<64x128xf32, #tpu.memory_space<vmem>> -> memref<64x128xf32, #tpu.memory_space<vmem>>
      %dma_start3A_27 = arith.constant 0 : i32
      %dma_start3A_28 = tpu.memref_slice %arg20[%add3A_12, %dma_start3A_27] : memref<5120x128xf32, #tpu.memory_space<vmem_shared>> -> memref<64x128xf32, #tpu.memory_space<vmem_shared>>
      %dma_start3A_29 = arith.constant 0 : i32
      %dma_start3A_30 = tpu.memref_slice %arg20[%add3A_12, %dma_start3A_29] : memref<5120x128xf32, #tpu.memory_space<vmem_shared>> -> memref<64x128xf32, #tpu.memory_space<vmem_shared>>
      %dma_start3A_31 = arith.constant 0 : i32
      %dma_start3A_32 = arith.constant 0 : i32
      %dma_start3A_33 = tpu.memref_slice %arg18[%dma_start3A_31, %dma_start3A_32] : memref<64x128xf32, #tpu.memory_space<vmem>> -> memref<64x128xf32, #tpu.memory_space<vmem>>
      tpu.enqueue_dma source(%dma_start3A_33 : memref<64x128xf32, #tpu.memory_space<vmem>>) target(%dma_start3A_30 : memref<64x128xf32, #tpu.memory_space<vmem_shared>>) target_semaphore(%run_scoped3A : memref<!tpu.dma_semaphore, #tpu.memory_space<semaphore_mem>>)
      %dma_wait3A = arith.constant 0 : i32
      %dma_wait3A_34 = arith.constant 0 : i32
      %dma_wait3A_35 = tpu.memref_slice %arg18[%dma_wait3A, %dma_wait3A_34] : memref<64x128xf32, #tpu.memory_space<vmem>> -> memref<64x128xf32, #tpu.memory_space<vmem>>
      %dma_wait3A_36 = arith.constant 0 : i32
      %dma_wait3A_37 = tpu.memref_slice %arg20[%add3A_12, %dma_wait3A_36] : memref<5120x128xf32, #tpu.memory_space<vmem_shared>> -> memref<64x128xf32, #tpu.memory_space<vmem_shared>>
      %dma_wait3A_38 = arith.constant 0 : i32
      %dma_wait3A_39 = tpu.memref_slice %arg20[%add3A_12, %dma_wait3A_38] : memref<5120x128xf32, #tpu.memory_space<vmem_shared>> -> memref<64x128xf32, #tpu.memory_space<vmem_shared>>
      %dma_wait3A_40 = arith.constant 0 : i32
      %dma_wait3A_41 = arith.constant 0 : i32
      %dma_wait3A_42 = tpu.memref_slice %arg18[%dma_wait3A_40, %dma_wait3A_41] : memref<64x128xf32, #tpu.memory_space<vmem>> -> memref<64x128xf32, #tpu.memory_space<vmem>>
      tpu.wait_dma2 semaphore(%run_scoped3A : memref<!tpu.dma_semaphore, #tpu.memory_space<semaphore_mem>>) src(%dma_wait3A_42 : memref<64x128xf32, #tpu.memory_space<vmem>>) dst(%dma_wait3A_39 : memref<64x128xf32, #tpu.memory_space<vmem_shared>>)
      tpu.yield
    }) : () -> ()
    %add3A_13 = arith.constant 128 : i32
    %add3A_14 = arith.addi %mul3A_3, %add3A_13 : i32
    "tpu.region"() ({
      %run_scoped3A = tpu.sem_alloc : memref<!tpu.dma_semaphore, #tpu.memory_space<semaphore_mem>>
      %dma_start3A = arith.constant 0 : i32
      %dma_start3A_25 = arith.constant 0 : i32
      %dma_start3A_26 = tpu.memref_slice %arg18[%dma_start3A, %dma_start3A_25] : memref<64x128xf32, #tpu.memory_space<vmem>> -> memref<64x128xf32, #tpu.memory_space<vmem>>
      %dma_start3A_27 = arith.constant 0 : i32
      %dma_start3A_28 = tpu.memref_slice %arg20[%add3A_14, %dma_start3A_27] : memref<5120x128xf32, #tpu.memory_space<vmem_shared>> -> memref<64x128xf32, #tpu.memory_space<vmem_shared>>
      %dma_start3A_29 = arith.constant 0 : i32
      %dma_start3A_30 = tpu.memref_slice %arg20[%add3A_14, %dma_start3A_29] : memref<5120x128xf32, #tpu.memory_space<vmem_shared>> -> memref<64x128xf32, #tpu.memory_space<vmem_shared>>
      %dma_start3A_31 = arith.constant 0 : i32
      %dma_start3A_32 = arith.constant 0 : i32
      %dma_start3A_33 = tpu.memref_slice %arg18[%dma_start3A_31, %dma_start3A_32] : memref<64x128xf32, #tpu.memory_space<vmem>> -> memref<64x128xf32, #tpu.memory_space<vmem>>
      tpu.enqueue_dma source(%dma_start3A_33 : memref<64x128xf32, #tpu.memory_space<vmem>>) target(%dma_start3A_30 : memref<64x128xf32, #tpu.memory_space<vmem_shared>>) target_semaphore(%run_scoped3A : memref<!tpu.dma_semaphore, #tpu.memory_space<semaphore_mem>>)
      %dma_wait3A = arith.constant 0 : i32
      %dma_wait3A_34 = arith.constant 0 : i32
      %dma_wait3A_35 = tpu.memref_slice %arg18[%dma_wait3A, %dma_wait3A_34] : memref<64x128xf32, #tpu.memory_space<vmem>> -> memref<64x128xf32, #tpu.memory_space<vmem>>
      %dma_wait3A_36 = arith.constant 0 : i32
      %dma_wait3A_37 = tpu.memref_slice %arg20[%add3A_14, %dma_wait3A_36] : memref<5120x128xf32, #tpu.memory_space<vmem_shared>> -> memref<64x128xf32, #tpu.memory_space<vmem_shared>>
      %dma_wait3A_38 = arith.constant 0 : i32
      %dma_wait3A_39 = tpu.memref_slice %arg20[%add3A_14, %dma_wait3A_38] : memref<5120x128xf32, #tpu.memory_space<vmem_shared>> -> memref<64x128xf32, #tpu.memory_space<vmem_shared>>
      %dma_wait3A_40 = arith.constant 0 : i32
      %dma_wait3A_41 = arith.constant 0 : i32
      %dma_wait3A_42 = tpu.memref_slice %arg18[%dma_wait3A_40, %dma_wait3A_41] : memref<64x128xf32, #tpu.memory_space<vmem>> -> memref<64x128xf32, #tpu.memory_space<vmem>>
      tpu.wait_dma2 semaphore(%run_scoped3A : memref<!tpu.dma_semaphore, #tpu.memory_space<semaphore_mem>>) src(%dma_wait3A_42 : memref<64x128xf32, #tpu.memory_space<vmem>>) dst(%dma_wait3A_39 : memref<64x128xf32, #tpu.memory_space<vmem_shared>>)
      tpu.yield
    }) : () -> ()
    %add3A_15 = arith.constant 192 : i32
    %add3A_16 = arith.addi %mul3A_3, %add3A_15 : i32
    "tpu.region"() ({
      %run_scoped3A = tpu.sem_alloc : memref<!tpu.dma_semaphore, #tpu.memory_space<semaphore_mem>>
      %dma_start3A = arith.constant 0 : i32
      %dma_start3A_25 = arith.constant 0 : i32
      %dma_start3A_26 = tpu.memref_slice %arg18[%dma_start3A, %dma_start3A_25] : memref<64x128xf32, #tpu.memory_space<vmem>> -> memref<64x128xf32, #tpu.memory_space<vmem>>
      %dma_start3A_27 = arith.constant 0 : i32
      %dma_start3A_28 = tpu.memref_slice %arg20[%add3A_16, %dma_start3A_27] : memref<5120x128xf32, #tpu.memory_space<vmem_shared>> -> memref<64x128xf32, #tpu.memory_space<vmem_shared>>
      %dma_start3A_29 = arith.constant 0 : i32
      %dma_start3A_30 = tpu.memref_slice %arg20[%add3A_16, %dma_start3A_29] : memref<5120x128xf32, #tpu.memory_space<vmem_shared>> -> memref<64x128xf32, #tpu.memory_space<vmem_shared>>
      %dma_start3A_31 = arith.constant 0 : i32
      %dma_start3A_32 = arith.constant 0 : i32
      %dma_start3A_33 = tpu.memref_slice %arg18[%dma_start3A_31, %dma_start3A_32] : memref<64x128xf32, #tpu.memory_space<vmem>> -> memref<64x128xf32, #tpu.memory_space<vmem>>
      tpu.enqueue_dma source(%dma_start3A_33 : memref<64x128xf32, #tpu.memory_space<vmem>>) target(%dma_start3A_30 : memref<64x128xf32, #tpu.memory_space<vmem_shared>>) target_semaphore(%run_scoped3A : memref<!tpu.dma_semaphore, #tpu.memory_space<semaphore_mem>>)
      %dma_wait3A = arith.constant 0 : i32
      %dma_wait3A_34 = arith.constant 0 : i32
      %dma_wait3A_35 = tpu.memref_slice %arg18[%dma_wait3A, %dma_wait3A_34] : memref<64x128xf32, #tpu.memory_space<vmem>> -> memref<64x128xf32, #tpu.memory_space<vmem>>
      %dma_wait3A_36 = arith.constant 0 : i32
      %dma_wait3A_37 = tpu.memref_slice %arg20[%add3A_16, %dma_wait3A_36] : memref<5120x128xf32, #tpu.memory_space<vmem_shared>> -> memref<64x128xf32, #tpu.memory_space<vmem_shared>>
      %dma_wait3A_38 = arith.constant 0 : i32
      %dma_wait3A_39 = tpu.memref_slice %arg20[%add3A_16, %dma_wait3A_38] : memref<5120x128xf32, #tpu.memory_space<vmem_shared>> -> memref<64x128xf32, #tpu.memory_space<vmem_shared>>
      %dma_wait3A_40 = arith.constant 0 : i32
      %dma_wait3A_41 = arith.constant 0 : i32
      %dma_wait3A_42 = tpu.memref_slice %arg18[%dma_wait3A_40, %dma_wait3A_41] : memref<64x128xf32, #tpu.memory_space<vmem>> -> memref<64x128xf32, #tpu.memory_space<vmem>>
      tpu.wait_dma2 semaphore(%run_scoped3A : memref<!tpu.dma_semaphore, #tpu.memory_space<semaphore_mem>>) src(%dma_wait3A_42 : memref<64x128xf32, #tpu.memory_space<vmem>>) dst(%dma_wait3A_39 : memref<64x128xf32, #tpu.memory_space<vmem_shared>>)
      tpu.yield
    }) : () -> ()
    %add3A_17 = arith.constant 256 : i32
    %add3A_18 = arith.addi %mul3A_3, %add3A_17 : i32
    "tpu.region"() ({
      %run_scoped3A = tpu.sem_alloc : memref<!tpu.dma_semaphore, #tpu.memory_space<semaphore_mem>>
      %dma_start3A = arith.constant 0 : i32
      %dma_start3A_25 = arith.constant 0 : i32
      %dma_start3A_26 = tpu.memref_slice %arg18[%dma_start3A, %dma_start3A_25] : memref<64x128xf32, #tpu.memory_space<vmem>> -> memref<64x128xf32, #tpu.memory_space<vmem>>
      %dma_start3A_27 = arith.constant 0 : i32
      %dma_start3A_28 = tpu.memref_slice %arg20[%add3A_18, %dma_start3A_27] : memref<5120x128xf32, #tpu.memory_space<vmem_shared>> -> memref<64x128xf32, #tpu.memory_space<vmem_shared>>
      %dma_start3A_29 = arith.constant 0 : i32
      %dma_start3A_30 = tpu.memref_slice %arg20[%add3A_18, %dma_start3A_29] : memref<5120x128xf32, #tpu.memory_space<vmem_shared>> -> memref<64x128xf32, #tpu.memory_space<vmem_shared>>
      %dma_start3A_31 = arith.constant 0 : i32
      %dma_start3A_32 = arith.constant 0 : i32
      %dma_start3A_33 = tpu.memref_slice %arg18[%dma_start3A_31, %dma_start3A_32] : memref<64x128xf32, #tpu.memory_space<vmem>> -> memref<64x128xf32, #tpu.memory_space<vmem>>
      tpu.enqueue_dma source(%dma_start3A_33 : memref<64x128xf32, #tpu.memory_space<vmem>>) target(%dma_start3A_30 : memref<64x128xf32, #tpu.memory_space<vmem_shared>>) target_semaphore(%run_scoped3A : memref<!tpu.dma_semaphore, #tpu.memory_space<semaphore_mem>>)
      %dma_wait3A = arith.constant 0 : i32
      %dma_wait3A_34 = arith.constant 0 : i32
      %dma_wait3A_35 = tpu.memref_slice %arg18[%dma_wait3A, %dma_wait3A_34] : memref<64x128xf32, #tpu.memory_space<vmem>> -> memref<64x128xf32, #tpu.memory_space<vmem>>
      %dma_wait3A_36 = arith.constant 0 : i32
      %dma_wait3A_37 = tpu.memref_slice %arg20[%add3A_18, %dma_wait3A_36] : memref<5120x128xf32, #tpu.memory_space<vmem_shared>> -> memref<64x128xf32, #tpu.memory_space<vmem_shared>>
      %dma_wait3A_38 = arith.constant 0 : i32
      %dma_wait3A_39 = tpu.memref_slice %arg20[%add3A_18, %dma_wait3A_38] : memref<5120x128xf32, #tpu.memory_space<vmem_shared>> -> memref<64x128xf32, #tpu.memory_space<vmem_shared>>
      %dma_wait3A_40 = arith.constant 0 : i32
      %dma_wait3A_41 = arith.constant 0 : i32
      %dma_wait3A_42 = tpu.memref_slice %arg18[%dma_wait3A_40, %dma_wait3A_41] : memref<64x128xf32, #tpu.memory_space<vmem>> -> memref<64x128xf32, #tpu.memory_space<vmem>>
      tpu.wait_dma2 semaphore(%run_scoped3A : memref<!tpu.dma_semaphore, #tpu.memory_space<semaphore_mem>>) src(%dma_wait3A_42 : memref<64x128xf32, #tpu.memory_space<vmem>>) dst(%dma_wait3A_39 : memref<64x128xf32, #tpu.memory_space<vmem_shared>>)
      tpu.yield
    }) : () -> ()
    %barrier3A = arith.constant 0 : index
    tpu.barrier barrier_id(%barrier3A)
    %scan3A_19 = arith.constant 0 : i32
    %scan3A_20 = arith.constant 0 : i32
    %scan3A_21 = arith.constant 3 : i32
    %scan3A_22 = arith.addi %scan3A_20, %scan3A_21 : i32
    %scan3A_23 = arith.constant 1 : i32
    scf.for %scan3A_25 = %scan3A_20 to %scan3A_22 step %scan3A_23  : i32 {
      %min3A = arith.constant 1 : i32
      %min3A_26 = arith.minsi %scan3A_25, %min3A : i32
      %broadcast_in_dim3A_27 = vector.broadcast %scan3A_25 : i32 to vector<16xi32>
      %ge3A = arith.constant 2 : i32
      %ge3A_28 = vector.broadcast %ge3A : i32 to vector<16xi32>
      %ge3A_29 = arith.cmpi sge, %broadcast_in_dim3A_27, %ge3A_28 : vector<16xi32>
      %run_scoped3A = arith.constant 0 : i32
      %run_scoped3A_30 = arith.constant 0 : i32
      "tpu.region"() ({
        %run_scoped3A_106 = tpu.sem_alloc : memref<!tpu.dma_semaphore, #tpu.memory_space<semaphore_mem>>
        %dma_start3A_107 = arith.constant 0 : i32
        %dma_start3A_108 = tpu.memref_slice %arg9[%run_scoped3A_30, %dma_start3A_107] : memref<2x64xi32, #tpu.memory_space<vmem>> -> memref<1x64xi32, #tpu.memory_space<vmem>>
        %dma_start3A_109 = tpu.memref_squeeze %dma_start3A_108 : memref<1x64xi32, #tpu.memory_space<vmem>> -> memref<64xi32, #tpu.memory_space<vmem>>
        %dma_start3A_110 = arith.constant 0 : i32
        %dma_start3A_111 = tpu.memref_slice %arg6[%add3A, %run_scoped3A, %dma_start3A_110] : memref<32x158x64xi32, #tpu.memory_space<hbm>> -> memref<1x1x64xi32, #tpu.memory_space<hbm>>
        %dma_start3A_112 = tpu.memref_squeeze %dma_start3A_111 : memref<1x1x64xi32, #tpu.memory_space<hbm>> -> memref<64xi32, #tpu.memory_space<hbm>>
        %dma_start3A_113 = arith.constant 0 : i32
        %dma_start3A_114 = tpu.memref_slice %arg9[%run_scoped3A_30, %dma_start3A_113] : memref<2x64xi32, #tpu.memory_space<vmem>> -> memref<1x64xi32, #tpu.memory_space<vmem>>
        %dma_start3A_115 = tpu.memref_squeeze %dma_start3A_114 : memref<1x64xi32, #tpu.memory_space<vmem>> -> memref<64xi32, #tpu.memory_space<vmem>>
        %dma_start3A_116 = arith.constant 0 : i32
        %dma_start3A_117 = tpu.memref_slice %arg6[%add3A, %run_scoped3A, %dma_start3A_116] : memref<32x158x64xi32, #tpu.memory_space<hbm>> -> memref<1x1x64xi32, #tpu.memory_space<hbm>>
        %dma_start3A_118 = tpu.memref_squeeze %dma_start3A_117 : memref<1x1x64xi32, #tpu.memory_space<hbm>> -> memref<64xi32, #tpu.memory_space<hbm>>
        tpu.enqueue_dma source(%dma_start3A_118 : memref<64xi32, #tpu.memory_space<hbm>>) target(%dma_start3A_115 : memref<64xi32, #tpu.memory_space<vmem>>) target_semaphore(%run_scoped3A_106 : memref<!tpu.dma_semaphore, #tpu.memory_space<semaphore_mem>>)
        %dma_wait3A_119 = arith.constant 0 : i32
        %dma_wait3A_120 = tpu.memref_slice %arg9[%run_scoped3A_30, %dma_wait3A_119] : memref<2x64xi32, #tpu.memory_space<vmem>> -> memref<1x64xi32, #tpu.memory_space<vmem>>
        %dma_wait3A_121 = tpu.memref_squeeze %dma_wait3A_120 : memref<1x64xi32, #tpu.memory_space<vmem>> -> memref<64xi32, #tpu.memory_space<vmem>>
        %dma_wait3A_122 = arith.constant 0 : i32
        %dma_wait3A_123 = tpu.memref_slice %arg6[%add3A, %run_scoped3A, %dma_wait3A_122] : memref<32x158x64xi32, #tpu.memory_space<hbm>> -> memref<1x1x64xi32, #tpu.memory_space<hbm>>
        %dma_wait3A_124 = tpu.memref_squeeze %dma_wait3A_123 : memref<1x1x64xi32, #tpu.memory_space<hbm>> -> memref<64xi32, #tpu.memory_space<hbm>>
        %dma_wait3A_125 = arith.constant 0 : i32
        %dma_wait3A_126 = tpu.memref_slice %arg9[%run_scoped3A_30, %dma_wait3A_125] : memref<2x64xi32, #tpu.memory_space<vmem>> -> memref<1x64xi32, #tpu.memory_space<vmem>>
        %dma_wait3A_127 = tpu.memref_squeeze %dma_wait3A_126 : memref<1x64xi32, #tpu.memory_space<vmem>> -> memref<64xi32, #tpu.memory_space<vmem>>
        %dma_wait3A_128 = arith.constant 0 : i32
        %dma_wait3A_129 = tpu.memref_slice %arg6[%add3A, %run_scoped3A, %dma_wait3A_128] : memref<32x158x64xi32, #tpu.memory_space<hbm>> -> memref<1x1x64xi32, #tpu.memory_space<hbm>>
        %dma_wait3A_130 = tpu.memref_squeeze %dma_wait3A_129 : memref<1x1x64xi32, #tpu.memory_space<hbm>> -> memref<64xi32, #tpu.memory_space<hbm>>
        tpu.wait_dma2 semaphore(%run_scoped3A_106 : memref<!tpu.dma_semaphore, #tpu.memory_space<semaphore_mem>>) src(%dma_wait3A_130 : memref<64xi32, #tpu.memory_space<hbm>>) dst(%dma_wait3A_127 : memref<64xi32, #tpu.memory_space<vmem>>)
        tpu.yield
      }) : () -> ()
      %run_scoped3A_31 = arith.constant 0 : i32
      %run_scoped3A_32 = arith.constant 0 : i32
      "tpu.region"() ({
        %run_scoped3A_106 = tpu.sem_alloc : memref<!tpu.dma_semaphore, #tpu.memory_space<semaphore_mem>>
        %dma_start3A_107 = arith.constant 0 : i32
        %dma_start3A_108 = tpu.memref_slice %arg10[%run_scoped3A_32, %dma_start3A_107] : memref<2x64xi32, #tpu.memory_space<vmem>> -> memref<1x64xi32, #tpu.memory_space<vmem>>
        %dma_start3A_109 = tpu.memref_squeeze %dma_start3A_108 : memref<1x64xi32, #tpu.memory_space<vmem>> -> memref<64xi32, #tpu.memory_space<vmem>>
        %dma_start3A_110 = arith.constant 0 : i32
        %dma_start3A_111 = tpu.memref_slice %arg7[%add3A, %run_scoped3A_31, %dma_start3A_110] : memref<32x158x64xi32, #tpu.memory_space<hbm>> -> memref<1x1x64xi32, #tpu.memory_space<hbm>>
        %dma_start3A_112 = tpu.memref_squeeze %dma_start3A_111 : memref<1x1x64xi32, #tpu.memory_space<hbm>> -> memref<64xi32, #tpu.memory_space<hbm>>
        %dma_start3A_113 = arith.constant 0 : i32
        %dma_start3A_114 = tpu.memref_slice %arg10[%run_scoped3A_32, %dma_start3A_113] : memref<2x64xi32, #tpu.memory_space<vmem>> -> memref<1x64xi32, #tpu.memory_space<vmem>>
        %dma_start3A_115 = tpu.memref_squeeze %dma_start3A_114 : memref<1x64xi32, #tpu.memory_space<vmem>> -> memref<64xi32, #tpu.memory_space<vmem>>
        %dma_start3A_116 = arith.constant 0 : i32
        %dma_start3A_117 = tpu.memref_slice %arg7[%add3A, %run_scoped3A_31, %dma_start3A_116] : memref<32x158x64xi32, #tpu.memory_space<hbm>> -> memref<1x1x64xi32, #tpu.memory_space<hbm>>
        %dma_start3A_118 = tpu.memref_squeeze %dma_start3A_117 : memref<1x1x64xi32, #tpu.memory_space<hbm>> -> memref<64xi32, #tpu.memory_space<hbm>>
        tpu.enqueue_dma source(%dma_start3A_118 : memref<64xi32, #tpu.memory_space<hbm>>) target(%dma_start3A_115 : memref<64xi32, #tpu.memory_space<vmem>>) target_semaphore(%run_scoped3A_106 : memref<!tpu.dma_semaphore, #tpu.memory_space<semaphore_mem>>)
        %dma_wait3A_119 = arith.constant 0 : i32
        %dma_wait3A_120 = tpu.memref_slice %arg10[%run_scoped3A_32, %dma_wait3A_119] : memref<2x64xi32, #tpu.memory_space<vmem>> -> memref<1x64xi32, #tpu.memory_space<vmem>>
        %dma_wait3A_121 = tpu.memref_squeeze %dma_wait3A_120 : memref<1x64xi32, #tpu.memory_space<vmem>> -> memref<64xi32, #tpu.memory_space<vmem>>
        %dma_wait3A_122 = arith.constant 0 : i32
        %dma_wait3A_123 = tpu.memref_slice %arg7[%add3A, %run_scoped3A_31, %dma_wait3A_122] : memref<32x158x64xi32, #tpu.memory_space<hbm>> -> memref<1x1x64xi32, #tpu.memory_space<hbm>>
        %dma_wait3A_124 = tpu.memref_squeeze %dma_wait3A_123 : memref<1x1x64xi32, #tpu.memory_space<hbm>> -> memref<64xi32, #tpu.memory_space<hbm>>
        %dma_wait3A_125 = arith.constant 0 : i32
        %dma_wait3A_126 = tpu.memref_slice %arg10[%run_scoped3A_32, %dma_wait3A_125] : memref<2x64xi32, #tpu.memory_space<vmem>> -> memref<1x64xi32, #tpu.memory_space<vmem>>
        %dma_wait3A_127 = tpu.memref_squeeze %dma_wait3A_126 : memref<1x64xi32, #tpu.memory_space<vmem>> -> memref<64xi32, #tpu.memory_space<vmem>>
        %dma_wait3A_128 = arith.constant 0 : i32
        %dma_wait3A_129 = tpu.memref_slice %arg7[%add3A, %run_scoped3A_31, %dma_wait3A_128] : memref<32x158x64xi32, #tpu.memory_space<hbm>> -> memref<1x1x64xi32, #tpu.memory_space<hbm>>
        %dma_wait3A_130 = tpu.memref_squeeze %dma_wait3A_129 : memref<1x1x64xi32, #tpu.memory_space<hbm>> -> memref<64xi32, #tpu.memory_space<hbm>>
        tpu.wait_dma2 semaphore(%run_scoped3A_106 : memref<!tpu.dma_semaphore, #tpu.memory_space<semaphore_mem>>) src(%dma_wait3A_130 : memref<64xi32, #tpu.memory_space<hbm>>) dst(%dma_wait3A_127 : memref<64xi32, #tpu.memory_space<vmem>>)
        tpu.yield
      }) : () -> ()
      %dma_start3A = arith.constant 1 : i32
      %dma_start3A_33 = arith.constant 1 : i32
      %dma_start3A_34 = arith.constant 0 : i32
      %dma_start3A_35 = tpu.memref_slice %arg9[%dma_start3A_33, %dma_start3A_34] : memref<2x64xi32, #tpu.memory_space<vmem>> -> memref<1x64xi32, #tpu.memory_space<vmem>>
      %dma_start3A_36 = tpu.memref_squeeze %dma_start3A_35 : memref<1x64xi32, #tpu.memory_space<vmem>> -> memref<64xi32, #tpu.memory_space<vmem>>
      %dma_start3A_37 = arith.constant 0 : i32
      %dma_start3A_38 = tpu.memref_slice %arg6[%add3A, %dma_start3A, %dma_start3A_37] : memref<32x158x64xi32, #tpu.memory_space<hbm>> -> memref<1x1x64xi32, #tpu.memory_space<hbm>>
      %dma_start3A_39 = tpu.memref_squeeze %dma_start3A_38 : memref<1x1x64xi32, #tpu.memory_space<hbm>> -> memref<64xi32, #tpu.memory_space<hbm>>
      %dma_start3A_40 = arith.constant 0 : i32
      %dma_start3A_41 = tpu.memref_slice %arg9[%dma_start3A_33, %dma_start3A_40] : memref<2x64xi32, #tpu.memory_space<vmem>> -> memref<1x64xi32, #tpu.memory_space<vmem>>
      %dma_start3A_42 = tpu.memref_squeeze %dma_start3A_41 : memref<1x64xi32, #tpu.memory_space<vmem>> -> memref<64xi32, #tpu.memory_space<vmem>>
      %dma_start3A_43 = arith.constant 0 : i32
      %dma_start3A_44 = tpu.memref_slice %arg6[%add3A, %dma_start3A, %dma_start3A_43] : memref<32x158x64xi32, #tpu.memory_space<hbm>> -> memref<1x1x64xi32, #tpu.memory_space<hbm>>
      %dma_start3A_45 = tpu.memref_squeeze %dma_start3A_44 : memref<1x1x64xi32, #tpu.memory_space<hbm>> -> memref<64xi32, #tpu.memory_space<hbm>>
      tpu.enqueue_dma source(%dma_start3A_45 : memref<64xi32, #tpu.memory_space<hbm>>) target(%dma_start3A_42 : memref<64xi32, #tpu.memory_space<vmem>>) target_semaphore(%arg25 : memref<!tpu.dma_semaphore, #tpu.memory_space<semaphore_mem>>)
      %dma_start3A_46 = arith.constant 1 : i32
      %dma_start3A_47 = arith.constant 1 : i32
      %dma_start3A_48 = arith.constant 0 : i32
      %dma_start3A_49 = tpu.memref_slice %arg10[%dma_start3A_47, %dma_start3A_48] : memref<2x64xi32, #tpu.memory_space<vmem>> -> memref<1x64xi32, #tpu.memory_space<vmem>>
      %dma_start3A_50 = tpu.memref_squeeze %dma_start3A_49 : memref<1x64xi32, #tpu.memory_space<vmem>> -> memref<64xi32, #tpu.memory_space<vmem>>
      %dma_start3A_51 = arith.constant 0 : i32
      %dma_start3A_52 = tpu.memref_slice %arg7[%add3A, %dma_start3A_46, %dma_start3A_51] : memref<32x158x64xi32, #tpu.memory_space<hbm>> -> memref<1x1x64xi32, #tpu.memory_space<hbm>>
      %dma_start3A_53 = tpu.memref_squeeze %dma_start3A_52 : memref<1x1x64xi32, #tpu.memory_space<hbm>> -> memref<64xi32, #tpu.memory_space<hbm>>
      %dma_start3A_54 = arith.constant 0 : i32
      %dma_start3A_55 = tpu.memref_slice %arg10[%dma_start3A_47, %dma_start3A_54] : memref<2x64xi32, #tpu.memory_space<vmem>> -> memref<1x64xi32, #tpu.memory_space<vmem>>
      %dma_start3A_56 = tpu.memref_squeeze %dma_start3A_55 : memref<1x64xi32, #tpu.memory_space<vmem>> -> memref<64xi32, #tpu.memory_space<vmem>>
      %dma_start3A_57 = arith.constant 0 : i32
      %dma_start3A_58 = tpu.memref_slice %arg7[%add3A, %dma_start3A_46, %dma_start3A_57] : memref<32x158x64xi32, #tpu.memory_space<hbm>> -> memref<1x1x64xi32, #tpu.memory_space<hbm>>
      %dma_start3A_59 = tpu.memref_squeeze %dma_start3A_58 : memref<1x1x64xi32, #tpu.memory_space<hbm>> -> memref<64xi32, #tpu.memory_space<hbm>>
      tpu.enqueue_dma source(%dma_start3A_59 : memref<64xi32, #tpu.memory_space<hbm>>) target(%dma_start3A_56 : memref<64xi32, #tpu.memory_space<vmem>>) target_semaphore(%arg25 : memref<!tpu.dma_semaphore, #tpu.memory_space<semaphore_mem>>)
      %lt3A = arith.constant 2 : i32
      %lt3A_60 = arith.cmpi slt, %scan3A_25, %lt3A : i32
      %convert_element_type3A = arith.extui %lt3A_60 : i1 to i32
      %cond3A = arith.constant 0 : i32
      %cond3A_61 = arith.cmpi ne, %convert_element_type3A, %cond3A : i32
      scf.if %cond3A_61 {
        %dma_start3A_106 = arith.constant 0 : i32
        %dma_start3A_107 = arith.constant 0 : i32
        %dma_start3A_108 = tpu.memref_slice %arg9[%dma_start3A_106, %dma_start3A_107] : memref<2x64xi32, #tpu.memory_space<vmem>> -> memref<1x64xi32, #tpu.memory_space<vmem>>
        %dma_start3A_109 = tpu.memref_squeeze %dma_start3A_108 : memref<1x64xi32, #tpu.memory_space<vmem>> -> memref<64xi32, #tpu.memory_space<vmem>>
        %dma_start3A_110 = arith.constant 0 : i32
        %dma_start3A_111 = arith.constant 0 : i32
        %dma_start3A_112 = tpu.memref_slice %arg2[%dma_start3A_110, %dma_start3A_111] : memref<10000x128xf32, #tpu.memory_space<hbm>> -> memref<10000x128xf32, #tpu.memory_space<hbm>>
        tpu.enqueue_indirect_dma source(%dma_start3A_112 : memref<10000x128xf32, #tpu.memory_space<hbm>>) target(%arg16 : memref<64x128xf32, #tpu.memory_space<vmem>>) offsets(%dma_start3A_109 : memref<64xi32, #tpu.memory_space<vmem>>) semaphore(%arg21 : memref<!tpu.dma_semaphore, #tpu.memory_space<semaphore_mem>>)
      } else {
      }
      %scan3A_62 = arith.constant 0 : i32
      %scan3A_63 = arith.constant 0 : i32
      %scan3A_64 = arith.constant 79 : i32
      %scan3A_65 = arith.addi %scan3A_63, %scan3A_64 : i32
      %scan3A_66 = arith.constant 1 : i32
      scf.for %scan3A_106 = %scan3A_63 to %scan3A_65 step %scan3A_66  : i32 {
        %mul3A_107 = arith.constant 2 : i32
        %mul3A_108 = arith.muli %scan3A_106, %mul3A_107 : i32
        %add3A_109 = arith.constant 1 : i32
        %add3A_110 = arith.addi %mul3A_108, %add3A_109 : i32
        %lt3A_111 = arith.constant 158 : i32
        %lt3A_112 = arith.cmpi slt, %add3A_110, %lt3A_111 : i32
        %convert_element_type3A_113 = arith.extui %lt3A_112 : i1 to i32
        %cond3A_114 = arith.constant 0 : i32
        %cond3A_115 = arith.cmpi ne, %convert_element_type3A_113, %cond3A_114 : i32
        scf.if %cond3A_115 {
          %dma_wait3A_620 = arith.constant 0 : i32
          %dma_wait3A_621 = arith.constant 0 : i32
          %dma_wait3A_622 = arith.constant 0 : i32
          %dma_wait3A_623 = tpu.memref_slice %arg9[%dma_wait3A_621, %dma_wait3A_622] : memref<2x64xi32, #tpu.memory_space<vmem>> -> memref<1x64xi32, #tpu.memory_space<vmem>>
          %dma_wait3A_624 = tpu.memref_squeeze %dma_wait3A_623 : memref<1x64xi32, #tpu.memory_space<vmem>> -> memref<64xi32, #tpu.memory_space<vmem>>
          %dma_wait3A_625 = arith.constant 0 : i32
          %dma_wait3A_626 = tpu.memref_slice %arg6[%add3A, %dma_wait3A_620, %dma_wait3A_625] : memref<32x158x64xi32, #tpu.memory_space<hbm>> -> memref<1x1x64xi32, #tpu.memory_space<hbm>>
          %dma_wait3A_627 = tpu.memref_squeeze %dma_wait3A_626 : memref<1x1x64xi32, #tpu.memory_space<hbm>> -> memref<64xi32, #tpu.memory_space<hbm>>
          %dma_wait3A_628 = arith.constant 0 : i32
          %dma_wait3A_629 = tpu.memref_slice %arg9[%dma_wait3A_621, %dma_wait3A_628] : memref<2x64xi32, #tpu.memory_space<vmem>> -> memref<1x64xi32, #tpu.memory_space<vmem>>
          %dma_wait3A_630 = tpu.memref_squeeze %dma_wait3A_629 : memref<1x64xi32, #tpu.memory_space<vmem>> -> memref<64xi32, #tpu.memory_space<vmem>>
          %dma_wait3A_631 = arith.constant 0 : i32
          %dma_wait3A_632 = tpu.memref_slice %arg6[%add3A, %dma_wait3A_620, %dma_wait3A_631] : memref<32x158x64xi32, #tpu.memory_space<hbm>> -> memref<1x1x64xi32, #tpu.memory_space<hbm>>
          %dma_wait3A_633 = tpu.memref_squeeze %dma_wait3A_632 : memref<1x1x64xi32, #tpu.memory_space<hbm>> -> memref<64xi32, #tpu.memory_space<hbm>>
          tpu.wait_dma2 semaphore(%arg25 : memref<!tpu.dma_semaphore, #tpu.memory_space<semaphore_mem>>) src(%dma_wait3A_633 : memref<64xi32, #tpu.memory_space<hbm>>) dst(%dma_wait3A_630 : memref<64xi32, #tpu.memory_space<vmem>>)
          %dma_wait3A_634 = arith.constant 0 : i32
          %dma_wait3A_635 = arith.constant 0 : i32
          %dma_wait3A_636 = arith.constant 0 : i32
          %dma_wait3A_637 = tpu.memref_slice %arg10[%dma_wait3A_635, %dma_wait3A_636] : memref<2x64xi32, #tpu.memory_space<vmem>> -> memref<1x64xi32, #tpu.memory_space<vmem>>
          %dma_wait3A_638 = tpu.memref_squeeze %dma_wait3A_637 : memref<1x64xi32, #tpu.memory_space<vmem>> -> memref<64xi32, #tpu.memory_space<vmem>>
          %dma_wait3A_639 = arith.constant 0 : i32
          %dma_wait3A_640 = tpu.memref_slice %arg7[%add3A, %dma_wait3A_634, %dma_wait3A_639] : memref<32x158x64xi32, #tpu.memory_space<hbm>> -> memref<1x1x64xi32, #tpu.memory_space<hbm>>
          %dma_wait3A_641 = tpu.memref_squeeze %dma_wait3A_640 : memref<1x1x64xi32, #tpu.memory_space<hbm>> -> memref<64xi32, #tpu.memory_space<hbm>>
          %dma_wait3A_642 = arith.constant 0 : i32
          %dma_wait3A_643 = tpu.memref_slice %arg10[%dma_wait3A_635, %dma_wait3A_642] : memref<2x64xi32, #tpu.memory_space<vmem>> -> memref<1x64xi32, #tpu.memory_space<vmem>>
          %dma_wait3A_644 = tpu.memref_squeeze %dma_wait3A_643 : memref<1x64xi32, #tpu.memory_space<vmem>> -> memref<64xi32, #tpu.memory_space<vmem>>
          %dma_wait3A_645 = arith.constant 0 : i32
          %dma_wait3A_646 = tpu.memref_slice %arg7[%add3A, %dma_wait3A_634, %dma_wait3A_645] : memref<32x158x64xi32, #tpu.memory_space<hbm>> -> memref<1x1x64xi32, #tpu.memory_space<hbm>>
          %dma_wait3A_647 = tpu.memref_squeeze %dma_wait3A_646 : memref<1x1x64xi32, #tpu.memory_space<hbm>> -> memref<64xi32, #tpu.memory_space<hbm>>
          tpu.wait_dma2 semaphore(%arg25 : memref<!tpu.dma_semaphore, #tpu.memory_space<semaphore_mem>>) src(%dma_wait3A_647 : memref<64xi32, #tpu.memory_space<hbm>>) dst(%dma_wait3A_644 : memref<64xi32, #tpu.memory_space<vmem>>)
          %lt3A_648 = arith.constant 2 : i32
          %lt3A_649 = arith.cmpi slt, %scan3A_25, %lt3A_648 : i32
          %convert_element_type3A_650 = arith.extui %lt3A_649 : i1 to i32
          %cond3A_651 = arith.constant 0 : i32
          %cond3A_652 = arith.cmpi ne, %convert_element_type3A_650, %cond3A_651 : i32
          scf.if %cond3A_652 {
            %dma_start3A_653 = arith.constant 1 : i32
            %dma_start3A_654 = arith.constant 0 : i32
            %dma_start3A_655 = tpu.memref_slice %arg9[%dma_start3A_653, %dma_start3A_654] : memref<2x64xi32, #tpu.memory_space<vmem>> -> memref<1x64xi32, #tpu.memory_space<vmem>>
            %dma_start3A_656 = tpu.memref_squeeze %dma_start3A_655 : memref<1x64xi32, #tpu.memory_space<vmem>> -> memref<64xi32, #tpu.memory_space<vmem>>
            %dma_start3A_657 = arith.constant 0 : i32
            %dma_start3A_658 = arith.constant 0 : i32
            %dma_start3A_659 = tpu.memref_slice %arg2[%dma_start3A_657, %dma_start3A_658] : memref<10000x128xf32, #tpu.memory_space<hbm>> -> memref<10000x128xf32, #tpu.memory_space<hbm>>
            tpu.enqueue_indirect_dma source(%dma_start3A_659 : memref<10000x128xf32, #tpu.memory_space<hbm>>) target(%arg17 : memref<64x128xf32, #tpu.memory_space<vmem>>) offsets(%dma_start3A_656 : memref<64xi32, #tpu.memory_space<vmem>>) semaphore(%arg22 : memref<!tpu.dma_semaphore, #tpu.memory_space<semaphore_mem>>)
          } else {
          }
        } else {
        }
        %lt3A_116 = arith.constant 2 : i32
        %lt3A_117 = arith.cmpi slt, %scan3A_25, %lt3A_116 : i32
        %convert_element_type3A_118 = arith.extui %lt3A_117 : i1 to i32
        %cond3A_119 = arith.constant 0 : i32
        %cond3A_120 = arith.cmpi ne, %convert_element_type3A_118, %cond3A_119 : i32
        scf.if %cond3A_120 {
          %dma_wait3A_620 = arith.constant 0 : i32
          %dma_wait3A_621 = arith.constant 0 : i32
          %dma_wait3A_622 = tpu.memref_slice %arg2[%dma_wait3A_620, %dma_wait3A_621] : memref<10000x128xf32, #tpu.memory_space<hbm>> -> memref<64x128xf32, #tpu.memory_space<hbm>>
          %dma_wait3A_623 = arith.constant 0 : i32
          %dma_wait3A_624 = arith.constant 0 : i32
          %dma_wait3A_625 = tpu.memref_slice %arg2[%dma_wait3A_623, %dma_wait3A_624] : memref<10000x128xf32, #tpu.memory_space<hbm>> -> memref<64x128xf32, #tpu.memory_space<hbm>>
          tpu.wait_dma2 semaphore(%arg21 : memref<!tpu.dma_semaphore, #tpu.memory_space<semaphore_mem>>) src(%dma_wait3A_625 : memref<64x128xf32, #tpu.memory_space<hbm>>) dst(%arg16 : memref<64x128xf32, #tpu.memory_space<vmem>>)
        } else {
        }
        %ge3A_121 = arith.constant 2 : i32
        %ge3A_122 = arith.cmpi sge, %mul3A_108, %ge3A_121 : i32
        %convert_element_type3A_123 = arith.extui %ge3A_122 : i1 to i32
        %cond3A_124 = arith.constant 0 : i32
        %cond3A_125 = arith.cmpi ne, %convert_element_type3A_123, %cond3A_124 : i32
        scf.if %cond3A_125 {
          %dma_wait3A_620 = arith.constant 0 : i32
          %dma_wait3A_621 = arith.constant 0 : i32
          %dma_wait3A_622 = tpu.memref_slice %arg2[%dma_wait3A_620, %dma_wait3A_621] : memref<10000x128xf32, #tpu.memory_space<hbm>> -> memref<64x128xf32, #tpu.memory_space<hbm>>
          %dma_wait3A_623 = arith.constant 0 : i32
          %dma_wait3A_624 = arith.constant 0 : i32
          %dma_wait3A_625 = tpu.memref_slice %arg2[%dma_wait3A_623, %dma_wait3A_624] : memref<10000x128xf32, #tpu.memory_space<hbm>> -> memref<64x128xf32, #tpu.memory_space<hbm>>
          tpu.wait_dma2 semaphore(%arg23 : memref<!tpu.dma_semaphore, #tpu.memory_space<semaphore_mem>>) src(%dma_wait3A_625 : memref<64x128xf32, #tpu.memory_space<hbm>>) dst(%arg18 : memref<64x128xf32, #tpu.memory_space<vmem>>)
        } else {
        }
        %get3A = arith.constant 0 : i32
        %get3A_126 = arith.index_cast %get3A : i32 to index
        %get3A_127 = arith.constant 0 : index
        %get3A_128 = tpu.vector_load %arg9[%get3A_126, %get3A_127] {strides = array<i32>} : memref<2x64xi32, #tpu.memory_space<vmem>>, vector<16xi32>,
        %get3A_129 = arith.constant 0 : i32
        %get3A_130 = arith.index_cast %get3A_129 : i32 to index
        %get3A_131 = arith.constant 0 : index
        %get3A_132 = tpu.vector_load %arg10[%get3A_130, %get3A_131] {strides = array<i32>} : memref<2x64xi32, #tpu.memory_space<vmem>>, vector<16xi32>,
        %gather3A = tpu.vector_load_idx %arg13[%get3A_128] : memref<10000xf32, #tpu.memory_space<vmem>>[vector<16xi32>], vector<16xf32>,
        %gather3A_133 = tpu.vector_load_idx %arg14[%get3A_132] : memref<10000xf32, #tpu.memory_space<vmem>>[vector<16xi32>], vector<16xf32>,
        %add3A_134 = arith.addf %gather3A, %gather3A_133 : vector<16xf32>
        %lt3A_135 = arith.constant 0.000000e+00 : f32
        %lt3A_136 = vector.broadcast %lt3A_135 : f32 to vector<16xf32>
        %lt3A_137 = arith.cmpf olt, %add3A_134, %lt3A_136 : vector<16xf32>
        %mul3A_138 = arith.constant 2.000000e-01 : f32
        %mul3A_139 = vector.broadcast %mul3A_138 : f32 to vector<16xf32>
        %mul3A_140 = arith.mulf %add3A_134, %mul3A_139 : vector<16xf32>
        %select_n3A = arith.select %lt3A_137, %mul3A_140, %add3A_134 : vector<16xi1>, vector<16xf32>
        %get3A_141 = arith.constant 0 : index
        %get3A_142 = tpu.vector_load %arg15[%get3A_141] {strides = array<i32>} : memref<16xf32, #tpu.memory_space<vmem>>, vector<16xf32>,
        %sub3A = arith.subf %select_n3A, %get3A_142 : vector<16xf32>
        %exp3A = math.exp %sub3A : vector<16xf32>
        %mul3A_143 = arith.constant 64 : i32
        %mul3A_144 = arith.muli %mul3A_108, %mul3A_143 : i32
        %add3A_145 = arith.constant 0 : i32
        %add3A_146 = arith.addi %mul3A_144, %add3A_145 : i32
        %add3A_147 = vector.broadcast %add3A_146 : i32 to vector<16xi32>
        %add3A_148 = arith.addi %add3A_147, %iota3A : vector<16xi32>
        %lt3A_149 = arith.constant 10000 : i32
        %lt3A_150 = vector.broadcast %lt3A_149 : i32 to vector<16xi32>
        %lt3A_151 = arith.cmpi slt, %add3A_148, %lt3A_150 : vector<16xi32>
        %jit3A = arith.constant 0.000000e+00 : f32
        %broadcast_in_dim3A_152 = vector.broadcast %jit3A : f32 to vector<16xf32>
        %select_n3A_153 = arith.select %lt3A_151, %exp3A, %broadcast_in_dim3A_152 : vector<16xi1>, vector<16xf32>
        %and3A = arith.constant 1 : i32
        %and3A_154 = vector.broadcast %and3A : i32 to vector<16xi32>
        %and3A_155 = arith.andi %get3A_132, %and3A_154 : vector<16xi32>
        %eq3A = arith.constant 1 : i32
        %eq3A_156 = vector.broadcast %eq3A : i32 to vector<16xi32>
        %eq3A_157 = arith.cmpi eq, %and3A_155, %eq3A_156 : vector<16xi32>
        %neg3A = arith.constant 0.000000e+00 : f32
        %neg3A_158 = vector.broadcast %neg3A : f32 to vector<16xf32>
        %neg3A_159 = arith.subf %neg3A_158, %select_n3A_153 : vector<16xf32>
        %select_n3A_160 = arith.select %eq3A_157, %neg3A_159, %select_n3A_153 : vector<16xi1>, vector<16xf32>
        %swap3A = arith.constant 0 : i32
        %swap3A_161 = arith.index_cast %swap3A : i32 to index
        %swap3A_162 = arith.constant 0 : index
        %swap3A_163 = tpu.vector_load %arg12[%swap3A_161, %swap3A_162] {strides = array<i32>} : memref<2x64xf32, #tpu.memory_space<vmem>>, vector<16xf32>,
        tpu.vector_store %arg12[%swap3A_161, %swap3A_162], %select_n3A_160 {strides = array<i32>} : memref<2x64xf32, #tpu.memory_space<vmem>>, vector<16xf32>,
        %shift_right_logical3A = arith.constant 1 : i32
        %shift_right_logical3A_164 = vector.broadcast %shift_right_logical3A : i32 to vector<16xi32>
        %shift_right_logical3A_165 = arith.shrui %get3A_132, %shift_right_logical3A_164 : vector<16xi32>
        %swap3A_166 = arith.constant 0 : i32
        %swap3A_167 = arith.index_cast %swap3A_166 : i32 to index
        %swap3A_168 = arith.constant 0 : index
        %swap3A_169 = tpu.vector_load %arg11[%swap3A_167, %swap3A_168] {strides = array<i32>} : memref<2x64xi32, #tpu.memory_space<vmem>>, vector<16xi32>,
        tpu.vector_store %arg11[%swap3A_167, %swap3A_168], %shift_right_logical3A_165 {strides = array<i32>} : memref<2x64xi32, #tpu.memory_space<vmem>>, vector<16xi32>,
        %get3A_170 = arith.constant 0 : i32
        %get3A_171 = arith.index_cast %get3A_170 : i32 to index
        %get3A_172 = arith.constant 16 : index
        %get3A_173 = tpu.vector_load %arg9[%get3A_171, %get3A_172] {strides = array<i32>} : memref<2x64xi32, #tpu.memory_space<vmem>>, vector<16xi32>,
        %get3A_174 = arith.constant 0 : i32
        %get3A_175 = arith.index_cast %get3A_174 : i32 to index
        %get3A_176 = arith.constant 16 : index
        %get3A_177 = tpu.vector_load %arg10[%get3A_175, %get3A_176] {strides = array<i32>} : memref<2x64xi32, #tpu.memory_space<vmem>>, vector<16xi32>,
        %gather3A_178 = tpu.vector_load_idx %arg13[%get3A_173] : memref<10000xf32, #tpu.memory_space<vmem>>[vector<16xi32>], vector<16xf32>,
        %gather3A_179 = tpu.vector_load_idx %arg14[%get3A_177] : memref<10000xf32, #tpu.memory_space<vmem>>[vector<16xi32>], vector<16xf32>,
        %add3A_180 = arith.addf %gather3A_178, %gather3A_179 : vector<16xf32>
        %lt3A_181 = arith.constant 0.000000e+00 : f32
        %lt3A_182 = vector.broadcast %lt3A_181 : f32 to vector<16xf32>
        %lt3A_183 = arith.cmpf olt, %add3A_180, %lt3A_182 : vector<16xf32>
        %mul3A_184 = arith.constant 2.000000e-01 : f32
        %mul3A_185 = vector.broadcast %mul3A_184 : f32 to vector<16xf32>
        %mul3A_186 = arith.mulf %add3A_180, %mul3A_185 : vector<16xf32>
        %select_n3A_187 = arith.select %lt3A_183, %mul3A_186, %add3A_180 : vector<16xi1>, vector<16xf32>
        %get3A_188 = arith.constant 0 : index
        %get3A_189 = tpu.vector_load %arg15[%get3A_188] {strides = array<i32>} : memref<16xf32, #tpu.memory_space<vmem>>, vector<16xf32>,
        %sub3A_190 = arith.subf %select_n3A_187, %get3A_189 : vector<16xf32>
        %exp3A_191 = math.exp %sub3A_190 : vector<16xf32>
        %mul3A_192 = arith.constant 64 : i32
        %mul3A_193 = arith.muli %mul3A_108, %mul3A_192 : i32
        %add3A_194 = arith.constant 16 : i32
        %add3A_195 = arith.addi %mul3A_193, %add3A_194 : i32
        %add3A_196 = vector.broadcast %add3A_195 : i32 to vector<16xi32>
        %add3A_197 = arith.addi %add3A_196, %iota3A : vector<16xi32>
        %lt3A_198 = arith.constant 10000 : i32
        %lt3A_199 = vector.broadcast %lt3A_198 : i32 to vector<16xi32>
        %lt3A_200 = arith.cmpi slt, %add3A_197, %lt3A_199 : vector<16xi32>
        %jit3A_201 = arith.constant 0.000000e+00 : f32
        %broadcast_in_dim3A_202 = vector.broadcast %jit3A_201 : f32 to vector<16xf32>
        %select_n3A_203 = arith.select %lt3A_200, %exp3A_191, %broadcast_in_dim3A_202 : vector<16xi1>, vector<16xf32>
        %and3A_204 = arith.constant 1 : i32
        %and3A_205 = vector.broadcast %and3A_204 : i32 to vector<16xi32>
        %and3A_206 = arith.andi %get3A_177, %and3A_205 : vector<16xi32>
        %eq3A_207 = arith.constant 1 : i32
        %eq3A_208 = vector.broadcast %eq3A_207 : i32 to vector<16xi32>
        %eq3A_209 = arith.cmpi eq, %and3A_206, %eq3A_208 : vector<16xi32>
        %neg3A_210 = arith.constant 0.000000e+00 : f32
        %neg3A_211 = vector.broadcast %neg3A_210 : f32 to vector<16xf32>
        %neg3A_212 = arith.subf %neg3A_211, %select_n3A_203 : vector<16xf32>
        %select_n3A_213 = arith.select %eq3A_209, %neg3A_212, %select_n3A_203 : vector<16xi1>, vector<16xf32>
        %swap3A_214 = arith.constant 0 : i32
        %swap3A_215 = arith.index_cast %swap3A_214 : i32 to index
        %swap3A_216 = arith.constant 16 : index
        %swap3A_217 = tpu.vector_load %arg12[%swap3A_215, %swap3A_216] {strides = array<i32>} : memref<2x64xf32, #tpu.memory_space<vmem>>, vector<16xf32>,
        tpu.vector_store %arg12[%swap3A_215, %swap3A_216], %select_n3A_213 {strides = array<i32>} : memref<2x64xf32, #tpu.memory_space<vmem>>, vector<16xf32>,
        %shift_right_logical3A_218 = arith.constant 1 : i32
        %shift_right_logical3A_219 = vector.broadcast %shift_right_logical3A_218 : i32 to vector<16xi32>
        %shift_right_logical3A_220 = arith.shrui %get3A_177, %shift_right_logical3A_219 : vector<16xi32>
        %swap3A_221 = arith.constant 0 : i32
        %swap3A_222 = arith.index_cast %swap3A_221 : i32 to index
        %swap3A_223 = arith.constant 16 : index
        %swap3A_224 = tpu.vector_load %arg11[%swap3A_222, %swap3A_223] {strides = array<i32>} : memref<2x64xi32, #tpu.memory_space<vmem>>, vector<16xi32>,
        tpu.vector_store %arg11[%swap3A_222, %swap3A_223], %shift_right_logical3A_220 {strides = array<i32>} : memref<2x64xi32, #tpu.memory_space<vmem>>, vector<16xi32>,
        %get3A_225 = arith.constant 0 : i32
        %get3A_226 = arith.index_cast %get3A_225 : i32 to index
        %get3A_227 = arith.constant 32 : index
        %get3A_228 = tpu.vector_load %arg9[%get3A_226, %get3A_227] {strides = array<i32>} : memref<2x64xi32, #tpu.memory_space<vmem>>, vector<16xi32>,
        %get3A_229 = arith.constant 0 : i32
        %get3A_230 = arith.index_cast %get3A_229 : i32 to index
        %get3A_231 = arith.constant 32 : index
        %get3A_232 = tpu.vector_load %arg10[%get3A_230, %get3A_231] {strides = array<i32>} : memref<2x64xi32, #tpu.memory_space<vmem>>, vector<16xi32>,
        %gather3A_233 = tpu.vector_load_idx %arg13[%get3A_228] : memref<10000xf32, #tpu.memory_space<vmem>>[vector<16xi32>], vector<16xf32>,
        %gather3A_234 = tpu.vector_load_idx %arg14[%get3A_232] : memref<10000xf32, #tpu.memory_space<vmem>>[vector<16xi32>], vector<16xf32>,
        %add3A_235 = arith.addf %gather3A_233, %gather3A_234 : vector<16xf32>
        %lt3A_236 = arith.constant 0.000000e+00 : f32
        %lt3A_237 = vector.broadcast %lt3A_236 : f32 to vector<16xf32>
        %lt3A_238 = arith.cmpf olt, %add3A_235, %lt3A_237 : vector<16xf32>
        %mul3A_239 = arith.constant 2.000000e-01 : f32
        %mul3A_240 = vector.broadcast %mul3A_239 : f32 to vector<16xf32>
        %mul3A_241 = arith.mulf %add3A_235, %mul3A_240 : vector<16xf32>
        %select_n3A_242 = arith.select %lt3A_238, %mul3A_241, %add3A_235 : vector<16xi1>, vector<16xf32>
        %get3A_243 = arith.constant 0 : index
        %get3A_244 = tpu.vector_load %arg15[%get3A_243] {strides = array<i32>} : memref<16xf32, #tpu.memory_space<vmem>>, vector<16xf32>,
        %sub3A_245 = arith.subf %select_n3A_242, %get3A_244 : vector<16xf32>
        %exp3A_246 = math.exp %sub3A_245 : vector<16xf32>
        %mul3A_247 = arith.constant 64 : i32
        %mul3A_248 = arith.muli %mul3A_108, %mul3A_247 : i32
        %add3A_249 = arith.constant 32 : i32
        %add3A_250 = arith.addi %mul3A_248, %add3A_249 : i32
        %add3A_251 = vector.broadcast %add3A_250 : i32 to vector<16xi32>
        %add3A_252 = arith.addi %add3A_251, %iota3A : vector<16xi32>
        %lt3A_253 = arith.constant 10000 : i32
        %lt3A_254 = vector.broadcast %lt3A_253 : i32 to vector<16xi32>
        %lt3A_255 = arith.cmpi slt, %add3A_252, %lt3A_254 : vector<16xi32>
        %jit3A_256 = arith.constant 0.000000e+00 : f32
        %broadcast_in_dim3A_257 = vector.broadcast %jit3A_256 : f32 to vector<16xf32>
        %select_n3A_258 = arith.select %lt3A_255, %exp3A_246, %broadcast_in_dim3A_257 : vector<16xi1>, vector<16xf32>
        %and3A_259 = arith.constant 1 : i32
        %and3A_260 = vector.broadcast %and3A_259 : i32 to vector<16xi32>
        %and3A_261 = arith.andi %get3A_232, %and3A_260 : vector<16xi32>
        %eq3A_262 = arith.constant 1 : i32
        %eq3A_263 = vector.broadcast %eq3A_262 : i32 to vector<16xi32>
        %eq3A_264 = arith.cmpi eq, %and3A_261, %eq3A_263 : vector<16xi32>
        %neg3A_265 = arith.constant 0.000000e+00 : f32
        %neg3A_266 = vector.broadcast %neg3A_265 : f32 to vector<16xf32>
        %neg3A_267 = arith.subf %neg3A_266, %select_n3A_258 : vector<16xf32>
        %select_n3A_268 = arith.select %eq3A_264, %neg3A_267, %select_n3A_258 : vector<16xi1>, vector<16xf32>
        %swap3A_269 = arith.constant 0 : i32
        %swap3A_270 = arith.index_cast %swap3A_269 : i32 to index
        %swap3A_271 = arith.constant 32 : index
        %swap3A_272 = tpu.vector_load %arg12[%swap3A_270, %swap3A_271] {strides = array<i32>} : memref<2x64xf32, #tpu.memory_space<vmem>>, vector<16xf32>,
        tpu.vector_store %arg12[%swap3A_270, %swap3A_271], %select_n3A_268 {strides = array<i32>} : memref<2x64xf32, #tpu.memory_space<vmem>>, vector<16xf32>,
        %shift_right_logical3A_273 = arith.constant 1 : i32
        %shift_right_logical3A_274 = vector.broadcast %shift_right_logical3A_273 : i32 to vector<16xi32>
        %shift_right_logical3A_275 = arith.shrui %get3A_232, %shift_right_logical3A_274 : vector<16xi32>
        %swap3A_276 = arith.constant 0 : i32
        %swap3A_277 = arith.index_cast %swap3A_276 : i32 to index
        %swap3A_278 = arith.constant 32 : index
        %swap3A_279 = tpu.vector_load %arg11[%swap3A_277, %swap3A_278] {strides = array<i32>} : memref<2x64xi32, #tpu.memory_space<vmem>>, vector<16xi32>,
        tpu.vector_store %arg11[%swap3A_277, %swap3A_278], %shift_right_logical3A_275 {strides = array<i32>} : memref<2x64xi32, #tpu.memory_space<vmem>>, vector<16xi32>,
        %get3A_280 = arith.constant 0 : i32
        %get3A_281 = arith.index_cast %get3A_280 : i32 to index
        %get3A_282 = arith.constant 48 : index
        %get3A_283 = tpu.vector_load %arg9[%get3A_281, %get3A_282] {strides = array<i32>} : memref<2x64xi32, #tpu.memory_space<vmem>>, vector<16xi32>,
        %get3A_284 = arith.constant 0 : i32
        %get3A_285 = arith.index_cast %get3A_284 : i32 to index
        %get3A_286 = arith.constant 48 : index
        %get3A_287 = tpu.vector_load %arg10[%get3A_285, %get3A_286] {strides = array<i32>} : memref<2x64xi32, #tpu.memory_space<vmem>>, vector<16xi32>,
        %gather3A_288 = tpu.vector_load_idx %arg13[%get3A_283] : memref<10000xf32, #tpu.memory_space<vmem>>[vector<16xi32>], vector<16xf32>,
        %gather3A_289 = tpu.vector_load_idx %arg14[%get3A_287] : memref<10000xf32, #tpu.memory_space<vmem>>[vector<16xi32>], vector<16xf32>,
        %add3A_290 = arith.addf %gather3A_288, %gather3A_289 : vector<16xf32>
        %lt3A_291 = arith.constant 0.000000e+00 : f32
        %lt3A_292 = vector.broadcast %lt3A_291 : f32 to vector<16xf32>
        %lt3A_293 = arith.cmpf olt, %add3A_290, %lt3A_292 : vector<16xf32>
        %mul3A_294 = arith.constant 2.000000e-01 : f32
        %mul3A_295 = vector.broadcast %mul3A_294 : f32 to vector<16xf32>
        %mul3A_296 = arith.mulf %add3A_290, %mul3A_295 : vector<16xf32>
        %select_n3A_297 = arith.select %lt3A_293, %mul3A_296, %add3A_290 : vector<16xi1>, vector<16xf32>
        %get3A_298 = arith.constant 0 : index
        %get3A_299 = tpu.vector_load %arg15[%get3A_298] {strides = array<i32>} : memref<16xf32, #tpu.memory_space<vmem>>, vector<16xf32>,
        %sub3A_300 = arith.subf %select_n3A_297, %get3A_299 : vector<16xf32>
        %exp3A_301 = math.exp %sub3A_300 : vector<16xf32>
        %mul3A_302 = arith.constant 64 : i32
        %mul3A_303 = arith.muli %mul3A_108, %mul3A_302 : i32
        %add3A_304 = arith.constant 48 : i32
        %add3A_305 = arith.addi %mul3A_303, %add3A_304 : i32
        %add3A_306 = vector.broadcast %add3A_305 : i32 to vector<16xi32>
        %add3A_307 = arith.addi %add3A_306, %iota3A : vector<16xi32>
        %lt3A_308 = arith.constant 10000 : i32
        %lt3A_309 = vector.broadcast %lt3A_308 : i32 to vector<16xi32>
        %lt3A_310 = arith.cmpi slt, %add3A_307, %lt3A_309 : vector<16xi32>
        %jit3A_311 = arith.constant 0.000000e+00 : f32
        %broadcast_in_dim3A_312 = vector.broadcast %jit3A_311 : f32 to vector<16xf32>
        %select_n3A_313 = arith.select %lt3A_310, %exp3A_301, %broadcast_in_dim3A_312 : vector<16xi1>, vector<16xf32>
        %and3A_314 = arith.constant 1 : i32
        %and3A_315 = vector.broadcast %and3A_314 : i32 to vector<16xi32>
        %and3A_316 = arith.andi %get3A_287, %and3A_315 : vector<16xi32>
        %eq3A_317 = arith.constant 1 : i32
        %eq3A_318 = vector.broadcast %eq3A_317 : i32 to vector<16xi32>
        %eq3A_319 = arith.cmpi eq, %and3A_316, %eq3A_318 : vector<16xi32>
        %neg3A_320 = arith.constant 0.000000e+00 : f32
        %neg3A_321 = vector.broadcast %neg3A_320 : f32 to vector<16xf32>
        %neg3A_322 = arith.subf %neg3A_321, %select_n3A_313 : vector<16xf32>
        %select_n3A_323 = arith.select %eq3A_319, %neg3A_322, %select_n3A_313 : vector<16xi1>, vector<16xf32>
        %swap3A_324 = arith.constant 0 : i32
        %swap3A_325 = arith.index_cast %swap3A_324 : i32 to index
        %swap3A_326 = arith.constant 48 : index
        %swap3A_327 = tpu.vector_load %arg12[%swap3A_325, %swap3A_326] {strides = array<i32>} : memref<2x64xf32, #tpu.memory_space<vmem>>, vector<16xf32>,
        tpu.vector_store %arg12[%swap3A_325, %swap3A_326], %select_n3A_323 {strides = array<i32>} : memref<2x64xf32, #tpu.memory_space<vmem>>, vector<16xf32>,
        %shift_right_logical3A_328 = arith.constant 1 : i32
        %shift_right_logical3A_329 = vector.broadcast %shift_right_logical3A_328 : i32 to vector<16xi32>
        %shift_right_logical3A_330 = arith.shrui %get3A_287, %shift_right_logical3A_329 : vector<16xi32>
        %swap3A_331 = arith.constant 0 : i32
        %swap3A_332 = arith.index_cast %swap3A_331 : i32 to index
        %swap3A_333 = arith.constant 48 : index
        %swap3A_334 = tpu.vector_load %arg11[%swap3A_332, %swap3A_333] {strides = array<i32>} : memref<2x64xi32, #tpu.memory_space<vmem>>, vector<16xi32>,
        tpu.vector_store %arg11[%swap3A_332, %swap3A_333], %shift_right_logical3A_330 {strides = array<i32>} : memref<2x64xi32, #tpu.memory_space<vmem>>, vector<16xi32>,
        %add3A_335 = arith.constant 2 : i32
        %add3A_336 = arith.addi %mul3A_108, %add3A_335 : i32
        %lt3A_337 = arith.constant 158 : i32
        %lt3A_338 = arith.cmpi slt, %add3A_336, %lt3A_337 : i32
        %convert_element_type3A_339 = arith.extui %lt3A_338 : i1 to i32
        %cond3A_340 = arith.constant 0 : i32
        %cond3A_341 = arith.cmpi ne, %convert_element_type3A_339, %cond3A_340 : i32
        scf.if %cond3A_341 {
          %add3A_620 = arith.constant 2 : i32
          %add3A_621 = arith.addi %mul3A_108, %add3A_620 : i32
          %dma_start3A_622 = arith.constant 0 : i32
          %dma_start3A_623 = arith.constant 0 : i32
          %dma_start3A_624 = tpu.memref_slice %arg9[%dma_start3A_622, %dma_start3A_623] : memref<2x64xi32, #tpu.memory_space<vmem>> -> memref<1x64xi32, #tpu.memory_space<vmem>>
          %dma_start3A_625 = tpu.memref_squeeze %dma_start3A_624 : memref<1x64xi32, #tpu.memory_space<vmem>> -> memref<64xi32, #tpu.memory_space<vmem>>
          %dma_start3A_626 = arith.constant 0 : i32
          %dma_start3A_627 = tpu.memref_slice %arg6[%add3A, %add3A_621, %dma_start3A_626] : memref<32x158x64xi32, #tpu.memory_space<hbm>> -> memref<1x1x64xi32, #tpu.memory_space<hbm>>
          %dma_start3A_628 = tpu.memref_squeeze %dma_start3A_627 : memref<1x1x64xi32, #tpu.memory_space<hbm>> -> memref<64xi32, #tpu.memory_space<hbm>>
          %dma_start3A_629 = arith.constant 0 : i32
          %dma_start3A_630 = tpu.memref_slice %arg9[%dma_start3A_622, %dma_start3A_629] : memref<2x64xi32, #tpu.memory_space<vmem>> -> memref<1x64xi32, #tpu.memory_space<vmem>>
          %dma_start3A_631 = tpu.memref_squeeze %dma_start3A_630 : memref<1x64xi32, #tpu.memory_space<vmem>> -> memref<64xi32, #tpu.memory_space<vmem>>
          %dma_start3A_632 = arith.constant 0 : i32
          %dma_start3A_633 = tpu.memref_slice %arg6[%add3A, %add3A_621, %dma_start3A_632] : memref<32x158x64xi32, #tpu.memory_space<hbm>> -> memref<1x1x64xi32, #tpu.memory_space<hbm>>
          %dma_start3A_634 = tpu.memref_squeeze %dma_start3A_633 : memref<1x1x64xi32, #tpu.memory_space<hbm>> -> memref<64xi32, #tpu.memory_space<hbm>>
          tpu.enqueue_dma source(%dma_start3A_634 : memref<64xi32, #tpu.memory_space<hbm>>) target(%dma_start3A_631 : memref<64xi32, #tpu.memory_space<vmem>>) target_semaphore(%arg25 : memref<!tpu.dma_semaphore, #tpu.memory_space<semaphore_mem>>)
          %dma_start3A_635 = arith.constant 0 : i32
          %dma_start3A_636 = arith.constant 0 : i32
          %dma_start3A_637 = tpu.memref_slice %arg10[%dma_start3A_635, %dma_start3A_636] : memref<2x64xi32, #tpu.memory_space<vmem>> -> memref<1x64xi32, #tpu.memory_space<vmem>>
          %dma_start3A_638 = tpu.memref_squeeze %dma_start3A_637 : memref<1x64xi32, #tpu.memory_space<vmem>> -> memref<64xi32, #tpu.memory_space<vmem>>
          %dma_start3A_639 = arith.constant 0 : i32
          %dma_start3A_640 = tpu.memref_slice %arg7[%add3A, %add3A_621, %dma_start3A_639] : memref<32x158x64xi32, #tpu.memory_space<hbm>> -> memref<1x1x64xi32, #tpu.memory_space<hbm>>
          %dma_start3A_641 = tpu.memref_squeeze %dma_start3A_640 : memref<1x1x64xi32, #tpu.memory_space<hbm>> -> memref<64xi32, #tpu.memory_space<hbm>>
          %dma_start3A_642 = arith.constant 0 : i32
          %dma_start3A_643 = tpu.memref_slice %arg10[%dma_start3A_635, %dma_start3A_642] : memref<2x64xi32, #tpu.memory_space<vmem>> -> memref<1x64xi32, #tpu.memory_space<vmem>>
          %dma_start3A_644 = tpu.memref_squeeze %dma_start3A_643 : memref<1x64xi32, #tpu.memory_space<vmem>> -> memref<64xi32, #tpu.memory_space<vmem>>
          %dma_start3A_645 = arith.constant 0 : i32
          %dma_start3A_646 = tpu.memref_slice %arg7[%add3A, %add3A_621, %dma_start3A_645] : memref<32x158x64xi32, #tpu.memory_space<hbm>> -> memref<1x1x64xi32, #tpu.memory_space<hbm>>
          %dma_start3A_647 = tpu.memref_squeeze %dma_start3A_646 : memref<1x1x64xi32, #tpu.memory_space<hbm>> -> memref<64xi32, #tpu.memory_space<hbm>>
          tpu.enqueue_dma source(%dma_start3A_647 : memref<64xi32, #tpu.memory_space<hbm>>) target(%dma_start3A_644 : memref<64xi32, #tpu.memory_space<vmem>>) target_semaphore(%arg25 : memref<!tpu.dma_semaphore, #tpu.memory_space<semaphore_mem>>)
        } else {
        }
        %broadcast_in_dim3A_342 = arith.constant 0 : i32
        %broadcast_in_dim3A_343 = vector.broadcast %broadcast_in_dim3A_342 : i32 to vector<16xi32>
        %scan3A_344 = arith.constant 0 : i32
        %scan3A_345 = arith.constant 0 : i32
        %scan3A_346 = arith.constant 64 : i32
        %scan3A_347 = arith.addi %scan3A_345, %scan3A_346 : i32
        %scan3A_348 = arith.constant 1 : i32
        scf.for %scan3A_620 = %scan3A_345 to %scan3A_347 step %scan3A_348  : i32 {
          %broadcast_in_dim3A_621 = vector.broadcast %scan3A_620 : i32 to vector<16xi32>
          %gather3A_622 = tpu.vector_load_idx %arg12[%broadcast_in_dim3A_343, %broadcast_in_dim3A_621] : memref<2x64xf32, #tpu.memory_space<vmem>>[vector<16xi32>, vector<16xi32>], vector<16xf32>,
          %lt3A_623 = arith.constant 0.000000e+00 : f32
          %lt3A_624 = vector.broadcast %lt3A_623 : f32 to vector<16xf32>
          %lt3A_625 = arith.cmpf olt, %gather3A_622, %lt3A_624 : vector<16xf32>
          %abs3A = math.absf %gather3A_622 : vector<16xf32>
          %mul3A_626 = arith.constant 64 : i32
          %mul3A_627 = arith.muli %mul3A_626, %min3A_26 : i32
          %add3A_628 = arith.constant 0 : i32
          %add3A_629 = arith.addi %mul3A_627, %add3A_628 : i32
          %get3A_630 = arith.index_cast %scan3A_620 : i32 to index
          %get3A_631 = arith.index_cast %add3A_629 : i32 to index
          %get3A_632 = tpu.vector_load %arg16[%get3A_630, %get3A_631] {strides = array<i32>} : memref<64x128xf32, #tpu.memory_space<vmem>>, vector<16xf32>,
          %mul3A_633 = arith.mulf %get3A_632, %abs3A : vector<16xf32>
          %eq3A_634 = arith.constant 0 : i32
          %eq3A_635 = vector.broadcast %eq3A_634 : i32 to vector<16xi32>
          %eq3A_636 = arith.cmpi eq, %iota3A, %eq3A_635 : vector<16xi32>
          %jit3A_637 = arith.constant 0.000000e+00 : f32
          %broadcast_in_dim3A_638 = vector.broadcast %jit3A_637 : f32 to vector<16xf32>
          %select_n3A_639 = arith.select %eq3A_636, %abs3A, %broadcast_in_dim3A_638 : vector<16xi1>, vector<16xf32>
          %select_n3A_640 = arith.select %ge3A_29, %select_n3A_639, %mul3A_633 : vector<16xi1>, vector<16xf32>
          %not3A = arith.constant dense<true> : vector<16xi1>
          %not3A_641 = arith.xori %lt3A_625, %not3A : vector<16xi1>
          %jit3A_642 = arith.constant 0.000000e+00 : f32
          %broadcast_in_dim3A_643 = vector.broadcast %jit3A_642 : f32 to vector<16xf32>
          %select_n3A_644 = arith.select %not3A_641, %select_n3A_640, %broadcast_in_dim3A_643 : vector<16xi1>, vector<16xf32>
          %swap3A_645 = arith.index_cast %scan3A_620 : i32 to index
          %swap3A_646 = arith.constant 0 : index
          %swap3A_647 = tpu.vector_load %arg18[%swap3A_645, %swap3A_646] {strides = array<i32>} : memref<64x128xf32, #tpu.memory_space<vmem>>, vector<16xf32>,
          tpu.vector_store %arg18[%swap3A_645, %swap3A_646], %select_n3A_644 {strides = array<i32>} : memref<64x128xf32, #tpu.memory_space<vmem>>, vector<16xf32>,
          %mul3A_648 = arith.constant 64 : i32
          %mul3A_649 = arith.muli %mul3A_648, %min3A_26 : i32
          %add3A_650 = arith.constant 16 : i32
          %add3A_651 = arith.addi %mul3A_649, %add3A_650 : i32
          %get3A_652 = arith.index_cast %scan3A_620 : i32 to index
          %get3A_653 = arith.index_cast %add3A_651 : i32 to index
          %get3A_654 = tpu.vector_load %arg16[%get3A_652, %get3A_653] {strides = array<i32>} : memref<64x128xf32, #tpu.memory_space<vmem>>, vector<16xf32>,
          %mul3A_655 = arith.mulf %get3A_654, %abs3A : vector<16xf32>
          %broadcast_in_dim3A_656 = arith.constant 0.000000e+00 : f32
          %broadcast_in_dim3A_657 = vector.broadcast %broadcast_in_dim3A_656 : f32 to vector<16xf32>
          %select_n3A_658 = arith.select %ge3A_29, %broadcast_in_dim3A_657, %mul3A_655 : vector<16xi1>, vector<16xf32>
          %not3A_659 = arith.constant dense<true> : vector<16xi1>
          %not3A_660 = arith.xori %lt3A_625, %not3A_659 : vector<16xi1>
          %jit3A_661 = arith.constant 0.000000e+00 : f32
          %broadcast_in_dim3A_662 = vector.broadcast %jit3A_661 : f32 to vector<16xf32>
          %select_n3A_663 = arith.select %not3A_660, %select_n3A_658, %broadcast_in_dim3A_662 : vector<16xi1>, vector<16xf32>
          %swap3A_664 = arith.index_cast %scan3A_620 : i32 to index
          %swap3A_665 = arith.constant 16 : index
          %swap3A_666 = tpu.vector_load %arg18[%swap3A_664, %swap3A_665] {strides = array<i32>} : memref<64x128xf32, #tpu.memory_space<vmem>>, vector<16xf32>,
          tpu.vector_store %arg18[%swap3A_664, %swap3A_665], %select_n3A_663 {strides = array<i32>} : memref<64x128xf32, #tpu.memory_space<vmem>>, vector<16xf32>,
          %mul3A_667 = arith.constant 64 : i32
          %mul3A_668 = arith.muli %mul3A_667, %min3A_26 : i32
          %add3A_669 = arith.constant 32 : i32
          %add3A_670 = arith.addi %mul3A_668, %add3A_669 : i32
          %get3A_671 = arith.index_cast %scan3A_620 : i32 to index
          %get3A_672 = arith.index_cast %add3A_670 : i32 to index
          %get3A_673 = tpu.vector_load %arg16[%get3A_671, %get3A_672] {strides = array<i32>} : memref<64x128xf32, #tpu.memory_space<vmem>>, vector<16xf32>,
          %mul3A_674 = arith.mulf %get3A_673, %abs3A : vector<16xf32>
          %broadcast_in_dim3A_675 = arith.constant 0.000000e+00 : f32
          %broadcast_in_dim3A_676 = vector.broadcast %broadcast_in_dim3A_675 : f32 to vector<16xf32>
          %select_n3A_677 = arith.select %ge3A_29, %broadcast_in_dim3A_676, %mul3A_674 : vector<16xi1>, vector<16xf32>
          %not3A_678 = arith.constant dense<true> : vector<16xi1>
          %not3A_679 = arith.xori %lt3A_625, %not3A_678 : vector<16xi1>
          %jit3A_680 = arith.constant 0.000000e+00 : f32
          %broadcast_in_dim3A_681 = vector.broadcast %jit3A_680 : f32 to vector<16xf32>
          %select_n3A_682 = arith.select %not3A_679, %select_n3A_677, %broadcast_in_dim3A_681 : vector<16xi1>, vector<16xf32>
          %swap3A_683 = arith.index_cast %scan3A_620 : i32 to index
          %swap3A_684 = arith.constant 32 : index
          %swap3A_685 = tpu.vector_load %arg18[%swap3A_683, %swap3A_684] {strides = array<i32>} : memref<64x128xf32, #tpu.memory_space<vmem>>, vector<16xf32>,
          tpu.vector_store %arg18[%swap3A_683, %swap3A_684], %select_n3A_682 {strides = array<i32>} : memref<64x128xf32, #tpu.memory_space<vmem>>, vector<16xf32>,
          %mul3A_686 = arith.constant 64 : i32
          %mul3A_687 = arith.muli %mul3A_686, %min3A_26 : i32
          %add3A_688 = arith.constant 48 : i32
          %add3A_689 = arith.addi %mul3A_687, %add3A_688 : i32
          %get3A_690 = arith.index_cast %scan3A_620 : i32 to index
          %get3A_691 = arith.index_cast %add3A_689 : i32 to index
          %get3A_692 = tpu.vector_load %arg16[%get3A_690, %get3A_691] {strides = array<i32>} : memref<64x128xf32, #tpu.memory_space<vmem>>, vector<16xf32>,
          %mul3A_693 = arith.mulf %get3A_692, %abs3A : vector<16xf32>
          %broadcast_in_dim3A_694 = arith.constant 0.000000e+00 : f32
          %broadcast_in_dim3A_695 = vector.broadcast %broadcast_in_dim3A_694 : f32 to vector<16xf32>
          %select_n3A_696 = arith.select %ge3A_29, %broadcast_in_dim3A_695, %mul3A_693 : vector<16xi1>, vector<16xf32>
          %not3A_697 = arith.constant dense<true> : vector<16xi1>
          %not3A_698 = arith.xori %lt3A_625, %not3A_697 : vector<16xi1>
          %jit3A_699 = arith.constant 0.000000e+00 : f32
          %broadcast_in_dim3A_700 = vector.broadcast %jit3A_699 : f32 to vector<16xf32>
          %select_n3A_701 = arith.select %not3A_698, %select_n3A_696, %broadcast_in_dim3A_700 : vector<16xi1>, vector<16xf32>
          %swap3A_702 = arith.index_cast %scan3A_620 : i32 to index
          %swap3A_703 = arith.constant 48 : index
          %swap3A_704 = tpu.vector_load %arg18[%swap3A_702, %swap3A_703] {strides = array<i32>} : memref<64x128xf32, #tpu.memory_space<vmem>>, vector<16xf32>,
          tpu.vector_store %arg18[%swap3A_702, %swap3A_703], %select_n3A_701 {strides = array<i32>} : memref<64x128xf32, #tpu.memory_space<vmem>>, vector<16xf32>,
          %mul3A_705 = arith.constant 64 : i32
          %mul3A_706 = arith.muli %mul3A_705, %min3A_26 : i32
          %add3A_707 = arith.constant 0 : i32
          %add3A_708 = arith.addi %mul3A_706, %add3A_707 : i32
          %get3A_709 = arith.index_cast %scan3A_620 : i32 to index
          %get3A_710 = arith.index_cast %add3A_708 : i32 to index
          %get3A_711 = tpu.vector_load %arg16[%get3A_709, %get3A_710] {strides = array<i32>} : memref<64x128xf32, #tpu.memory_space<vmem>>, vector<16xf32>,
          %mul3A_712 = arith.mulf %get3A_711, %abs3A : vector<16xf32>
          %eq3A_713 = arith.constant 0 : i32
          %eq3A_714 = vector.broadcast %eq3A_713 : i32 to vector<16xi32>
          %eq3A_715 = arith.cmpi eq, %iota3A, %eq3A_714 : vector<16xi32>
          %jit3A_716 = arith.constant 0.000000e+00 : f32
          %broadcast_in_dim3A_717 = vector.broadcast %jit3A_716 : f32 to vector<16xf32>
          %select_n3A_718 = arith.select %eq3A_715, %abs3A, %broadcast_in_dim3A_717 : vector<16xi1>, vector<16xf32>
          %select_n3A_719 = arith.select %ge3A_29, %select_n3A_718, %mul3A_712 : vector<16xi1>, vector<16xf32>
          %jit3A_720 = arith.constant 0.000000e+00 : f32
          %broadcast_in_dim3A_721 = vector.broadcast %jit3A_720 : f32 to vector<16xf32>
          %select_n3A_722 = arith.select %lt3A_625, %select_n3A_719, %broadcast_in_dim3A_721 : vector<16xi1>, vector<16xf32>
          %swap3A_723 = arith.index_cast %scan3A_620 : i32 to index
          %swap3A_724 = arith.constant 64 : index
          %swap3A_725 = tpu.vector_load %arg18[%swap3A_723, %swap3A_724] {strides = array<i32>} : memref<64x128xf32, #tpu.memory_space<vmem>>, vector<16xf32>,
          tpu.vector_store %arg18[%swap3A_723, %swap3A_724], %select_n3A_722 {strides = array<i32>} : memref<64x128xf32, #tpu.memory_space<vmem>>, vector<16xf32>,
          %mul3A_726 = arith.constant 64 : i32
          %mul3A_727 = arith.muli %mul3A_726, %min3A_26 : i32
          %add3A_728 = arith.constant 16 : i32
          %add3A_729 = arith.addi %mul3A_727, %add3A_728 : i32
          %get3A_730 = arith.index_cast %scan3A_620 : i32 to index
          %get3A_731 = arith.index_cast %add3A_729 : i32 to index
          %get3A_732 = tpu.vector_load %arg16[%get3A_730, %get3A_731] {strides = array<i32>} : memref<64x128xf32, #tpu.memory_space<vmem>>, vector<16xf32>,
          %mul3A_733 = arith.mulf %get3A_732, %abs3A : vector<16xf32>
          %broadcast_in_dim3A_734 = arith.constant 0.000000e+00 : f32
          %broadcast_in_dim3A_735 = vector.broadcast %broadcast_in_dim3A_734 : f32 to vector<16xf32>
          %select_n3A_736 = arith.select %ge3A_29, %broadcast_in_dim3A_735, %mul3A_733 : vector<16xi1>, vector<16xf32>
          %jit3A_737 = arith.constant 0.000000e+00 : f32
          %broadcast_in_dim3A_738 = vector.broadcast %jit3A_737 : f32 to vector<16xf32>
          %select_n3A_739 = arith.select %lt3A_625, %select_n3A_736, %broadcast_in_dim3A_738 : vector<16xi1>, vector<16xf32>
          %swap3A_740 = arith.index_cast %scan3A_620 : i32 to index
          %swap3A_741 = arith.constant 80 : index
          %swap3A_742 = tpu.vector_load %arg18[%swap3A_740, %swap3A_741] {strides = array<i32>} : memref<64x128xf32, #tpu.memory_space<vmem>>, vector<16xf32>,
          tpu.vector_store %arg18[%swap3A_740, %swap3A_741], %select_n3A_739 {strides = array<i32>} : memref<64x128xf32, #tpu.memory_space<vmem>>, vector<16xf32>,
          %mul3A_743 = arith.constant 64 : i32
          %mul3A_744 = arith.muli %mul3A_743, %min3A_26 : i32
          %add3A_745 = arith.constant 32 : i32
          %add3A_746 = arith.addi %mul3A_744, %add3A_745 : i32
          %get3A_747 = arith.index_cast %scan3A_620 : i32 to index
          %get3A_748 = arith.index_cast %add3A_746 : i32 to index
          %get3A_749 = tpu.vector_load %arg16[%get3A_747, %get3A_748] {strides = array<i32>} : memref<64x128xf32, #tpu.memory_space<vmem>>, vector<16xf32>,
          %mul3A_750 = arith.mulf %get3A_749, %abs3A : vector<16xf32>
          %broadcast_in_dim3A_751 = arith.constant 0.000000e+00 : f32
          %broadcast_in_dim3A_752 = vector.broadcast %broadcast_in_dim3A_751 : f32 to vector<16xf32>
          %select_n3A_753 = arith.select %ge3A_29, %broadcast_in_dim3A_752, %mul3A_750 : vector<16xi1>, vector<16xf32>
          %jit3A_754 = arith.constant 0.000000e+00 : f32
          %broadcast_in_dim3A_755 = vector.broadcast %jit3A_754 : f32 to vector<16xf32>
          %select_n3A_756 = arith.select %lt3A_625, %select_n3A_753, %broadcast_in_dim3A_755 : vector<16xi1>, vector<16xf32>
          %swap3A_757 = arith.index_cast %scan3A_620 : i32 to index
          %swap3A_758 = arith.constant 96 : index
          %swap3A_759 = tpu.vector_load %arg18[%swap3A_757, %swap3A_758] {strides = array<i32>} : memref<64x128xf32, #tpu.memory_space<vmem>>, vector<16xf32>,
          tpu.vector_store %arg18[%swap3A_757, %swap3A_758], %select_n3A_756 {strides = array<i32>} : memref<64x128xf32, #tpu.memory_space<vmem>>, vector<16xf32>,
          %mul3A_760 = arith.constant 64 : i32
          %mul3A_761 = arith.muli %mul3A_760, %min3A_26 : i32
          %add3A_762 = arith.constant 48 : i32
          %add3A_763 = arith.addi %mul3A_761, %add3A_762 : i32
          %get3A_764 = arith.index_cast %scan3A_620 : i32 to index
          %get3A_765 = arith.index_cast %add3A_763 : i32 to index
          %get3A_766 = tpu.vector_load %arg16[%get3A_764, %get3A_765] {strides = array<i32>} : memref<64x128xf32, #tpu.memory_space<vmem>>, vector<16xf32>,
          %mul3A_767 = arith.mulf %get3A_766, %abs3A : vector<16xf32>
          %broadcast_in_dim3A_768 = arith.constant 0.000000e+00 : f32
          %broadcast_in_dim3A_769 = vector.broadcast %broadcast_in_dim3A_768 : f32 to vector<16xf32>
          %select_n3A_770 = arith.select %ge3A_29, %broadcast_in_dim3A_769, %mul3A_767 : vector<16xi1>, vector<16xf32>
          %jit3A_771 = arith.constant 0.000000e+00 : f32
          %broadcast_in_dim3A_772 = vector.broadcast %jit3A_771 : f32 to vector<16xf32>
          %select_n3A_773 = arith.select %lt3A_625, %select_n3A_770, %broadcast_in_dim3A_772 : vector<16xi1>, vector<16xf32>
          %swap3A_774 = arith.index_cast %scan3A_620 : i32 to index
          %swap3A_775 = arith.constant 112 : index
          %swap3A_776 = tpu.vector_load %arg18[%swap3A_774, %swap3A_775] {strides = array<i32>} : memref<64x128xf32, #tpu.memory_space<vmem>>, vector<16xf32>,
          tpu.vector_store %arg18[%swap3A_774, %swap3A_775], %select_n3A_773 {strides = array<i32>} : memref<64x128xf32, #tpu.memory_space<vmem>>, vector<16xf32>,
        }
        %scan3A_349 = arith.constant 64 : i32
        %dma_start3A_350 = arith.constant 0 : i32
        %dma_start3A_351 = arith.constant 0 : i32
        %dma_start3A_352 = tpu.memref_slice %arg11[%dma_start3A_350, %dma_start3A_351] : memref<2x64xi32, #tpu.memory_space<vmem>> -> memref<1x64xi32, #tpu.memory_space<vmem>>
        %dma_start3A_353 = tpu.memref_squeeze %dma_start3A_352 : memref<1x64xi32, #tpu.memory_space<vmem>> -> memref<64xi32, #tpu.memory_space<vmem>>
        %dma_start3A_354 = arith.constant 0 : i32
        %dma_start3A_355 = arith.constant 0 : i32
        %dma_start3A_356 = tpu.memref_slice %arg20[%dma_start3A_354, %dma_start3A_355] : memref<5120x128xf32, #tpu.memory_space<vmem_shared>> -> memref<5120x128xf32, #tpu.memory_space<vmem_shared>>
        tpu.enqueue_indirect_dma source(%arg18 : memref<64x128xf32, #tpu.memory_space<vmem>>) target(%dma_start3A_356 : memref<5120x128xf32, #tpu.memory_space<vmem_shared>>) offsets(%dma_start3A_353 : memref<64xi32, #tpu.memory_space<vmem>>) semaphore(%arg23 : memref<!tpu.dma_semaphore, #tpu.memory_space<semaphore_mem>>) {add = true}
        %mul3A_357 = arith.constant 2 : i32
        %mul3A_358 = arith.muli %scan3A_106, %mul3A_357 : i32
        %add3A_359 = arith.constant 1 : i32
        %add3A_360 = arith.addi %mul3A_358, %add3A_359 : i32
        %add3A_361 = arith.constant 1 : i32
        %add3A_362 = arith.addi %add3A_360, %add3A_361 : i32
        %lt3A_363 = arith.constant 158 : i32
        %lt3A_364 = arith.cmpi slt, %add3A_362, %lt3A_363 : i32
        %convert_element_type3A_365 = arith.extui %lt3A_364 : i1 to i32
        %cond3A_366 = arith.constant 0 : i32
        %cond3A_367 = arith.cmpi ne, %convert_element_type3A_365, %cond3A_366 : i32
        scf.if %cond3A_367 {
          %dma_wait3A_620 = arith.constant 0 : i32
          %dma_wait3A_621 = arith.constant 0 : i32
          %dma_wait3A_622 = arith.constant 0 : i32
          %dma_wait3A_623 = tpu.memref_slice %arg9[%dma_wait3A_621, %dma_wait3A_622] : memref<2x64xi32, #tpu.memory_space<vmem>> -> memref<1x64xi32, #tpu.memory_space<vmem>>
          %dma_wait3A_624 = tpu.memref_squeeze %dma_wait3A_623 : memref<1x64xi32, #tpu.memory_space<vmem>> -> memref<64xi32, #tpu.memory_space<vmem>>
          %dma_wait3A_625 = arith.constant 0 : i32
          %dma_wait3A_626 = tpu.memref_slice %arg6[%add3A, %dma_wait3A_620, %dma_wait3A_625] : memref<32x158x64xi32, #tpu.memory_space<hbm>> -> memref<1x1x64xi32, #tpu.memory_space<hbm>>
          %dma_wait3A_627 = tpu.memref_squeeze %dma_wait3A_626 : memref<1x1x64xi32, #tpu.memory_space<hbm>> -> memref<64xi32, #tpu.memory_space<hbm>>
          %dma_wait3A_628 = arith.constant 0 : i32
          %dma_wait3A_629 = tpu.memref_slice %arg9[%dma_wait3A_621, %dma_wait3A_628] : memref<2x64xi32, #tpu.memory_space<vmem>> -> memref<1x64xi32, #tpu.memory_space<vmem>>
          %dma_wait3A_630 = tpu.memref_squeeze %dma_wait3A_629 : memref<1x64xi32, #tpu.memory_space<vmem>> -> memref<64xi32, #tpu.memory_space<vmem>>
          %dma_wait3A_631 = arith.constant 0 : i32
          %dma_wait3A_632 = tpu.memref_slice %arg6[%add3A, %dma_wait3A_620, %dma_wait3A_631] : memref<32x158x64xi32, #tpu.memory_space<hbm>> -> memref<1x1x64xi32, #tpu.memory_space<hbm>>
          %dma_wait3A_633 = tpu.memref_squeeze %dma_wait3A_632 : memref<1x1x64xi32, #tpu.memory_space<hbm>> -> memref<64xi32, #tpu.memory_space<hbm>>
          tpu.wait_dma2 semaphore(%arg25 : memref<!tpu.dma_semaphore, #tpu.memory_space<semaphore_mem>>) src(%dma_wait3A_633 : memref<64xi32, #tpu.memory_space<hbm>>) dst(%dma_wait3A_630 : memref<64xi32, #tpu.memory_space<vmem>>)
          %dma_wait3A_634 = arith.constant 0 : i32
          %dma_wait3A_635 = arith.constant 0 : i32
          %dma_wait3A_636 = arith.constant 0 : i32
          %dma_wait3A_637 = tpu.memref_slice %arg10[%dma_wait3A_635, %dma_wait3A_636] : memref<2x64xi32, #tpu.memory_space<vmem>> -> memref<1x64xi32, #tpu.memory_space<vmem>>
          %dma_wait3A_638 = tpu.memref_squeeze %dma_wait3A_637 : memref<1x64xi32, #tpu.memory_space<vmem>> -> memref<64xi32, #tpu.memory_space<vmem>>
          %dma_wait3A_639 = arith.constant 0 : i32
          %dma_wait3A_640 = tpu.memref_slice %arg7[%add3A, %dma_wait3A_634, %dma_wait3A_639] : memref<32x158x64xi32, #tpu.memory_space<hbm>> -> memref<1x1x64xi32, #tpu.memory_space<hbm>>
          %dma_wait3A_641 = tpu.memref_squeeze %dma_wait3A_640 : memref<1x1x64xi32, #tpu.memory_space<hbm>> -> memref<64xi32, #tpu.memory_space<hbm>>
          %dma_wait3A_642 = arith.constant 0 : i32
          %dma_wait3A_643 = tpu.memref_slice %arg10[%dma_wait3A_635, %dma_wait3A_642] : memref<2x64xi32, #tpu.memory_space<vmem>> -> memref<1x64xi32, #tpu.memory_space<vmem>>
          %dma_wait3A_644 = tpu.memref_squeeze %dma_wait3A_643 : memref<1x64xi32, #tpu.memory_space<vmem>> -> memref<64xi32, #tpu.memory_space<vmem>>
          %dma_wait3A_645 = arith.constant 0 : i32
          %dma_wait3A_646 = tpu.memref_slice %arg7[%add3A, %dma_wait3A_634, %dma_wait3A_645] : memref<32x158x64xi32, #tpu.memory_space<hbm>> -> memref<1x1x64xi32, #tpu.memory_space<hbm>>
          %dma_wait3A_647 = tpu.memref_squeeze %dma_wait3A_646 : memref<1x1x64xi32, #tpu.memory_space<hbm>> -> memref<64xi32, #tpu.memory_space<hbm>>
          tpu.wait_dma2 semaphore(%arg25 : memref<!tpu.dma_semaphore, #tpu.memory_space<semaphore_mem>>) src(%dma_wait3A_647 : memref<64xi32, #tpu.memory_space<hbm>>) dst(%dma_wait3A_644 : memref<64xi32, #tpu.memory_space<vmem>>)
          %lt3A_648 = arith.constant 2 : i32
          %lt3A_649 = arith.cmpi slt, %scan3A_25, %lt3A_648 : i32
          %convert_element_type3A_650 = arith.extui %lt3A_649 : i1 to i32
          %cond3A_651 = arith.constant 0 : i32
          %cond3A_652 = arith.cmpi ne, %convert_element_type3A_650, %cond3A_651 : i32
          scf.if %cond3A_652 {
            %dma_start3A_653 = arith.constant 0 : i32
            %dma_start3A_654 = arith.constant 0 : i32
            %dma_start3A_655 = tpu.memref_slice %arg9[%dma_start3A_653, %dma_start3A_654] : memref<2x64xi32, #tpu.memory_space<vmem>> -> memref<1x64xi32, #tpu.memory_space<vmem>>
            %dma_start3A_656 = tpu.memref_squeeze %dma_start3A_655 : memref<1x64xi32, #tpu.memory_space<vmem>> -> memref<64xi32, #tpu.memory_space<vmem>>
            %dma_start3A_657 = arith.constant 0 : i32
            %dma_start3A_658 = arith.constant 0 : i32
            %dma_start3A_659 = tpu.memref_slice %arg2[%dma_start3A_657, %dma_start3A_658] : memref<10000x128xf32, #tpu.memory_space<hbm>> -> memref<10000x128xf32, #tpu.memory_space<hbm>>
            tpu.enqueue_indirect_dma source(%dma_start3A_659 : memref<10000x128xf32, #tpu.memory_space<hbm>>) target(%arg16 : memref<64x128xf32, #tpu.memory_space<vmem>>) offsets(%dma_start3A_656 : memref<64xi32, #tpu.memory_space<vmem>>) semaphore(%arg21 : memref<!tpu.dma_semaphore, #tpu.memory_space<semaphore_mem>>)
          } else {
          }
        } else {
        }
        %lt3A_368 = arith.constant 2 : i32
        %lt3A_369 = arith.cmpi slt, %scan3A_25, %lt3A_368 : i32
        %convert_element_type3A_370 = arith.extui %lt3A_369 : i1 to i32
        %cond3A_371 = arith.constant 0 : i32
        %cond3A_372 = arith.cmpi ne, %convert_element_type3A_370, %cond3A_371 : i32
        scf.if %cond3A_372 {
          %dma_wait3A_620 = arith.constant 0 : i32
          %dma_wait3A_621 = arith.constant 0 : i32
          %dma_wait3A_622 = tpu.memref_slice %arg2[%dma_wait3A_620, %dma_wait3A_621] : memref<10000x128xf32, #tpu.memory_space<hbm>> -> memref<64x128xf32, #tpu.memory_space<hbm>>
          %dma_wait3A_623 = arith.constant 0 : i32
          %dma_wait3A_624 = arith.constant 0 : i32
          %dma_wait3A_625 = tpu.memref_slice %arg2[%dma_wait3A_623, %dma_wait3A_624] : memref<10000x128xf32, #tpu.memory_space<hbm>> -> memref<64x128xf32, #tpu.memory_space<hbm>>
          tpu.wait_dma2 semaphore(%arg22 : memref<!tpu.dma_semaphore, #tpu.memory_space<semaphore_mem>>) src(%dma_wait3A_625 : memref<64x128xf32, #tpu.memory_space<hbm>>) dst(%arg17 : memref<64x128xf32, #tpu.memory_space<vmem>>)
        } else {
        }
        %ge3A_373 = arith.constant 2 : i32
        %ge3A_374 = arith.cmpi sge, %add3A_360, %ge3A_373 : i32
        %convert_element_type3A_375 = arith.extui %ge3A_374 : i1 to i32
        %cond3A_376 = arith.constant 0 : i32
        %cond3A_377 = arith.cmpi ne, %convert_element_type3A_375, %cond3A_376 : i32
        scf.if %cond3A_377 {
          %dma_wait3A_620 = arith.constant 0 : i32
          %dma_wait3A_621 = arith.constant 0 : i32
          %dma_wait3A_622 = tpu.memref_slice %arg2[%dma_wait3A_620, %dma_wait3A_621] : memref<10000x128xf32, #tpu.memory_space<hbm>> -> memref<64x128xf32, #tpu.memory_space<hbm>>
          %dma_wait3A_623 = arith.constant 0 : i32
          %dma_wait3A_624 = arith.constant 0 : i32
          %dma_wait3A_625 = tpu.memref_slice %arg2[%dma_wait3A_623, %dma_wait3A_624] : memref<10000x128xf32, #tpu.memory_space<hbm>> -> memref<64x128xf32, #tpu.memory_space<hbm>>
          tpu.wait_dma2 semaphore(%arg24 : memref<!tpu.dma_semaphore, #tpu.memory_space<semaphore_mem>>) src(%dma_wait3A_625 : memref<64x128xf32, #tpu.memory_space<hbm>>) dst(%arg19 : memref<64x128xf32, #tpu.memory_space<vmem>>)
        } else {
        }
        %get3A_378 = arith.constant 1 : i32
        %get3A_379 = arith.index_cast %get3A_378 : i32 to index
        %get3A_380 = arith.constant 0 : index
        %get3A_381 = tpu.vector_load %arg9[%get3A_379, %get3A_380] {strides = array<i32>} : memref<2x64xi32, #tpu.memory_space<vmem>>, vector<16xi32>,
        %get3A_382 = arith.constant 1 : i32
        %get3A_383 = arith.index_cast %get3A_382 : i32 to index
        %get3A_384 = arith.constant 0 : index
        %get3A_385 = tpu.vector_load %arg10[%get3A_383, %get3A_384] {strides = array<i32>} : memref<2x64xi32, #tpu.memory_space<vmem>>, vector<16xi32>,
        %gather3A_386 = tpu.vector_load_idx %arg13[%get3A_381] : memref<10000xf32, #tpu.memory_space<vmem>>[vector<16xi32>], vector<16xf32>,
        %gather3A_387 = tpu.vector_load_idx %arg14[%get3A_385] : memref<10000xf32, #tpu.memory_space<vmem>>[vector<16xi32>], vector<16xf32>,
        %add3A_388 = arith.addf %gather3A_386, %gather3A_387 : vector<16xf32>
        %lt3A_389 = arith.constant 0.000000e+00 : f32
        %lt3A_390 = vector.broadcast %lt3A_389 : f32 to vector<16xf32>
        %lt3A_391 = arith.cmpf olt, %add3A_388, %lt3A_390 : vector<16xf32>
        %mul3A_392 = arith.constant 2.000000e-01 : f32
        %mul3A_393 = vector.broadcast %mul3A_392 : f32 to vector<16xf32>
        %mul3A_394 = arith.mulf %add3A_388, %mul3A_393 : vector<16xf32>
        %select_n3A_395 = arith.select %lt3A_391, %mul3A_394, %add3A_388 : vector<16xi1>, vector<16xf32>
        %get3A_396 = arith.constant 0 : index
        %get3A_397 = tpu.vector_load %arg15[%get3A_396] {strides = array<i32>} : memref<16xf32, #tpu.memory_space<vmem>>, vector<16xf32>,
        %sub3A_398 = arith.subf %select_n3A_395, %get3A_397 : vector<16xf32>
        %exp3A_399 = math.exp %sub3A_398 : vector<16xf32>
        %mul3A_400 = arith.constant 64 : i32
        %mul3A_401 = arith.muli %add3A_360, %mul3A_400 : i32
        %add3A_402 = arith.constant 0 : i32
        %add3A_403 = arith.addi %mul3A_401, %add3A_402 : i32
        %add3A_404 = vector.broadcast %add3A_403 : i32 to vector<16xi32>
        %add3A_405 = arith.addi %add3A_404, %iota3A : vector<16xi32>
        %lt3A_406 = arith.constant 10000 : i32
        %lt3A_407 = vector.broadcast %lt3A_406 : i32 to vector<16xi32>
        %lt3A_408 = arith.cmpi slt, %add3A_405, %lt3A_407 : vector<16xi32>
        %jit3A_409 = arith.constant 0.000000e+00 : f32
        %broadcast_in_dim3A_410 = vector.broadcast %jit3A_409 : f32 to vector<16xf32>
        %select_n3A_411 = arith.select %lt3A_408, %exp3A_399, %broadcast_in_dim3A_410 : vector<16xi1>, vector<16xf32>
        %and3A_412 = arith.constant 1 : i32
        %and3A_413 = vector.broadcast %and3A_412 : i32 to vector<16xi32>
        %and3A_414 = arith.andi %get3A_385, %and3A_413 : vector<16xi32>
        %eq3A_415 = arith.constant 1 : i32
        %eq3A_416 = vector.broadcast %eq3A_415 : i32 to vector<16xi32>
        %eq3A_417 = arith.cmpi eq, %and3A_414, %eq3A_416 : vector<16xi32>
        %neg3A_418 = arith.constant 0.000000e+00 : f32
        %neg3A_419 = vector.broadcast %neg3A_418 : f32 to vector<16xf32>
        %neg3A_420 = arith.subf %neg3A_419, %select_n3A_411 : vector<16xf32>
        %select_n3A_421 = arith.select %eq3A_417, %neg3A_420, %select_n3A_411 : vector<16xi1>, vector<16xf32>
        %swap3A_422 = arith.constant 1 : i32
        %swap3A_423 = arith.index_cast %swap3A_422 : i32 to index
        %swap3A_424 = arith.constant 0 : index
        %swap3A_425 = tpu.vector_load %arg12[%swap3A_423, %swap3A_424] {strides = array<i32>} : memref<2x64xf32, #tpu.memory_space<vmem>>, vector<16xf32>,
        tpu.vector_store %arg12[%swap3A_423, %swap3A_424], %select_n3A_421 {strides = array<i32>} : memref<2x64xf32, #tpu.memory_space<vmem>>, vector<16xf32>,
        %shift_right_logical3A_426 = arith.constant 1 : i32
        %shift_right_logical3A_427 = vector.broadcast %shift_right_logical3A_426 : i32 to vector<16xi32>
        %shift_right_logical3A_428 = arith.shrui %get3A_385, %shift_right_logical3A_427 : vector<16xi32>
        %swap3A_429 = arith.constant 1 : i32
        %swap3A_430 = arith.index_cast %swap3A_429 : i32 to index
        %swap3A_431 = arith.constant 0 : index
        %swap3A_432 = tpu.vector_load %arg11[%swap3A_430, %swap3A_431] {strides = array<i32>} : memref<2x64xi32, #tpu.memory_space<vmem>>, vector<16xi32>,
        tpu.vector_store %arg11[%swap3A_430, %swap3A_431], %shift_right_logical3A_428 {strides = array<i32>} : memref<2x64xi32, #tpu.memory_space<vmem>>, vector<16xi32>,
        %get3A_433 = arith.constant 1 : i32
        %get3A_434 = arith.index_cast %get3A_433 : i32 to index
        %get3A_435 = arith.constant 16 : index
        %get3A_436 = tpu.vector_load %arg9[%get3A_434, %get3A_435] {strides = array<i32>} : memref<2x64xi32, #tpu.memory_space<vmem>>, vector<16xi32>,
        %get3A_437 = arith.constant 1 : i32
        %get3A_438 = arith.index_cast %get3A_437 : i32 to index
        %get3A_439 = arith.constant 16 : index
        %get3A_440 = tpu.vector_load %arg10[%get3A_438, %get3A_439] {strides = array<i32>} : memref<2x64xi32, #tpu.memory_space<vmem>>, vector<16xi32>,
        %gather3A_441 = tpu.vector_load_idx %arg13[%get3A_436] : memref<10000xf32, #tpu.memory_space<vmem>>[vector<16xi32>], vector<16xf32>,
        %gather3A_442 = tpu.vector_load_idx %arg14[%get3A_440] : memref<10000xf32, #tpu.memory_space<vmem>>[vector<16xi32>], vector<16xf32>,
        %add3A_443 = arith.addf %gather3A_441, %gather3A_442 : vector<16xf32>
        %lt3A_444 = arith.constant 0.000000e+00 : f32
        %lt3A_445 = vector.broadcast %lt3A_444 : f32 to vector<16xf32>
        %lt3A_446 = arith.cmpf olt, %add3A_443, %lt3A_445 : vector<16xf32>
        %mul3A_447 = arith.constant 2.000000e-01 : f32
        %mul3A_448 = vector.broadcast %mul3A_447 : f32 to vector<16xf32>
        %mul3A_449 = arith.mulf %add3A_443, %mul3A_448 : vector<16xf32>
        %select_n3A_450 = arith.select %lt3A_446, %mul3A_449, %add3A_443 : vector<16xi1>, vector<16xf32>
        %get3A_451 = arith.constant 0 : index
        %get3A_452 = tpu.vector_load %arg15[%get3A_451] {strides = array<i32>} : memref<16xf32, #tpu.memory_space<vmem>>, vector<16xf32>,
        %sub3A_453 = arith.subf %select_n3A_450, %get3A_452 : vector<16xf32>
        %exp3A_454 = math.exp %sub3A_453 : vector<16xf32>
        %mul3A_455 = arith.constant 64 : i32
        %mul3A_456 = arith.muli %add3A_360, %mul3A_455 : i32
        %add3A_457 = arith.constant 16 : i32
        %add3A_458 = arith.addi %mul3A_456, %add3A_457 : i32
        %add3A_459 = vector.broadcast %add3A_458 : i32 to vector<16xi32>
        %add3A_460 = arith.addi %add3A_459, %iota3A : vector<16xi32>
        %lt3A_461 = arith.constant 10000 : i32
        %lt3A_462 = vector.broadcast %lt3A_461 : i32 to vector<16xi32>
        %lt3A_463 = arith.cmpi slt, %add3A_460, %lt3A_462 : vector<16xi32>
        %jit3A_464 = arith.constant 0.000000e+00 : f32
        %broadcast_in_dim3A_465 = vector.broadcast %jit3A_464 : f32 to vector<16xf32>
        %select_n3A_466 = arith.select %lt3A_463, %exp3A_454, %broadcast_in_dim3A_465 : vector<16xi1>, vector<16xf32>
        %and3A_467 = arith.constant 1 : i32
        %and3A_468 = vector.broadcast %and3A_467 : i32 to vector<16xi32>
        %and3A_469 = arith.andi %get3A_440, %and3A_468 : vector<16xi32>
        %eq3A_470 = arith.constant 1 : i32
        %eq3A_471 = vector.broadcast %eq3A_470 : i32 to vector<16xi32>
        %eq3A_472 = arith.cmpi eq, %and3A_469, %eq3A_471 : vector<16xi32>
        %neg3A_473 = arith.constant 0.000000e+00 : f32
        %neg3A_474 = vector.broadcast %neg3A_473 : f32 to vector<16xf32>
        %neg3A_475 = arith.subf %neg3A_474, %select_n3A_466 : vector<16xf32>
        %select_n3A_476 = arith.select %eq3A_472, %neg3A_475, %select_n3A_466 : vector<16xi1>, vector<16xf32>
        %swap3A_477 = arith.constant 1 : i32
        %swap3A_478 = arith.index_cast %swap3A_477 : i32 to index
        %swap3A_479 = arith.constant 16 : index
        %swap3A_480 = tpu.vector_load %arg12[%swap3A_478, %swap3A_479] {strides = array<i32>} : memref<2x64xf32, #tpu.memory_space<vmem>>, vector<16xf32>,
        tpu.vector_store %arg12[%swap3A_478, %swap3A_479], %select_n3A_476 {strides = array<i32>} : memref<2x64xf32, #tpu.memory_space<vmem>>, vector<16xf32>,
        %shift_right_logical3A_481 = arith.constant 1 : i32
        %shift_right_logical3A_482 = vector.broadcast %shift_right_logical3A_481 : i32 to vector<16xi32>
        %shift_right_logical3A_483 = arith.shrui %get3A_440, %shift_right_logical3A_482 : vector<16xi32>
        %swap3A_484 = arith.constant 1 : i32
        %swap3A_485 = arith.index_cast %swap3A_484 : i32 to index
        %swap3A_486 = arith.constant 16 : index
        %swap3A_487 = tpu.vector_load %arg11[%swap3A_485, %swap3A_486] {strides = array<i32>} : memref<2x64xi32, #tpu.memory_space<vmem>>, vector<16xi32>,
        tpu.vector_store %arg11[%swap3A_485, %swap3A_486], %shift_right_logical3A_483 {strides = array<i32>} : memref<2x64xi32, #tpu.memory_space<vmem>>, vector<16xi32>,
        %get3A_488 = arith.constant 1 : i32
        %get3A_489 = arith.index_cast %get3A_488 : i32 to index
        %get3A_490 = arith.constant 32 : index
        %get3A_491 = tpu.vector_load %arg9[%get3A_489, %get3A_490] {strides = array<i32>} : memref<2x64xi32, #tpu.memory_space<vmem>>, vector<16xi32>,
        %get3A_492 = arith.constant 1 : i32
        %get3A_493 = arith.index_cast %get3A_492 : i32 to index
        %get3A_494 = arith.constant 32 : index
        %get3A_495 = tpu.vector_load %arg10[%get3A_493, %get3A_494] {strides = array<i32>} : memref<2x64xi32, #tpu.memory_space<vmem>>, vector<16xi32>,
        %gather3A_496 = tpu.vector_load_idx %arg13[%get3A_491] : memref<10000xf32, #tpu.memory_space<vmem>>[vector<16xi32>], vector<16xf32>,
        %gather3A_497 = tpu.vector_load_idx %arg14[%get3A_495] : memref<10000xf32, #tpu.memory_space<vmem>>[vector<16xi32>], vector<16xf32>,
        %add3A_498 = arith.addf %gather3A_496, %gather3A_497 : vector<16xf32>
        %lt3A_499 = arith.constant 0.000000e+00 : f32
        %lt3A_500 = vector.broadcast %lt3A_499 : f32 to vector<16xf32>
        %lt3A_501 = arith.cmpf olt, %add3A_498, %lt3A_500 : vector<16xf32>
        %mul3A_502 = arith.constant 2.000000e-01 : f32
        %mul3A_503 = vector.broadcast %mul3A_502 : f32 to vector<16xf32>
        %mul3A_504 = arith.mulf %add3A_498, %mul3A_503 : vector<16xf32>
        %select_n3A_505 = arith.select %lt3A_501, %mul3A_504, %add3A_498 : vector<16xi1>, vector<16xf32>
        %get3A_506 = arith.constant 0 : index
        %get3A_507 = tpu.vector_load %arg15[%get3A_506] {strides = array<i32>} : memref<16xf32, #tpu.memory_space<vmem>>, vector<16xf32>,
        %sub3A_508 = arith.subf %select_n3A_505, %get3A_507 : vector<16xf32>
        %exp3A_509 = math.exp %sub3A_508 : vector<16xf32>
        %mul3A_510 = arith.constant 64 : i32
        %mul3A_511 = arith.muli %add3A_360, %mul3A_510 : i32
        %add3A_512 = arith.constant 32 : i32
        %add3A_513 = arith.addi %mul3A_511, %add3A_512 : i32
        %add3A_514 = vector.broadcast %add3A_513 : i32 to vector<16xi32>
        %add3A_515 = arith.addi %add3A_514, %iota3A : vector<16xi32>
        %lt3A_516 = arith.constant 10000 : i32
        %lt3A_517 = vector.broadcast %lt3A_516 : i32 to vector<16xi32>
        %lt3A_518 = arith.cmpi slt, %add3A_515, %lt3A_517 : vector<16xi32>
        %jit3A_519 = arith.constant 0.000000e+00 : f32
        %broadcast_in_dim3A_520 = vector.broadcast %jit3A_519 : f32 to vector<16xf32>
        %select_n3A_521 = arith.select %lt3A_518, %exp3A_509, %broadcast_in_dim3A_520 : vector<16xi1>, vector<16xf32>
        %and3A_522 = arith.constant 1 : i32
        %and3A_523 = vector.broadcast %and3A_522 : i32 to vector<16xi32>
        %and3A_524 = arith.andi %get3A_495, %and3A_523 : vector<16xi32>
        %eq3A_525 = arith.constant 1 : i32
        %eq3A_526 = vector.broadcast %eq3A_525 : i32 to vector<16xi32>
        %eq3A_527 = arith.cmpi eq, %and3A_524, %eq3A_526 : vector<16xi32>
        %neg3A_528 = arith.constant 0.000000e+00 : f32
        %neg3A_529 = vector.broadcast %neg3A_528 : f32 to vector<16xf32>
        %neg3A_530 = arith.subf %neg3A_529, %select_n3A_521 : vector<16xf32>
        %select_n3A_531 = arith.select %eq3A_527, %neg3A_530, %select_n3A_521 : vector<16xi1>, vector<16xf32>
        %swap3A_532 = arith.constant 1 : i32
        %swap3A_533 = arith.index_cast %swap3A_532 : i32 to index
        %swap3A_534 = arith.constant 32 : index
        %swap3A_535 = tpu.vector_load %arg12[%swap3A_533, %swap3A_534] {strides = array<i32>} : memref<2x64xf32, #tpu.memory_space<vmem>>, vector<16xf32>,
        tpu.vector_store %arg12[%swap3A_533, %swap3A_534], %select_n3A_531 {strides = array<i32>} : memref<2x64xf32, #tpu.memory_space<vmem>>, vector<16xf32>,
        %shift_right_logical3A_536 = arith.constant 1 : i32
        %shift_right_logical3A_537 = vector.broadcast %shift_right_logical3A_536 : i32 to vector<16xi32>
        %shift_right_logical3A_538 = arith.shrui %get3A_495, %shift_right_logical3A_537 : vector<16xi32>
        %swap3A_539 = arith.constant 1 : i32
        %swap3A_540 = arith.index_cast %swap3A_539 : i32 to index
        %swap3A_541 = arith.constant 32 : index
        %swap3A_542 = tpu.vector_load %arg11[%swap3A_540, %swap3A_541] {strides = array<i32>} : memref<2x64xi32, #tpu.memory_space<vmem>>, vector<16xi32>,
        tpu.vector_store %arg11[%swap3A_540, %swap3A_541], %shift_right_logical3A_538 {strides = array<i32>} : memref<2x64xi32, #tpu.memory_space<vmem>>, vector<16xi32>,
        %get3A_543 = arith.constant 1 : i32
        %get3A_544 = arith.index_cast %get3A_543 : i32 to index
        %get3A_545 = arith.constant 48 : index
        %get3A_546 = tpu.vector_load %arg9[%get3A_544, %get3A_545] {strides = array<i32>} : memref<2x64xi32, #tpu.memory_space<vmem>>, vector<16xi32>,
        %get3A_547 = arith.constant 1 : i32
        %get3A_548 = arith.index_cast %get3A_547 : i32 to index
        %get3A_549 = arith.constant 48 : index
        %get3A_550 = tpu.vector_load %arg10[%get3A_548, %get3A_549] {strides = array<i32>} : memref<2x64xi32, #tpu.memory_space<vmem>>, vector<16xi32>,
        %gather3A_551 = tpu.vector_load_idx %arg13[%get3A_546] : memref<10000xf32, #tpu.memory_space<vmem>>[vector<16xi32>], vector<16xf32>,
        %gather3A_552 = tpu.vector_load_idx %arg14[%get3A_550] : memref<10000xf32, #tpu.memory_space<vmem>>[vector<16xi32>], vector<16xf32>,
        %add3A_553 = arith.addf %gather3A_551, %gather3A_552 : vector<16xf32>
        %lt3A_554 = arith.constant 0.000000e+00 : f32
        %lt3A_555 = vector.broadcast %lt3A_554 : f32 to vector<16xf32>
        %lt3A_556 = arith.cmpf olt, %add3A_553, %lt3A_555 : vector<16xf32>
        %mul3A_557 = arith.constant 2.000000e-01 : f32
        %mul3A_558 = vector.broadcast %mul3A_557 : f32 to vector<16xf32>
        %mul3A_559 = arith.mulf %add3A_553, %mul3A_558 : vector<16xf32>
        %select_n3A_560 = arith.select %lt3A_556, %mul3A_559, %add3A_553 : vector<16xi1>, vector<16xf32>
        %get3A_561 = arith.constant 0 : index
        %get3A_562 = tpu.vector_load %arg15[%get3A_561] {strides = array<i32>} : memref<16xf32, #tpu.memory_space<vmem>>, vector<16xf32>,
        %sub3A_563 = arith.subf %select_n3A_560, %get3A_562 : vector<16xf32>
        %exp3A_564 = math.exp %sub3A_563 : vector<16xf32>
        %mul3A_565 = arith.constant 64 : i32
        %mul3A_566 = arith.muli %add3A_360, %mul3A_565 : i32
        %add3A_567 = arith.constant 48 : i32
        %add3A_568 = arith.addi %mul3A_566, %add3A_567 : i32
        %add3A_569 = vector.broadcast %add3A_568 : i32 to vector<16xi32>
        %add3A_570 = arith.addi %add3A_569, %iota3A : vector<16xi32>
        %lt3A_571 = arith.constant 10000 : i32
        %lt3A_572 = vector.broadcast %lt3A_571 : i32 to vector<16xi32>
        %lt3A_573 = arith.cmpi slt, %add3A_570, %lt3A_572 : vector<16xi32>
        %jit3A_574 = arith.constant 0.000000e+00 : f32
        %broadcast_in_dim3A_575 = vector.broadcast %jit3A_574 : f32 to vector<16xf32>
        %select_n3A_576 = arith.select %lt3A_573, %exp3A_564, %broadcast_in_dim3A_575 : vector<16xi1>, vector<16xf32>
        %and3A_577 = arith.constant 1 : i32
        %and3A_578 = vector.broadcast %and3A_577 : i32 to vector<16xi32>
        %and3A_579 = arith.andi %get3A_550, %and3A_578 : vector<16xi32>
        %eq3A_580 = arith.constant 1 : i32
        %eq3A_581 = vector.broadcast %eq3A_580 : i32 to vector<16xi32>
        %eq3A_582 = arith.cmpi eq, %and3A_579, %eq3A_581 : vector<16xi32>
        %neg3A_583 = arith.constant 0.000000e+00 : f32
        %neg3A_584 = vector.broadcast %neg3A_583 : f32 to vector<16xf32>
        %neg3A_585 = arith.subf %neg3A_584, %select_n3A_576 : vector<16xf32>
        %select_n3A_586 = arith.select %eq3A_582, %neg3A_585, %select_n3A_576 : vector<16xi1>, vector<16xf32>
        %swap3A_587 = arith.constant 1 : i32
        %swap3A_588 = arith.index_cast %swap3A_587 : i32 to index
        %swap3A_589 = arith.constant 48 : index
        %swap3A_590 = tpu.vector_load %arg12[%swap3A_588, %swap3A_589] {strides = array<i32>} : memref<2x64xf32, #tpu.memory_space<vmem>>, vector<16xf32>,
        tpu.vector_store %arg12[%swap3A_588, %swap3A_589], %select_n3A_586 {strides = array<i32>} : memref<2x64xf32, #tpu.memory_space<vmem>>, vector<16xf32>,
        %shift_right_logical3A_591 = arith.constant 1 : i32
        %shift_right_logical3A_592 = vector.broadcast %shift_right_logical3A_591 : i32 to vector<16xi32>
        %shift_right_logical3A_593 = arith.shrui %get3A_550, %shift_right_logical3A_592 : vector<16xi32>
        %swap3A_594 = arith.constant 1 : i32
        %swap3A_595 = arith.index_cast %swap3A_594 : i32 to index
        %swap3A_596 = arith.constant 48 : index
        %swap3A_597 = tpu.vector_load %arg11[%swap3A_595, %swap3A_596] {strides = array<i32>} : memref<2x64xi32, #tpu.memory_space<vmem>>, vector<16xi32>,
        tpu.vector_store %arg11[%swap3A_595, %swap3A_596], %shift_right_logical3A_593 {strides = array<i32>} : memref<2x64xi32, #tpu.memory_space<vmem>>, vector<16xi32>,
        %add3A_598 = arith.constant 2 : i32
        %add3A_599 = arith.addi %add3A_360, %add3A_598 : i32
        %lt3A_600 = arith.constant 158 : i32
        %lt3A_601 = arith.cmpi slt, %add3A_599, %lt3A_600 : i32
        %convert_element_type3A_602 = arith.extui %lt3A_601 : i1 to i32
        %cond3A_603 = arith.constant 0 : i32
        %cond3A_604 = arith.cmpi ne, %convert_element_type3A_602, %cond3A_603 : i32
        scf.if %cond3A_604 {
          %add3A_620 = arith.constant 2 : i32
          %add3A_621 = arith.addi %add3A_360, %add3A_620 : i32
          %dma_start3A_622 = arith.constant 1 : i32
          %dma_start3A_623 = arith.constant 0 : i32
          %dma_start3A_624 = tpu.memref_slice %arg9[%dma_start3A_622, %dma_start3A_623] : memref<2x64xi32, #tpu.memory_space<vmem>> -> memref<1x64xi32, #tpu.memory_space<vmem>>
          %dma_start3A_625 = tpu.memref_squeeze %dma_start3A_624 : memref<1x64xi32, #tpu.memory_space<vmem>> -> memref<64xi32, #tpu.memory_space<vmem>>
          %dma_start3A_626 = arith.constant 0 : i32
          %dma_start3A_627 = tpu.memref_slice %arg6[%add3A, %add3A_621, %dma_start3A_626] : memref<32x158x64xi32, #tpu.memory_space<hbm>> -> memref<1x1x64xi32, #tpu.memory_space<hbm>>
          %dma_start3A_628 = tpu.memref_squeeze %dma_start3A_627 : memref<1x1x64xi32, #tpu.memory_space<hbm>> -> memref<64xi32, #tpu.memory_space<hbm>>
          %dma_start3A_629 = arith.constant 0 : i32
          %dma_start3A_630 = tpu.memref_slice %arg9[%dma_start3A_622, %dma_start3A_629] : memref<2x64xi32, #tpu.memory_space<vmem>> -> memref<1x64xi32, #tpu.memory_space<vmem>>
          %dma_start3A_631 = tpu.memref_squeeze %dma_start3A_630 : memref<1x64xi32, #tpu.memory_space<vmem>> -> memref<64xi32, #tpu.memory_space<vmem>>
          %dma_start3A_632 = arith.constant 0 : i32
          %dma_start3A_633 = tpu.memref_slice %arg6[%add3A, %add3A_621, %dma_start3A_632] : memref<32x158x64xi32, #tpu.memory_space<hbm>> -> memref<1x1x64xi32, #tpu.memory_space<hbm>>
          %dma_start3A_634 = tpu.memref_squeeze %dma_start3A_633 : memref<1x1x64xi32, #tpu.memory_space<hbm>> -> memref<64xi32, #tpu.memory_space<hbm>>
          tpu.enqueue_dma source(%dma_start3A_634 : memref<64xi32, #tpu.memory_space<hbm>>) target(%dma_start3A_631 : memref<64xi32, #tpu.memory_space<vmem>>) target_semaphore(%arg25 : memref<!tpu.dma_semaphore, #tpu.memory_space<semaphore_mem>>)
          %dma_start3A_635 = arith.constant 1 : i32
          %dma_start3A_636 = arith.constant 0 : i32
          %dma_start3A_637 = tpu.memref_slice %arg10[%dma_start3A_635, %dma_start3A_636] : memref<2x64xi32, #tpu.memory_space<vmem>> -> memref<1x64xi32, #tpu.memory_space<vmem>>
          %dma_start3A_638 = tpu.memref_squeeze %dma_start3A_637 : memref<1x64xi32, #tpu.memory_space<vmem>> -> memref<64xi32, #tpu.memory_space<vmem>>
          %dma_start3A_639 = arith.constant 0 : i32
          %dma_start3A_640 = tpu.memref_slice %arg7[%add3A, %add3A_621, %dma_start3A_639] : memref<32x158x64xi32, #tpu.memory_space<hbm>> -> memref<1x1x64xi32, #tpu.memory_space<hbm>>
          %dma_start3A_641 = tpu.memref_squeeze %dma_start3A_640 : memref<1x1x64xi32, #tpu.memory_space<hbm>> -> memref<64xi32, #tpu.memory_space<hbm>>
          %dma_start3A_642 = arith.constant 0 : i32
          %dma_start3A_643 = tpu.memref_slice %arg10[%dma_start3A_635, %dma_start3A_642] : memref<2x64xi32, #tpu.memory_space<vmem>> -> memref<1x64xi32, #tpu.memory_space<vmem>>
          %dma_start3A_644 = tpu.memref_squeeze %dma_start3A_643 : memref<1x64xi32, #tpu.memory_space<vmem>> -> memref<64xi32, #tpu.memory_space<vmem>>
          %dma_start3A_645 = arith.constant 0 : i32
          %dma_start3A_646 = tpu.memref_slice %arg7[%add3A, %add3A_621, %dma_start3A_645] : memref<32x158x64xi32, #tpu.memory_space<hbm>> -> memref<1x1x64xi32, #tpu.memory_space<hbm>>
          %dma_start3A_647 = tpu.memref_squeeze %dma_start3A_646 : memref<1x1x64xi32, #tpu.memory_space<hbm>> -> memref<64xi32, #tpu.memory_space<hbm>>
          tpu.enqueue_dma source(%dma_start3A_647 : memref<64xi32, #tpu.memory_space<hbm>>) target(%dma_start3A_644 : memref<64xi32, #tpu.memory_space<vmem>>) target_semaphore(%arg25 : memref<!tpu.dma_semaphore, #tpu.memory_space<semaphore_mem>>)
        } else {
        }
        %broadcast_in_dim3A_605 = arith.constant 1 : i32
        %broadcast_in_dim3A_606 = vector.broadcast %broadcast_in_dim3A_605 : i32 to vector<16xi32>
        %scan3A_607 = arith.constant 0 : i32
        %scan3A_608 = arith.constant 0 : i32
        %scan3A_609 = arith.constant 64 : i32
        %scan3A_610 = arith.addi %scan3A_608, %scan3A_609 : i32
        %scan3A_611 = arith.constant 1 : i32
        scf.for %scan3A_620 = %scan3A_608 to %scan3A_610 step %scan3A_611  : i32 {
          %broadcast_in_dim3A_621 = vector.broadcast %scan3A_620 : i32 to vector<16xi32>
          %gather3A_622 = tpu.vector_load_idx %arg12[%broadcast_in_dim3A_606, %broadcast_in_dim3A_621] : memref<2x64xf32, #tpu.memory_space<vmem>>[vector<16xi32>, vector<16xi32>], vector<16xf32>,
          %lt3A_623 = arith.constant 0.000000e+00 : f32
          %lt3A_624 = vector.broadcast %lt3A_623 : f32 to vector<16xf32>
          %lt3A_625 = arith.cmpf olt, %gather3A_622, %lt3A_624 : vector<16xf32>
          %abs3A = math.absf %gather3A_622 : vector<16xf32>
          %mul3A_626 = arith.constant 64 : i32
          %mul3A_627 = arith.muli %mul3A_626, %min3A_26 : i32
          %add3A_628 = arith.constant 0 : i32
          %add3A_629 = arith.addi %mul3A_627, %add3A_628 : i32
          %get3A_630 = arith.index_cast %scan3A_620 : i32 to index
          %get3A_631 = arith.index_cast %add3A_629 : i32 to index
          %get3A_632 = tpu.vector_load %arg17[%get3A_630, %get3A_631] {strides = array<i32>} : memref<64x128xf32, #tpu.memory_space<vmem>>, vector<16xf32>,
          %mul3A_633 = arith.mulf %get3A_632, %abs3A : vector<16xf32>
          %eq3A_634 = arith.constant 0 : i32
          %eq3A_635 = vector.broadcast %eq3A_634 : i32 to vector<16xi32>
          %eq3A_636 = arith.cmpi eq, %iota3A, %eq3A_635 : vector<16xi32>
          %jit3A_637 = arith.constant 0.000000e+00 : f32
          %broadcast_in_dim3A_638 = vector.broadcast %jit3A_637 : f32 to vector<16xf32>
          %select_n3A_639 = arith.select %eq3A_636, %abs3A, %broadcast_in_dim3A_638 : vector<16xi1>, vector<16xf32>
          %select_n3A_640 = arith.select %ge3A_29, %select_n3A_639, %mul3A_633 : vector<16xi1>, vector<16xf32>
          %not3A = arith.constant dense<true> : vector<16xi1>
          %not3A_641 = arith.xori %lt3A_625, %not3A : vector<16xi1>
          %jit3A_642 = arith.constant 0.000000e+00 : f32
          %broadcast_in_dim3A_643 = vector.broadcast %jit3A_642 : f32 to vector<16xf32>
          %select_n3A_644 = arith.select %not3A_641, %select_n3A_640, %broadcast_in_dim3A_643 : vector<16xi1>, vector<16xf32>
          %swap3A_645 = arith.index_cast %scan3A_620 : i32 to index
          %swap3A_646 = arith.constant 0 : index
          %swap3A_647 = tpu.vector_load %arg19[%swap3A_645, %swap3A_646] {strides = array<i32>} : memref<64x128xf32, #tpu.memory_space<vmem>>, vector<16xf32>,
          tpu.vector_store %arg19[%swap3A_645, %swap3A_646], %select_n3A_644 {strides = array<i32>} : memref<64x128xf32, #tpu.memory_space<vmem>>, vector<16xf32>,
          %mul3A_648 = arith.constant 64 : i32
          %mul3A_649 = arith.muli %mul3A_648, %min3A_26 : i32
          %add3A_650 = arith.constant 16 : i32
          %add3A_651 = arith.addi %mul3A_649, %add3A_650 : i32
          %get3A_652 = arith.index_cast %scan3A_620 : i32 to index
          %get3A_653 = arith.index_cast %add3A_651 : i32 to index
          %get3A_654 = tpu.vector_load %arg17[%get3A_652, %get3A_653] {strides = array<i32>} : memref<64x128xf32, #tpu.memory_space<vmem>>, vector<16xf32>,
          %mul3A_655 = arith.mulf %get3A_654, %abs3A : vector<16xf32>
          %broadcast_in_dim3A_656 = arith.constant 0.000000e+00 : f32
          %broadcast_in_dim3A_657 = vector.broadcast %broadcast_in_dim3A_656 : f32 to vector<16xf32>
          %select_n3A_658 = arith.select %ge3A_29, %broadcast_in_dim3A_657, %mul3A_655 : vector<16xi1>, vector<16xf32>
          %not3A_659 = arith.constant dense<true> : vector<16xi1>
          %not3A_660 = arith.xori %lt3A_625, %not3A_659 : vector<16xi1>
          %jit3A_661 = arith.constant 0.000000e+00 : f32
          %broadcast_in_dim3A_662 = vector.broadcast %jit3A_661 : f32 to vector<16xf32>
          %select_n3A_663 = arith.select %not3A_660, %select_n3A_658, %broadcast_in_dim3A_662 : vector<16xi1>, vector<16xf32>
          %swap3A_664 = arith.index_cast %scan3A_620 : i32 to index
          %swap3A_665 = arith.constant 16 : index
          %swap3A_666 = tpu.vector_load %arg19[%swap3A_664, %swap3A_665] {strides = array<i32>} : memref<64x128xf32, #tpu.memory_space<vmem>>, vector<16xf32>,
          tpu.vector_store %arg19[%swap3A_664, %swap3A_665], %select_n3A_663 {strides = array<i32>} : memref<64x128xf32, #tpu.memory_space<vmem>>, vector<16xf32>,
          %mul3A_667 = arith.constant 64 : i32
          %mul3A_668 = arith.muli %mul3A_667, %min3A_26 : i32
          %add3A_669 = arith.constant 32 : i32
          %add3A_670 = arith.addi %mul3A_668, %add3A_669 : i32
          %get3A_671 = arith.index_cast %scan3A_620 : i32 to index
          %get3A_672 = arith.index_cast %add3A_670 : i32 to index
          %get3A_673 = tpu.vector_load %arg17[%get3A_671, %get3A_672] {strides = array<i32>} : memref<64x128xf32, #tpu.memory_space<vmem>>, vector<16xf32>,
          %mul3A_674 = arith.mulf %get3A_673, %abs3A : vector<16xf32>
          %broadcast_in_dim3A_675 = arith.constant 0.000000e+00 : f32
          %broadcast_in_dim3A_676 = vector.broadcast %broadcast_in_dim3A_675 : f32 to vector<16xf32>
          %select_n3A_677 = arith.select %ge3A_29, %broadcast_in_dim3A_676, %mul3A_674 : vector<16xi1>, vector<16xf32>
          %not3A_678 = arith.constant dense<true> : vector<16xi1>
          %not3A_679 = arith.xori %lt3A_625, %not3A_678 : vector<16xi1>
          %jit3A_680 = arith.constant 0.000000e+00 : f32
          %broadcast_in_dim3A_681 = vector.broadcast %jit3A_680 : f32 to vector<16xf32>
          %select_n3A_682 = arith.select %not3A_679, %select_n3A_677, %broadcast_in_dim3A_681 : vector<16xi1>, vector<16xf32>
          %swap3A_683 = arith.index_cast %scan3A_620 : i32 to index
          %swap3A_684 = arith.constant 32 : index
          %swap3A_685 = tpu.vector_load %arg19[%swap3A_683, %swap3A_684] {strides = array<i32>} : memref<64x128xf32, #tpu.memory_space<vmem>>, vector<16xf32>,
          tpu.vector_store %arg19[%swap3A_683, %swap3A_684], %select_n3A_682 {strides = array<i32>} : memref<64x128xf32, #tpu.memory_space<vmem>>, vector<16xf32>,
          %mul3A_686 = arith.constant 64 : i32
          %mul3A_687 = arith.muli %mul3A_686, %min3A_26 : i32
          %add3A_688 = arith.constant 48 : i32
          %add3A_689 = arith.addi %mul3A_687, %add3A_688 : i32
          %get3A_690 = arith.index_cast %scan3A_620 : i32 to index
          %get3A_691 = arith.index_cast %add3A_689 : i32 to index
          %get3A_692 = tpu.vector_load %arg17[%get3A_690, %get3A_691] {strides = array<i32>} : memref<64x128xf32, #tpu.memory_space<vmem>>, vector<16xf32>,
          %mul3A_693 = arith.mulf %get3A_692, %abs3A : vector<16xf32>
          %broadcast_in_dim3A_694 = arith.constant 0.000000e+00 : f32
          %broadcast_in_dim3A_695 = vector.broadcast %broadcast_in_dim3A_694 : f32 to vector<16xf32>
          %select_n3A_696 = arith.select %ge3A_29, %broadcast_in_dim3A_695, %mul3A_693 : vector<16xi1>, vector<16xf32>
          %not3A_697 = arith.constant dense<true> : vector<16xi1>
          %not3A_698 = arith.xori %lt3A_625, %not3A_697 : vector<16xi1>
          %jit3A_699 = arith.constant 0.000000e+00 : f32
          %broadcast_in_dim3A_700 = vector.broadcast %jit3A_699 : f32 to vector<16xf32>
          %select_n3A_701 = arith.select %not3A_698, %select_n3A_696, %broadcast_in_dim3A_700 : vector<16xi1>, vector<16xf32>
          %swap3A_702 = arith.index_cast %scan3A_620 : i32 to index
          %swap3A_703 = arith.constant 48 : index
          %swap3A_704 = tpu.vector_load %arg19[%swap3A_702, %swap3A_703] {strides = array<i32>} : memref<64x128xf32, #tpu.memory_space<vmem>>, vector<16xf32>,
          tpu.vector_store %arg19[%swap3A_702, %swap3A_703], %select_n3A_701 {strides = array<i32>} : memref<64x128xf32, #tpu.memory_space<vmem>>, vector<16xf32>,
          %mul3A_705 = arith.constant 64 : i32
          %mul3A_706 = arith.muli %mul3A_705, %min3A_26 : i32
          %add3A_707 = arith.constant 0 : i32
          %add3A_708 = arith.addi %mul3A_706, %add3A_707 : i32
          %get3A_709 = arith.index_cast %scan3A_620 : i32 to index
          %get3A_710 = arith.index_cast %add3A_708 : i32 to index
          %get3A_711 = tpu.vector_load %arg17[%get3A_709, %get3A_710] {strides = array<i32>} : memref<64x128xf32, #tpu.memory_space<vmem>>, vector<16xf32>,
          %mul3A_712 = arith.mulf %get3A_711, %abs3A : vector<16xf32>
          %eq3A_713 = arith.constant 0 : i32
          %eq3A_714 = vector.broadcast %eq3A_713 : i32 to vector<16xi32>
          %eq3A_715 = arith.cmpi eq, %iota3A, %eq3A_714 : vector<16xi32>
          %jit3A_716 = arith.constant 0.000000e+00 : f32
          %broadcast_in_dim3A_717 = vector.broadcast %jit3A_716 : f32 to vector<16xf32>
          %select_n3A_718 = arith.select %eq3A_715, %abs3A, %broadcast_in_dim3A_717 : vector<16xi1>, vector<16xf32>
          %select_n3A_719 = arith.select %ge3A_29, %select_n3A_718, %mul3A_712 : vector<16xi1>, vector<16xf32>
          %jit3A_720 = arith.constant 0.000000e+00 : f32
          %broadcast_in_dim3A_721 = vector.broadcast %jit3A_720 : f32 to vector<16xf32>
          %select_n3A_722 = arith.select %lt3A_625, %select_n3A_719, %broadcast_in_dim3A_721 : vector<16xi1>, vector<16xf32>
          %swap3A_723 = arith.index_cast %scan3A_620 : i32 to index
          %swap3A_724 = arith.constant 64 : index
          %swap3A_725 = tpu.vector_load %arg19[%swap3A_723, %swap3A_724] {strides = array<i32>} : memref<64x128xf32, #tpu.memory_space<vmem>>, vector<16xf32>,
          tpu.vector_store %arg19[%swap3A_723, %swap3A_724], %select_n3A_722 {strides = array<i32>} : memref<64x128xf32, #tpu.memory_space<vmem>>, vector<16xf32>,
          %mul3A_726 = arith.constant 64 : i32
          %mul3A_727 = arith.muli %mul3A_726, %min3A_26 : i32
          %add3A_728 = arith.constant 16 : i32
          %add3A_729 = arith.addi %mul3A_727, %add3A_728 : i32
          %get3A_730 = arith.index_cast %scan3A_620 : i32 to index
          %get3A_731 = arith.index_cast %add3A_729 : i32 to index
          %get3A_732 = tpu.vector_load %arg17[%get3A_730, %get3A_731] {strides = array<i32>} : memref<64x128xf32, #tpu.memory_space<vmem>>, vector<16xf32>,
          %mul3A_733 = arith.mulf %get3A_732, %abs3A : vector<16xf32>
          %broadcast_in_dim3A_734 = arith.constant 0.000000e+00 : f32
          %broadcast_in_dim3A_735 = vector.broadcast %broadcast_in_dim3A_734 : f32 to vector<16xf32>
          %select_n3A_736 = arith.select %ge3A_29, %broadcast_in_dim3A_735, %mul3A_733 : vector<16xi1>, vector<16xf32>
          %jit3A_737 = arith.constant 0.000000e+00 : f32
          %broadcast_in_dim3A_738 = vector.broadcast %jit3A_737 : f32 to vector<16xf32>
          %select_n3A_739 = arith.select %lt3A_625, %select_n3A_736, %broadcast_in_dim3A_738 : vector<16xi1>, vector<16xf32>
          %swap3A_740 = arith.index_cast %scan3A_620 : i32 to index
          %swap3A_741 = arith.constant 80 : index
          %swap3A_742 = tpu.vector_load %arg19[%swap3A_740, %swap3A_741] {strides = array<i32>} : memref<64x128xf32, #tpu.memory_space<vmem>>, vector<16xf32>,
          tpu.vector_store %arg19[%swap3A_740, %swap3A_741], %select_n3A_739 {strides = array<i32>} : memref<64x128xf32, #tpu.memory_space<vmem>>, vector<16xf32>,
          %mul3A_743 = arith.constant 64 : i32
          %mul3A_744 = arith.muli %mul3A_743, %min3A_26 : i32
          %add3A_745 = arith.constant 32 : i32
          %add3A_746 = arith.addi %mul3A_744, %add3A_745 : i32
          %get3A_747 = arith.index_cast %scan3A_620 : i32 to index
          %get3A_748 = arith.index_cast %add3A_746 : i32 to index
          %get3A_749 = tpu.vector_load %arg17[%get3A_747, %get3A_748] {strides = array<i32>} : memref<64x128xf32, #tpu.memory_space<vmem>>, vector<16xf32>,
          %mul3A_750 = arith.mulf %get3A_749, %abs3A : vector<16xf32>
          %broadcast_in_dim3A_751 = arith.constant 0.000000e+00 : f32
          %broadcast_in_dim3A_752 = vector.broadcast %broadcast_in_dim3A_751 : f32 to vector<16xf32>
          %select_n3A_753 = arith.select %ge3A_29, %broadcast_in_dim3A_752, %mul3A_750 : vector<16xi1>, vector<16xf32>
          %jit3A_754 = arith.constant 0.000000e+00 : f32
          %broadcast_in_dim3A_755 = vector.broadcast %jit3A_754 : f32 to vector<16xf32>
          %select_n3A_756 = arith.select %lt3A_625, %select_n3A_753, %broadcast_in_dim3A_755 : vector<16xi1>, vector<16xf32>
          %swap3A_757 = arith.index_cast %scan3A_620 : i32 to index
          %swap3A_758 = arith.constant 96 : index
          %swap3A_759 = tpu.vector_load %arg19[%swap3A_757, %swap3A_758] {strides = array<i32>} : memref<64x128xf32, #tpu.memory_space<vmem>>, vector<16xf32>,
          tpu.vector_store %arg19[%swap3A_757, %swap3A_758], %select_n3A_756 {strides = array<i32>} : memref<64x128xf32, #tpu.memory_space<vmem>>, vector<16xf32>,
          %mul3A_760 = arith.constant 64 : i32
          %mul3A_761 = arith.muli %mul3A_760, %min3A_26 : i32
          %add3A_762 = arith.constant 48 : i32
          %add3A_763 = arith.addi %mul3A_761, %add3A_762 : i32
          %get3A_764 = arith.index_cast %scan3A_620 : i32 to index
          %get3A_765 = arith.index_cast %add3A_763 : i32 to index
          %get3A_766 = tpu.vector_load %arg17[%get3A_764, %get3A_765] {strides = array<i32>} : memref<64x128xf32, #tpu.memory_space<vmem>>, vector<16xf32>,
          %mul3A_767 = arith.mulf %get3A_766, %abs3A : vector<16xf32>
          %broadcast_in_dim3A_768 = arith.constant 0.000000e+00 : f32
          %broadcast_in_dim3A_769 = vector.broadcast %broadcast_in_dim3A_768 : f32 to vector<16xf32>
          %select_n3A_770 = arith.select %ge3A_29, %broadcast_in_dim3A_769, %mul3A_767 : vector<16xi1>, vector<16xf32>
          %jit3A_771 = arith.constant 0.000000e+00 : f32
          %broadcast_in_dim3A_772 = vector.broadcast %jit3A_771 : f32 to vector<16xf32>
          %select_n3A_773 = arith.select %lt3A_625, %select_n3A_770, %broadcast_in_dim3A_772 : vector<16xi1>, vector<16xf32>
          %swap3A_774 = arith.index_cast %scan3A_620 : i32 to index
          %swap3A_775 = arith.constant 112 : index
          %swap3A_776 = tpu.vector_load %arg19[%swap3A_774, %swap3A_775] {strides = array<i32>} : memref<64x128xf32, #tpu.memory_space<vmem>>, vector<16xf32>,
          tpu.vector_store %arg19[%swap3A_774, %swap3A_775], %select_n3A_773 {strides = array<i32>} : memref<64x128xf32, #tpu.memory_space<vmem>>, vector<16xf32>,
        }
        %scan3A_612 = arith.constant 64 : i32
        %dma_start3A_613 = arith.constant 1 : i32
        %dma_start3A_614 = arith.constant 0 : i32
        %dma_start3A_615 = tpu.memref_slice %arg11[%dma_start3A_613, %dma_start3A_614] : memref<2x64xi32, #tpu.memory_space<vmem>> -> memref<1x64xi32, #tpu.memory_space<vmem>>
        %dma_start3A_616 = tpu.memref_squeeze %dma_start3A_615 : memref<1x64xi32, #tpu.memory_space<vmem>> -> memref<64xi32, #tpu.memory_space<vmem>>
        %dma_start3A_617 = arith.constant 0 : i32
        %dma_start3A_618 = arith.constant 0 : i32
        %dma_start3A_619 = tpu.memref_slice %arg20[%dma_start3A_617, %dma_start3A_618] : memref<5120x128xf32, #tpu.memory_space<vmem_shared>> -> memref<5120x128xf32, #tpu.memory_space<vmem_shared>>
        tpu.enqueue_indirect_dma source(%arg19 : memref<64x128xf32, #tpu.memory_space<vmem>>) target(%dma_start3A_619 : memref<5120x128xf32, #tpu.memory_space<vmem_shared>>) offsets(%dma_start3A_616 : memref<64xi32, #tpu.memory_space<vmem>>) semaphore(%arg24 : memref<!tpu.dma_semaphore, #tpu.memory_space<semaphore_mem>>) {add = true}
      }
      %scan3A_67 = arith.constant 79 : i32
      %dma_wait3A = arith.constant 0 : i32
      %dma_wait3A_68 = arith.constant 0 : i32
      %dma_wait3A_69 = tpu.memref_slice %arg2[%dma_wait3A, %dma_wait3A_68] : memref<10000x128xf32, #tpu.memory_space<hbm>> -> memref<64x128xf32, #tpu.memory_space<hbm>>
      %dma_wait3A_70 = arith.constant 0 : i32
      %dma_wait3A_71 = arith.constant 0 : i32
      %dma_wait3A_72 = tpu.memref_slice %arg2[%dma_wait3A_70, %dma_wait3A_71] : memref<10000x128xf32, #tpu.memory_space<hbm>> -> memref<64x128xf32, #tpu.memory_space<hbm>>
      tpu.wait_dma2 semaphore(%arg23 : memref<!tpu.dma_semaphore, #tpu.memory_space<semaphore_mem>>) src(%dma_wait3A_72 : memref<64x128xf32, #tpu.memory_space<hbm>>) dst(%arg18 : memref<64x128xf32, #tpu.memory_space<vmem>>)
      %dma_wait3A_73 = arith.constant 0 : i32
      %dma_wait3A_74 = arith.constant 0 : i32
      %dma_wait3A_75 = tpu.memref_slice %arg2[%dma_wait3A_73, %dma_wait3A_74] : memref<10000x128xf32, #tpu.memory_space<hbm>> -> memref<64x128xf32, #tpu.memory_space<hbm>>
      %dma_wait3A_76 = arith.constant 0 : i32
      %dma_wait3A_77 = arith.constant 0 : i32
      %dma_wait3A_78 = tpu.memref_slice %arg2[%dma_wait3A_76, %dma_wait3A_77] : memref<10000x128xf32, #tpu.memory_space<hbm>> -> memref<64x128xf32, #tpu.memory_space<hbm>>
      tpu.wait_dma2 semaphore(%arg24 : memref<!tpu.dma_semaphore, #tpu.memory_space<semaphore_mem>>) src(%dma_wait3A_78 : memref<64x128xf32, #tpu.memory_space<hbm>>) dst(%arg19 : memref<64x128xf32, #tpu.memory_space<vmem>>)
      %barrier3A_79 = arith.constant 0 : index
      tpu.barrier barrier_id(%barrier3A_79)
      %add3A_80 = arith.constant 0 : i32
      %add3A_81 = arith.addi %mul3A_3, %add3A_80 : i32
      %add3A_82 = arith.constant 0 : i32
      %add3A_83 = arith.addi %mul3A_3, %add3A_82 : i32
      "tpu.region"() ({
        %run_scoped3A_106 = tpu.sem_alloc : memref<!tpu.dma_semaphore, #tpu.memory_space<semaphore_mem>>
        %dma_start3A_107 = arith.constant 0 : i32
        %dma_start3A_108 = tpu.memref_slice %arg8[%scan3A_25, %arg0, %add3A_83, %dma_start3A_107] : memref<3x2x5120x128xf32, #tpu.memory_space<hbm>> -> memref<1x1x64x128xf32, #tpu.memory_space<hbm>>
        %dma_start3A_109 = tpu.memref_squeeze %dma_start3A_108 : memref<1x1x64x128xf32, #tpu.memory_space<hbm>> -> memref<64x128xf32, #tpu.memory_space<hbm>>
        %dma_start3A_110 = arith.constant 0 : i32
        %dma_start3A_111 = tpu.memref_slice %arg20[%add3A_81, %dma_start3A_110] : memref<5120x128xf32, #tpu.memory_space<vmem_shared>> -> memref<64x128xf32, #tpu.memory_space<vmem_shared>>
        tpu.enqueue_dma source(%dma_start3A_111 : memref<64x128xf32, #tpu.memory_space<vmem_shared>>) target(%dma_start3A_109 : memref<64x128xf32, #tpu.memory_space<hbm>>) target_semaphore(%run_scoped3A_106 : memref<!tpu.dma_semaphore, #tpu.memory_space<semaphore_mem>>)
        %dma_wait3A_112 = arith.constant 0 : i32
        %dma_wait3A_113 = tpu.memref_slice %arg8[%scan3A_25, %arg0, %add3A_83, %dma_wait3A_112] : memref<3x2x5120x128xf32, #tpu.memory_space<hbm>> -> memref<1x1x64x128xf32, #tpu.memory_space<hbm>>
        %dma_wait3A_114 = tpu.memref_squeeze %dma_wait3A_113 : memref<1x1x64x128xf32, #tpu.memory_space<hbm>> -> memref<64x128xf32, #tpu.memory_space<hbm>>
        %dma_wait3A_115 = arith.constant 0 : i32
        %dma_wait3A_116 = tpu.memref_slice %arg20[%add3A_81, %dma_wait3A_115] : memref<5120x128xf32, #tpu.memory_space<vmem_shared>> -> memref<64x128xf32, #tpu.memory_space<vmem_shared>>
        tpu.wait_dma2 semaphore(%run_scoped3A_106 : memref<!tpu.dma_semaphore, #tpu.memory_space<semaphore_mem>>) src(%dma_wait3A_116 : memref<64x128xf32, #tpu.memory_space<vmem_shared>>) dst(%dma_wait3A_114 : memref<64x128xf32, #tpu.memory_space<hbm>>)
        tpu.yield
      }) : () -> ()
      %add3A_84 = arith.constant 64 : i32
      %add3A_85 = arith.addi %mul3A_3, %add3A_84 : i32
      %add3A_86 = arith.constant 64 : i32
      %add3A_87 = arith.addi %mul3A_3, %add3A_86 : i32
      "tpu.region"() ({
        %run_scoped3A_106 = tpu.sem_alloc : memref<!tpu.dma_semaphore, #tpu.memory_space<semaphore_mem>>
        %dma_start3A_107 = arith.constant 0 : i32
        %dma_start3A_108 = tpu.memref_slice %arg8[%scan3A_25, %arg0, %add3A_87, %dma_start3A_107] : memref<3x2x5120x128xf32, #tpu.memory_space<hbm>> -> memref<1x1x64x128xf32, #tpu.memory_space<hbm>>
        %dma_start3A_109 = tpu.memref_squeeze %dma_start3A_108 : memref<1x1x64x128xf32, #tpu.memory_space<hbm>> -> memref<64x128xf32, #tpu.memory_space<hbm>>
        %dma_start3A_110 = arith.constant 0 : i32
        %dma_start3A_111 = tpu.memref_slice %arg20[%add3A_85, %dma_start3A_110] : memref<5120x128xf32, #tpu.memory_space<vmem_shared>> -> memref<64x128xf32, #tpu.memory_space<vmem_shared>>
        tpu.enqueue_dma source(%dma_start3A_111 : memref<64x128xf32, #tpu.memory_space<vmem_shared>>) target(%dma_start3A_109 : memref<64x128xf32, #tpu.memory_space<hbm>>) target_semaphore(%run_scoped3A_106 : memref<!tpu.dma_semaphore, #tpu.memory_space<semaphore_mem>>)
        %dma_wait3A_112 = arith.constant 0 : i32
        %dma_wait3A_113 = tpu.memref_slice %arg8[%scan3A_25, %arg0, %add3A_87, %dma_wait3A_112] : memref<3x2x5120x128xf32, #tpu.memory_space<hbm>> -> memref<1x1x64x128xf32, #tpu.memory_space<hbm>>
        %dma_wait3A_114 = tpu.memref_squeeze %dma_wait3A_113 : memref<1x1x64x128xf32, #tpu.memory_space<hbm>> -> memref<64x128xf32, #tpu.memory_space<hbm>>
        %dma_wait3A_115 = arith.constant 0 : i32
        %dma_wait3A_116 = tpu.memref_slice %arg20[%add3A_85, %dma_wait3A_115] : memref<5120x128xf32, #tpu.memory_space<vmem_shared>> -> memref<64x128xf32, #tpu.memory_space<vmem_shared>>
        tpu.wait_dma2 semaphore(%run_scoped3A_106 : memref<!tpu.dma_semaphore, #tpu.memory_space<semaphore_mem>>) src(%dma_wait3A_116 : memref<64x128xf32, #tpu.memory_space<vmem_shared>>) dst(%dma_wait3A_114 : memref<64x128xf32, #tpu.memory_space<hbm>>)
        tpu.yield
      }) : () -> ()
      %add3A_88 = arith.constant 128 : i32
      %add3A_89 = arith.addi %mul3A_3, %add3A_88 : i32
      %add3A_90 = arith.constant 128 : i32
      %add3A_91 = arith.addi %mul3A_3, %add3A_90 : i32
      "tpu.region"() ({
        %run_scoped3A_106 = tpu.sem_alloc : memref<!tpu.dma_semaphore, #tpu.memory_space<semaphore_mem>>
        %dma_start3A_107 = arith.constant 0 : i32
        %dma_start3A_108 = tpu.memref_slice %arg8[%scan3A_25, %arg0, %add3A_91, %dma_start3A_107] : memref<3x2x5120x128xf32, #tpu.memory_space<hbm>> -> memref<1x1x64x128xf32, #tpu.memory_space<hbm>>
        %dma_start3A_109 = tpu.memref_squeeze %dma_start3A_108 : memref<1x1x64x128xf32, #tpu.memory_space<hbm>> -> memref<64x128xf32, #tpu.memory_space<hbm>>
        %dma_start3A_110 = arith.constant 0 : i32
        %dma_start3A_111 = tpu.memref_slice %arg20[%add3A_89, %dma_start3A_110] : memref<5120x128xf32, #tpu.memory_space<vmem_shared>> -> memref<64x128xf32, #tpu.memory_space<vmem_shared>>
        tpu.enqueue_dma source(%dma_start3A_111 : memref<64x128xf32, #tpu.memory_space<vmem_shared>>) target(%dma_start3A_109 : memref<64x128xf32, #tpu.memory_space<hbm>>) target_semaphore(%run_scoped3A_106 : memref<!tpu.dma_semaphore, #tpu.memory_space<semaphore_mem>>)
        %dma_wait3A_112 = arith.constant 0 : i32
        %dma_wait3A_113 = tpu.memref_slice %arg8[%scan3A_25, %arg0, %add3A_91, %dma_wait3A_112] : memref<3x2x5120x128xf32, #tpu.memory_space<hbm>> -> memref<1x1x64x128xf32, #tpu.memory_space<hbm>>
        %dma_wait3A_114 = tpu.memref_squeeze %dma_wait3A_113 : memref<1x1x64x128xf32, #tpu.memory_space<hbm>> -> memref<64x128xf32, #tpu.memory_space<hbm>>
        %dma_wait3A_115 = arith.constant 0 : i32
        %dma_wait3A_116 = tpu.memref_slice %arg20[%add3A_89, %dma_wait3A_115] : memref<5120x128xf32, #tpu.memory_space<vmem_shared>> -> memref<64x128xf32, #tpu.memory_space<vmem_shared>>
        tpu.wait_dma2 semaphore(%run_scoped3A_106 : memref<!tpu.dma_semaphore, #tpu.memory_space<semaphore_mem>>) src(%dma_wait3A_116 : memref<64x128xf32, #tpu.memory_space<vmem_shared>>) dst(%dma_wait3A_114 : memref<64x128xf32, #tpu.memory_space<hbm>>)
        tpu.yield
      }) : () -> ()
      %add3A_92 = arith.constant 192 : i32
      %add3A_93 = arith.addi %mul3A_3, %add3A_92 : i32
      %add3A_94 = arith.constant 192 : i32
      %add3A_95 = arith.addi %mul3A_3, %add3A_94 : i32
      "tpu.region"() ({
        %run_scoped3A_106 = tpu.sem_alloc : memref<!tpu.dma_semaphore, #tpu.memory_space<semaphore_mem>>
        %dma_start3A_107 = arith.constant 0 : i32
        %dma_start3A_108 = tpu.memref_slice %arg8[%scan3A_25, %arg0, %add3A_95, %dma_start3A_107] : memref<3x2x5120x128xf32, #tpu.memory_space<hbm>> -> memref<1x1x64x128xf32, #tpu.memory_space<hbm>>
        %dma_start3A_109 = tpu.memref_squeeze %dma_start3A_108 : memref<1x1x64x128xf32, #tpu.memory_space<hbm>> -> memref<64x128xf32, #tpu.memory_space<hbm>>
        %dma_start3A_110 = arith.constant 0 : i32
        %dma_start3A_111 = tpu.memref_slice %arg20[%add3A_93, %dma_start3A_110] : memref<5120x128xf32, #tpu.memory_space<vmem_shared>> -> memref<64x128xf32, #tpu.memory_space<vmem_shared>>
        tpu.enqueue_dma source(%dma_start3A_111 : memref<64x128xf32, #tpu.memory_space<vmem_shared>>) target(%dma_start3A_109 : memref<64x128xf32, #tpu.memory_space<hbm>>) target_semaphore(%run_scoped3A_106 : memref<!tpu.dma_semaphore, #tpu.memory_space<semaphore_mem>>)
        %dma_wait3A_112 = arith.constant 0 : i32
        %dma_wait3A_113 = tpu.memref_slice %arg8[%scan3A_25, %arg0, %add3A_95, %dma_wait3A_112] : memref<3x2x5120x128xf32, #tpu.memory_space<hbm>> -> memref<1x1x64x128xf32, #tpu.memory_space<hbm>>
        %dma_wait3A_114 = tpu.memref_squeeze %dma_wait3A_113 : memref<1x1x64x128xf32, #tpu.memory_space<hbm>> -> memref<64x128xf32, #tpu.memory_space<hbm>>
        %dma_wait3A_115 = arith.constant 0 : i32
        %dma_wait3A_116 = tpu.memref_slice %arg20[%add3A_93, %dma_wait3A_115] : memref<5120x128xf32, #tpu.memory_space<vmem_shared>> -> memref<64x128xf32, #tpu.memory_space<vmem_shared>>
        tpu.wait_dma2 semaphore(%run_scoped3A_106 : memref<!tpu.dma_semaphore, #tpu.memory_space<semaphore_mem>>) src(%dma_wait3A_116 : memref<64x128xf32, #tpu.memory_space<vmem_shared>>) dst(%dma_wait3A_114 : memref<64x128xf32, #tpu.memory_space<hbm>>)
        tpu.yield
      }) : () -> ()
      %add3A_96 = arith.constant 256 : i32
      %add3A_97 = arith.addi %mul3A_3, %add3A_96 : i32
      %add3A_98 = arith.constant 256 : i32
      %add3A_99 = arith.addi %mul3A_3, %add3A_98 : i32
      "tpu.region"() ({
        %run_scoped3A_106 = tpu.sem_alloc : memref<!tpu.dma_semaphore, #tpu.memory_space<semaphore_mem>>
        %dma_start3A_107 = arith.constant 0 : i32
        %dma_start3A_108 = tpu.memref_slice %arg8[%scan3A_25, %arg0, %add3A_99, %dma_start3A_107] : memref<3x2x5120x128xf32, #tpu.memory_space<hbm>> -> memref<1x1x64x128xf32, #tpu.memory_space<hbm>>
        %dma_start3A_109 = tpu.memref_squeeze %dma_start3A_108 : memref<1x1x64x128xf32, #tpu.memory_space<hbm>> -> memref<64x128xf32, #tpu.memory_space<hbm>>
        %dma_start3A_110 = arith.constant 0 : i32
        %dma_start3A_111 = tpu.memref_slice %arg20[%add3A_97, %dma_start3A_110] : memref<5120x128xf32, #tpu.memory_space<vmem_shared>> -> memref<64x128xf32, #tpu.memory_space<vmem_shared>>
        tpu.enqueue_dma source(%dma_start3A_111 : memref<64x128xf32, #tpu.memory_space<vmem_shared>>) target(%dma_start3A_109 : memref<64x128xf32, #tpu.memory_space<hbm>>) target_semaphore(%run_scoped3A_106 : memref<!tpu.dma_semaphore, #tpu.memory_space<semaphore_mem>>)
        %dma_wait3A_112 = arith.constant 0 : i32
        %dma_wait3A_113 = tpu.memref_slice %arg8[%scan3A_25, %arg0, %add3A_99, %dma_wait3A_112] : memref<3x2x5120x128xf32, #tpu.memory_space<hbm>> -> memref<1x1x64x128xf32, #tpu.memory_space<hbm>>
        %dma_wait3A_114 = tpu.memref_squeeze %dma_wait3A_113 : memref<1x1x64x128xf32, #tpu.memory_space<hbm>> -> memref<64x128xf32, #tpu.memory_space<hbm>>
        %dma_wait3A_115 = arith.constant 0 : i32
        %dma_wait3A_116 = tpu.memref_slice %arg20[%add3A_97, %dma_wait3A_115] : memref<5120x128xf32, #tpu.memory_space<vmem_shared>> -> memref<64x128xf32, #tpu.memory_space<vmem_shared>>
        tpu.wait_dma2 semaphore(%run_scoped3A_106 : memref<!tpu.dma_semaphore, #tpu.memory_space<semaphore_mem>>) src(%dma_wait3A_116 : memref<64x128xf32, #tpu.memory_space<vmem_shared>>) dst(%dma_wait3A_114 : memref<64x128xf32, #tpu.memory_space<hbm>>)
        tpu.yield
      }) : () -> ()
      %lt3A_100 = arith.constant 2 : i32
      %lt3A_101 = arith.cmpi slt, %scan3A_25, %lt3A_100 : i32
      %convert_element_type3A_102 = arith.extui %lt3A_101 : i1 to i32
      %cond3A_103 = arith.constant 0 : i32
      %cond3A_104 = arith.cmpi ne, %convert_element_type3A_102, %cond3A_103 : i32
      scf.if %cond3A_104 {
        %scan3A_106 = arith.constant 0 : i32
        %scan3A_107 = arith.constant 0 : i32
        %scan3A_108 = arith.constant 64 : i32
        %scan3A_109 = arith.addi %scan3A_107, %scan3A_108 : i32
        %scan3A_110 = arith.constant 1 : i32
        scf.for %scan3A_122 = %scan3A_107 to %scan3A_109 step %scan3A_110  : i32 {
          %swap3A = arith.index_cast %scan3A_122 : i32 to index
          %swap3A_123 = arith.constant 0 : index
          %swap3A_124 = tpu.vector_load %arg18[%swap3A, %swap3A_123] {strides = array<i32>} : memref<64x128xf32, #tpu.memory_space<vmem>>, vector<16xf32>,
          tpu.vector_store %arg18[%swap3A, %swap3A_123], %broadcast_in_dim3A_1 {strides = array<i32>} : memref<64x128xf32, #tpu.memory_space<vmem>>, vector<16xf32>,
          %swap3A_125 = arith.index_cast %scan3A_122 : i32 to index
          %swap3A_126 = arith.constant 16 : index
          %swap3A_127 = tpu.vector_load %arg18[%swap3A_125, %swap3A_126] {strides = array<i32>} : memref<64x128xf32, #tpu.memory_space<vmem>>, vector<16xf32>,
          tpu.vector_store %arg18[%swap3A_125, %swap3A_126], %broadcast_in_dim3A_1 {strides = array<i32>} : memref<64x128xf32, #tpu.memory_space<vmem>>, vector<16xf32>,
          %swap3A_128 = arith.index_cast %scan3A_122 : i32 to index
          %swap3A_129 = arith.constant 32 : index
          %swap3A_130 = tpu.vector_load %arg18[%swap3A_128, %swap3A_129] {strides = array<i32>} : memref<64x128xf32, #tpu.memory_space<vmem>>, vector<16xf32>,
          tpu.vector_store %arg18[%swap3A_128, %swap3A_129], %broadcast_in_dim3A_1 {strides = array<i32>} : memref<64x128xf32, #tpu.memory_space<vmem>>, vector<16xf32>,
          %swap3A_131 = arith.index_cast %scan3A_122 : i32 to index
          %swap3A_132 = arith.constant 48 : index
          %swap3A_133 = tpu.vector_load %arg18[%swap3A_131, %swap3A_132] {strides = array<i32>} : memref<64x128xf32, #tpu.memory_space<vmem>>, vector<16xf32>,
          tpu.vector_store %arg18[%swap3A_131, %swap3A_132], %broadcast_in_dim3A_1 {strides = array<i32>} : memref<64x128xf32, #tpu.memory_space<vmem>>, vector<16xf32>,
          %swap3A_134 = arith.index_cast %scan3A_122 : i32 to index
          %swap3A_135 = arith.constant 64 : index
          %swap3A_136 = tpu.vector_load %arg18[%swap3A_134, %swap3A_135] {strides = array<i32>} : memref<64x128xf32, #tpu.memory_space<vmem>>, vector<16xf32>,
          tpu.vector_store %arg18[%swap3A_134, %swap3A_135], %broadcast_in_dim3A_1 {strides = array<i32>} : memref<64x128xf32, #tpu.memory_space<vmem>>, vector<16xf32>,
          %swap3A_137 = arith.index_cast %scan3A_122 : i32 to index
          %swap3A_138 = arith.constant 80 : index
          %swap3A_139 = tpu.vector_load %arg18[%swap3A_137, %swap3A_138] {strides = array<i32>} : memref<64x128xf32, #tpu.memory_space<vmem>>, vector<16xf32>,
          tpu.vector_store %arg18[%swap3A_137, %swap3A_138], %broadcast_in_dim3A_1 {strides = array<i32>} : memref<64x128xf32, #tpu.memory_space<vmem>>, vector<16xf32>,
          %swap3A_140 = arith.index_cast %scan3A_122 : i32 to index
          %swap3A_141 = arith.constant 96 : index
          %swap3A_142 = tpu.vector_load %arg18[%swap3A_140, %swap3A_141] {strides = array<i32>} : memref<64x128xf32, #tpu.memory_space<vmem>>, vector<16xf32>,
          tpu.vector_store %arg18[%swap3A_140, %swap3A_141], %broadcast_in_dim3A_1 {strides = array<i32>} : memref<64x128xf32, #tpu.memory_space<vmem>>, vector<16xf32>,
          %swap3A_143 = arith.index_cast %scan3A_122 : i32 to index
          %swap3A_144 = arith.constant 112 : index
          %swap3A_145 = tpu.vector_load %arg18[%swap3A_143, %swap3A_144] {strides = array<i32>} : memref<64x128xf32, #tpu.memory_space<vmem>>, vector<16xf32>,
          tpu.vector_store %arg18[%swap3A_143, %swap3A_144], %broadcast_in_dim3A_1 {strides = array<i32>} : memref<64x128xf32, #tpu.memory_space<vmem>>, vector<16xf32>,
        }
        %scan3A_111 = arith.constant 64 : i32
        %add3A_112 = arith.constant 0 : i32
        %add3A_113 = arith.addi %mul3A_3, %add3A_112 : i32
        "tpu.region"() ({
          %run_scoped3A_122 = tpu.sem_alloc : memref<!tpu.dma_semaphore, #tpu.memory_space<semaphore_mem>>
          %dma_start3A_123 = arith.constant 0 : i32
          %dma_start3A_124 = arith.constant 0 : i32
          %dma_start3A_125 = tpu.memref_slice %arg18[%dma_start3A_123, %dma_start3A_124] : memref<64x128xf32, #tpu.memory_space<vmem>> -> memref<64x128xf32, #tpu.memory_space<vmem>>
          %dma_start3A_126 = arith.constant 0 : i32
          %dma_start3A_127 = tpu.memref_slice %arg20[%add3A_113, %dma_start3A_126] : memref<5120x128xf32, #tpu.memory_space<vmem_shared>> -> memref<64x128xf32, #tpu.memory_space<vmem_shared>>
          %dma_start3A_128 = arith.constant 0 : i32
          %dma_start3A_129 = tpu.memref_slice %arg20[%add3A_113, %dma_start3A_128] : memref<5120x128xf32, #tpu.memory_space<vmem_shared>> -> memref<64x128xf32, #tpu.memory_space<vmem_shared>>
          %dma_start3A_130 = arith.constant 0 : i32
          %dma_start3A_131 = arith.constant 0 : i32
          %dma_start3A_132 = tpu.memref_slice %arg18[%dma_start3A_130, %dma_start3A_131] : memref<64x128xf32, #tpu.memory_space<vmem>> -> memref<64x128xf32, #tpu.memory_space<vmem>>
          tpu.enqueue_dma source(%dma_start3A_132 : memref<64x128xf32, #tpu.memory_space<vmem>>) target(%dma_start3A_129 : memref<64x128xf32, #tpu.memory_space<vmem_shared>>) target_semaphore(%run_scoped3A_122 : memref<!tpu.dma_semaphore, #tpu.memory_space<semaphore_mem>>)
          %dma_wait3A_133 = arith.constant 0 : i32
          %dma_wait3A_134 = arith.constant 0 : i32
          %dma_wait3A_135 = tpu.memref_slice %arg18[%dma_wait3A_133, %dma_wait3A_134] : memref<64x128xf32, #tpu.memory_space<vmem>> -> memref<64x128xf32, #tpu.memory_space<vmem>>
          %dma_wait3A_136 = arith.constant 0 : i32
          %dma_wait3A_137 = tpu.memref_slice %arg20[%add3A_113, %dma_wait3A_136] : memref<5120x128xf32, #tpu.memory_space<vmem_shared>> -> memref<64x128xf32, #tpu.memory_space<vmem_shared>>
          %dma_wait3A_138 = arith.constant 0 : i32
          %dma_wait3A_139 = tpu.memref_slice %arg20[%add3A_113, %dma_wait3A_138] : memref<5120x128xf32, #tpu.memory_space<vmem_shared>> -> memref<64x128xf32, #tpu.memory_space<vmem_shared>>
          %dma_wait3A_140 = arith.constant 0 : i32
          %dma_wait3A_141 = arith.constant 0 : i32
          %dma_wait3A_142 = tpu.memref_slice %arg18[%dma_wait3A_140, %dma_wait3A_141] : memref<64x128xf32, #tpu.memory_space<vmem>> -> memref<64x128xf32, #tpu.memory_space<vmem>>
          tpu.wait_dma2 semaphore(%run_scoped3A_122 : memref<!tpu.dma_semaphore, #tpu.memory_space<semaphore_mem>>) src(%dma_wait3A_142 : memref<64x128xf32, #tpu.memory_space<vmem>>) dst(%dma_wait3A_139 : memref<64x128xf32, #tpu.memory_space<vmem_shared>>)
          tpu.yield
        }) : () -> ()
        %add3A_114 = arith.constant 64 : i32
        %add3A_115 = arith.addi %mul3A_3, %add3A_114 : i32
        "tpu.region"() ({
          %run_scoped3A_122 = tpu.sem_alloc : memref<!tpu.dma_semaphore, #tpu.memory_space<semaphore_mem>>
          %dma_start3A_123 = arith.constant 0 : i32
          %dma_start3A_124 = arith.constant 0 : i32
          %dma_start3A_125 = tpu.memref_slice %arg18[%dma_start3A_123, %dma_start3A_124] : memref<64x128xf32, #tpu.memory_space<vmem>> -> memref<64x128xf32, #tpu.memory_space<vmem>>
          %dma_start3A_126 = arith.constant 0 : i32
          %dma_start3A_127 = tpu.memref_slice %arg20[%add3A_115, %dma_start3A_126] : memref<5120x128xf32, #tpu.memory_space<vmem_shared>> -> memref<64x128xf32, #tpu.memory_space<vmem_shared>>
          %dma_start3A_128 = arith.constant 0 : i32
          %dma_start3A_129 = tpu.memref_slice %arg20[%add3A_115, %dma_start3A_128] : memref<5120x128xf32, #tpu.memory_space<vmem_shared>> -> memref<64x128xf32, #tpu.memory_space<vmem_shared>>
          %dma_start3A_130 = arith.constant 0 : i32
          %dma_start3A_131 = arith.constant 0 : i32
          %dma_start3A_132 = tpu.memref_slice %arg18[%dma_start3A_130, %dma_start3A_131] : memref<64x128xf32, #tpu.memory_space<vmem>> -> memref<64x128xf32, #tpu.memory_space<vmem>>
          tpu.enqueue_dma source(%dma_start3A_132 : memref<64x128xf32, #tpu.memory_space<vmem>>) target(%dma_start3A_129 : memref<64x128xf32, #tpu.memory_space<vmem_shared>>) target_semaphore(%run_scoped3A_122 : memref<!tpu.dma_semaphore, #tpu.memory_space<semaphore_mem>>)
          %dma_wait3A_133 = arith.constant 0 : i32
          %dma_wait3A_134 = arith.constant 0 : i32
          %dma_wait3A_135 = tpu.memref_slice %arg18[%dma_wait3A_133, %dma_wait3A_134] : memref<64x128xf32, #tpu.memory_space<vmem>> -> memref<64x128xf32, #tpu.memory_space<vmem>>
          %dma_wait3A_136 = arith.constant 0 : i32
          %dma_wait3A_137 = tpu.memref_slice %arg20[%add3A_115, %dma_wait3A_136] : memref<5120x128xf32, #tpu.memory_space<vmem_shared>> -> memref<64x128xf32, #tpu.memory_space<vmem_shared>>
          %dma_wait3A_138 = arith.constant 0 : i32
          %dma_wait3A_139 = tpu.memref_slice %arg20[%add3A_115, %dma_wait3A_138] : memref<5120x128xf32, #tpu.memory_space<vmem_shared>> -> memref<64x128xf32, #tpu.memory_space<vmem_shared>>
          %dma_wait3A_140 = arith.constant 0 : i32
          %dma_wait3A_141 = arith.constant 0 : i32
          %dma_wait3A_142 = tpu.memref_slice %arg18[%dma_wait3A_140, %dma_wait3A_141] : memref<64x128xf32, #tpu.memory_space<vmem>> -> memref<64x128xf32, #tpu.memory_space<vmem>>
          tpu.wait_dma2 semaphore(%run_scoped3A_122 : memref<!tpu.dma_semaphore, #tpu.memory_space<semaphore_mem>>) src(%dma_wait3A_142 : memref<64x128xf32, #tpu.memory_space<vmem>>) dst(%dma_wait3A_139 : memref<64x128xf32, #tpu.memory_space<vmem_shared>>)
          tpu.yield
        }) : () -> ()
        %add3A_116 = arith.constant 128 : i32
        %add3A_117 = arith.addi %mul3A_3, %add3A_116 : i32
        "tpu.region"() ({
          %run_scoped3A_122 = tpu.sem_alloc : memref<!tpu.dma_semaphore, #tpu.memory_space<semaphore_mem>>
          %dma_start3A_123 = arith.constant 0 : i32
          %dma_start3A_124 = arith.constant 0 : i32
          %dma_start3A_125 = tpu.memref_slice %arg18[%dma_start3A_123, %dma_start3A_124] : memref<64x128xf32, #tpu.memory_space<vmem>> -> memref<64x128xf32, #tpu.memory_space<vmem>>
          %dma_start3A_126 = arith.constant 0 : i32
          %dma_start3A_127 = tpu.memref_slice %arg20[%add3A_117, %dma_start3A_126] : memref<5120x128xf32, #tpu.memory_space<vmem_shared>> -> memref<64x128xf32, #tpu.memory_space<vmem_shared>>
          %dma_start3A_128 = arith.constant 0 : i32
          %dma_start3A_129 = tpu.memref_slice %arg20[%add3A_117, %dma_start3A_128] : memref<5120x128xf32, #tpu.memory_space<vmem_shared>> -> memref<64x128xf32, #tpu.memory_space<vmem_shared>>
          %dma_start3A_130 = arith.constant 0 : i32
          %dma_start3A_131 = arith.constant 0 : i32
          %dma_start3A_132 = tpu.memref_slice %arg18[%dma_start3A_130, %dma_start3A_131] : memref<64x128xf32, #tpu.memory_space<vmem>> -> memref<64x128xf32, #tpu.memory_space<vmem>>
          tpu.enqueue_dma source(%dma_start3A_132 : memref<64x128xf32, #tpu.memory_space<vmem>>) target(%dma_start3A_129 : memref<64x128xf32, #tpu.memory_space<vmem_shared>>) target_semaphore(%run_scoped3A_122 : memref<!tpu.dma_semaphore, #tpu.memory_space<semaphore_mem>>)
          %dma_wait3A_133 = arith.constant 0 : i32
          %dma_wait3A_134 = arith.constant 0 : i32
          %dma_wait3A_135 = tpu.memref_slice %arg18[%dma_wait3A_133, %dma_wait3A_134] : memref<64x128xf32, #tpu.memory_space<vmem>> -> memref<64x128xf32, #tpu.memory_space<vmem>>
          %dma_wait3A_136 = arith.constant 0 : i32
          %dma_wait3A_137 = tpu.memref_slice %arg20[%add3A_117, %dma_wait3A_136] : memref<5120x128xf32, #tpu.memory_space<vmem_shared>> -> memref<64x128xf32, #tpu.memory_space<vmem_shared>>
          %dma_wait3A_138 = arith.constant 0 : i32
          %dma_wait3A_139 = tpu.memref_slice %arg20[%add3A_117, %dma_wait3A_138] : memref<5120x128xf32, #tpu.memory_space<vmem_shared>> -> memref<64x128xf32, #tpu.memory_space<vmem_shared>>
          %dma_wait3A_140 = arith.constant 0 : i32
          %dma_wait3A_141 = arith.constant 0 : i32
          %dma_wait3A_142 = tpu.memref_slice %arg18[%dma_wait3A_140, %dma_wait3A_141] : memref<64x128xf32, #tpu.memory_space<vmem>> -> memref<64x128xf32, #tpu.memory_space<vmem>>
          tpu.wait_dma2 semaphore(%run_scoped3A_122 : memref<!tpu.dma_semaphore, #tpu.memory_space<semaphore_mem>>) src(%dma_wait3A_142 : memref<64x128xf32, #tpu.memory_space<vmem>>) dst(%dma_wait3A_139 : memref<64x128xf32, #tpu.memory_space<vmem_shared>>)
          tpu.yield
        }) : () -> ()
        %add3A_118 = arith.constant 192 : i32
        %add3A_119 = arith.addi %mul3A_3, %add3A_118 : i32
        "tpu.region"() ({
          %run_scoped3A_122 = tpu.sem_alloc : memref<!tpu.dma_semaphore, #tpu.memory_space<semaphore_mem>>
          %dma_start3A_123 = arith.constant 0 : i32
          %dma_start3A_124 = arith.constant 0 : i32
          %dma_start3A_125 = tpu.memref_slice %arg18[%dma_start3A_123, %dma_start3A_124] : memref<64x128xf32, #tpu.memory_space<vmem>> -> memref<64x128xf32, #tpu.memory_space<vmem>>
          %dma_start3A_126 = arith.constant 0 : i32
          %dma_start3A_127 = tpu.memref_slice %arg20[%add3A_119, %dma_start3A_126] : memref<5120x128xf32, #tpu.memory_space<vmem_shared>> -> memref<64x128xf32, #tpu.memory_space<vmem_shared>>
          %dma_start3A_128 = arith.constant 0 : i32
          %dma_start3A_129 = tpu.memref_slice %arg20[%add3A_119, %dma_start3A_128] : memref<5120x128xf32, #tpu.memory_space<vmem_shared>> -> memref<64x128xf32, #tpu.memory_space<vmem_shared>>
          %dma_start3A_130 = arith.constant 0 : i32
          %dma_start3A_131 = arith.constant 0 : i32
          %dma_start3A_132 = tpu.memref_slice %arg18[%dma_start3A_130, %dma_start3A_131] : memref<64x128xf32, #tpu.memory_space<vmem>> -> memref<64x128xf32, #tpu.memory_space<vmem>>
          tpu.enqueue_dma source(%dma_start3A_132 : memref<64x128xf32, #tpu.memory_space<vmem>>) target(%dma_start3A_129 : memref<64x128xf32, #tpu.memory_space<vmem_shared>>) target_semaphore(%run_scoped3A_122 : memref<!tpu.dma_semaphore, #tpu.memory_space<semaphore_mem>>)
          %dma_wait3A_133 = arith.constant 0 : i32
          %dma_wait3A_134 = arith.constant 0 : i32
          %dma_wait3A_135 = tpu.memref_slice %arg18[%dma_wait3A_133, %dma_wait3A_134] : memref<64x128xf32, #tpu.memory_space<vmem>> -> memref<64x128xf32, #tpu.memory_space<vmem>>
          %dma_wait3A_136 = arith.constant 0 : i32
          %dma_wait3A_137 = tpu.memref_slice %arg20[%add3A_119, %dma_wait3A_136] : memref<5120x128xf32, #tpu.memory_space<vmem_shared>> -> memref<64x128xf32, #tpu.memory_space<vmem_shared>>
          %dma_wait3A_138 = arith.constant 0 : i32
          %dma_wait3A_139 = tpu.memref_slice %arg20[%add3A_119, %dma_wait3A_138] : memref<5120x128xf32, #tpu.memory_space<vmem_shared>> -> memref<64x128xf32, #tpu.memory_space<vmem_shared>>
          %dma_wait3A_140 = arith.constant 0 : i32
          %dma_wait3A_141 = arith.constant 0 : i32
          %dma_wait3A_142 = tpu.memref_slice %arg18[%dma_wait3A_140, %dma_wait3A_141] : memref<64x128xf32, #tpu.memory_space<vmem>> -> memref<64x128xf32, #tpu.memory_space<vmem>>
          tpu.wait_dma2 semaphore(%run_scoped3A_122 : memref<!tpu.dma_semaphore, #tpu.memory_space<semaphore_mem>>) src(%dma_wait3A_142 : memref<64x128xf32, #tpu.memory_space<vmem>>) dst(%dma_wait3A_139 : memref<64x128xf32, #tpu.memory_space<vmem_shared>>)
          tpu.yield
        }) : () -> ()
        %add3A_120 = arith.constant 256 : i32
        %add3A_121 = arith.addi %mul3A_3, %add3A_120 : i32
        "tpu.region"() ({
          %run_scoped3A_122 = tpu.sem_alloc : memref<!tpu.dma_semaphore, #tpu.memory_space<semaphore_mem>>
          %dma_start3A_123 = arith.constant 0 : i32
          %dma_start3A_124 = arith.constant 0 : i32
          %dma_start3A_125 = tpu.memref_slice %arg18[%dma_start3A_123, %dma_start3A_124] : memref<64x128xf32, #tpu.memory_space<vmem>> -> memref<64x128xf32, #tpu.memory_space<vmem>>
          %dma_start3A_126 = arith.constant 0 : i32
          %dma_start3A_127 = tpu.memref_slice %arg20[%add3A_121, %dma_start3A_126] : memref<5120x128xf32, #tpu.memory_space<vmem_shared>> -> memref<64x128xf32, #tpu.memory_space<vmem_shared>>
          %dma_start3A_128 = arith.constant 0 : i32
          %dma_start3A_129 = tpu.memref_slice %arg20[%add3A_121, %dma_start3A_128] : memref<5120x128xf32, #tpu.memory_space<vmem_shared>> -> memref<64x128xf32, #tpu.memory_space<vmem_shared>>
          %dma_start3A_130 = arith.constant 0 : i32
          %dma_start3A_131 = arith.constant 0 : i32
          %dma_start3A_132 = tpu.memref_slice %arg18[%dma_start3A_130, %dma_start3A_131] : memref<64x128xf32, #tpu.memory_space<vmem>> -> memref<64x128xf32, #tpu.memory_space<vmem>>
          tpu.enqueue_dma source(%dma_start3A_132 : memref<64x128xf32, #tpu.memory_space<vmem>>) target(%dma_start3A_129 : memref<64x128xf32, #tpu.memory_space<vmem_shared>>) target_semaphore(%run_scoped3A_122 : memref<!tpu.dma_semaphore, #tpu.memory_space<semaphore_mem>>)
          %dma_wait3A_133 = arith.constant 0 : i32
          %dma_wait3A_134 = arith.constant 0 : i32
          %dma_wait3A_135 = tpu.memref_slice %arg18[%dma_wait3A_133, %dma_wait3A_134] : memref<64x128xf32, #tpu.memory_space<vmem>> -> memref<64x128xf32, #tpu.memory_space<vmem>>
          %dma_wait3A_136 = arith.constant 0 : i32
          %dma_wait3A_137 = tpu.memref_slice %arg20[%add3A_121, %dma_wait3A_136] : memref<5120x128xf32, #tpu.memory_space<vmem_shared>> -> memref<64x128xf32, #tpu.memory_space<vmem_shared>>
          %dma_wait3A_138 = arith.constant 0 : i32
          %dma_wait3A_139 = tpu.memref_slice %arg20[%add3A_121, %dma_wait3A_138] : memref<5120x128xf32, #tpu.memory_space<vmem_shared>> -> memref<64x128xf32, #tpu.memory_space<vmem_shared>>
          %dma_wait3A_140 = arith.constant 0 : i32
          %dma_wait3A_141 = arith.constant 0 : i32
          %dma_wait3A_142 = tpu.memref_slice %arg18[%dma_wait3A_140, %dma_wait3A_141] : memref<64x128xf32, #tpu.memory_space<vmem>> -> memref<64x128xf32, #tpu.memory_space<vmem>>
          tpu.wait_dma2 semaphore(%run_scoped3A_122 : memref<!tpu.dma_semaphore, #tpu.memory_space<semaphore_mem>>) src(%dma_wait3A_142 : memref<64x128xf32, #tpu.memory_space<vmem>>) dst(%dma_wait3A_139 : memref<64x128xf32, #tpu.memory_space<vmem_shared>>)
          tpu.yield
        }) : () -> ()
      } else {
      }
      %barrier3A_105 = arith.constant 0 : index
      tpu.barrier barrier_id(%barrier3A_105)
    }
    %scan3A_24 = arith.constant 3 : i32
    return
  }
}

#map = affine_map<(d0, d1) -> (0, 0)>
#map1 = affine_map<(d0, d1) -> (0)>
#map2 = affine_map<(d0, d1) -> (0, 0, 0)>
#map3 = affine_map<(d0, d1) -> (0, 0, 0, 0)>
module attributes {stable_mosaic.version = 14 : i64} {
  func.func @sc_kernel(%arg0: i32, %arg1: i32, %arg2: memref<10000x128xf32, #tpu.memory_space<hbm>>, %arg3: memref<10000xf32, #tpu.memory_space<hbm>>, %arg4: memref<10000xf32, #tpu.memory_space<hbm>>, %arg5: memref<16xf32, #tpu.memory_space<hbm>>, %arg6: memref<32x158x64xi32, #tpu.memory_space<hbm>>, %arg7: memref<32x158x64xi32, #tpu.memory_space<hbm>>, %arg8: memref<3x2x5120x128xf32, #tpu.memory_space<hbm>>, %arg9: memref<2x64xi32, #tpu.memory_space<vmem>>, %arg10: memref<2x64xi32, #tpu.memory_space<vmem>>, %arg11: memref<2x64xi32, #tpu.memory_space<vmem>>, %arg12: memref<2x64xf32, #tpu.memory_space<vmem>>, %arg13: memref<10000xf32, #tpu.memory_space<vmem>>, %arg14: memref<10000xf32, #tpu.memory_space<vmem>>, %arg15: memref<16xf32, #tpu.memory_space<vmem>>, %arg16: memref<64x128xf32, #tpu.memory_space<vmem>>, %arg17: memref<64x128xf32, #tpu.memory_space<vmem>>, %arg18: memref<64x128xf32, #tpu.memory_space<vmem>>, %arg19: memref<64x128xf32, #tpu.memory_space<vmem>>, %arg20: memref<5120x128xf32, #tpu.memory_space<vmem_shared>>, %arg21: memref<!tpu.dma_semaphore, #tpu.memory_space<semaphore_mem>>, %arg22: memref<!tpu.dma_semaphore, #tpu.memory_space<semaphore_mem>>, %arg23: memref<!tpu.dma_semaphore, #tpu.memory_space<semaphore_mem>>, %arg24: memref<!tpu.dma_semaphore, #tpu.memory_space<semaphore_mem>>, %arg25: memref<!tpu.dma_semaphore, #tpu.memory_space<semaphore_mem>>) attributes {dimension_semantics = [#tpu.dimension_semantics<core_parallel>, #tpu.dimension_semantics<subcore_parallel>], iteration_bounds = array<i64: 2, 16>, scalar_prefetch = 0 : i64, scratch_operands = 17 : i64, tpu.core_type = #tpu.core_type<sc_vector_subcore>, window_params = [{transform_indices = #map}, {transform_indices = #map1}, {transform_indices = #map1}, {transform_indices = #map1}, {transform_indices = #map2}, {transform_indices = #map2}, {transform_indices = #map3}]} {
    %mul3A = arith.constant 2 : i32
    %mul3A_0 = arith.muli %arg1, %mul3A : i32
    %add3A = arith.addi %mul3A_0, %arg0 : i32
    "tpu.region"() ({
      %run_scoped3A = tpu.sem_alloc : memref<!tpu.dma_semaphore, #tpu.memory_space<semaphore_mem>>
      tpu.enqueue_dma source(%arg3 : memref<10000xf32, #tpu.memory_space<hbm>>) target(%arg13 : memref<10000xf32, #tpu.memory_space<vmem>>) target_semaphore(%run_scoped3A : memref<!tpu.dma_semaphore, #tpu.memory_space<semaphore_mem>>)
      tpu.wait_dma2 semaphore(%run_scoped3A : memref<!tpu.dma_semaphore, #tpu.memory_space<semaphore_mem>>) src(%arg3 : memref<10000xf32, #tpu.memory_space<hbm>>) dst(%arg13 : memref<10000xf32, #tpu.memory_space<vmem>>)
      tpu.yield
    }) : () -> ()
    "tpu.region"() ({
      %run_scoped3A = tpu.sem_alloc : memref<!tpu.dma_semaphore, #tpu.memory_space<semaphore_mem>>
      tpu.enqueue_dma source(%arg4 : memref<10000xf32, #tpu.memory_space<hbm>>) target(%arg14 : memref<10000xf32, #tpu.memory_space<vmem>>) target_semaphore(%run_scoped3A : memref<!tpu.dma_semaphore, #tpu.memory_space<semaphore_mem>>)
      tpu.wait_dma2 semaphore(%run_scoped3A : memref<!tpu.dma_semaphore, #tpu.memory_space<semaphore_mem>>) src(%arg4 : memref<10000xf32, #tpu.memory_space<hbm>>) dst(%arg14 : memref<10000xf32, #tpu.memory_space<vmem>>)
      tpu.yield
    }) : () -> ()
    "tpu.region"() ({
      %run_scoped3A = tpu.sem_alloc : memref<!tpu.dma_semaphore, #tpu.memory_space<semaphore_mem>>
      tpu.enqueue_dma source(%arg5 : memref<16xf32, #tpu.memory_space<hbm>>) target(%arg15 : memref<16xf32, #tpu.memory_space<vmem>>) target_semaphore(%run_scoped3A : memref<!tpu.dma_semaphore, #tpu.memory_space<semaphore_mem>>)
      tpu.wait_dma2 semaphore(%run_scoped3A : memref<!tpu.dma_semaphore, #tpu.memory_space<semaphore_mem>>) src(%arg5 : memref<16xf32, #tpu.memory_space<hbm>>) dst(%arg15 : memref<16xf32, #tpu.memory_space<vmem>>)
      tpu.yield
    }) : () -> ()
    %broadcast_in_dim3A = arith.constant 0.000000e+00 : f32
    %broadcast_in_dim3A_1 = vector.broadcast %broadcast_in_dim3A : f32 to vector<16xf32>
    %iota3A = tpu.iota {dimensions = array<i32: 0>} : vector<16xi32>
    %mul3A_2 = arith.constant 320 : i32
    %mul3A_3 = arith.muli %arg1, %mul3A_2 : i32
    %scan3A = arith.constant 0 : i32
    %scan3A_4 = arith.constant 0 : i32
    %scan3A_5 = arith.constant 64 : i32
    %scan3A_6 = arith.addi %scan3A_4, %scan3A_5 : i32
    %scan3A_7 = arith.constant 1 : i32
    scf.for %scan3A_25 = %scan3A_4 to %scan3A_6 step %scan3A_7  : i32 {
      %swap3A = arith.index_cast %scan3A_25 : i32 to index
      %swap3A_26 = arith.constant 0 : index
      %swap3A_27 = tpu.vector_load %arg18[%swap3A, %swap3A_26] {strides = array<i32>} : memref<64x128xf32, #tpu.memory_space<vmem>>, vector<16xf32>,
      tpu.vector_store %arg18[%swap3A, %swap3A_26], %broadcast_in_dim3A_1 {strides = array<i32>} : memref<64x128xf32, #tpu.memory_space<vmem>>, vector<16xf32>,
      %swap3A_28 = arith.index_cast %scan3A_25 : i32 to index
      %swap3A_29 = arith.constant 16 : index
      %swap3A_30 = tpu.vector_load %arg18[%swap3A_28, %swap3A_29] {strides = array<i32>} : memref<64x128xf32, #tpu.memory_space<vmem>>, vector<16xf32>,
      tpu.vector_store %arg18[%swap3A_28, %swap3A_29], %broadcast_in_dim3A_1 {strides = array<i32>} : memref<64x128xf32, #tpu.memory_space<vmem>>, vector<16xf32>,
      %swap3A_31 = arith.index_cast %scan3A_25 : i32 to index
      %swap3A_32 = arith.constant 32 : index
      %swap3A_33 = tpu.vector_load %arg18[%swap3A_31, %swap3A_32] {strides = array<i32>} : memref<64x128xf32, #tpu.memory_space<vmem>>, vector<16xf32>,
      tpu.vector_store %arg18[%swap3A_31, %swap3A_32], %broadcast_in_dim3A_1 {strides = array<i32>} : memref<64x128xf32, #tpu.memory_space<vmem>>, vector<16xf32>,
      %swap3A_34 = arith.index_cast %scan3A_25 : i32 to index
      %swap3A_35 = arith.constant 48 : index
      %swap3A_36 = tpu.vector_load %arg18[%swap3A_34, %swap3A_35] {strides = array<i32>} : memref<64x128xf32, #tpu.memory_space<vmem>>, vector<16xf32>,
      tpu.vector_store %arg18[%swap3A_34, %swap3A_35], %broadcast_in_dim3A_1 {strides = array<i32>} : memref<64x128xf32, #tpu.memory_space<vmem>>, vector<16xf32>,
      %swap3A_37 = arith.index_cast %scan3A_25 : i32 to index
      %swap3A_38 = arith.constant 64 : index
      %swap3A_39 = tpu.vector_load %arg18[%swap3A_37, %swap3A_38] {strides = array<i32>} : memref<64x128xf32, #tpu.memory_space<vmem>>, vector<16xf32>,
      tpu.vector_store %arg18[%swap3A_37, %swap3A_38], %broadcast_in_dim3A_1 {strides = array<i32>} : memref<64x128xf32, #tpu.memory_space<vmem>>, vector<16xf32>,
      %swap3A_40 = arith.index_cast %scan3A_25 : i32 to index
      %swap3A_41 = arith.constant 80 : index
      %swap3A_42 = tpu.vector_load %arg18[%swap3A_40, %swap3A_41] {strides = array<i32>} : memref<64x128xf32, #tpu.memory_space<vmem>>, vector<16xf32>,
      tpu.vector_store %arg18[%swap3A_40, %swap3A_41], %broadcast_in_dim3A_1 {strides = array<i32>} : memref<64x128xf32, #tpu.memory_space<vmem>>, vector<16xf32>,
      %swap3A_43 = arith.index_cast %scan3A_25 : i32 to index
      %swap3A_44 = arith.constant 96 : index
      %swap3A_45 = tpu.vector_load %arg18[%swap3A_43, %swap3A_44] {strides = array<i32>} : memref<64x128xf32, #tpu.memory_space<vmem>>, vector<16xf32>,
      tpu.vector_store %arg18[%swap3A_43, %swap3A_44], %broadcast_in_dim3A_1 {strides = array<i32>} : memref<64x128xf32, #tpu.memory_space<vmem>>, vector<16xf32>,
      %swap3A_46 = arith.index_cast %scan3A_25 : i32 to index
      %swap3A_47 = arith.constant 112 : index
      %swap3A_48 = tpu.vector_load %arg18[%swap3A_46, %swap3A_47] {strides = array<i32>} : memref<64x128xf32, #tpu.memory_space<vmem>>, vector<16xf32>,
      tpu.vector_store %arg18[%swap3A_46, %swap3A_47], %broadcast_in_dim3A_1 {strides = array<i32>} : memref<64x128xf32, #tpu.memory_space<vmem>>, vector<16xf32>,
    }
    %scan3A_8 = arith.constant 64 : i32
    %add3A_9 = arith.constant 0 : i32
    %add3A_10 = arith.addi %mul3A_3, %add3A_9 : i32
    "tpu.region"() ({
      %run_scoped3A = tpu.sem_alloc : memref<!tpu.dma_semaphore, #tpu.memory_space<semaphore_mem>>
      %dma_start3A = arith.constant 0 : i32
      %dma_start3A_25 = arith.constant 0 : i32
      %dma_start3A_26 = tpu.memref_slice %arg18[%dma_start3A, %dma_start3A_25] : memref<64x128xf32, #tpu.memory_space<vmem>> -> memref<64x128xf32, #tpu.memory_space<vmem>>
      %dma_start3A_27 = arith.constant 0 : i32
      %dma_start3A_28 = tpu.memref_slice %arg20[%add3A_10, %dma_start3A_27] : memref<5120x128xf32, #tpu.memory_space<vmem_shared>> -> memref<64x128xf32, #tpu.memory_space<vmem_shared>>
      %dma_start3A_29 = arith.constant 0 : i32
      %dma_start3A_30 = tpu.memref_slice %arg20[%add3A_10, %dma_start3A_29] : memref<5120x128xf32, #tpu.memory_space<vmem_shared>> -> memref<64x128xf32, #tpu.memory_space<vmem_shared>>
      %dma_start3A_31 = arith.constant 0 : i32
      %dma_start3A_32 = arith.constant 0 : i32
      %dma_start3A_33 = tpu.memref_slice %arg18[%dma_start3A_31, %dma_start3A_32] : memref<64x128xf32, #tpu.memory_space<vmem>> -> memref<64x128xf32, #tpu.memory_space<vmem>>
      tpu.enqueue_dma source(%dma_start3A_33 : memref<64x128xf32, #tpu.memory_space<vmem>>) target(%dma_start3A_30 : memref<64x128xf32, #tpu.memory_space<vmem_shared>>) target_semaphore(%run_scoped3A : memref<!tpu.dma_semaphore, #tpu.memory_space<semaphore_mem>>)
      %dma_wait3A = arith.constant 0 : i32
      %dma_wait3A_34 = arith.constant 0 : i32
      %dma_wait3A_35 = tpu.memref_slice %arg18[%dma_wait3A, %dma_wait3A_34] : memref<64x128xf32, #tpu.memory_space<vmem>> -> memref<64x128xf32, #tpu.memory_space<vmem>>
      %dma_wait3A_36 = arith.constant 0 : i32
      %dma_wait3A_37 = tpu.memref_slice %arg20[%add3A_10, %dma_wait3A_36] : memref<5120x128xf32, #tpu.memory_space<vmem_shared>> -> memref<64x128xf32, #tpu.memory_space<vmem_shared>>
      %dma_wait3A_38 = arith.constant 0 : i32
      %dma_wait3A_39 = tpu.memref_slice %arg20[%add3A_10, %dma_wait3A_38] : memref<5120x128xf32, #tpu.memory_space<vmem_shared>> -> memref<64x128xf32, #tpu.memory_space<vmem_shared>>
      %dma_wait3A_40 = arith.constant 0 : i32
      %dma_wait3A_41 = arith.constant 0 : i32
      %dma_wait3A_42 = tpu.memref_slice %arg18[%dma_wait3A_40, %dma_wait3A_41] : memref<64x128xf32, #tpu.memory_space<vmem>> -> memref<64x128xf32, #tpu.memory_space<vmem>>
      tpu.wait_dma2 semaphore(%run_scoped3A : memref<!tpu.dma_semaphore, #tpu.memory_space<semaphore_mem>>) src(%dma_wait3A_42 : memref<64x128xf32, #tpu.memory_space<vmem>>) dst(%dma_wait3A_39 : memref<64x128xf32, #tpu.memory_space<vmem_shared>>)
      tpu.yield
    }) : () -> ()
    %add3A_11 = arith.constant 64 : i32
    %add3A_12 = arith.addi %mul3A_3, %add3A_11 : i32
    "tpu.region"() ({
      %run_scoped3A = tpu.sem_alloc : memref<!tpu.dma_semaphore, #tpu.memory_space<semaphore_mem>>
      %dma_start3A = arith.constant 0 : i32
      %dma_start3A_25 = arith.constant 0 : i32
      %dma_start3A_26 = tpu.memref_slice %arg18[%dma_start3A, %dma_start3A_25] : memref<64x128xf32, #tpu.memory_space<vmem>> -> memref<64x128xf32, #tpu.memory_space<vmem>>
      %dma_start3A_27 = arith.constant 0 : i32
      %dma_start3A_28 = tpu.memref_slice %arg20[%add3A_12, %dma_start3A_27] : memref<5120x128xf32, #tpu.memory_space<vmem_shared>> -> memref<64x128xf32, #tpu.memory_space<vmem_shared>>
      %dma_start3A_29 = arith.constant 0 : i32
      %dma_start3A_30 = tpu.memref_slice %arg20[%add3A_12, %dma_start3A_29] : memref<5120x128xf32, #tpu.memory_space<vmem_shared>> -> memref<64x128xf32, #tpu.memory_space<vmem_shared>>
      %dma_start3A_31 = arith.constant 0 : i32
      %dma_start3A_32 = arith.constant 0 : i32
      %dma_start3A_33 = tpu.memref_slice %arg18[%dma_start3A_31, %dma_start3A_32] : memref<64x128xf32, #tpu.memory_space<vmem>> -> memref<64x128xf32, #tpu.memory_space<vmem>>
      tpu.enqueue_dma source(%dma_start3A_33 : memref<64x128xf32, #tpu.memory_space<vmem>>) target(%dma_start3A_30 : memref<64x128xf32, #tpu.memory_space<vmem_shared>>) target_semaphore(%run_scoped3A : memref<!tpu.dma_semaphore, #tpu.memory_space<semaphore_mem>>)
      %dma_wait3A = arith.constant 0 : i32
      %dma_wait3A_34 = arith.constant 0 : i32
      %dma_wait3A_35 = tpu.memref_slice %arg18[%dma_wait3A, %dma_wait3A_34] : memref<64x128xf32, #tpu.memory_space<vmem>> -> memref<64x128xf32, #tpu.memory_space<vmem>>
      %dma_wait3A_36 = arith.constant 0 : i32
      %dma_wait3A_37 = tpu.memref_slice %arg20[%add3A_12, %dma_wait3A_36] : memref<5120x128xf32, #tpu.memory_space<vmem_shared>> -> memref<64x128xf32, #tpu.memory_space<vmem_shared>>
      %dma_wait3A_38 = arith.constant 0 : i32
      %dma_wait3A_39 = tpu.memref_slice %arg20[%add3A_12, %dma_wait3A_38] : memref<5120x128xf32, #tpu.memory_space<vmem_shared>> -> memref<64x128xf32, #tpu.memory_space<vmem_shared>>
      %dma_wait3A_40 = arith.constant 0 : i32
      %dma_wait3A_41 = arith.constant 0 : i32
      %dma_wait3A_42 = tpu.memref_slice %arg18[%dma_wait3A_40, %dma_wait3A_41] : memref<64x128xf32, #tpu.memory_space<vmem>> -> memref<64x128xf32, #tpu.memory_space<vmem>>
      tpu.wait_dma2 semaphore(%run_scoped3A : memref<!tpu.dma_semaphore, #tpu.memory_space<semaphore_mem>>) src(%dma_wait3A_42 : memref<64x128xf32, #tpu.memory_space<vmem>>) dst(%dma_wait3A_39 : memref<64x128xf32, #tpu.memory_space<vmem_shared>>)
      tpu.yield
    }) : () -> ()
    %add3A_13 = arith.constant 128 : i32
    %add3A_14 = arith.addi %mul3A_3, %add3A_13 : i32
    "tpu.region"() ({
      %run_scoped3A = tpu.sem_alloc : memref<!tpu.dma_semaphore, #tpu.memory_space<semaphore_mem>>
      %dma_start3A = arith.constant 0 : i32
      %dma_start3A_25 = arith.constant 0 : i32
      %dma_start3A_26 = tpu.memref_slice %arg18[%dma_start3A, %dma_start3A_25] : memref<64x128xf32, #tpu.memory_space<vmem>> -> memref<64x128xf32, #tpu.memory_space<vmem>>
      %dma_start3A_27 = arith.constant 0 : i32
      %dma_start3A_28 = tpu.memref_slice %arg20[%add3A_14, %dma_start3A_27] : memref<5120x128xf32, #tpu.memory_space<vmem_shared>> -> memref<64x128xf32, #tpu.memory_space<vmem_shared>>
      %dma_start3A_29 = arith.constant 0 : i32
      %dma_start3A_30 = tpu.memref_slice %arg20[%add3A_14, %dma_start3A_29] : memref<5120x128xf32, #tpu.memory_space<vmem_shared>> -> memref<64x128xf32, #tpu.memory_space<vmem_shared>>
      %dma_start3A_31 = arith.constant 0 : i32
      %dma_start3A_32 = arith.constant 0 : i32
      %dma_start3A_33 = tpu.memref_slice %arg18[%dma_start3A_31, %dma_start3A_32] : memref<64x128xf32, #tpu.memory_space<vmem>> -> memref<64x128xf32, #tpu.memory_space<vmem>>
      tpu.enqueue_dma source(%dma_start3A_33 : memref<64x128xf32, #tpu.memory_space<vmem>>) target(%dma_start3A_30 : memref<64x128xf32, #tpu.memory_space<vmem_shared>>) target_semaphore(%run_scoped3A : memref<!tpu.dma_semaphore, #tpu.memory_space<semaphore_mem>>)
      %dma_wait3A = arith.constant 0 : i32
      %dma_wait3A_34 = arith.constant 0 : i32
      %dma_wait3A_35 = tpu.memref_slice %arg18[%dma_wait3A, %dma_wait3A_34] : memref<64x128xf32, #tpu.memory_space<vmem>> -> memref<64x128xf32, #tpu.memory_space<vmem>>
      %dma_wait3A_36 = arith.constant 0 : i32
      %dma_wait3A_37 = tpu.memref_slice %arg20[%add3A_14, %dma_wait3A_36] : memref<5120x128xf32, #tpu.memory_space<vmem_shared>> -> memref<64x128xf32, #tpu.memory_space<vmem_shared>>
      %dma_wait3A_38 = arith.constant 0 : i32
      %dma_wait3A_39 = tpu.memref_slice %arg20[%add3A_14, %dma_wait3A_38] : memref<5120x128xf32, #tpu.memory_space<vmem_shared>> -> memref<64x128xf32, #tpu.memory_space<vmem_shared>>
      %dma_wait3A_40 = arith.constant 0 : i32
      %dma_wait3A_41 = arith.constant 0 : i32
      %dma_wait3A_42 = tpu.memref_slice %arg18[%dma_wait3A_40, %dma_wait3A_41] : memref<64x128xf32, #tpu.memory_space<vmem>> -> memref<64x128xf32, #tpu.memory_space<vmem>>
      tpu.wait_dma2 semaphore(%run_scoped3A : memref<!tpu.dma_semaphore, #tpu.memory_space<semaphore_mem>>) src(%dma_wait3A_42 : memref<64x128xf32, #tpu.memory_space<vmem>>) dst(%dma_wait3A_39 : memref<64x128xf32, #tpu.memory_space<vmem_shared>>)
      tpu.yield
    }) : () -> ()
    %add3A_15 = arith.constant 192 : i32
    %add3A_16 = arith.addi %mul3A_3, %add3A_15 : i32
    "tpu.region"() ({
      %run_scoped3A = tpu.sem_alloc : memref<!tpu.dma_semaphore, #tpu.memory_space<semaphore_mem>>
      %dma_start3A = arith.constant 0 : i32
      %dma_start3A_25 = arith.constant 0 : i32
      %dma_start3A_26 = tpu.memref_slice %arg18[%dma_start3A, %dma_start3A_25] : memref<64x128xf32, #tpu.memory_space<vmem>> -> memref<64x128xf32, #tpu.memory_space<vmem>>
      %dma_start3A_27 = arith.constant 0 : i32
      %dma_start3A_28 = tpu.memref_slice %arg20[%add3A_16, %dma_start3A_27] : memref<5120x128xf32, #tpu.memory_space<vmem_shared>> -> memref<64x128xf32, #tpu.memory_space<vmem_shared>>
      %dma_start3A_29 = arith.constant 0 : i32
      %dma_start3A_30 = tpu.memref_slice %arg20[%add3A_16, %dma_start3A_29] : memref<5120x128xf32, #tpu.memory_space<vmem_shared>> -> memref<64x128xf32, #tpu.memory_space<vmem_shared>>
      %dma_start3A_31 = arith.constant 0 : i32
      %dma_start3A_32 = arith.constant 0 : i32
      %dma_start3A_33 = tpu.memref_slice %arg18[%dma_start3A_31, %dma_start3A_32] : memref<64x128xf32, #tpu.memory_space<vmem>> -> memref<64x128xf32, #tpu.memory_space<vmem>>
      tpu.enqueue_dma source(%dma_start3A_33 : memref<64x128xf32, #tpu.memory_space<vmem>>) target(%dma_start3A_30 : memref<64x128xf32, #tpu.memory_space<vmem_shared>>) target_semaphore(%run_scoped3A : memref<!tpu.dma_semaphore, #tpu.memory_space<semaphore_mem>>)
      %dma_wait3A = arith.constant 0 : i32
      %dma_wait3A_34 = arith.constant 0 : i32
      %dma_wait3A_35 = tpu.memref_slice %arg18[%dma_wait3A, %dma_wait3A_34] : memref<64x128xf32, #tpu.memory_space<vmem>> -> memref<64x128xf32, #tpu.memory_space<vmem>>
      %dma_wait3A_36 = arith.constant 0 : i32
      %dma_wait3A_37 = tpu.memref_slice %arg20[%add3A_16, %dma_wait3A_36] : memref<5120x128xf32, #tpu.memory_space<vmem_shared>> -> memref<64x128xf32, #tpu.memory_space<vmem_shared>>
      %dma_wait3A_38 = arith.constant 0 : i32
      %dma_wait3A_39 = tpu.memref_slice %arg20[%add3A_16, %dma_wait3A_38] : memref<5120x128xf32, #tpu.memory_space<vmem_shared>> -> memref<64x128xf32, #tpu.memory_space<vmem_shared>>
      %dma_wait3A_40 = arith.constant 0 : i32
      %dma_wait3A_41 = arith.constant 0 : i32
      %dma_wait3A_42 = tpu.memref_slice %arg18[%dma_wait3A_40, %dma_wait3A_41] : memref<64x128xf32, #tpu.memory_space<vmem>> -> memref<64x128xf32, #tpu.memory_space<vmem>>
      tpu.wait_dma2 semaphore(%run_scoped3A : memref<!tpu.dma_semaphore, #tpu.memory_space<semaphore_mem>>) src(%dma_wait3A_42 : memref<64x128xf32, #tpu.memory_space<vmem>>) dst(%dma_wait3A_39 : memref<64x128xf32, #tpu.memory_space<vmem_shared>>)
      tpu.yield
    }) : () -> ()
    %add3A_17 = arith.constant 256 : i32
    %add3A_18 = arith.addi %mul3A_3, %add3A_17 : i32
    "tpu.region"() ({
      %run_scoped3A = tpu.sem_alloc : memref<!tpu.dma_semaphore, #tpu.memory_space<semaphore_mem>>
      %dma_start3A = arith.constant 0 : i32
      %dma_start3A_25 = arith.constant 0 : i32
      %dma_start3A_26 = tpu.memref_slice %arg18[%dma_start3A, %dma_start3A_25] : memref<64x128xf32, #tpu.memory_space<vmem>> -> memref<64x128xf32, #tpu.memory_space<vmem>>
      %dma_start3A_27 = arith.constant 0 : i32
      %dma_start3A_28 = tpu.memref_slice %arg20[%add3A_18, %dma_start3A_27] : memref<5120x128xf32, #tpu.memory_space<vmem_shared>> -> memref<64x128xf32, #tpu.memory_space<vmem_shared>>
      %dma_start3A_29 = arith.constant 0 : i32
      %dma_start3A_30 = tpu.memref_slice %arg20[%add3A_18, %dma_start3A_29] : memref<5120x128xf32, #tpu.memory_space<vmem_shared>> -> memref<64x128xf32, #tpu.memory_space<vmem_shared>>
      %dma_start3A_31 = arith.constant 0 : i32
      %dma_start3A_32 = arith.constant 0 : i32
      %dma_start3A_33 = tpu.memref_slice %arg18[%dma_start3A_31, %dma_start3A_32] : memref<64x128xf32, #tpu.memory_space<vmem>> -> memref<64x128xf32, #tpu.memory_space<vmem>>
      tpu.enqueue_dma source(%dma_start3A_33 : memref<64x128xf32, #tpu.memory_space<vmem>>) target(%dma_start3A_30 : memref<64x128xf32, #tpu.memory_space<vmem_shared>>) target_semaphore(%run_scoped3A : memref<!tpu.dma_semaphore, #tpu.memory_space<semaphore_mem>>)
      %dma_wait3A = arith.constant 0 : i32
      %dma_wait3A_34 = arith.constant 0 : i32
      %dma_wait3A_35 = tpu.memref_slice %arg18[%dma_wait3A, %dma_wait3A_34] : memref<64x128xf32, #tpu.memory_space<vmem>> -> memref<64x128xf32, #tpu.memory_space<vmem>>
      %dma_wait3A_36 = arith.constant 0 : i32
      %dma_wait3A_37 = tpu.memref_slice %arg20[%add3A_18, %dma_wait3A_36] : memref<5120x128xf32, #tpu.memory_space<vmem_shared>> -> memref<64x128xf32, #tpu.memory_space<vmem_shared>>
      %dma_wait3A_38 = arith.constant 0 : i32
      %dma_wait3A_39 = tpu.memref_slice %arg20[%add3A_18, %dma_wait3A_38] : memref<5120x128xf32, #tpu.memory_space<vmem_shared>> -> memref<64x128xf32, #tpu.memory_space<vmem_shared>>
      %dma_wait3A_40 = arith.constant 0 : i32
      %dma_wait3A_41 = arith.constant 0 : i32
      %dma_wait3A_42 = tpu.memref_slice %arg18[%dma_wait3A_40, %dma_wait3A_41] : memref<64x128xf32, #tpu.memory_space<vmem>> -> memref<64x128xf32, #tpu.memory_space<vmem>>
      tpu.wait_dma2 semaphore(%run_scoped3A : memref<!tpu.dma_semaphore, #tpu.memory_space<semaphore_mem>>) src(%dma_wait3A_42 : memref<64x128xf32, #tpu.memory_space<vmem>>) dst(%dma_wait3A_39 : memref<64x128xf32, #tpu.memory_space<vmem_shared>>)
      tpu.yield
    }) : () -> ()
    %barrier3A = arith.constant 0 : index
    tpu.barrier barrier_id(%barrier3A)
    %scan3A_19 = arith.constant 0 : i32
    %scan3A_20 = arith.constant 0 : i32
    %scan3A_21 = arith.constant 3 : i32
    %scan3A_22 = arith.addi %scan3A_20, %scan3A_21 : i32
    %scan3A_23 = arith.constant 1 : i32
    scf.for %scan3A_25 = %scan3A_20 to %scan3A_22 step %scan3A_23  : i32 {
      %min3A = arith.constant 1 : i32
      %min3A_26 = arith.minsi %scan3A_25, %min3A : i32
      %broadcast_in_dim3A_27 = vector.broadcast %scan3A_25 : i32 to vector<16xi32>
      %ge3A = arith.constant 2 : i32
      %ge3A_28 = vector.broadcast %ge3A : i32 to vector<16xi32>
      %ge3A_29 = arith.cmpi sge, %broadcast_in_dim3A_27, %ge3A_28 : vector<16xi32>
      %run_scoped3A = arith.constant 0 : i32
      %run_scoped3A_30 = arith.constant 0 : i32
      "tpu.region"() ({
        %run_scoped3A_106 = tpu.sem_alloc : memref<!tpu.dma_semaphore, #tpu.memory_space<semaphore_mem>>
        %dma_start3A_107 = arith.constant 0 : i32
        %dma_start3A_108 = tpu.memref_slice %arg9[%run_scoped3A_30, %dma_start3A_107] : memref<2x64xi32, #tpu.memory_space<vmem>> -> memref<1x64xi32, #tpu.memory_space<vmem>>
        %dma_start3A_109 = tpu.memref_squeeze %dma_start3A_108 : memref<1x64xi32, #tpu.memory_space<vmem>> -> memref<64xi32, #tpu.memory_space<vmem>>
        %dma_start3A_110 = arith.constant 0 : i32
        %dma_start3A_111 = tpu.memref_slice %arg6[%add3A, %run_scoped3A, %dma_start3A_110] : memref<32x158x64xi32, #tpu.memory_space<hbm>> -> memref<1x1x64xi32, #tpu.memory_space<hbm>>
        %dma_start3A_112 = tpu.memref_squeeze %dma_start3A_111 : memref<1x1x64xi32, #tpu.memory_space<hbm>> -> memref<64xi32, #tpu.memory_space<hbm>>
        %dma_start3A_113 = arith.constant 0 : i32
        %dma_start3A_114 = tpu.memref_slice %arg9[%run_scoped3A_30, %dma_start3A_113] : memref<2x64xi32, #tpu.memory_space<vmem>> -> memref<1x64xi32, #tpu.memory_space<vmem>>
        %dma_start3A_115 = tpu.memref_squeeze %dma_start3A_114 : memref<1x64xi32, #tpu.memory_space<vmem>> -> memref<64xi32, #tpu.memory_space<vmem>>
        %dma_start3A_116 = arith.constant 0 : i32
        %dma_start3A_117 = tpu.memref_slice %arg6[%add3A, %run_scoped3A, %dma_start3A_116] : memref<32x158x64xi32, #tpu.memory_space<hbm>> -> memref<1x1x64xi32, #tpu.memory_space<hbm>>
        %dma_start3A_118 = tpu.memref_squeeze %dma_start3A_117 : memref<1x1x64xi32, #tpu.memory_space<hbm>> -> memref<64xi32, #tpu.memory_space<hbm>>
        tpu.enqueue_dma source(%dma_start3A_118 : memref<64xi32, #tpu.memory_space<hbm>>) target(%dma_start3A_115 : memref<64xi32, #tpu.memory_space<vmem>>) target_semaphore(%run_scoped3A_106 : memref<!tpu.dma_semaphore, #tpu.memory_space<semaphore_mem>>)
        %dma_wait3A_119 = arith.constant 0 : i32
        %dma_wait3A_120 = tpu.memref_slice %arg9[%run_scoped3A_30, %dma_wait3A_119] : memref<2x64xi32, #tpu.memory_space<vmem>> -> memref<1x64xi32, #tpu.memory_space<vmem>>
        %dma_wait3A_121 = tpu.memref_squeeze %dma_wait3A_120 : memref<1x64xi32, #tpu.memory_space<vmem>> -> memref<64xi32, #tpu.memory_space<vmem>>
        %dma_wait3A_122 = arith.constant 0 : i32
        %dma_wait3A_123 = tpu.memref_slice %arg6[%add3A, %run_scoped3A, %dma_wait3A_122] : memref<32x158x64xi32, #tpu.memory_space<hbm>> -> memref<1x1x64xi32, #tpu.memory_space<hbm>>
        %dma_wait3A_124 = tpu.memref_squeeze %dma_wait3A_123 : memref<1x1x64xi32, #tpu.memory_space<hbm>> -> memref<64xi32, #tpu.memory_space<hbm>>
        %dma_wait3A_125 = arith.constant 0 : i32
        %dma_wait3A_126 = tpu.memref_slice %arg9[%run_scoped3A_30, %dma_wait3A_125] : memref<2x64xi32, #tpu.memory_space<vmem>> -> memref<1x64xi32, #tpu.memory_space<vmem>>
        %dma_wait3A_127 = tpu.memref_squeeze %dma_wait3A_126 : memref<1x64xi32, #tpu.memory_space<vmem>> -> memref<64xi32, #tpu.memory_space<vmem>>
        %dma_wait3A_128 = arith.constant 0 : i32
        %dma_wait3A_129 = tpu.memref_slice %arg6[%add3A, %run_scoped3A, %dma_wait3A_128] : memref<32x158x64xi32, #tpu.memory_space<hbm>> -> memref<1x1x64xi32, #tpu.memory_space<hbm>>
        %dma_wait3A_130 = tpu.memref_squeeze %dma_wait3A_129 : memref<1x1x64xi32, #tpu.memory_space<hbm>> -> memref<64xi32, #tpu.memory_space<hbm>>
        tpu.wait_dma2 semaphore(%run_scoped3A_106 : memref<!tpu.dma_semaphore, #tpu.memory_space<semaphore_mem>>) src(%dma_wait3A_130 : memref<64xi32, #tpu.memory_space<hbm>>) dst(%dma_wait3A_127 : memref<64xi32, #tpu.memory_space<vmem>>)
        tpu.yield
      }) : () -> ()
      %run_scoped3A_31 = arith.constant 0 : i32
      %run_scoped3A_32 = arith.constant 0 : i32
      "tpu.region"() ({
        %run_scoped3A_106 = tpu.sem_alloc : memref<!tpu.dma_semaphore, #tpu.memory_space<semaphore_mem>>
        %dma_start3A_107 = arith.constant 0 : i32
        %dma_start3A_108 = tpu.memref_slice %arg10[%run_scoped3A_32, %dma_start3A_107] : memref<2x64xi32, #tpu.memory_space<vmem>> -> memref<1x64xi32, #tpu.memory_space<vmem>>
        %dma_start3A_109 = tpu.memref_squeeze %dma_start3A_108 : memref<1x64xi32, #tpu.memory_space<vmem>> -> memref<64xi32, #tpu.memory_space<vmem>>
        %dma_start3A_110 = arith.constant 0 : i32
        %dma_start3A_111 = tpu.memref_slice %arg7[%add3A, %run_scoped3A_31, %dma_start3A_110] : memref<32x158x64xi32, #tpu.memory_space<hbm>> -> memref<1x1x64xi32, #tpu.memory_space<hbm>>
        %dma_start3A_112 = tpu.memref_squeeze %dma_start3A_111 : memref<1x1x64xi32, #tpu.memory_space<hbm>> -> memref<64xi32, #tpu.memory_space<hbm>>
        %dma_start3A_113 = arith.constant 0 : i32
        %dma_start3A_114 = tpu.memref_slice %arg10[%run_scoped3A_32, %dma_start3A_113] : memref<2x64xi32, #tpu.memory_space<vmem>> -> memref<1x64xi32, #tpu.memory_space<vmem>>
        %dma_start3A_115 = tpu.memref_squeeze %dma_start3A_114 : memref<1x64xi32, #tpu.memory_space<vmem>> -> memref<64xi32, #tpu.memory_space<vmem>>
        %dma_start3A_116 = arith.constant 0 : i32
        %dma_start3A_117 = tpu.memref_slice %arg7[%add3A, %run_scoped3A_31, %dma_start3A_116] : memref<32x158x64xi32, #tpu.memory_space<hbm>> -> memref<1x1x64xi32, #tpu.memory_space<hbm>>
        %dma_start3A_118 = tpu.memref_squeeze %dma_start3A_117 : memref<1x1x64xi32, #tpu.memory_space<hbm>> -> memref<64xi32, #tpu.memory_space<hbm>>
        tpu.enqueue_dma source(%dma_start3A_118 : memref<64xi32, #tpu.memory_space<hbm>>) target(%dma_start3A_115 : memref<64xi32, #tpu.memory_space<vmem>>) target_semaphore(%run_scoped3A_106 : memref<!tpu.dma_semaphore, #tpu.memory_space<semaphore_mem>>)
        %dma_wait3A_119 = arith.constant 0 : i32
        %dma_wait3A_120 = tpu.memref_slice %arg10[%run_scoped3A_32, %dma_wait3A_119] : memref<2x64xi32, #tpu.memory_space<vmem>> -> memref<1x64xi32, #tpu.memory_space<vmem>>
        %dma_wait3A_121 = tpu.memref_squeeze %dma_wait3A_120 : memref<1x64xi32, #tpu.memory_space<vmem>> -> memref<64xi32, #tpu.memory_space<vmem>>
        %dma_wait3A_122 = arith.constant 0 : i32
        %dma_wait3A_123 = tpu.memref_slice %arg7[%add3A, %run_scoped3A_31, %dma_wait3A_122] : memref<32x158x64xi32, #tpu.memory_space<hbm>> -> memref<1x1x64xi32, #tpu.memory_space<hbm>>
        %dma_wait3A_124 = tpu.memref_squeeze %dma_wait3A_123 : memref<1x1x64xi32, #tpu.memory_space<hbm>> -> memref<64xi32, #tpu.memory_space<hbm>>
        %dma_wait3A_125 = arith.constant 0 : i32
        %dma_wait3A_126 = tpu.memref_slice %arg10[%run_scoped3A_32, %dma_wait3A_125] : memref<2x64xi32, #tpu.memory_space<vmem>> -> memref<1x64xi32, #tpu.memory_space<vmem>>
        %dma_wait3A_127 = tpu.memref_squeeze %dma_wait3A_126 : memref<1x64xi32, #tpu.memory_space<vmem>> -> memref<64xi32, #tpu.memory_space<vmem>>
        %dma_wait3A_128 = arith.constant 0 : i32
        %dma_wait3A_129 = tpu.memref_slice %arg7[%add3A, %run_scoped3A_31, %dma_wait3A_128] : memref<32x158x64xi32, #tpu.memory_space<hbm>> -> memref<1x1x64xi32, #tpu.memory_space<hbm>>
        %dma_wait3A_130 = tpu.memref_squeeze %dma_wait3A_129 : memref<1x1x64xi32, #tpu.memory_space<hbm>> -> memref<64xi32, #tpu.memory_space<hbm>>
        tpu.wait_dma2 semaphore(%run_scoped3A_106 : memref<!tpu.dma_semaphore, #tpu.memory_space<semaphore_mem>>) src(%dma_wait3A_130 : memref<64xi32, #tpu.memory_space<hbm>>) dst(%dma_wait3A_127 : memref<64xi32, #tpu.memory_space<vmem>>)
        tpu.yield
      }) : () -> ()
      %dma_start3A = arith.constant 1 : i32
      %dma_start3A_33 = arith.constant 1 : i32
      %dma_start3A_34 = arith.constant 0 : i32
      %dma_start3A_35 = tpu.memref_slice %arg9[%dma_start3A_33, %dma_start3A_34] : memref<2x64xi32, #tpu.memory_space<vmem>> -> memref<1x64xi32, #tpu.memory_space<vmem>>
      %dma_start3A_36 = tpu.memref_squeeze %dma_start3A_35 : memref<1x64xi32, #tpu.memory_space<vmem>> -> memref<64xi32, #tpu.memory_space<vmem>>
      %dma_start3A_37 = arith.constant 0 : i32
      %dma_start3A_38 = tpu.memref_slice %arg6[%add3A, %dma_start3A, %dma_start3A_37] : memref<32x158x64xi32, #tpu.memory_space<hbm>> -> memref<1x1x64xi32, #tpu.memory_space<hbm>>
      %dma_start3A_39 = tpu.memref_squeeze %dma_start3A_38 : memref<1x1x64xi32, #tpu.memory_space<hbm>> -> memref<64xi32, #tpu.memory_space<hbm>>
      %dma_start3A_40 = arith.constant 0 : i32
      %dma_start3A_41 = tpu.memref_slice %arg9[%dma_start3A_33, %dma_start3A_40] : memref<2x64xi32, #tpu.memory_space<vmem>> -> memref<1x64xi32, #tpu.memory_space<vmem>>
      %dma_start3A_42 = tpu.memref_squeeze %dma_start3A_41 : memref<1x64xi32, #tpu.memory_space<vmem>> -> memref<64xi32, #tpu.memory_space<vmem>>
      %dma_start3A_43 = arith.constant 0 : i32
      %dma_start3A_44 = tpu.memref_slice %arg6[%add3A, %dma_start3A, %dma_start3A_43] : memref<32x158x64xi32, #tpu.memory_space<hbm>> -> memref<1x1x64xi32, #tpu.memory_space<hbm>>
      %dma_start3A_45 = tpu.memref_squeeze %dma_start3A_44 : memref<1x1x64xi32, #tpu.memory_space<hbm>> -> memref<64xi32, #tpu.memory_space<hbm>>
      tpu.enqueue_dma source(%dma_start3A_45 : memref<64xi32, #tpu.memory_space<hbm>>) target(%dma_start3A_42 : memref<64xi32, #tpu.memory_space<vmem>>) target_semaphore(%arg25 : memref<!tpu.dma_semaphore, #tpu.memory_space<semaphore_mem>>)
      %dma_start3A_46 = arith.constant 1 : i32
      %dma_start3A_47 = arith.constant 1 : i32
      %dma_start3A_48 = arith.constant 0 : i32
      %dma_start3A_49 = tpu.memref_slice %arg10[%dma_start3A_47, %dma_start3A_48] : memref<2x64xi32, #tpu.memory_space<vmem>> -> memref<1x64xi32, #tpu.memory_space<vmem>>
      %dma_start3A_50 = tpu.memref_squeeze %dma_start3A_49 : memref<1x64xi32, #tpu.memory_space<vmem>> -> memref<64xi32, #tpu.memory_space<vmem>>
      %dma_start3A_51 = arith.constant 0 : i32
      %dma_start3A_52 = tpu.memref_slice %arg7[%add3A, %dma_start3A_46, %dma_start3A_51] : memref<32x158x64xi32, #tpu.memory_space<hbm>> -> memref<1x1x64xi32, #tpu.memory_space<hbm>>
      %dma_start3A_53 = tpu.memref_squeeze %dma_start3A_52 : memref<1x1x64xi32, #tpu.memory_space<hbm>> -> memref<64xi32, #tpu.memory_space<hbm>>
      %dma_start3A_54 = arith.constant 0 : i32
      %dma_start3A_55 = tpu.memref_slice %arg10[%dma_start3A_47, %dma_start3A_54] : memref<2x64xi32, #tpu.memory_space<vmem>> -> memref<1x64xi32, #tpu.memory_space<vmem>>
      %dma_start3A_56 = tpu.memref_squeeze %dma_start3A_55 : memref<1x64xi32, #tpu.memory_space<vmem>> -> memref<64xi32, #tpu.memory_space<vmem>>
      %dma_start3A_57 = arith.constant 0 : i32
      %dma_start3A_58 = tpu.memref_slice %arg7[%add3A, %dma_start3A_46, %dma_start3A_57] : memref<32x158x64xi32, #tpu.memory_space<hbm>> -> memref<1x1x64xi32, #tpu.memory_space<hbm>>
      %dma_start3A_59 = tpu.memref_squeeze %dma_start3A_58 : memref<1x1x64xi32, #tpu.memory_space<hbm>> -> memref<64xi32, #tpu.memory_space<hbm>>
      tpu.enqueue_dma source(%dma_start3A_59 : memref<64xi32, #tpu.memory_space<hbm>>) target(%dma_start3A_56 : memref<64xi32, #tpu.memory_space<vmem>>) target_semaphore(%arg25 : memref<!tpu.dma_semaphore, #tpu.memory_space<semaphore_mem>>)
      %lt3A = arith.constant 2 : i32
      %lt3A_60 = arith.cmpi slt, %scan3A_25, %lt3A : i32
      %convert_element_type3A = arith.extui %lt3A_60 : i1 to i32
      %cond3A = arith.constant 0 : i32
      %cond3A_61 = arith.cmpi ne, %convert_element_type3A, %cond3A : i32
      scf.if %cond3A_61 {
        %dma_start3A_106 = arith.constant 0 : i32
        %dma_start3A_107 = arith.constant 0 : i32
        %dma_start3A_108 = tpu.memref_slice %arg9[%dma_start3A_106, %dma_start3A_107] : memref<2x64xi32, #tpu.memory_space<vmem>> -> memref<1x64xi32, #tpu.memory_space<vmem>>
        %dma_start3A_109 = tpu.memref_squeeze %dma_start3A_108 : memref<1x64xi32, #tpu.memory_space<vmem>> -> memref<64xi32, #tpu.memory_space<vmem>>
        %dma_start3A_110 = arith.constant 0 : i32
        %dma_start3A_111 = arith.constant 0 : i32
        %dma_start3A_112 = tpu.memref_slice %arg2[%dma_start3A_110, %dma_start3A_111] : memref<10000x128xf32, #tpu.memory_space<hbm>> -> memref<10000x128xf32, #tpu.memory_space<hbm>>
        tpu.enqueue_indirect_dma source(%dma_start3A_112 : memref<10000x128xf32, #tpu.memory_space<hbm>>) target(%arg16 : memref<64x128xf32, #tpu.memory_space<vmem>>) offsets(%dma_start3A_109 : memref<64xi32, #tpu.memory_space<vmem>>) semaphore(%arg21 : memref<!tpu.dma_semaphore, #tpu.memory_space<semaphore_mem>>)
      } else {
      }
      %scan3A_62 = arith.constant 0 : i32
      %scan3A_63 = arith.constant 0 : i32
      %scan3A_64 = arith.constant 79 : i32
      %scan3A_65 = arith.addi %scan3A_63, %scan3A_64 : i32
      %scan3A_66 = arith.constant 1 : i32
      scf.for %scan3A_106 = %scan3A_63 to %scan3A_65 step %scan3A_66  : i32 {
        %mul3A_107 = arith.constant 2 : i32
        %mul3A_108 = arith.muli %scan3A_106, %mul3A_107 : i32
        %add3A_109 = arith.constant 1 : i32
        %add3A_110 = arith.addi %mul3A_108, %add3A_109 : i32
        %lt3A_111 = arith.constant 158 : i32
        %lt3A_112 = arith.cmpi slt, %add3A_110, %lt3A_111 : i32
        %convert_element_type3A_113 = arith.extui %lt3A_112 : i1 to i32
        %cond3A_114 = arith.constant 0 : i32
        %cond3A_115 = arith.cmpi ne, %convert_element_type3A_113, %cond3A_114 : i32
        scf.if %cond3A_115 {
          %dma_wait3A_620 = arith.constant 0 : i32
          %dma_wait3A_621 = arith.constant 0 : i32
          %dma_wait3A_622 = arith.constant 0 : i32
          %dma_wait3A_623 = tpu.memref_slice %arg9[%dma_wait3A_621, %dma_wait3A_622] : memref<2x64xi32, #tpu.memory_space<vmem>> -> memref<1x64xi32, #tpu.memory_space<vmem>>
          %dma_wait3A_624 = tpu.memref_squeeze %dma_wait3A_623 : memref<1x64xi32, #tpu.memory_space<vmem>> -> memref<64xi32, #tpu.memory_space<vmem>>
          %dma_wait3A_625 = arith.constant 0 : i32
          %dma_wait3A_626 = tpu.memref_slice %arg6[%add3A, %dma_wait3A_620, %dma_wait3A_625] : memref<32x158x64xi32, #tpu.memory_space<hbm>> -> memref<1x1x64xi32, #tpu.memory_space<hbm>>
          %dma_wait3A_627 = tpu.memref_squeeze %dma_wait3A_626 : memref<1x1x64xi32, #tpu.memory_space<hbm>> -> memref<64xi32, #tpu.memory_space<hbm>>
          %dma_wait3A_628 = arith.constant 0 : i32
          %dma_wait3A_629 = tpu.memref_slice %arg9[%dma_wait3A_621, %dma_wait3A_628] : memref<2x64xi32, #tpu.memory_space<vmem>> -> memref<1x64xi32, #tpu.memory_space<vmem>>
          %dma_wait3A_630 = tpu.memref_squeeze %dma_wait3A_629 : memref<1x64xi32, #tpu.memory_space<vmem>> -> memref<64xi32, #tpu.memory_space<vmem>>
          %dma_wait3A_631 = arith.constant 0 : i32
          %dma_wait3A_632 = tpu.memref_slice %arg6[%add3A, %dma_wait3A_620, %dma_wait3A_631] : memref<32x158x64xi32, #tpu.memory_space<hbm>> -> memref<1x1x64xi32, #tpu.memory_space<hbm>>
          %dma_wait3A_633 = tpu.memref_squeeze %dma_wait3A_632 : memref<1x1x64xi32, #tpu.memory_space<hbm>> -> memref<64xi32, #tpu.memory_space<hbm>>
          tpu.wait_dma2 semaphore(%arg25 : memref<!tpu.dma_semaphore, #tpu.memory_space<semaphore_mem>>) src(%dma_wait3A_633 : memref<64xi32, #tpu.memory_space<hbm>>) dst(%dma_wait3A_630 : memref<64xi32, #tpu.memory_space<vmem>>)
          %dma_wait3A_634 = arith.constant 0 : i32
          %dma_wait3A_635 = arith.constant 0 : i32
          %dma_wait3A_636 = arith.constant 0 : i32
          %dma_wait3A_637 = tpu.memref_slice %arg10[%dma_wait3A_635, %dma_wait3A_636] : memref<2x64xi32, #tpu.memory_space<vmem>> -> memref<1x64xi32, #tpu.memory_space<vmem>>
          %dma_wait3A_638 = tpu.memref_squeeze %dma_wait3A_637 : memref<1x64xi32, #tpu.memory_space<vmem>> -> memref<64xi32, #tpu.memory_space<vmem>>
          %dma_wait3A_639 = arith.constant 0 : i32
          %dma_wait3A_640 = tpu.memref_slice %arg7[%add3A, %dma_wait3A_634, %dma_wait3A_639] : memref<32x158x64xi32, #tpu.memory_space<hbm>> -> memref<1x1x64xi32, #tpu.memory_space<hbm>>
          %dma_wait3A_641 = tpu.memref_squeeze %dma_wait3A_640 : memref<1x1x64xi32, #tpu.memory_space<hbm>> -> memref<64xi32, #tpu.memory_space<hbm>>
          %dma_wait3A_642 = arith.constant 0 : i32
          %dma_wait3A_643 = tpu.memref_slice %arg10[%dma_wait3A_635, %dma_wait3A_642] : memref<2x64xi32, #tpu.memory_space<vmem>> -> memref<1x64xi32, #tpu.memory_space<vmem>>
          %dma_wait3A_644 = tpu.memref_squeeze %dma_wait3A_643 : memref<1x64xi32, #tpu.memory_space<vmem>> -> memref<64xi32, #tpu.memory_space<vmem>>
          %dma_wait3A_645 = arith.constant 0 : i32
          %dma_wait3A_646 = tpu.memref_slice %arg7[%add3A, %dma_wait3A_634, %dma_wait3A_645] : memref<32x158x64xi32, #tpu.memory_space<hbm>> -> memref<1x1x64xi32, #tpu.memory_space<hbm>>
          %dma_wait3A_647 = tpu.memref_squeeze %dma_wait3A_646 : memref<1x1x64xi32, #tpu.memory_space<hbm>> -> memref<64xi32, #tpu.memory_space<hbm>>
          tpu.wait_dma2 semaphore(%arg25 : memref<!tpu.dma_semaphore, #tpu.memory_space<semaphore_mem>>) src(%dma_wait3A_647 : memref<64xi32, #tpu.memory_space<hbm>>) dst(%dma_wait3A_644 : memref<64xi32, #tpu.memory_space<vmem>>)
          %lt3A_648 = arith.constant 2 : i32
          %lt3A_649 = arith.cmpi slt, %scan3A_25, %lt3A_648 : i32
          %convert_element_type3A_650 = arith.extui %lt3A_649 : i1 to i32
          %cond3A_651 = arith.constant 0 : i32
          %cond3A_652 = arith.cmpi ne, %convert_element_type3A_650, %cond3A_651 : i32
          scf.if %cond3A_652 {
            %dma_start3A_653 = arith.constant 1 : i32
            %dma_start3A_654 = arith.constant 0 : i32
            %dma_start3A_655 = tpu.memref_slice %arg9[%dma_start3A_653, %dma_start3A_654] : memref<2x64xi32, #tpu.memory_space<vmem>> -> memref<1x64xi32, #tpu.memory_space<vmem>>
            %dma_start3A_656 = tpu.memref_squeeze %dma_start3A_655 : memref<1x64xi32, #tpu.memory_space<vmem>> -> memref<64xi32, #tpu.memory_space<vmem>>
            %dma_start3A_657 = arith.constant 0 : i32
            %dma_start3A_658 = arith.constant 0 : i32
            %dma_start3A_659 = tpu.memref_slice %arg2[%dma_start3A_657, %dma_start3A_658] : memref<10000x128xf32, #tpu.memory_space<hbm>> -> memref<10000x128xf32, #tpu.memory_space<hbm>>
            tpu.enqueue_indirect_dma source(%dma_start3A_659 : memref<10000x128xf32, #tpu.memory_space<hbm>>) target(%arg17 : memref<64x128xf32, #tpu.memory_space<vmem>>) offsets(%dma_start3A_656 : memref<64xi32, #tpu.memory_space<vmem>>) semaphore(%arg22 : memref<!tpu.dma_semaphore, #tpu.memory_space<semaphore_mem>>)
          } else {
          }
        } else {
        }
        %lt3A_116 = arith.constant 2 : i32
        %lt3A_117 = arith.cmpi slt, %scan3A_25, %lt3A_116 : i32
        %convert_element_type3A_118 = arith.extui %lt3A_117 : i1 to i32
        %cond3A_119 = arith.constant 0 : i32
        %cond3A_120 = arith.cmpi ne, %convert_element_type3A_118, %cond3A_119 : i32
        scf.if %cond3A_120 {
          %dma_wait3A_620 = arith.constant 0 : i32
          %dma_wait3A_621 = arith.constant 0 : i32
          %dma_wait3A_622 = tpu.memref_slice %arg2[%dma_wait3A_620, %dma_wait3A_621] : memref<10000x128xf32, #tpu.memory_space<hbm>> -> memref<64x128xf32, #tpu.memory_space<hbm>>
          %dma_wait3A_623 = arith.constant 0 : i32
          %dma_wait3A_624 = arith.constant 0 : i32
          %dma_wait3A_625 = tpu.memref_slice %arg2[%dma_wait3A_623, %dma_wait3A_624] : memref<10000x128xf32, #tpu.memory_space<hbm>> -> memref<64x128xf32, #tpu.memory_space<hbm>>
          tpu.wait_dma2 semaphore(%arg21 : memref<!tpu.dma_semaphore, #tpu.memory_space<semaphore_mem>>) src(%dma_wait3A_625 : memref<64x128xf32, #tpu.memory_space<hbm>>) dst(%arg16 : memref<64x128xf32, #tpu.memory_space<vmem>>)
        } else {
        }
        %ge3A_121 = arith.constant 2 : i32
        %ge3A_122 = arith.cmpi sge, %mul3A_108, %ge3A_121 : i32
        %convert_element_type3A_123 = arith.extui %ge3A_122 : i1 to i32
        %cond3A_124 = arith.constant 0 : i32
        %cond3A_125 = arith.cmpi ne, %convert_element_type3A_123, %cond3A_124 : i32
        scf.if %cond3A_125 {
          %dma_wait3A_620 = arith.constant 0 : i32
          %dma_wait3A_621 = arith.constant 0 : i32
          %dma_wait3A_622 = tpu.memref_slice %arg2[%dma_wait3A_620, %dma_wait3A_621] : memref<10000x128xf32, #tpu.memory_space<hbm>> -> memref<64x128xf32, #tpu.memory_space<hbm>>
          %dma_wait3A_623 = arith.constant 0 : i32
          %dma_wait3A_624 = arith.constant 0 : i32
          %dma_wait3A_625 = tpu.memref_slice %arg2[%dma_wait3A_623, %dma_wait3A_624] : memref<10000x128xf32, #tpu.memory_space<hbm>> -> memref<64x128xf32, #tpu.memory_space<hbm>>
          tpu.wait_dma2 semaphore(%arg23 : memref<!tpu.dma_semaphore, #tpu.memory_space<semaphore_mem>>) src(%dma_wait3A_625 : memref<64x128xf32, #tpu.memory_space<hbm>>) dst(%arg18 : memref<64x128xf32, #tpu.memory_space<vmem>>)
        } else {
        }
        %get3A = arith.constant 0 : i32
        %get3A_126 = arith.index_cast %get3A : i32 to index
        %get3A_127 = arith.constant 0 : index
        %get3A_128 = tpu.vector_load %arg9[%get3A_126, %get3A_127] {strides = array<i32>} : memref<2x64xi32, #tpu.memory_space<vmem>>, vector<16xi32>,
        %get3A_129 = arith.constant 0 : i32
        %get3A_130 = arith.index_cast %get3A_129 : i32 to index
        %get3A_131 = arith.constant 0 : index
        %get3A_132 = tpu.vector_load %arg10[%get3A_130, %get3A_131] {strides = array<i32>} : memref<2x64xi32, #tpu.memory_space<vmem>>, vector<16xi32>,
        %gather3A = tpu.vector_load_idx %arg13[%get3A_128] : memref<10000xf32, #tpu.memory_space<vmem>>[vector<16xi32>], vector<16xf32>,
        %gather3A_133 = tpu.vector_load_idx %arg14[%get3A_132] : memref<10000xf32, #tpu.memory_space<vmem>>[vector<16xi32>], vector<16xf32>,
        %add3A_134 = arith.addf %gather3A, %gather3A_133 : vector<16xf32>
        %lt3A_135 = arith.constant 0.000000e+00 : f32
        %lt3A_136 = vector.broadcast %lt3A_135 : f32 to vector<16xf32>
        %lt3A_137 = arith.cmpf olt, %add3A_134, %lt3A_136 : vector<16xf32>
        %mul3A_138 = arith.constant 2.000000e-01 : f32
        %mul3A_139 = vector.broadcast %mul3A_138 : f32 to vector<16xf32>
        %mul3A_140 = arith.mulf %add3A_134, %mul3A_139 : vector<16xf32>
        %select_n3A = arith.select %lt3A_137, %mul3A_140, %add3A_134 : vector<16xi1>, vector<16xf32>
        %get3A_141 = arith.constant 0 : index
        %get3A_142 = tpu.vector_load %arg15[%get3A_141] {strides = array<i32>} : memref<16xf32, #tpu.memory_space<vmem>>, vector<16xf32>,
        %sub3A = arith.subf %select_n3A, %get3A_142 : vector<16xf32>
        %exp3A = math.exp %sub3A : vector<16xf32>
        %mul3A_143 = arith.constant 64 : i32
        %mul3A_144 = arith.muli %mul3A_108, %mul3A_143 : i32
        %add3A_145 = arith.constant 0 : i32
        %add3A_146 = arith.addi %mul3A_144, %add3A_145 : i32
        %add3A_147 = vector.broadcast %add3A_146 : i32 to vector<16xi32>
        %add3A_148 = arith.addi %add3A_147, %iota3A : vector<16xi32>
        %lt3A_149 = arith.constant 10000 : i32
        %lt3A_150 = vector.broadcast %lt3A_149 : i32 to vector<16xi32>
        %lt3A_151 = arith.cmpi slt, %add3A_148, %lt3A_150 : vector<16xi32>
        %jit3A = arith.constant 0.000000e+00 : f32
        %broadcast_in_dim3A_152 = vector.broadcast %jit3A : f32 to vector<16xf32>
        %select_n3A_153 = arith.select %lt3A_151, %exp3A, %broadcast_in_dim3A_152 : vector<16xi1>, vector<16xf32>
        %and3A = arith.constant 1 : i32
        %and3A_154 = vector.broadcast %and3A : i32 to vector<16xi32>
        %and3A_155 = arith.andi %get3A_132, %and3A_154 : vector<16xi32>
        %eq3A = arith.constant 1 : i32
        %eq3A_156 = vector.broadcast %eq3A : i32 to vector<16xi32>
        %eq3A_157 = arith.cmpi eq, %and3A_155, %eq3A_156 : vector<16xi32>
        %neg3A = arith.constant 0.000000e+00 : f32
        %neg3A_158 = vector.broadcast %neg3A : f32 to vector<16xf32>
        %neg3A_159 = arith.subf %neg3A_158, %select_n3A_153 : vector<16xf32>
        %select_n3A_160 = arith.select %eq3A_157, %neg3A_159, %select_n3A_153 : vector<16xi1>, vector<16xf32>
        %swap3A = arith.constant 0 : i32
        %swap3A_161 = arith.index_cast %swap3A : i32 to index
        %swap3A_162 = arith.constant 0 : index
        %swap3A_163 = tpu.vector_load %arg12[%swap3A_161, %swap3A_162] {strides = array<i32>} : memref<2x64xf32, #tpu.memory_space<vmem>>, vector<16xf32>,
        tpu.vector_store %arg12[%swap3A_161, %swap3A_162], %select_n3A_160 {strides = array<i32>} : memref<2x64xf32, #tpu.memory_space<vmem>>, vector<16xf32>,
        %shift_right_logical3A = arith.constant 1 : i32
        %shift_right_logical3A_164 = vector.broadcast %shift_right_logical3A : i32 to vector<16xi32>
        %shift_right_logical3A_165 = arith.shrui %get3A_132, %shift_right_logical3A_164 : vector<16xi32>
        %swap3A_166 = arith.constant 0 : i32
        %swap3A_167 = arith.index_cast %swap3A_166 : i32 to index
        %swap3A_168 = arith.constant 0 : index
        %swap3A_169 = tpu.vector_load %arg11[%swap3A_167, %swap3A_168] {strides = array<i32>} : memref<2x64xi32, #tpu.memory_space<vmem>>, vector<16xi32>,
        tpu.vector_store %arg11[%swap3A_167, %swap3A_168], %shift_right_logical3A_165 {strides = array<i32>} : memref<2x64xi32, #tpu.memory_space<vmem>>, vector<16xi32>,
        %get3A_170 = arith.constant 0 : i32
        %get3A_171 = arith.index_cast %get3A_170 : i32 to index
        %get3A_172 = arith.constant 16 : index
        %get3A_173 = tpu.vector_load %arg9[%get3A_171, %get3A_172] {strides = array<i32>} : memref<2x64xi32, #tpu.memory_space<vmem>>, vector<16xi32>,
        %get3A_174 = arith.constant 0 : i32
        %get3A_175 = arith.index_cast %get3A_174 : i32 to index
        %get3A_176 = arith.constant 16 : index
        %get3A_177 = tpu.vector_load %arg10[%get3A_175, %get3A_176] {strides = array<i32>} : memref<2x64xi32, #tpu.memory_space<vmem>>, vector<16xi32>,
        %gather3A_178 = tpu.vector_load_idx %arg13[%get3A_173] : memref<10000xf32, #tpu.memory_space<vmem>>[vector<16xi32>], vector<16xf32>,
        %gather3A_179 = tpu.vector_load_idx %arg14[%get3A_177] : memref<10000xf32, #tpu.memory_space<vmem>>[vector<16xi32>], vector<16xf32>,
        %add3A_180 = arith.addf %gather3A_178, %gather3A_179 : vector<16xf32>
        %lt3A_181 = arith.constant 0.000000e+00 : f32
        %lt3A_182 = vector.broadcast %lt3A_181 : f32 to vector<16xf32>
        %lt3A_183 = arith.cmpf olt, %add3A_180, %lt3A_182 : vector<16xf32>
        %mul3A_184 = arith.constant 2.000000e-01 : f32
        %mul3A_185 = vector.broadcast %mul3A_184 : f32 to vector<16xf32>
        %mul3A_186 = arith.mulf %add3A_180, %mul3A_185 : vector<16xf32>
        %select_n3A_187 = arith.select %lt3A_183, %mul3A_186, %add3A_180 : vector<16xi1>, vector<16xf32>
        %get3A_188 = arith.constant 0 : index
        %get3A_189 = tpu.vector_load %arg15[%get3A_188] {strides = array<i32>} : memref<16xf32, #tpu.memory_space<vmem>>, vector<16xf32>,
        %sub3A_190 = arith.subf %select_n3A_187, %get3A_189 : vector<16xf32>
        %exp3A_191 = math.exp %sub3A_190 : vector<16xf32>
        %mul3A_192 = arith.constant 64 : i32
        %mul3A_193 = arith.muli %mul3A_108, %mul3A_192 : i32
        %add3A_194 = arith.constant 16 : i32
        %add3A_195 = arith.addi %mul3A_193, %add3A_194 : i32
        %add3A_196 = vector.broadcast %add3A_195 : i32 to vector<16xi32>
        %add3A_197 = arith.addi %add3A_196, %iota3A : vector<16xi32>
        %lt3A_198 = arith.constant 10000 : i32
        %lt3A_199 = vector.broadcast %lt3A_198 : i32 to vector<16xi32>
        %lt3A_200 = arith.cmpi slt, %add3A_197, %lt3A_199 : vector<16xi32>
        %jit3A_201 = arith.constant 0.000000e+00 : f32
        %broadcast_in_dim3A_202 = vector.broadcast %jit3A_201 : f32 to vector<16xf32>
        %select_n3A_203 = arith.select %lt3A_200, %exp3A_191, %broadcast_in_dim3A_202 : vector<16xi1>, vector<16xf32>
        %and3A_204 = arith.constant 1 : i32
        %and3A_205 = vector.broadcast %and3A_204 : i32 to vector<16xi32>
        %and3A_206 = arith.andi %get3A_177, %and3A_205 : vector<16xi32>
        %eq3A_207 = arith.constant 1 : i32
        %eq3A_208 = vector.broadcast %eq3A_207 : i32 to vector<16xi32>
        %eq3A_209 = arith.cmpi eq, %and3A_206, %eq3A_208 : vector<16xi32>
        %neg3A_210 = arith.constant 0.000000e+00 : f32
        %neg3A_211 = vector.broadcast %neg3A_210 : f32 to vector<16xf32>
        %neg3A_212 = arith.subf %neg3A_211, %select_n3A_203 : vector<16xf32>
        %select_n3A_213 = arith.select %eq3A_209, %neg3A_212, %select_n3A_203 : vector<16xi1>, vector<16xf32>
        %swap3A_214 = arith.constant 0 : i32
        %swap3A_215 = arith.index_cast %swap3A_214 : i32 to index
        %swap3A_216 = arith.constant 16 : index
        %swap3A_217 = tpu.vector_load %arg12[%swap3A_215, %swap3A_216] {strides = array<i32>} : memref<2x64xf32, #tpu.memory_space<vmem>>, vector<16xf32>,
        tpu.vector_store %arg12[%swap3A_215, %swap3A_216], %select_n3A_213 {strides = array<i32>} : memref<2x64xf32, #tpu.memory_space<vmem>>, vector<16xf32>,
        %shift_right_logical3A_218 = arith.constant 1 : i32
        %shift_right_logical3A_219 = vector.broadcast %shift_right_logical3A_218 : i32 to vector<16xi32>
        %shift_right_logical3A_220 = arith.shrui %get3A_177, %shift_right_logical3A_219 : vector<16xi32>
        %swap3A_221 = arith.constant 0 : i32
        %swap3A_222 = arith.index_cast %swap3A_221 : i32 to index
        %swap3A_223 = arith.constant 16 : index
        %swap3A_224 = tpu.vector_load %arg11[%swap3A_222, %swap3A_223] {strides = array<i32>} : memref<2x64xi32, #tpu.memory_space<vmem>>, vector<16xi32>,
        tpu.vector_store %arg11[%swap3A_222, %swap3A_223], %shift_right_logical3A_220 {strides = array<i32>} : memref<2x64xi32, #tpu.memory_space<vmem>>, vector<16xi32>,
        %get3A_225 = arith.constant 0 : i32
        %get3A_226 = arith.index_cast %get3A_225 : i32 to index
        %get3A_227 = arith.constant 32 : index
        %get3A_228 = tpu.vector_load %arg9[%get3A_226, %get3A_227] {strides = array<i32>} : memref<2x64xi32, #tpu.memory_space<vmem>>, vector<16xi32>,
        %get3A_229 = arith.constant 0 : i32
        %get3A_230 = arith.index_cast %get3A_229 : i32 to index
        %get3A_231 = arith.constant 32 : index
        %get3A_232 = tpu.vector_load %arg10[%get3A_230, %get3A_231] {strides = array<i32>} : memref<2x64xi32, #tpu.memory_space<vmem>>, vector<16xi32>,
        %gather3A_233 = tpu.vector_load_idx %arg13[%get3A_228] : memref<10000xf32, #tpu.memory_space<vmem>>[vector<16xi32>], vector<16xf32>,
        %gather3A_234 = tpu.vector_load_idx %arg14[%get3A_232] : memref<10000xf32, #tpu.memory_space<vmem>>[vector<16xi32>], vector<16xf32>,
        %add3A_235 = arith.addf %gather3A_233, %gather3A_234 : vector<16xf32>
        %lt3A_236 = arith.constant 0.000000e+00 : f32
        %lt3A_237 = vector.broadcast %lt3A_236 : f32 to vector<16xf32>
        %lt3A_238 = arith.cmpf olt, %add3A_235, %lt3A_237 : vector<16xf32>
        %mul3A_239 = arith.constant 2.000000e-01 : f32
        %mul3A_240 = vector.broadcast %mul3A_239 : f32 to vector<16xf32>
        %mul3A_241 = arith.mulf %add3A_235, %mul3A_240 : vector<16xf32>
        %select_n3A_242 = arith.select %lt3A_238, %mul3A_241, %add3A_235 : vector<16xi1>, vector<16xf32>
        %get3A_243 = arith.constant 0 : index
        %get3A_244 = tpu.vector_load %arg15[%get3A_243] {strides = array<i32>} : memref<16xf32, #tpu.memory_space<vmem>>, vector<16xf32>,
        %sub3A_245 = arith.subf %select_n3A_242, %get3A_244 : vector<16xf32>
        %exp3A_246 = math.exp %sub3A_245 : vector<16xf32>
        %mul3A_247 = arith.constant 64 : i32
        %mul3A_248 = arith.muli %mul3A_108, %mul3A_247 : i32
        %add3A_249 = arith.constant 32 : i32
        %add3A_250 = arith.addi %mul3A_248, %add3A_249 : i32
        %add3A_251 = vector.broadcast %add3A_250 : i32 to vector<16xi32>
        %add3A_252 = arith.addi %add3A_251, %iota3A : vector<16xi32>
        %lt3A_253 = arith.constant 10000 : i32
        %lt3A_254 = vector.broadcast %lt3A_253 : i32 to vector<16xi32>
        %lt3A_255 = arith.cmpi slt, %add3A_252, %lt3A_254 : vector<16xi32>
        %jit3A_256 = arith.constant 0.000000e+00 : f32
        %broadcast_in_dim3A_257 = vector.broadcast %jit3A_256 : f32 to vector<16xf32>
        %select_n3A_258 = arith.select %lt3A_255, %exp3A_246, %broadcast_in_dim3A_257 : vector<16xi1>, vector<16xf32>
        %and3A_259 = arith.constant 1 : i32
        %and3A_260 = vector.broadcast %and3A_259 : i32 to vector<16xi32>
        %and3A_261 = arith.andi %get3A_232, %and3A_260 : vector<16xi32>
        %eq3A_262 = arith.constant 1 : i32
        %eq3A_263 = vector.broadcast %eq3A_262 : i32 to vector<16xi32>
        %eq3A_264 = arith.cmpi eq, %and3A_261, %eq3A_263 : vector<16xi32>
        %neg3A_265 = arith.constant 0.000000e+00 : f32
        %neg3A_266 = vector.broadcast %neg3A_265 : f32 to vector<16xf32>
        %neg3A_267 = arith.subf %neg3A_266, %select_n3A_258 : vector<16xf32>
        %select_n3A_268 = arith.select %eq3A_264, %neg3A_267, %select_n3A_258 : vector<16xi1>, vector<16xf32>
        %swap3A_269 = arith.constant 0 : i32
        %swap3A_270 = arith.index_cast %swap3A_269 : i32 to index
        %swap3A_271 = arith.constant 32 : index
        %swap3A_272 = tpu.vector_load %arg12[%swap3A_270, %swap3A_271] {strides = array<i32>} : memref<2x64xf32, #tpu.memory_space<vmem>>, vector<16xf32>,
        tpu.vector_store %arg12[%swap3A_270, %swap3A_271], %select_n3A_268 {strides = array<i32>} : memref<2x64xf32, #tpu.memory_space<vmem>>, vector<16xf32>,
        %shift_right_logical3A_273 = arith.constant 1 : i32
        %shift_right_logical3A_274 = vector.broadcast %shift_right_logical3A_273 : i32 to vector<16xi32>
        %shift_right_logical3A_275 = arith.shrui %get3A_232, %shift_right_logical3A_274 : vector<16xi32>
        %swap3A_276 = arith.constant 0 : i32
        %swap3A_277 = arith.index_cast %swap3A_276 : i32 to index
        %swap3A_278 = arith.constant 32 : index
        %swap3A_279 = tpu.vector_load %arg11[%swap3A_277, %swap3A_278] {strides = array<i32>} : memref<2x64xi32, #tpu.memory_space<vmem>>, vector<16xi32>,
        tpu.vector_store %arg11[%swap3A_277, %swap3A_278], %shift_right_logical3A_275 {strides = array<i32>} : memref<2x64xi32, #tpu.memory_space<vmem>>, vector<16xi32>,
        %get3A_280 = arith.constant 0 : i32
        %get3A_281 = arith.index_cast %get3A_280 : i32 to index
        %get3A_282 = arith.constant 48 : index
        %get3A_283 = tpu.vector_load %arg9[%get3A_281, %get3A_282] {strides = array<i32>} : memref<2x64xi32, #tpu.memory_space<vmem>>, vector<16xi32>,
        %get3A_284 = arith.constant 0 : i32
        %get3A_285 = arith.index_cast %get3A_284 : i32 to index
        %get3A_286 = arith.constant 48 : index
        %get3A_287 = tpu.vector_load %arg10[%get3A_285, %get3A_286] {strides = array<i32>} : memref<2x64xi32, #tpu.memory_space<vmem>>, vector<16xi32>,
        %gather3A_288 = tpu.vector_load_idx %arg13[%get3A_283] : memref<10000xf32, #tpu.memory_space<vmem>>[vector<16xi32>], vector<16xf32>,
        %gather3A_289 = tpu.vector_load_idx %arg14[%get3A_287] : memref<10000xf32, #tpu.memory_space<vmem>>[vector<16xi32>], vector<16xf32>,
        %add3A_290 = arith.addf %gather3A_288, %gather3A_289 : vector<16xf32>
        %lt3A_291 = arith.constant 0.000000e+00 : f32
        %lt3A_292 = vector.broadcast %lt3A_291 : f32 to vector<16xf32>
        %lt3A_293 = arith.cmpf olt, %add3A_290, %lt3A_292 : vector<16xf32>
        %mul3A_294 = arith.constant 2.000000e-01 : f32
        %mul3A_295 = vector.broadcast %mul3A_294 : f32 to vector<16xf32>
        %mul3A_296 = arith.mulf %add3A_290, %mul3A_295 : vector<16xf32>
        %select_n3A_297 = arith.select %lt3A_293, %mul3A_296, %add3A_290 : vector<16xi1>, vector<16xf32>
        %get3A_298 = arith.constant 0 : index
        %get3A_299 = tpu.vector_load %arg15[%get3A_298] {strides = array<i32>} : memref<16xf32, #tpu.memory_space<vmem>>, vector<16xf32>,
        %sub3A_300 = arith.subf %select_n3A_297, %get3A_299 : vector<16xf32>
        %exp3A_301 = math.exp %sub3A_300 : vector<16xf32>
        %mul3A_302 = arith.constant 64 : i32
        %mul3A_303 = arith.muli %mul3A_108, %mul3A_302 : i32
        %add3A_304 = arith.constant 48 : i32
        %add3A_305 = arith.addi %mul3A_303, %add3A_304 : i32
        %add3A_306 = vector.broadcast %add3A_305 : i32 to vector<16xi32>
        %add3A_307 = arith.addi %add3A_306, %iota3A : vector<16xi32>
        %lt3A_308 = arith.constant 10000 : i32
        %lt3A_309 = vector.broadcast %lt3A_308 : i32 to vector<16xi32>
        %lt3A_310 = arith.cmpi slt, %add3A_307, %lt3A_309 : vector<16xi32>
        %jit3A_311 = arith.constant 0.000000e+00 : f32
        %broadcast_in_dim3A_312 = vector.broadcast %jit3A_311 : f32 to vector<16xf32>
        %select_n3A_313 = arith.select %lt3A_310, %exp3A_301, %broadcast_in_dim3A_312 : vector<16xi1>, vector<16xf32>
        %and3A_314 = arith.constant 1 : i32
        %and3A_315 = vector.broadcast %and3A_314 : i32 to vector<16xi32>
        %and3A_316 = arith.andi %get3A_287, %and3A_315 : vector<16xi32>
        %eq3A_317 = arith.constant 1 : i32
        %eq3A_318 = vector.broadcast %eq3A_317 : i32 to vector<16xi32>
        %eq3A_319 = arith.cmpi eq, %and3A_316, %eq3A_318 : vector<16xi32>
        %neg3A_320 = arith.constant 0.000000e+00 : f32
        %neg3A_321 = vector.broadcast %neg3A_320 : f32 to vector<16xf32>
        %neg3A_322 = arith.subf %neg3A_321, %select_n3A_313 : vector<16xf32>
        %select_n3A_323 = arith.select %eq3A_319, %neg3A_322, %select_n3A_313 : vector<16xi1>, vector<16xf32>
        %swap3A_324 = arith.constant 0 : i32
        %swap3A_325 = arith.index_cast %swap3A_324 : i32 to index
        %swap3A_326 = arith.constant 48 : index
        %swap3A_327 = tpu.vector_load %arg12[%swap3A_325, %swap3A_326] {strides = array<i32>} : memref<2x64xf32, #tpu.memory_space<vmem>>, vector<16xf32>,
        tpu.vector_store %arg12[%swap3A_325, %swap3A_326], %select_n3A_323 {strides = array<i32>} : memref<2x64xf32, #tpu.memory_space<vmem>>, vector<16xf32>,
        %shift_right_logical3A_328 = arith.constant 1 : i32
        %shift_right_logical3A_329 = vector.broadcast %shift_right_logical3A_328 : i32 to vector<16xi32>
        %shift_right_logical3A_330 = arith.shrui %get3A_287, %shift_right_logical3A_329 : vector<16xi32>
        %swap3A_331 = arith.constant 0 : i32
        %swap3A_332 = arith.index_cast %swap3A_331 : i32 to index
        %swap3A_333 = arith.constant 48 : index
        %swap3A_334 = tpu.vector_load %arg11[%swap3A_332, %swap3A_333] {strides = array<i32>} : memref<2x64xi32, #tpu.memory_space<vmem>>, vector<16xi32>,
        tpu.vector_store %arg11[%swap3A_332, %swap3A_333], %shift_right_logical3A_330 {strides = array<i32>} : memref<2x64xi32, #tpu.memory_space<vmem>>, vector<16xi32>,
        %add3A_335 = arith.constant 2 : i32
        %add3A_336 = arith.addi %mul3A_108, %add3A_335 : i32
        %lt3A_337 = arith.constant 158 : i32
        %lt3A_338 = arith.cmpi slt, %add3A_336, %lt3A_337 : i32
        %convert_element_type3A_339 = arith.extui %lt3A_338 : i1 to i32
        %cond3A_340 = arith.constant 0 : i32
        %cond3A_341 = arith.cmpi ne, %convert_element_type3A_339, %cond3A_340 : i32
        scf.if %cond3A_341 {
          %add3A_620 = arith.constant 2 : i32
          %add3A_621 = arith.addi %mul3A_108, %add3A_620 : i32
          %dma_start3A_622 = arith.constant 0 : i32
          %dma_start3A_623 = arith.constant 0 : i32
          %dma_start3A_624 = tpu.memref_slice %arg9[%dma_start3A_622, %dma_start3A_623] : memref<2x64xi32, #tpu.memory_space<vmem>> -> memref<1x64xi32, #tpu.memory_space<vmem>>
          %dma_start3A_625 = tpu.memref_squeeze %dma_start3A_624 : memref<1x64xi32, #tpu.memory_space<vmem>> -> memref<64xi32, #tpu.memory_space<vmem>>
          %dma_start3A_626 = arith.constant 0 : i32
          %dma_start3A_627 = tpu.memref_slice %arg6[%add3A, %add3A_621, %dma_start3A_626] : memref<32x158x64xi32, #tpu.memory_space<hbm>> -> memref<1x1x64xi32, #tpu.memory_space<hbm>>
          %dma_start3A_628 = tpu.memref_squeeze %dma_start3A_627 : memref<1x1x64xi32, #tpu.memory_space<hbm>> -> memref<64xi32, #tpu.memory_space<hbm>>
          %dma_start3A_629 = arith.constant 0 : i32
          %dma_start3A_630 = tpu.memref_slice %arg9[%dma_start3A_622, %dma_start3A_629] : memref<2x64xi32, #tpu.memory_space<vmem>> -> memref<1x64xi32, #tpu.memory_space<vmem>>
          %dma_start3A_631 = tpu.memref_squeeze %dma_start3A_630 : memref<1x64xi32, #tpu.memory_space<vmem>> -> memref<64xi32, #tpu.memory_space<vmem>>
          %dma_start3A_632 = arith.constant 0 : i32
          %dma_start3A_633 = tpu.memref_slice %arg6[%add3A, %add3A_621, %dma_start3A_632] : memref<32x158x64xi32, #tpu.memory_space<hbm>> -> memref<1x1x64xi32, #tpu.memory_space<hbm>>
          %dma_start3A_634 = tpu.memref_squeeze %dma_start3A_633 : memref<1x1x64xi32, #tpu.memory_space<hbm>> -> memref<64xi32, #tpu.memory_space<hbm>>
          tpu.enqueue_dma source(%dma_start3A_634 : memref<64xi32, #tpu.memory_space<hbm>>) target(%dma_start3A_631 : memref<64xi32, #tpu.memory_space<vmem>>) target_semaphore(%arg25 : memref<!tpu.dma_semaphore, #tpu.memory_space<semaphore_mem>>)
          %dma_start3A_635 = arith.constant 0 : i32
          %dma_start3A_636 = arith.constant 0 : i32
          %dma_start3A_637 = tpu.memref_slice %arg10[%dma_start3A_635, %dma_start3A_636] : memref<2x64xi32, #tpu.memory_space<vmem>> -> memref<1x64xi32, #tpu.memory_space<vmem>>
          %dma_start3A_638 = tpu.memref_squeeze %dma_start3A_637 : memref<1x64xi32, #tpu.memory_space<vmem>> -> memref<64xi32, #tpu.memory_space<vmem>>
          %dma_start3A_639 = arith.constant 0 : i32
          %dma_start3A_640 = tpu.memref_slice %arg7[%add3A, %add3A_621, %dma_start3A_639] : memref<32x158x64xi32, #tpu.memory_space<hbm>> -> memref<1x1x64xi32, #tpu.memory_space<hbm>>
          %dma_start3A_641 = tpu.memref_squeeze %dma_start3A_640 : memref<1x1x64xi32, #tpu.memory_space<hbm>> -> memref<64xi32, #tpu.memory_space<hbm>>
          %dma_start3A_642 = arith.constant 0 : i32
          %dma_start3A_643 = tpu.memref_slice %arg10[%dma_start3A_635, %dma_start3A_642] : memref<2x64xi32, #tpu.memory_space<vmem>> -> memref<1x64xi32, #tpu.memory_space<vmem>>
          %dma_start3A_644 = tpu.memref_squeeze %dma_start3A_643 : memref<1x64xi32, #tpu.memory_space<vmem>> -> memref<64xi32, #tpu.memory_space<vmem>>
          %dma_start3A_645 = arith.constant 0 : i32
          %dma_start3A_646 = tpu.memref_slice %arg7[%add3A, %add3A_621, %dma_start3A_645] : memref<32x158x64xi32, #tpu.memory_space<hbm>> -> memref<1x1x64xi32, #tpu.memory_space<hbm>>
          %dma_start3A_647 = tpu.memref_squeeze %dma_start3A_646 : memref<1x1x64xi32, #tpu.memory_space<hbm>> -> memref<64xi32, #tpu.memory_space<hbm>>
          tpu.enqueue_dma source(%dma_start3A_647 : memref<64xi32, #tpu.memory_space<hbm>>) target(%dma_start3A_644 : memref<64xi32, #tpu.memory_space<vmem>>) target_semaphore(%arg25 : memref<!tpu.dma_semaphore, #tpu.memory_space<semaphore_mem>>)
        } else {
        }
        %broadcast_in_dim3A_342 = arith.constant 0 : i32
        %broadcast_in_dim3A_343 = vector.broadcast %broadcast_in_dim3A_342 : i32 to vector<16xi32>
        %scan3A_344 = arith.constant 0 : i32
        %scan3A_345 = arith.constant 0 : i32
        %scan3A_346 = arith.constant 64 : i32
        %scan3A_347 = arith.addi %scan3A_345, %scan3A_346 : i32
        %scan3A_348 = arith.constant 1 : i32
        scf.for %scan3A_620 = %scan3A_345 to %scan3A_347 step %scan3A_348  : i32 {
          %broadcast_in_dim3A_621 = vector.broadcast %scan3A_620 : i32 to vector<16xi32>
          %gather3A_622 = tpu.vector_load_idx %arg12[%broadcast_in_dim3A_343, %broadcast_in_dim3A_621] : memref<2x64xf32, #tpu.memory_space<vmem>>[vector<16xi32>, vector<16xi32>], vector<16xf32>,
          %lt3A_623 = arith.constant 0.000000e+00 : f32
          %lt3A_624 = vector.broadcast %lt3A_623 : f32 to vector<16xf32>
          %lt3A_625 = arith.cmpf olt, %gather3A_622, %lt3A_624 : vector<16xf32>
          %abs3A = math.absf %gather3A_622 : vector<16xf32>
          %mul3A_626 = arith.constant 64 : i32
          %mul3A_627 = arith.muli %mul3A_626, %min3A_26 : i32
          %add3A_628 = arith.constant 0 : i32
          %add3A_629 = arith.addi %mul3A_627, %add3A_628 : i32
          %get3A_630 = arith.index_cast %scan3A_620 : i32 to index
          %get3A_631 = arith.index_cast %add3A_629 : i32 to index
          %get3A_632 = tpu.vector_load %arg16[%get3A_630, %get3A_631] {strides = array<i32>} : memref<64x128xf32, #tpu.memory_space<vmem>>, vector<16xf32>,
          %mul3A_633 = arith.mulf %get3A_632, %abs3A : vector<16xf32>
          %eq3A_634 = arith.constant 0 : i32
          %eq3A_635 = vector.broadcast %eq3A_634 : i32 to vector<16xi32>
          %eq3A_636 = arith.cmpi eq, %iota3A, %eq3A_635 : vector<16xi32>
          %jit3A_637 = arith.constant 0.000000e+00 : f32
          %broadcast_in_dim3A_638 = vector.broadcast %jit3A_637 : f32 to vector<16xf32>
          %select_n3A_639 = arith.select %eq3A_636, %abs3A, %broadcast_in_dim3A_638 : vector<16xi1>, vector<16xf32>
          %select_n3A_640 = arith.select %ge3A_29, %select_n3A_639, %mul3A_633 : vector<16xi1>, vector<16xf32>
          %not3A = arith.constant dense<true> : vector<16xi1>
          %not3A_641 = arith.xori %lt3A_625, %not3A : vector<16xi1>
          %jit3A_642 = arith.constant 0.000000e+00 : f32
          %broadcast_in_dim3A_643 = vector.broadcast %jit3A_642 : f32 to vector<16xf32>
          %select_n3A_644 = arith.select %not3A_641, %select_n3A_640, %broadcast_in_dim3A_643 : vector<16xi1>, vector<16xf32>
          %swap3A_645 = arith.index_cast %scan3A_620 : i32 to index
          %swap3A_646 = arith.constant 0 : index
          %swap3A_647 = tpu.vector_load %arg18[%swap3A_645, %swap3A_646] {strides = array<i32>} : memref<64x128xf32, #tpu.memory_space<vmem>>, vector<16xf32>,
          tpu.vector_store %arg18[%swap3A_645, %swap3A_646], %select_n3A_644 {strides = array<i32>} : memref<64x128xf32, #tpu.memory_space<vmem>>, vector<16xf32>,
          %mul3A_648 = arith.constant 64 : i32
          %mul3A_649 = arith.muli %mul3A_648, %min3A_26 : i32
          %add3A_650 = arith.constant 16 : i32
          %add3A_651 = arith.addi %mul3A_649, %add3A_650 : i32
          %get3A_652 = arith.index_cast %scan3A_620 : i32 to index
          %get3A_653 = arith.index_cast %add3A_651 : i32 to index
          %get3A_654 = tpu.vector_load %arg16[%get3A_652, %get3A_653] {strides = array<i32>} : memref<64x128xf32, #tpu.memory_space<vmem>>, vector<16xf32>,
          %mul3A_655 = arith.mulf %get3A_654, %abs3A : vector<16xf32>
          %broadcast_in_dim3A_656 = arith.constant 0.000000e+00 : f32
          %broadcast_in_dim3A_657 = vector.broadcast %broadcast_in_dim3A_656 : f32 to vector<16xf32>
          %select_n3A_658 = arith.select %ge3A_29, %broadcast_in_dim3A_657, %mul3A_655 : vector<16xi1>, vector<16xf32>
          %not3A_659 = arith.constant dense<true> : vector<16xi1>
          %not3A_660 = arith.xori %lt3A_625, %not3A_659 : vector<16xi1>
          %jit3A_661 = arith.constant 0.000000e+00 : f32
          %broadcast_in_dim3A_662 = vector.broadcast %jit3A_661 : f32 to vector<16xf32>
          %select_n3A_663 = arith.select %not3A_660, %select_n3A_658, %broadcast_in_dim3A_662 : vector<16xi1>, vector<16xf32>
          %swap3A_664 = arith.index_cast %scan3A_620 : i32 to index
          %swap3A_665 = arith.constant 16 : index
          %swap3A_666 = tpu.vector_load %arg18[%swap3A_664, %swap3A_665] {strides = array<i32>} : memref<64x128xf32, #tpu.memory_space<vmem>>, vector<16xf32>,
          tpu.vector_store %arg18[%swap3A_664, %swap3A_665], %select_n3A_663 {strides = array<i32>} : memref<64x128xf32, #tpu.memory_space<vmem>>, vector<16xf32>,
          %mul3A_667 = arith.constant 64 : i32
          %mul3A_668 = arith.muli %mul3A_667, %min3A_26 : i32
          %add3A_669 = arith.constant 32 : i32
          %add3A_670 = arith.addi %mul3A_668, %add3A_669 : i32
          %get3A_671 = arith.index_cast %scan3A_620 : i32 to index
          %get3A_672 = arith.index_cast %add3A_670 : i32 to index
          %get3A_673 = tpu.vector_load %arg16[%get3A_671, %get3A_672] {strides = array<i32>} : memref<64x128xf32, #tpu.memory_space<vmem>>, vector<16xf32>,
          %mul3A_674 = arith.mulf %get3A_673, %abs3A : vector<16xf32>
          %broadcast_in_dim3A_675 = arith.constant 0.000000e+00 : f32
          %broadcast_in_dim3A_676 = vector.broadcast %broadcast_in_dim3A_675 : f32 to vector<16xf32>
          %select_n3A_677 = arith.select %ge3A_29, %broadcast_in_dim3A_676, %mul3A_674 : vector<16xi1>, vector<16xf32>
          %not3A_678 = arith.constant dense<true> : vector<16xi1>
          %not3A_679 = arith.xori %lt3A_625, %not3A_678 : vector<16xi1>
          %jit3A_680 = arith.constant 0.000000e+00 : f32
          %broadcast_in_dim3A_681 = vector.broadcast %jit3A_680 : f32 to vector<16xf32>
          %select_n3A_682 = arith.select %not3A_679, %select_n3A_677, %broadcast_in_dim3A_681 : vector<16xi1>, vector<16xf32>
          %swap3A_683 = arith.index_cast %scan3A_620 : i32 to index
          %swap3A_684 = arith.constant 32 : index
          %swap3A_685 = tpu.vector_load %arg18[%swap3A_683, %swap3A_684] {strides = array<i32>} : memref<64x128xf32, #tpu.memory_space<vmem>>, vector<16xf32>,
          tpu.vector_store %arg18[%swap3A_683, %swap3A_684], %select_n3A_682 {strides = array<i32>} : memref<64x128xf32, #tpu.memory_space<vmem>>, vector<16xf32>,
          %mul3A_686 = arith.constant 64 : i32
          %mul3A_687 = arith.muli %mul3A_686, %min3A_26 : i32
          %add3A_688 = arith.constant 48 : i32
          %add3A_689 = arith.addi %mul3A_687, %add3A_688 : i32
          %get3A_690 = arith.index_cast %scan3A_620 : i32 to index
          %get3A_691 = arith.index_cast %add3A_689 : i32 to index
          %get3A_692 = tpu.vector_load %arg16[%get3A_690, %get3A_691] {strides = array<i32>} : memref<64x128xf32, #tpu.memory_space<vmem>>, vector<16xf32>,
          %mul3A_693 = arith.mulf %get3A_692, %abs3A : vector<16xf32>
          %broadcast_in_dim3A_694 = arith.constant 0.000000e+00 : f32
          %broadcast_in_dim3A_695 = vector.broadcast %broadcast_in_dim3A_694 : f32 to vector<16xf32>
          %select_n3A_696 = arith.select %ge3A_29, %broadcast_in_dim3A_695, %mul3A_693 : vector<16xi1>, vector<16xf32>
          %not3A_697 = arith.constant dense<true> : vector<16xi1>
          %not3A_698 = arith.xori %lt3A_625, %not3A_697 : vector<16xi1>
          %jit3A_699 = arith.constant 0.000000e+00 : f32
          %broadcast_in_dim3A_700 = vector.broadcast %jit3A_699 : f32 to vector<16xf32>
          %select_n3A_701 = arith.select %not3A_698, %select_n3A_696, %broadcast_in_dim3A_700 : vector<16xi1>, vector<16xf32>
          %swap3A_702 = arith.index_cast %scan3A_620 : i32 to index
          %swap3A_703 = arith.constant 48 : index
          %swap3A_704 = tpu.vector_load %arg18[%swap3A_702, %swap3A_703] {strides = array<i32>} : memref<64x128xf32, #tpu.memory_space<vmem>>, vector<16xf32>,
          tpu.vector_store %arg18[%swap3A_702, %swap3A_703], %select_n3A_701 {strides = array<i32>} : memref<64x128xf32, #tpu.memory_space<vmem>>, vector<16xf32>,
          %mul3A_705 = arith.constant 64 : i32
          %mul3A_706 = arith.muli %mul3A_705, %min3A_26 : i32
          %add3A_707 = arith.constant 0 : i32
          %add3A_708 = arith.addi %mul3A_706, %add3A_707 : i32
          %get3A_709 = arith.index_cast %scan3A_620 : i32 to index
          %get3A_710 = arith.index_cast %add3A_708 : i32 to index
          %get3A_711 = tpu.vector_load %arg16[%get3A_709, %get3A_710] {strides = array<i32>} : memref<64x128xf32, #tpu.memory_space<vmem>>, vector<16xf32>,
          %mul3A_712 = arith.mulf %get3A_711, %abs3A : vector<16xf32>
          %eq3A_713 = arith.constant 0 : i32
          %eq3A_714 = vector.broadcast %eq3A_713 : i32 to vector<16xi32>
          %eq3A_715 = arith.cmpi eq, %iota3A, %eq3A_714 : vector<16xi32>
          %jit3A_716 = arith.constant 0.000000e+00 : f32
          %broadcast_in_dim3A_717 = vector.broadcast %jit3A_716 : f32 to vector<16xf32>
          %select_n3A_718 = arith.select %eq3A_715, %abs3A, %broadcast_in_dim3A_717 : vector<16xi1>, vector<16xf32>
          %select_n3A_719 = arith.select %ge3A_29, %select_n3A_718, %mul3A_712 : vector<16xi1>, vector<16xf32>
          %jit3A_720 = arith.constant 0.000000e+00 : f32
          %broadcast_in_dim3A_721 = vector.broadcast %jit3A_720 : f32 to vector<16xf32>
          %select_n3A_722 = arith.select %lt3A_625, %select_n3A_719, %broadcast_in_dim3A_721 : vector<16xi1>, vector<16xf32>
          %swap3A_723 = arith.index_cast %scan3A_620 : i32 to index
          %swap3A_724 = arith.constant 64 : index
          %swap3A_725 = tpu.vector_load %arg18[%swap3A_723, %swap3A_724] {strides = array<i32>} : memref<64x128xf32, #tpu.memory_space<vmem>>, vector<16xf32>,
          tpu.vector_store %arg18[%swap3A_723, %swap3A_724], %select_n3A_722 {strides = array<i32>} : memref<64x128xf32, #tpu.memory_space<vmem>>, vector<16xf32>,
          %mul3A_726 = arith.constant 64 : i32
          %mul3A_727 = arith.muli %mul3A_726, %min3A_26 : i32
          %add3A_728 = arith.constant 16 : i32
          %add3A_729 = arith.addi %mul3A_727, %add3A_728 : i32
          %get3A_730 = arith.index_cast %scan3A_620 : i32 to index
          %get3A_731 = arith.index_cast %add3A_729 : i32 to index
          %get3A_732 = tpu.vector_load %arg16[%get3A_730, %get3A_731] {strides = array<i32>} : memref<64x128xf32, #tpu.memory_space<vmem>>, vector<16xf32>,
          %mul3A_733 = arith.mulf %get3A_732, %abs3A : vector<16xf32>
          %broadcast_in_dim3A_734 = arith.constant 0.000000e+00 : f32
          %broadcast_in_dim3A_735 = vector.broadcast %broadcast_in_dim3A_734 : f32 to vector<16xf32>
          %select_n3A_736 = arith.select %ge3A_29, %broadcast_in_dim3A_735, %mul3A_733 : vector<16xi1>, vector<16xf32>
          %jit3A_737 = arith.constant 0.000000e+00 : f32
          %broadcast_in_dim3A_738 = vector.broadcast %jit3A_737 : f32 to vector<16xf32>
          %select_n3A_739 = arith.select %lt3A_625, %select_n3A_736, %broadcast_in_dim3A_738 : vector<16xi1>, vector<16xf32>
          %swap3A_740 = arith.index_cast %scan3A_620 : i32 to index
          %swap3A_741 = arith.constant 80 : index
          %swap3A_742 = tpu.vector_load %arg18[%swap3A_740, %swap3A_741] {strides = array<i32>} : memref<64x128xf32, #tpu.memory_space<vmem>>, vector<16xf32>,
          tpu.vector_store %arg18[%swap3A_740, %swap3A_741], %select_n3A_739 {strides = array<i32>} : memref<64x128xf32, #tpu.memory_space<vmem>>, vector<16xf32>,
          %mul3A_743 = arith.constant 64 : i32
          %mul3A_744 = arith.muli %mul3A_743, %min3A_26 : i32
          %add3A_745 = arith.constant 32 : i32
          %add3A_746 = arith.addi %mul3A_744, %add3A_745 : i32
          %get3A_747 = arith.index_cast %scan3A_620 : i32 to index
          %get3A_748 = arith.index_cast %add3A_746 : i32 to index
          %get3A_749 = tpu.vector_load %arg16[%get3A_747, %get3A_748] {strides = array<i32>} : memref<64x128xf32, #tpu.memory_space<vmem>>, vector<16xf32>,
          %mul3A_750 = arith.mulf %get3A_749, %abs3A : vector<16xf32>
          %broadcast_in_dim3A_751 = arith.constant 0.000000e+00 : f32
          %broadcast_in_dim3A_752 = vector.broadcast %broadcast_in_dim3A_751 : f32 to vector<16xf32>
          %select_n3A_753 = arith.select %ge3A_29, %broadcast_in_dim3A_752, %mul3A_750 : vector<16xi1>, vector<16xf32>
          %jit3A_754 = arith.constant 0.000000e+00 : f32
          %broadcast_in_dim3A_755 = vector.broadcast %jit3A_754 : f32 to vector<16xf32>
          %select_n3A_756 = arith.select %lt3A_625, %select_n3A_753, %broadcast_in_dim3A_755 : vector<16xi1>, vector<16xf32>
          %swap3A_757 = arith.index_cast %scan3A_620 : i32 to index
          %swap3A_758 = arith.constant 96 : index
          %swap3A_759 = tpu.vector_load %arg18[%swap3A_757, %swap3A_758] {strides = array<i32>} : memref<64x128xf32, #tpu.memory_space<vmem>>, vector<16xf32>,
          tpu.vector_store %arg18[%swap3A_757, %swap3A_758], %select_n3A_756 {strides = array<i32>} : memref<64x128xf32, #tpu.memory_space<vmem>>, vector<16xf32>,
          %mul3A_760 = arith.constant 64 : i32
          %mul3A_761 = arith.muli %mul3A_760, %min3A_26 : i32
          %add3A_762 = arith.constant 48 : i32
          %add3A_763 = arith.addi %mul3A_761, %add3A_762 : i32
          %get3A_764 = arith.index_cast %scan3A_620 : i32 to index
          %get3A_765 = arith.index_cast %add3A_763 : i32 to index
          %get3A_766 = tpu.vector_load %arg16[%get3A_764, %get3A_765] {strides = array<i32>} : memref<64x128xf32, #tpu.memory_space<vmem>>, vector<16xf32>,
          %mul3A_767 = arith.mulf %get3A_766, %abs3A : vector<16xf32>
          %broadcast_in_dim3A_768 = arith.constant 0.000000e+00 : f32
          %broadcast_in_dim3A_769 = vector.broadcast %broadcast_in_dim3A_768 : f32 to vector<16xf32>
          %select_n3A_770 = arith.select %ge3A_29, %broadcast_in_dim3A_769, %mul3A_767 : vector<16xi1>, vector<16xf32>
          %jit3A_771 = arith.constant 0.000000e+00 : f32
          %broadcast_in_dim3A_772 = vector.broadcast %jit3A_771 : f32 to vector<16xf32>
          %select_n3A_773 = arith.select %lt3A_625, %select_n3A_770, %broadcast_in_dim3A_772 : vector<16xi1>, vector<16xf32>
          %swap3A_774 = arith.index_cast %scan3A_620 : i32 to index
          %swap3A_775 = arith.constant 112 : index
          %swap3A_776 = tpu.vector_load %arg18[%swap3A_774, %swap3A_775] {strides = array<i32>} : memref<64x128xf32, #tpu.memory_space<vmem>>, vector<16xf32>,
          tpu.vector_store %arg18[%swap3A_774, %swap3A_775], %select_n3A_773 {strides = array<i32>} : memref<64x128xf32, #tpu.memory_space<vmem>>, vector<16xf32>,
        }
        %scan3A_349 = arith.constant 64 : i32
        %dma_start3A_350 = arith.constant 0 : i32
        %dma_start3A_351 = arith.constant 0 : i32
        %dma_start3A_352 = tpu.memref_slice %arg11[%dma_start3A_350, %dma_start3A_351] : memref<2x64xi32, #tpu.memory_space<vmem>> -> memref<1x64xi32, #tpu.memory_space<vmem>>
        %dma_start3A_353 = tpu.memref_squeeze %dma_start3A_352 : memref<1x64xi32, #tpu.memory_space<vmem>> -> memref<64xi32, #tpu.memory_space<vmem>>
        %dma_start3A_354 = arith.constant 0 : i32
        %dma_start3A_355 = arith.constant 0 : i32
        %dma_start3A_356 = tpu.memref_slice %arg20[%dma_start3A_354, %dma_start3A_355] : memref<5120x128xf32, #tpu.memory_space<vmem_shared>> -> memref<5120x128xf32, #tpu.memory_space<vmem_shared>>
        tpu.enqueue_indirect_dma source(%arg18 : memref<64x128xf32, #tpu.memory_space<vmem>>) target(%dma_start3A_356 : memref<5120x128xf32, #tpu.memory_space<vmem_shared>>) offsets(%dma_start3A_353 : memref<64xi32, #tpu.memory_space<vmem>>) semaphore(%arg23 : memref<!tpu.dma_semaphore, #tpu.memory_space<semaphore_mem>>) {add = true}
        %mul3A_357 = arith.constant 2 : i32
        %mul3A_358 = arith.muli %scan3A_106, %mul3A_357 : i32
        %add3A_359 = arith.constant 1 : i32
        %add3A_360 = arith.addi %mul3A_358, %add3A_359 : i32
        %add3A_361 = arith.constant 1 : i32
        %add3A_362 = arith.addi %add3A_360, %add3A_361 : i32
        %lt3A_363 = arith.constant 158 : i32
        %lt3A_364 = arith.cmpi slt, %add3A_362, %lt3A_363 : i32
        %convert_element_type3A_365 = arith.extui %lt3A_364 : i1 to i32
        %cond3A_366 = arith.constant 0 : i32
        %cond3A_367 = arith.cmpi ne, %convert_element_type3A_365, %cond3A_366 : i32
        scf.if %cond3A_367 {
          %dma_wait3A_620 = arith.constant 0 : i32
          %dma_wait3A_621 = arith.constant 0 : i32
          %dma_wait3A_622 = arith.constant 0 : i32
          %dma_wait3A_623 = tpu.memref_slice %arg9[%dma_wait3A_621, %dma_wait3A_622] : memref<2x64xi32, #tpu.memory_space<vmem>> -> memref<1x64xi32, #tpu.memory_space<vmem>>
          %dma_wait3A_624 = tpu.memref_squeeze %dma_wait3A_623 : memref<1x64xi32, #tpu.memory_space<vmem>> -> memref<64xi32, #tpu.memory_space<vmem>>
          %dma_wait3A_625 = arith.constant 0 : i32
          %dma_wait3A_626 = tpu.memref_slice %arg6[%add3A, %dma_wait3A_620, %dma_wait3A_625] : memref<32x158x64xi32, #tpu.memory_space<hbm>> -> memref<1x1x64xi32, #tpu.memory_space<hbm>>
          %dma_wait3A_627 = tpu.memref_squeeze %dma_wait3A_626 : memref<1x1x64xi32, #tpu.memory_space<hbm>> -> memref<64xi32, #tpu.memory_space<hbm>>
          %dma_wait3A_628 = arith.constant 0 : i32
          %dma_wait3A_629 = tpu.memref_slice %arg9[%dma_wait3A_621, %dma_wait3A_628] : memref<2x64xi32, #tpu.memory_space<vmem>> -> memref<1x64xi32, #tpu.memory_space<vmem>>
          %dma_wait3A_630 = tpu.memref_squeeze %dma_wait3A_629 : memref<1x64xi32, #tpu.memory_space<vmem>> -> memref<64xi32, #tpu.memory_space<vmem>>
          %dma_wait3A_631 = arith.constant 0 : i32
          %dma_wait3A_632 = tpu.memref_slice %arg6[%add3A, %dma_wait3A_620, %dma_wait3A_631] : memref<32x158x64xi32, #tpu.memory_space<hbm>> -> memref<1x1x64xi32, #tpu.memory_space<hbm>>
          %dma_wait3A_633 = tpu.memref_squeeze %dma_wait3A_632 : memref<1x1x64xi32, #tpu.memory_space<hbm>> -> memref<64xi32, #tpu.memory_space<hbm>>
          tpu.wait_dma2 semaphore(%arg25 : memref<!tpu.dma_semaphore, #tpu.memory_space<semaphore_mem>>) src(%dma_wait3A_633 : memref<64xi32, #tpu.memory_space<hbm>>) dst(%dma_wait3A_630 : memref<64xi32, #tpu.memory_space<vmem>>)
          %dma_wait3A_634 = arith.constant 0 : i32
          %dma_wait3A_635 = arith.constant 0 : i32
          %dma_wait3A_636 = arith.constant 0 : i32
          %dma_wait3A_637 = tpu.memref_slice %arg10[%dma_wait3A_635, %dma_wait3A_636] : memref<2x64xi32, #tpu.memory_space<vmem>> -> memref<1x64xi32, #tpu.memory_space<vmem>>
          %dma_wait3A_638 = tpu.memref_squeeze %dma_wait3A_637 : memref<1x64xi32, #tpu.memory_space<vmem>> -> memref<64xi32, #tpu.memory_space<vmem>>
          %dma_wait3A_639 = arith.constant 0 : i32
          %dma_wait3A_640 = tpu.memref_slice %arg7[%add3A, %dma_wait3A_634, %dma_wait3A_639] : memref<32x158x64xi32, #tpu.memory_space<hbm>> -> memref<1x1x64xi32, #tpu.memory_space<hbm>>
          %dma_wait3A_641 = tpu.memref_squeeze %dma_wait3A_640 : memref<1x1x64xi32, #tpu.memory_space<hbm>> -> memref<64xi32, #tpu.memory_space<hbm>>
          %dma_wait3A_642 = arith.constant 0 : i32
          %dma_wait3A_643 = tpu.memref_slice %arg10[%dma_wait3A_635, %dma_wait3A_642] : memref<2x64xi32, #tpu.memory_space<vmem>> -> memref<1x64xi32, #tpu.memory_space<vmem>>
          %dma_wait3A_644 = tpu.memref_squeeze %dma_wait3A_643 : memref<1x64xi32, #tpu.memory_space<vmem>> -> memref<64xi32, #tpu.memory_space<vmem>>
          %dma_wait3A_645 = arith.constant 0 : i32
          %dma_wait3A_646 = tpu.memref_slice %arg7[%add3A, %dma_wait3A_634, %dma_wait3A_645] : memref<32x158x64xi32, #tpu.memory_space<hbm>> -> memref<1x1x64xi32, #tpu.memory_space<hbm>>
          %dma_wait3A_647 = tpu.memref_squeeze %dma_wait3A_646 : memref<1x1x64xi32, #tpu.memory_space<hbm>> -> memref<64xi32, #tpu.memory_space<hbm>>
          tpu.wait_dma2 semaphore(%arg25 : memref<!tpu.dma_semaphore, #tpu.memory_space<semaphore_mem>>) src(%dma_wait3A_647 : memref<64xi32, #tpu.memory_space<hbm>>) dst(%dma_wait3A_644 : memref<64xi32, #tpu.memory_space<vmem>>)
          %lt3A_648 = arith.constant 2 : i32
          %lt3A_649 = arith.cmpi slt, %scan3A_25, %lt3A_648 : i32
          %convert_element_type3A_650 = arith.extui %lt3A_649 : i1 to i32
          %cond3A_651 = arith.constant 0 : i32
          %cond3A_652 = arith.cmpi ne, %convert_element_type3A_650, %cond3A_651 : i32
          scf.if %cond3A_652 {
            %dma_start3A_653 = arith.constant 0 : i32
            %dma_start3A_654 = arith.constant 0 : i32
            %dma_start3A_655 = tpu.memref_slice %arg9[%dma_start3A_653, %dma_start3A_654] : memref<2x64xi32, #tpu.memory_space<vmem>> -> memref<1x64xi32, #tpu.memory_space<vmem>>
            %dma_start3A_656 = tpu.memref_squeeze %dma_start3A_655 : memref<1x64xi32, #tpu.memory_space<vmem>> -> memref<64xi32, #tpu.memory_space<vmem>>
            %dma_start3A_657 = arith.constant 0 : i32
            %dma_start3A_658 = arith.constant 0 : i32
            %dma_start3A_659 = tpu.memref_slice %arg2[%dma_start3A_657, %dma_start3A_658] : memref<10000x128xf32, #tpu.memory_space<hbm>> -> memref<10000x128xf32, #tpu.memory_space<hbm>>
            tpu.enqueue_indirect_dma source(%dma_start3A_659 : memref<10000x128xf32, #tpu.memory_space<hbm>>) target(%arg16 : memref<64x128xf32, #tpu.memory_space<vmem>>) offsets(%dma_start3A_656 : memref<64xi32, #tpu.memory_space<vmem>>) semaphore(%arg21 : memref<!tpu.dma_semaphore, #tpu.memory_space<semaphore_mem>>)
          } else {
          }
        } else {
        }
        %lt3A_368 = arith.constant 2 : i32
        %lt3A_369 = arith.cmpi slt, %scan3A_25, %lt3A_368 : i32
        %convert_element_type3A_370 = arith.extui %lt3A_369 : i1 to i32
        %cond3A_371 = arith.constant 0 : i32
        %cond3A_372 = arith.cmpi ne, %convert_element_type3A_370, %cond3A_371 : i32
        scf.if %cond3A_372 {
          %dma_wait3A_620 = arith.constant 0 : i32
          %dma_wait3A_621 = arith.constant 0 : i32
          %dma_wait3A_622 = tpu.memref_slice %arg2[%dma_wait3A_620, %dma_wait3A_621] : memref<10000x128xf32, #tpu.memory_space<hbm>> -> memref<64x128xf32, #tpu.memory_space<hbm>>
          %dma_wait3A_623 = arith.constant 0 : i32
          %dma_wait3A_624 = arith.constant 0 : i32
          %dma_wait3A_625 = tpu.memref_slice %arg2[%dma_wait3A_623, %dma_wait3A_624] : memref<10000x128xf32, #tpu.memory_space<hbm>> -> memref<64x128xf32, #tpu.memory_space<hbm>>
          tpu.wait_dma2 semaphore(%arg22 : memref<!tpu.dma_semaphore, #tpu.memory_space<semaphore_mem>>) src(%dma_wait3A_625 : memref<64x128xf32, #tpu.memory_space<hbm>>) dst(%arg17 : memref<64x128xf32, #tpu.memory_space<vmem>>)
        } else {
        }
        %ge3A_373 = arith.constant 2 : i32
        %ge3A_374 = arith.cmpi sge, %add3A_360, %ge3A_373 : i32
        %convert_element_type3A_375 = arith.extui %ge3A_374 : i1 to i32
        %cond3A_376 = arith.constant 0 : i32
        %cond3A_377 = arith.cmpi ne, %convert_element_type3A_375, %cond3A_376 : i32
        scf.if %cond3A_377 {
          %dma_wait3A_620 = arith.constant 0 : i32
          %dma_wait3A_621 = arith.constant 0 : i32
          %dma_wait3A_622 = tpu.memref_slice %arg2[%dma_wait3A_620, %dma_wait3A_621] : memref<10000x128xf32, #tpu.memory_space<hbm>> -> memref<64x128xf32, #tpu.memory_space<hbm>>
          %dma_wait3A_623 = arith.constant 0 : i32
          %dma_wait3A_624 = arith.constant 0 : i32
          %dma_wait3A_625 = tpu.memref_slice %arg2[%dma_wait3A_623, %dma_wait3A_624] : memref<10000x128xf32, #tpu.memory_space<hbm>> -> memref<64x128xf32, #tpu.memory_space<hbm>>
          tpu.wait_dma2 semaphore(%arg24 : memref<!tpu.dma_semaphore, #tpu.memory_space<semaphore_mem>>) src(%dma_wait3A_625 : memref<64x128xf32, #tpu.memory_space<hbm>>) dst(%arg19 : memref<64x128xf32, #tpu.memory_space<vmem>>)
        } else {
        }
        %get3A_378 = arith.constant 1 : i32
        %get3A_379 = arith.index_cast %get3A_378 : i32 to index
        %get3A_380 = arith.constant 0 : index
        %get3A_381 = tpu.vector_load %arg9[%get3A_379, %get3A_380] {strides = array<i32>} : memref<2x64xi32, #tpu.memory_space<vmem>>, vector<16xi32>,
        %get3A_382 = arith.constant 1 : i32
        %get3A_383 = arith.index_cast %get3A_382 : i32 to index
        %get3A_384 = arith.constant 0 : index
        %get3A_385 = tpu.vector_load %arg10[%get3A_383, %get3A_384] {strides = array<i32>} : memref<2x64xi32, #tpu.memory_space<vmem>>, vector<16xi32>,
        %gather3A_386 = tpu.vector_load_idx %arg13[%get3A_381] : memref<10000xf32, #tpu.memory_space<vmem>>[vector<16xi32>], vector<16xf32>,
        %gather3A_387 = tpu.vector_load_idx %arg14[%get3A_385] : memref<10000xf32, #tpu.memory_space<vmem>>[vector<16xi32>], vector<16xf32>,
        %add3A_388 = arith.addf %gather3A_386, %gather3A_387 : vector<16xf32>
        %lt3A_389 = arith.constant 0.000000e+00 : f32
        %lt3A_390 = vector.broadcast %lt3A_389 : f32 to vector<16xf32>
        %lt3A_391 = arith.cmpf olt, %add3A_388, %lt3A_390 : vector<16xf32>
        %mul3A_392 = arith.constant 2.000000e-01 : f32
        %mul3A_393 = vector.broadcast %mul3A_392 : f32 to vector<16xf32>
        %mul3A_394 = arith.mulf %add3A_388, %mul3A_393 : vector<16xf32>
        %select_n3A_395 = arith.select %lt3A_391, %mul3A_394, %add3A_388 : vector<16xi1>, vector<16xf32>
        %get3A_396 = arith.constant 0 : index
        %get3A_397 = tpu.vector_load %arg15[%get3A_396] {strides = array<i32>} : memref<16xf32, #tpu.memory_space<vmem>>, vector<16xf32>,
        %sub3A_398 = arith.subf %select_n3A_395, %get3A_397 : vector<16xf32>
        %exp3A_399 = math.exp %sub3A_398 : vector<16xf32>
        %mul3A_400 = arith.constant 64 : i32
        %mul3A_401 = arith.muli %add3A_360, %mul3A_400 : i32
        %add3A_402 = arith.constant 0 : i32
        %add3A_403 = arith.addi %mul3A_401, %add3A_402 : i32
        %add3A_404 = vector.broadcast %add3A_403 : i32 to vector<16xi32>
        %add3A_405 = arith.addi %add3A_404, %iota3A : vector<16xi32>
        %lt3A_406 = arith.constant 10000 : i32
        %lt3A_407 = vector.broadcast %lt3A_406 : i32 to vector<16xi32>
        %lt3A_408 = arith.cmpi slt, %add3A_405, %lt3A_407 : vector<16xi32>
        %jit3A_409 = arith.constant 0.000000e+00 : f32
        %broadcast_in_dim3A_410 = vector.broadcast %jit3A_409 : f32 to vector<16xf32>
        %select_n3A_411 = arith.select %lt3A_408, %exp3A_399, %broadcast_in_dim3A_410 : vector<16xi1>, vector<16xf32>
        %and3A_412 = arith.constant 1 : i32
        %and3A_413 = vector.broadcast %and3A_412 : i32 to vector<16xi32>
        %and3A_414 = arith.andi %get3A_385, %and3A_413 : vector<16xi32>
        %eq3A_415 = arith.constant 1 : i32
        %eq3A_416 = vector.broadcast %eq3A_415 : i32 to vector<16xi32>
        %eq3A_417 = arith.cmpi eq, %and3A_414, %eq3A_416 : vector<16xi32>
        %neg3A_418 = arith.constant 0.000000e+00 : f32
        %neg3A_419 = vector.broadcast %neg3A_418 : f32 to vector<16xf32>
        %neg3A_420 = arith.subf %neg3A_419, %select_n3A_411 : vector<16xf32>
        %select_n3A_421 = arith.select %eq3A_417, %neg3A_420, %select_n3A_411 : vector<16xi1>, vector<16xf32>
        %swap3A_422 = arith.constant 1 : i32
        %swap3A_423 = arith.index_cast %swap3A_422 : i32 to index
        %swap3A_424 = arith.constant 0 : index
        %swap3A_425 = tpu.vector_load %arg12[%swap3A_423, %swap3A_424] {strides = array<i32>} : memref<2x64xf32, #tpu.memory_space<vmem>>, vector<16xf32>,
        tpu.vector_store %arg12[%swap3A_423, %swap3A_424], %select_n3A_421 {strides = array<i32>} : memref<2x64xf32, #tpu.memory_space<vmem>>, vector<16xf32>,
        %shift_right_logical3A_426 = arith.constant 1 : i32
        %shift_right_logical3A_427 = vector.broadcast %shift_right_logical3A_426 : i32 to vector<16xi32>
        %shift_right_logical3A_428 = arith.shrui %get3A_385, %shift_right_logical3A_427 : vector<16xi32>
        %swap3A_429 = arith.constant 1 : i32
        %swap3A_430 = arith.index_cast %swap3A_429 : i32 to index
        %swap3A_431 = arith.constant 0 : index
        %swap3A_432 = tpu.vector_load %arg11[%swap3A_430, %swap3A_431] {strides = array<i32>} : memref<2x64xi32, #tpu.memory_space<vmem>>, vector<16xi32>,
        tpu.vector_store %arg11[%swap3A_430, %swap3A_431], %shift_right_logical3A_428 {strides = array<i32>} : memref<2x64xi32, #tpu.memory_space<vmem>>, vector<16xi32>,
        %get3A_433 = arith.constant 1 : i32
        %get3A_434 = arith.index_cast %get3A_433 : i32 to index
        %get3A_435 = arith.constant 16 : index
        %get3A_436 = tpu.vector_load %arg9[%get3A_434, %get3A_435] {strides = array<i32>} : memref<2x64xi32, #tpu.memory_space<vmem>>, vector<16xi32>,
        %get3A_437 = arith.constant 1 : i32
        %get3A_438 = arith.index_cast %get3A_437 : i32 to index
        %get3A_439 = arith.constant 16 : index
        %get3A_440 = tpu.vector_load %arg10[%get3A_438, %get3A_439] {strides = array<i32>} : memref<2x64xi32, #tpu.memory_space<vmem>>, vector<16xi32>,
        %gather3A_441 = tpu.vector_load_idx %arg13[%get3A_436] : memref<10000xf32, #tpu.memory_space<vmem>>[vector<16xi32>], vector<16xf32>,
        %gather3A_442 = tpu.vector_load_idx %arg14[%get3A_440] : memref<10000xf32, #tpu.memory_space<vmem>>[vector<16xi32>], vector<16xf32>,
        %add3A_443 = arith.addf %gather3A_441, %gather3A_442 : vector<16xf32>
        %lt3A_444 = arith.constant 0.000000e+00 : f32
        %lt3A_445 = vector.broadcast %lt3A_444 : f32 to vector<16xf32>
        %lt3A_446 = arith.cmpf olt, %add3A_443, %lt3A_445 : vector<16xf32>
        %mul3A_447 = arith.constant 2.000000e-01 : f32
        %mul3A_448 = vector.broadcast %mul3A_447 : f32 to vector<16xf32>
        %mul3A_449 = arith.mulf %add3A_443, %mul3A_448 : vector<16xf32>
        %select_n3A_450 = arith.select %lt3A_446, %mul3A_449, %add3A_443 : vector<16xi1>, vector<16xf32>
        %get3A_451 = arith.constant 0 : index
        %get3A_452 = tpu.vector_load %arg15[%get3A_451] {strides = array<i32>} : memref<16xf32, #tpu.memory_space<vmem>>, vector<16xf32>,
        %sub3A_453 = arith.subf %select_n3A_450, %get3A_452 : vector<16xf32>
        %exp3A_454 = math.exp %sub3A_453 : vector<16xf32>
        %mul3A_455 = arith.constant 64 : i32
        %mul3A_456 = arith.muli %add3A_360, %mul3A_455 : i32
        %add3A_457 = arith.constant 16 : i32
        %add3A_458 = arith.addi %mul3A_456, %add3A_457 : i32
        %add3A_459 = vector.broadcast %add3A_458 : i32 to vector<16xi32>
        %add3A_460 = arith.addi %add3A_459, %iota3A : vector<16xi32>
        %lt3A_461 = arith.constant 10000 : i32
        %lt3A_462 = vector.broadcast %lt3A_461 : i32 to vector<16xi32>
        %lt3A_463 = arith.cmpi slt, %add3A_460, %lt3A_462 : vector<16xi32>
        %jit3A_464 = arith.constant 0.000000e+00 : f32
        %broadcast_in_dim3A_465 = vector.broadcast %jit3A_464 : f32 to vector<16xf32>
        %select_n3A_466 = arith.select %lt3A_463, %exp3A_454, %broadcast_in_dim3A_465 : vector<16xi1>, vector<16xf32>
        %and3A_467 = arith.constant 1 : i32
        %and3A_468 = vector.broadcast %and3A_467 : i32 to vector<16xi32>
        %and3A_469 = arith.andi %get3A_440, %and3A_468 : vector<16xi32>
        %eq3A_470 = arith.constant 1 : i32
        %eq3A_471 = vector.broadcast %eq3A_470 : i32 to vector<16xi32>
        %eq3A_472 = arith.cmpi eq, %and3A_469, %eq3A_471 : vector<16xi32>
        %neg3A_473 = arith.constant 0.000000e+00 : f32
        %neg3A_474 = vector.broadcast %neg3A_473 : f32 to vector<16xf32>
        %neg3A_475 = arith.subf %neg3A_474, %select_n3A_466 : vector<16xf32>
        %select_n3A_476 = arith.select %eq3A_472, %neg3A_475, %select_n3A_466 : vector<16xi1>, vector<16xf32>
        %swap3A_477 = arith.constant 1 : i32
        %swap3A_478 = arith.index_cast %swap3A_477 : i32 to index
        %swap3A_479 = arith.constant 16 : index
        %swap3A_480 = tpu.vector_load %arg12[%swap3A_478, %swap3A_479] {strides = array<i32>} : memref<2x64xf32, #tpu.memory_space<vmem>>, vector<16xf32>,
        tpu.vector_store %arg12[%swap3A_478, %swap3A_479], %select_n3A_476 {strides = array<i32>} : memref<2x64xf32, #tpu.memory_space<vmem>>, vector<16xf32>,
        %shift_right_logical3A_481 = arith.constant 1 : i32
        %shift_right_logical3A_482 = vector.broadcast %shift_right_logical3A_481 : i32 to vector<16xi32>
        %shift_right_logical3A_483 = arith.shrui %get3A_440, %shift_right_logical3A_482 : vector<16xi32>
        %swap3A_484 = arith.constant 1 : i32
        %swap3A_485 = arith.index_cast %swap3A_484 : i32 to index
        %swap3A_486 = arith.constant 16 : index
        %swap3A_487 = tpu.vector_load %arg11[%swap3A_485, %swap3A_486] {strides = array<i32>} : memref<2x64xi32, #tpu.memory_space<vmem>>, vector<16xi32>,
        tpu.vector_store %arg11[%swap3A_485, %swap3A_486], %shift_right_logical3A_483 {strides = array<i32>} : memref<2x64xi32, #tpu.memory_space<vmem>>, vector<16xi32>,
        %get3A_488 = arith.constant 1 : i32
        %get3A_489 = arith.index_cast %get3A_488 : i32 to index
        %get3A_490 = arith.constant 32 : index
        %get3A_491 = tpu.vector_load %arg9[%get3A_489, %get3A_490] {strides = array<i32>} : memref<2x64xi32, #tpu.memory_space<vmem>>, vector<16xi32>,
        %get3A_492 = arith.constant 1 : i32
        %get3A_493 = arith.index_cast %get3A_492 : i32 to index
        %get3A_494 = arith.constant 32 : index
        %get3A_495 = tpu.vector_load %arg10[%get3A_493, %get3A_494] {strides = array<i32>} : memref<2x64xi32, #tpu.memory_space<vmem>>, vector<16xi32>,
        %gather3A_496 = tpu.vector_load_idx %arg13[%get3A_491] : memref<10000xf32, #tpu.memory_space<vmem>>[vector<16xi32>], vector<16xf32>,
        %gather3A_497 = tpu.vector_load_idx %arg14[%get3A_495] : memref<10000xf32, #tpu.memory_space<vmem>>[vector<16xi32>], vector<16xf32>,
        %add3A_498 = arith.addf %gather3A_496, %gather3A_497 : vector<16xf32>
        %lt3A_499 = arith.constant 0.000000e+00 : f32
        %lt3A_500 = vector.broadcast %lt3A_499 : f32 to vector<16xf32>
        %lt3A_501 = arith.cmpf olt, %add3A_498, %lt3A_500 : vector<16xf32>
        %mul3A_502 = arith.constant 2.000000e-01 : f32
        %mul3A_503 = vector.broadcast %mul3A_502 : f32 to vector<16xf32>
        %mul3A_504 = arith.mulf %add3A_498, %mul3A_503 : vector<16xf32>
        %select_n3A_505 = arith.select %lt3A_501, %mul3A_504, %add3A_498 : vector<16xi1>, vector<16xf32>
        %get3A_506 = arith.constant 0 : index
        %get3A_507 = tpu.vector_load %arg15[%get3A_506] {strides = array<i32>} : memref<16xf32, #tpu.memory_space<vmem>>, vector<16xf32>,
        %sub3A_508 = arith.subf %select_n3A_505, %get3A_507 : vector<16xf32>
        %exp3A_509 = math.exp %sub3A_508 : vector<16xf32>
        %mul3A_510 = arith.constant 64 : i32
        %mul3A_511 = arith.muli %add3A_360, %mul3A_510 : i32
        %add3A_512 = arith.constant 32 : i32
        %add3A_513 = arith.addi %mul3A_511, %add3A_512 : i32
        %add3A_514 = vector.broadcast %add3A_513 : i32 to vector<16xi32>
        %add3A_515 = arith.addi %add3A_514, %iota3A : vector<16xi32>
        %lt3A_516 = arith.constant 10000 : i32
        %lt3A_517 = vector.broadcast %lt3A_516 : i32 to vector<16xi32>
        %lt3A_518 = arith.cmpi slt, %add3A_515, %lt3A_517 : vector<16xi32>
        %jit3A_519 = arith.constant 0.000000e+00 : f32
        %broadcast_in_dim3A_520 = vector.broadcast %jit3A_519 : f32 to vector<16xf32>
        %select_n3A_521 = arith.select %lt3A_518, %exp3A_509, %broadcast_in_dim3A_520 : vector<16xi1>, vector<16xf32>
        %and3A_522 = arith.constant 1 : i32
        %and3A_523 = vector.broadcast %and3A_522 : i32 to vector<16xi32>
        %and3A_524 = arith.andi %get3A_495, %and3A_523 : vector<16xi32>
        %eq3A_525 = arith.constant 1 : i32
        %eq3A_526 = vector.broadcast %eq3A_525 : i32 to vector<16xi32>
        %eq3A_527 = arith.cmpi eq, %and3A_524, %eq3A_526 : vector<16xi32>
        %neg3A_528 = arith.constant 0.000000e+00 : f32
        %neg3A_529 = vector.broadcast %neg3A_528 : f32 to vector<16xf32>
        %neg3A_530 = arith.subf %neg3A_529, %select_n3A_521 : vector<16xf32>
        %select_n3A_531 = arith.select %eq3A_527, %neg3A_530, %select_n3A_521 : vector<16xi1>, vector<16xf32>
        %swap3A_532 = arith.constant 1 : i32
        %swap3A_533 = arith.index_cast %swap3A_532 : i32 to index
        %swap3A_534 = arith.constant 32 : index
        %swap3A_535 = tpu.vector_load %arg12[%swap3A_533, %swap3A_534] {strides = array<i32>} : memref<2x64xf32, #tpu.memory_space<vmem>>, vector<16xf32>,
        tpu.vector_store %arg12[%swap3A_533, %swap3A_534], %select_n3A_531 {strides = array<i32>} : memref<2x64xf32, #tpu.memory_space<vmem>>, vector<16xf32>,
        %shift_right_logical3A_536 = arith.constant 1 : i32
        %shift_right_logical3A_537 = vector.broadcast %shift_right_logical3A_536 : i32 to vector<16xi32>
        %shift_right_logical3A_538 = arith.shrui %get3A_495, %shift_right_logical3A_537 : vector<16xi32>
        %swap3A_539 = arith.constant 1 : i32
        %swap3A_540 = arith.index_cast %swap3A_539 : i32 to index
        %swap3A_541 = arith.constant 32 : index
        %swap3A_542 = tpu.vector_load %arg11[%swap3A_540, %swap3A_541] {strides = array<i32>} : memref<2x64xi32, #tpu.memory_space<vmem>>, vector<16xi32>,
        tpu.vector_store %arg11[%swap3A_540, %swap3A_541], %shift_right_logical3A_538 {strides = array<i32>} : memref<2x64xi32, #tpu.memory_space<vmem>>, vector<16xi32>,
        %get3A_543 = arith.constant 1 : i32
        %get3A_544 = arith.index_cast %get3A_543 : i32 to index
        %get3A_545 = arith.constant 48 : index
        %get3A_546 = tpu.vector_load %arg9[%get3A_544, %get3A_545] {strides = array<i32>} : memref<2x64xi32, #tpu.memory_space<vmem>>, vector<16xi32>,
        %get3A_547 = arith.constant 1 : i32
        %get3A_548 = arith.index_cast %get3A_547 : i32 to index
        %get3A_549 = arith.constant 48 : index
        %get3A_550 = tpu.vector_load %arg10[%get3A_548, %get3A_549] {strides = array<i32>} : memref<2x64xi32, #tpu.memory_space<vmem>>, vector<16xi32>,
        %gather3A_551 = tpu.vector_load_idx %arg13[%get3A_546] : memref<10000xf32, #tpu.memory_space<vmem>>[vector<16xi32>], vector<16xf32>,
        %gather3A_552 = tpu.vector_load_idx %arg14[%get3A_550] : memref<10000xf32, #tpu.memory_space<vmem>>[vector<16xi32>], vector<16xf32>,
        %add3A_553 = arith.addf %gather3A_551, %gather3A_552 : vector<16xf32>
        %lt3A_554 = arith.constant 0.000000e+00 : f32
        %lt3A_555 = vector.broadcast %lt3A_554 : f32 to vector<16xf32>
        %lt3A_556 = arith.cmpf olt, %add3A_553, %lt3A_555 : vector<16xf32>
        %mul3A_557 = arith.constant 2.000000e-01 : f32
        %mul3A_558 = vector.broadcast %mul3A_557 : f32 to vector<16xf32>
        %mul3A_559 = arith.mulf %add3A_553, %mul3A_558 : vector<16xf32>
        %select_n3A_560 = arith.select %lt3A_556, %mul3A_559, %add3A_553 : vector<16xi1>, vector<16xf32>
        %get3A_561 = arith.constant 0 : index
        %get3A_562 = tpu.vector_load %arg15[%get3A_561] {strides = array<i32>} : memref<16xf32, #tpu.memory_space<vmem>>, vector<16xf32>,
        %sub3A_563 = arith.subf %select_n3A_560, %get3A_562 : vector<16xf32>
        %exp3A_564 = math.exp %sub3A_563 : vector<16xf32>
        %mul3A_565 = arith.constant 64 : i32
        %mul3A_566 = arith.muli %add3A_360, %mul3A_565 : i32
        %add3A_567 = arith.constant 48 : i32
        %add3A_568 = arith.addi %mul3A_566, %add3A_567 : i32
        %add3A_569 = vector.broadcast %add3A_568 : i32 to vector<16xi32>
        %add3A_570 = arith.addi %add3A_569, %iota3A : vector<16xi32>
        %lt3A_571 = arith.constant 10000 : i32
        %lt3A_572 = vector.broadcast %lt3A_571 : i32 to vector<16xi32>
        %lt3A_573 = arith.cmpi slt, %add3A_570, %lt3A_572 : vector<16xi32>
        %jit3A_574 = arith.constant 0.000000e+00 : f32
        %broadcast_in_dim3A_575 = vector.broadcast %jit3A_574 : f32 to vector<16xf32>
        %select_n3A_576 = arith.select %lt3A_573, %exp3A_564, %broadcast_in_dim3A_575 : vector<16xi1>, vector<16xf32>
        %and3A_577 = arith.constant 1 : i32
        %and3A_578 = vector.broadcast %and3A_577 : i32 to vector<16xi32>
        %and3A_579 = arith.andi %get3A_550, %and3A_578 : vector<16xi32>
        %eq3A_580 = arith.constant 1 : i32
        %eq3A_581 = vector.broadcast %eq3A_580 : i32 to vector<16xi32>
        %eq3A_582 = arith.cmpi eq, %and3A_579, %eq3A_581 : vector<16xi32>
        %neg3A_583 = arith.constant 0.000000e+00 : f32
        %neg3A_584 = vector.broadcast %neg3A_583 : f32 to vector<16xf32>
        %neg3A_585 = arith.subf %neg3A_584, %select_n3A_576 : vector<16xf32>
        %select_n3A_586 = arith.select %eq3A_582, %neg3A_585, %select_n3A_576 : vector<16xi1>, vector<16xf32>
        %swap3A_587 = arith.constant 1 : i32
        %swap3A_588 = arith.index_cast %swap3A_587 : i32 to index
        %swap3A_589 = arith.constant 48 : index
        %swap3A_590 = tpu.vector_load %arg12[%swap3A_588, %swap3A_589] {strides = array<i32>} : memref<2x64xf32, #tpu.memory_space<vmem>>, vector<16xf32>,
        tpu.vector_store %arg12[%swap3A_588, %swap3A_589], %select_n3A_586 {strides = array<i32>} : memref<2x64xf32, #tpu.memory_space<vmem>>, vector<16xf32>,
        %shift_right_logical3A_591 = arith.constant 1 : i32
        %shift_right_logical3A_592 = vector.broadcast %shift_right_logical3A_591 : i32 to vector<16xi32>
        %shift_right_logical3A_593 = arith.shrui %get3A_550, %shift_right_logical3A_592 : vector<16xi32>
        %swap3A_594 = arith.constant 1 : i32
        %swap3A_595 = arith.index_cast %swap3A_594 : i32 to index
        %swap3A_596 = arith.constant 48 : index
        %swap3A_597 = tpu.vector_load %arg11[%swap3A_595, %swap3A_596] {strides = array<i32>} : memref<2x64xi32, #tpu.memory_space<vmem>>, vector<16xi32>,
        tpu.vector_store %arg11[%swap3A_595, %swap3A_596], %shift_right_logical3A_593 {strides = array<i32>} : memref<2x64xi32, #tpu.memory_space<vmem>>, vector<16xi32>,
        %add3A_598 = arith.constant 2 : i32
        %add3A_599 = arith.addi %add3A_360, %add3A_598 : i32
        %lt3A_600 = arith.constant 158 : i32
        %lt3A_601 = arith.cmpi slt, %add3A_599, %lt3A_600 : i32
        %convert_element_type3A_602 = arith.extui %lt3A_601 : i1 to i32
        %cond3A_603 = arith.constant 0 : i32
        %cond3A_604 = arith.cmpi ne, %convert_element_type3A_602, %cond3A_603 : i32
        scf.if %cond3A_604 {
          %add3A_620 = arith.constant 2 : i32
          %add3A_621 = arith.addi %add3A_360, %add3A_620 : i32
          %dma_start3A_622 = arith.constant 1 : i32
          %dma_start3A_623 = arith.constant 0 : i32
          %dma_start3A_624 = tpu.memref_slice %arg9[%dma_start3A_622, %dma_start3A_623] : memref<2x64xi32, #tpu.memory_space<vmem>> -> memref<1x64xi32, #tpu.memory_space<vmem>>
          %dma_start3A_625 = tpu.memref_squeeze %dma_start3A_624 : memref<1x64xi32, #tpu.memory_space<vmem>> -> memref<64xi32, #tpu.memory_space<vmem>>
          %dma_start3A_626 = arith.constant 0 : i32
          %dma_start3A_627 = tpu.memref_slice %arg6[%add3A, %add3A_621, %dma_start3A_626] : memref<32x158x64xi32, #tpu.memory_space<hbm>> -> memref<1x1x64xi32, #tpu.memory_space<hbm>>
          %dma_start3A_628 = tpu.memref_squeeze %dma_start3A_627 : memref<1x1x64xi32, #tpu.memory_space<hbm>> -> memref<64xi32, #tpu.memory_space<hbm>>
          %dma_start3A_629 = arith.constant 0 : i32
          %dma_start3A_630 = tpu.memref_slice %arg9[%dma_start3A_622, %dma_start3A_629] : memref<2x64xi32, #tpu.memory_space<vmem>> -> memref<1x64xi32, #tpu.memory_space<vmem>>
          %dma_start3A_631 = tpu.memref_squeeze %dma_start3A_630 : memref<1x64xi32, #tpu.memory_space<vmem>> -> memref<64xi32, #tpu.memory_space<vmem>>
          %dma_start3A_632 = arith.constant 0 : i32
          %dma_start3A_633 = tpu.memref_slice %arg6[%add3A, %add3A_621, %dma_start3A_632] : memref<32x158x64xi32, #tpu.memory_space<hbm>> -> memref<1x1x64xi32, #tpu.memory_space<hbm>>
          %dma_start3A_634 = tpu.memref_squeeze %dma_start3A_633 : memref<1x1x64xi32, #tpu.memory_space<hbm>> -> memref<64xi32, #tpu.memory_space<hbm>>
          tpu.enqueue_dma source(%dma_start3A_634 : memref<64xi32, #tpu.memory_space<hbm>>) target(%dma_start3A_631 : memref<64xi32, #tpu.memory_space<vmem>>) target_semaphore(%arg25 : memref<!tpu.dma_semaphore, #tpu.memory_space<semaphore_mem>>)
          %dma_start3A_635 = arith.constant 1 : i32
          %dma_start3A_636 = arith.constant 0 : i32
          %dma_start3A_637 = tpu.memref_slice %arg10[%dma_start3A_635, %dma_start3A_636] : memref<2x64xi32, #tpu.memory_space<vmem>> -> memref<1x64xi32, #tpu.memory_space<vmem>>
          %dma_start3A_638 = tpu.memref_squeeze %dma_start3A_637 : memref<1x64xi32, #tpu.memory_space<vmem>> -> memref<64xi32, #tpu.memory_space<vmem>>
          %dma_start3A_639 = arith.constant 0 : i32
          %dma_start3A_640 = tpu.memref_slice %arg7[%add3A, %add3A_621, %dma_start3A_639] : memref<32x158x64xi32, #tpu.memory_space<hbm>> -> memref<1x1x64xi32, #tpu.memory_space<hbm>>
          %dma_start3A_641 = tpu.memref_squeeze %dma_start3A_640 : memref<1x1x64xi32, #tpu.memory_space<hbm>> -> memref<64xi32, #tpu.memory_space<hbm>>
          %dma_start3A_642 = arith.constant 0 : i32
          %dma_start3A_643 = tpu.memref_slice %arg10[%dma_start3A_635, %dma_start3A_642] : memref<2x64xi32, #tpu.memory_space<vmem>> -> memref<1x64xi32, #tpu.memory_space<vmem>>
          %dma_start3A_644 = tpu.memref_squeeze %dma_start3A_643 : memref<1x64xi32, #tpu.memory_space<vmem>> -> memref<64xi32, #tpu.memory_space<vmem>>
          %dma_start3A_645 = arith.constant 0 : i32
          %dma_start3A_646 = tpu.memref_slice %arg7[%add3A, %add3A_621, %dma_start3A_645] : memref<32x158x64xi32, #tpu.memory_space<hbm>> -> memref<1x1x64xi32, #tpu.memory_space<hbm>>
          %dma_start3A_647 = tpu.memref_squeeze %dma_start3A_646 : memref<1x1x64xi32, #tpu.memory_space<hbm>> -> memref<64xi32, #tpu.memory_space<hbm>>
          tpu.enqueue_dma source(%dma_start3A_647 : memref<64xi32, #tpu.memory_space<hbm>>) target(%dma_start3A_644 : memref<64xi32, #tpu.memory_space<vmem>>) target_semaphore(%arg25 : memref<!tpu.dma_semaphore, #tpu.memory_space<semaphore_mem>>)
        } else {
        }
        %broadcast_in_dim3A_605 = arith.constant 1 : i32
        %broadcast_in_dim3A_606 = vector.broadcast %broadcast_in_dim3A_605 : i32 to vector<16xi32>
        %scan3A_607 = arith.constant 0 : i32
        %scan3A_608 = arith.constant 0 : i32
        %scan3A_609 = arith.constant 64 : i32
        %scan3A_610 = arith.addi %scan3A_608, %scan3A_609 : i32
        %scan3A_611 = arith.constant 1 : i32
        scf.for %scan3A_620 = %scan3A_608 to %scan3A_610 step %scan3A_611  : i32 {
          %broadcast_in_dim3A_621 = vector.broadcast %scan3A_620 : i32 to vector<16xi32>
          %gather3A_622 = tpu.vector_load_idx %arg12[%broadcast_in_dim3A_606, %broadcast_in_dim3A_621] : memref<2x64xf32, #tpu.memory_space<vmem>>[vector<16xi32>, vector<16xi32>], vector<16xf32>,
          %lt3A_623 = arith.constant 0.000000e+00 : f32
          %lt3A_624 = vector.broadcast %lt3A_623 : f32 to vector<16xf32>
          %lt3A_625 = arith.cmpf olt, %gather3A_622, %lt3A_624 : vector<16xf32>
          %abs3A = math.absf %gather3A_622 : vector<16xf32>
          %mul3A_626 = arith.constant 64 : i32
          %mul3A_627 = arith.muli %mul3A_626, %min3A_26 : i32
          %add3A_628 = arith.constant 0 : i32
          %add3A_629 = arith.addi %mul3A_627, %add3A_628 : i32
          %get3A_630 = arith.index_cast %scan3A_620 : i32 to index
          %get3A_631 = arith.index_cast %add3A_629 : i32 to index
          %get3A_632 = tpu.vector_load %arg17[%get3A_630, %get3A_631] {strides = array<i32>} : memref<64x128xf32, #tpu.memory_space<vmem>>, vector<16xf32>,
          %mul3A_633 = arith.mulf %get3A_632, %abs3A : vector<16xf32>
          %eq3A_634 = arith.constant 0 : i32
          %eq3A_635 = vector.broadcast %eq3A_634 : i32 to vector<16xi32>
          %eq3A_636 = arith.cmpi eq, %iota3A, %eq3A_635 : vector<16xi32>
          %jit3A_637 = arith.constant 0.000000e+00 : f32
          %broadcast_in_dim3A_638 = vector.broadcast %jit3A_637 : f32 to vector<16xf32>
          %select_n3A_639 = arith.select %eq3A_636, %abs3A, %broadcast_in_dim3A_638 : vector<16xi1>, vector<16xf32>
          %select_n3A_640 = arith.select %ge3A_29, %select_n3A_639, %mul3A_633 : vector<16xi1>, vector<16xf32>
          %not3A = arith.constant dense<true> : vector<16xi1>
          %not3A_641 = arith.xori %lt3A_625, %not3A : vector<16xi1>
          %jit3A_642 = arith.constant 0.000000e+00 : f32
          %broadcast_in_dim3A_643 = vector.broadcast %jit3A_642 : f32 to vector<16xf32>
          %select_n3A_644 = arith.select %not3A_641, %select_n3A_640, %broadcast_in_dim3A_643 : vector<16xi1>, vector<16xf32>
          %swap3A_645 = arith.index_cast %scan3A_620 : i32 to index
          %swap3A_646 = arith.constant 0 : index
          %swap3A_647 = tpu.vector_load %arg19[%swap3A_645, %swap3A_646] {strides = array<i32>} : memref<64x128xf32, #tpu.memory_space<vmem>>, vector<16xf32>,
          tpu.vector_store %arg19[%swap3A_645, %swap3A_646], %select_n3A_644 {strides = array<i32>} : memref<64x128xf32, #tpu.memory_space<vmem>>, vector<16xf32>,
          %mul3A_648 = arith.constant 64 : i32
          %mul3A_649 = arith.muli %mul3A_648, %min3A_26 : i32
          %add3A_650 = arith.constant 16 : i32
          %add3A_651 = arith.addi %mul3A_649, %add3A_650 : i32
          %get3A_652 = arith.index_cast %scan3A_620 : i32 to index
          %get3A_653 = arith.index_cast %add3A_651 : i32 to index
          %get3A_654 = tpu.vector_load %arg17[%get3A_652, %get3A_653] {strides = array<i32>} : memref<64x128xf32, #tpu.memory_space<vmem>>, vector<16xf32>,
          %mul3A_655 = arith.mulf %get3A_654, %abs3A : vector<16xf32>
          %broadcast_in_dim3A_656 = arith.constant 0.000000e+00 : f32
          %broadcast_in_dim3A_657 = vector.broadcast %broadcast_in_dim3A_656 : f32 to vector<16xf32>
          %select_n3A_658 = arith.select %ge3A_29, %broadcast_in_dim3A_657, %mul3A_655 : vector<16xi1>, vector<16xf32>
          %not3A_659 = arith.constant dense<true> : vector<16xi1>
          %not3A_660 = arith.xori %lt3A_625, %not3A_659 : vector<16xi1>
          %jit3A_661 = arith.constant 0.000000e+00 : f32
          %broadcast_in_dim3A_662 = vector.broadcast %jit3A_661 : f32 to vector<16xf32>
          %select_n3A_663 = arith.select %not3A_660, %select_n3A_658, %broadcast_in_dim3A_662 : vector<16xi1>, vector<16xf32>
          %swap3A_664 = arith.index_cast %scan3A_620 : i32 to index
          %swap3A_665 = arith.constant 16 : index
          %swap3A_666 = tpu.vector_load %arg19[%swap3A_664, %swap3A_665] {strides = array<i32>} : memref<64x128xf32, #tpu.memory_space<vmem>>, vector<16xf32>,
          tpu.vector_store %arg19[%swap3A_664, %swap3A_665], %select_n3A_663 {strides = array<i32>} : memref<64x128xf32, #tpu.memory_space<vmem>>, vector<16xf32>,
          %mul3A_667 = arith.constant 64 : i32
          %mul3A_668 = arith.muli %mul3A_667, %min3A_26 : i32
          %add3A_669 = arith.constant 32 : i32
          %add3A_670 = arith.addi %mul3A_668, %add3A_669 : i32
          %get3A_671 = arith.index_cast %scan3A_620 : i32 to index
          %get3A_672 = arith.index_cast %add3A_670 : i32 to index
          %get3A_673 = tpu.vector_load %arg17[%get3A_671, %get3A_672] {strides = array<i32>} : memref<64x128xf32, #tpu.memory_space<vmem>>, vector<16xf32>,
          %mul3A_674 = arith.mulf %get3A_673, %abs3A : vector<16xf32>
          %broadcast_in_dim3A_675 = arith.constant 0.000000e+00 : f32
          %broadcast_in_dim3A_676 = vector.broadcast %broadcast_in_dim3A_675 : f32 to vector<16xf32>
          %select_n3A_677 = arith.select %ge3A_29, %broadcast_in_dim3A_676, %mul3A_674 : vector<16xi1>, vector<16xf32>
          %not3A_678 = arith.constant dense<true> : vector<16xi1>
          %not3A_679 = arith.xori %lt3A_625, %not3A_678 : vector<16xi1>
          %jit3A_680 = arith.constant 0.000000e+00 : f32
          %broadcast_in_dim3A_681 = vector.broadcast %jit3A_680 : f32 to vector<16xf32>
          %select_n3A_682 = arith.select %not3A_679, %select_n3A_677, %broadcast_in_dim3A_681 : vector<16xi1>, vector<16xf32>
          %swap3A_683 = arith.index_cast %scan3A_620 : i32 to index
          %swap3A_684 = arith.constant 32 : index
          %swap3A_685 = tpu.vector_load %arg19[%swap3A_683, %swap3A_684] {strides = array<i32>} : memref<64x128xf32, #tpu.memory_space<vmem>>, vector<16xf32>,
          tpu.vector_store %arg19[%swap3A_683, %swap3A_684], %select_n3A_682 {strides = array<i32>} : memref<64x128xf32, #tpu.memory_space<vmem>>, vector<16xf32>,
          %mul3A_686 = arith.constant 64 : i32
          %mul3A_687 = arith.muli %mul3A_686, %min3A_26 : i32
          %add3A_688 = arith.constant 48 : i32
          %add3A_689 = arith.addi %mul3A_687, %add3A_688 : i32
          %get3A_690 = arith.index_cast %scan3A_620 : i32 to index
          %get3A_691 = arith.index_cast %add3A_689 : i32 to index
          %get3A_692 = tpu.vector_load %arg17[%get3A_690, %get3A_691] {strides = array<i32>} : memref<64x128xf32, #tpu.memory_space<vmem>>, vector<16xf32>,
          %mul3A_693 = arith.mulf %get3A_692, %abs3A : vector<16xf32>
          %broadcast_in_dim3A_694 = arith.constant 0.000000e+00 : f32
          %broadcast_in_dim3A_695 = vector.broadcast %broadcast_in_dim3A_694 : f32 to vector<16xf32>
          %select_n3A_696 = arith.select %ge3A_29, %broadcast_in_dim3A_695, %mul3A_693 : vector<16xi1>, vector<16xf32>
          %not3A_697 = arith.constant dense<true> : vector<16xi1>
          %not3A_698 = arith.xori %lt3A_625, %not3A_697 : vector<16xi1>
          %jit3A_699 = arith.constant 0.000000e+00 : f32
          %broadcast_in_dim3A_700 = vector.broadcast %jit3A_699 : f32 to vector<16xf32>
          %select_n3A_701 = arith.select %not3A_698, %select_n3A_696, %broadcast_in_dim3A_700 : vector<16xi1>, vector<16xf32>
          %swap3A_702 = arith.index_cast %scan3A_620 : i32 to index
          %swap3A_703 = arith.constant 48 : index
          %swap3A_704 = tpu.vector_load %arg19[%swap3A_702, %swap3A_703] {strides = array<i32>} : memref<64x128xf32, #tpu.memory_space<vmem>>, vector<16xf32>,
          tpu.vector_store %arg19[%swap3A_702, %swap3A_703], %select_n3A_701 {strides = array<i32>} : memref<64x128xf32, #tpu.memory_space<vmem>>, vector<16xf32>,
          %mul3A_705 = arith.constant 64 : i32
          %mul3A_706 = arith.muli %mul3A_705, %min3A_26 : i32
          %add3A_707 = arith.constant 0 : i32
          %add3A_708 = arith.addi %mul3A_706, %add3A_707 : i32
          %get3A_709 = arith.index_cast %scan3A_620 : i32 to index
          %get3A_710 = arith.index_cast %add3A_708 : i32 to index
          %get3A_711 = tpu.vector_load %arg17[%get3A_709, %get3A_710] {strides = array<i32>} : memref<64x128xf32, #tpu.memory_space<vmem>>, vector<16xf32>,
          %mul3A_712 = arith.mulf %get3A_711, %abs3A : vector<16xf32>
          %eq3A_713 = arith.constant 0 : i32
          %eq3A_714 = vector.broadcast %eq3A_713 : i32 to vector<16xi32>
          %eq3A_715 = arith.cmpi eq, %iota3A, %eq3A_714 : vector<16xi32>
          %jit3A_716 = arith.constant 0.000000e+00 : f32
          %broadcast_in_dim3A_717 = vector.broadcast %jit3A_716 : f32 to vector<16xf32>
          %select_n3A_718 = arith.select %eq3A_715, %abs3A, %broadcast_in_dim3A_717 : vector<16xi1>, vector<16xf32>
          %select_n3A_719 = arith.select %ge3A_29, %select_n3A_718, %mul3A_712 : vector<16xi1>, vector<16xf32>
          %jit3A_720 = arith.constant 0.000000e+00 : f32
          %broadcast_in_dim3A_721 = vector.broadcast %jit3A_720 : f32 to vector<16xf32>
          %select_n3A_722 = arith.select %lt3A_625, %select_n3A_719, %broadcast_in_dim3A_721 : vector<16xi1>, vector<16xf32>
          %swap3A_723 = arith.index_cast %scan3A_620 : i32 to index
          %swap3A_724 = arith.constant 64 : index
          %swap3A_725 = tpu.vector_load %arg19[%swap3A_723, %swap3A_724] {strides = array<i32>} : memref<64x128xf32, #tpu.memory_space<vmem>>, vector<16xf32>,
          tpu.vector_store %arg19[%swap3A_723, %swap3A_724], %select_n3A_722 {strides = array<i32>} : memref<64x128xf32, #tpu.memory_space<vmem>>, vector<16xf32>,
          %mul3A_726 = arith.constant 64 : i32
          %mul3A_727 = arith.muli %mul3A_726, %min3A_26 : i32
          %add3A_728 = arith.constant 16 : i32
          %add3A_729 = arith.addi %mul3A_727, %add3A_728 : i32
          %get3A_730 = arith.index_cast %scan3A_620 : i32 to index
          %get3A_731 = arith.index_cast %add3A_729 : i32 to index
          %get3A_732 = tpu.vector_load %arg17[%get3A_730, %get3A_731] {strides = array<i32>} : memref<64x128xf32, #tpu.memory_space<vmem>>, vector<16xf32>,
          %mul3A_733 = arith.mulf %get3A_732, %abs3A : vector<16xf32>
          %broadcast_in_dim3A_734 = arith.constant 0.000000e+00 : f32
          %broadcast_in_dim3A_735 = vector.broadcast %broadcast_in_dim3A_734 : f32 to vector<16xf32>
          %select_n3A_736 = arith.select %ge3A_29, %broadcast_in_dim3A_735, %mul3A_733 : vector<16xi1>, vector<16xf32>
          %jit3A_737 = arith.constant 0.000000e+00 : f32
          %broadcast_in_dim3A_738 = vector.broadcast %jit3A_737 : f32 to vector<16xf32>
          %select_n3A_739 = arith.select %lt3A_625, %select_n3A_736, %broadcast_in_dim3A_738 : vector<16xi1>, vector<16xf32>
          %swap3A_740 = arith.index_cast %scan3A_620 : i32 to index
          %swap3A_741 = arith.constant 80 : index
          %swap3A_742 = tpu.vector_load %arg19[%swap3A_740, %swap3A_741] {strides = array<i32>} : memref<64x128xf32, #tpu.memory_space<vmem>>, vector<16xf32>,
          tpu.vector_store %arg19[%swap3A_740, %swap3A_741], %select_n3A_739 {strides = array<i32>} : memref<64x128xf32, #tpu.memory_space<vmem>>, vector<16xf32>,
          %mul3A_743 = arith.constant 64 : i32
          %mul3A_744 = arith.muli %mul3A_743, %min3A_26 : i32
          %add3A_745 = arith.constant 32 : i32
          %add3A_746 = arith.addi %mul3A_744, %add3A_745 : i32
          %get3A_747 = arith.index_cast %scan3A_620 : i32 to index
          %get3A_748 = arith.index_cast %add3A_746 : i32 to index
          %get3A_749 = tpu.vector_load %arg17[%get3A_747, %get3A_748] {strides = array<i32>} : memref<64x128xf32, #tpu.memory_space<vmem>>, vector<16xf32>,
          %mul3A_750 = arith.mulf %get3A_749, %abs3A : vector<16xf32>
          %broadcast_in_dim3A_751 = arith.constant 0.000000e+00 : f32
          %broadcast_in_dim3A_752 = vector.broadcast %broadcast_in_dim3A_751 : f32 to vector<16xf32>
          %select_n3A_753 = arith.select %ge3A_29, %broadcast_in_dim3A_752, %mul3A_750 : vector<16xi1>, vector<16xf32>
          %jit3A_754 = arith.constant 0.000000e+00 : f32
          %broadcast_in_dim3A_755 = vector.broadcast %jit3A_754 : f32 to vector<16xf32>
          %select_n3A_756 = arith.select %lt3A_625, %select_n3A_753, %broadcast_in_dim3A_755 : vector<16xi1>, vector<16xf32>
          %swap3A_757 = arith.index_cast %scan3A_620 : i32 to index
          %swap3A_758 = arith.constant 96 : index
          %swap3A_759 = tpu.vector_load %arg19[%swap3A_757, %swap3A_758] {strides = array<i32>} : memref<64x128xf32, #tpu.memory_space<vmem>>, vector<16xf32>,
          tpu.vector_store %arg19[%swap3A_757, %swap3A_758], %select_n3A_756 {strides = array<i32>} : memref<64x128xf32, #tpu.memory_space<vmem>>, vector<16xf32>,
          %mul3A_760 = arith.constant 64 : i32
          %mul3A_761 = arith.muli %mul3A_760, %min3A_26 : i32
          %add3A_762 = arith.constant 48 : i32
          %add3A_763 = arith.addi %mul3A_761, %add3A_762 : i32
          %get3A_764 = arith.index_cast %scan3A_620 : i32 to index
          %get3A_765 = arith.index_cast %add3A_763 : i32 to index
          %get3A_766 = tpu.vector_load %arg17[%get3A_764, %get3A_765] {strides = array<i32>} : memref<64x128xf32, #tpu.memory_space<vmem>>, vector<16xf32>,
          %mul3A_767 = arith.mulf %get3A_766, %abs3A : vector<16xf32>
          %broadcast_in_dim3A_768 = arith.constant 0.000000e+00 : f32
          %broadcast_in_dim3A_769 = vector.broadcast %broadcast_in_dim3A_768 : f32 to vector<16xf32>
          %select_n3A_770 = arith.select %ge3A_29, %broadcast_in_dim3A_769, %mul3A_767 : vector<16xi1>, vector<16xf32>
          %jit3A_771 = arith.constant 0.000000e+00 : f32
          %broadcast_in_dim3A_772 = vector.broadcast %jit3A_771 : f32 to vector<16xf32>
          %select_n3A_773 = arith.select %lt3A_625, %select_n3A_770, %broadcast_in_dim3A_772 : vector<16xi1>, vector<16xf32>
          %swap3A_774 = arith.index_cast %scan3A_620 : i32 to index
          %swap3A_775 = arith.constant 112 : index
          %swap3A_776 = tpu.vector_load %arg19[%swap3A_774, %swap3A_775] {strides = array<i32>} : memref<64x128xf32, #tpu.memory_space<vmem>>, vector<16xf32>,
          tpu.vector_store %arg19[%swap3A_774, %swap3A_775], %select_n3A_773 {strides = array<i32>} : memref<64x128xf32, #tpu.memory_space<vmem>>, vector<16xf32>,
        }
        %scan3A_612 = arith.constant 64 : i32
        %dma_start3A_613 = arith.constant 1 : i32
        %dma_start3A_614 = arith.constant 0 : i32
        %dma_start3A_615 = tpu.memref_slice %arg11[%dma_start3A_613, %dma_start3A_614] : memref<2x64xi32, #tpu.memory_space<vmem>> -> memref<1x64xi32, #tpu.memory_space<vmem>>
        %dma_start3A_616 = tpu.memref_squeeze %dma_start3A_615 : memref<1x64xi32, #tpu.memory_space<vmem>> -> memref<64xi32, #tpu.memory_space<vmem>>
        %dma_start3A_617 = arith.constant 0 : i32
        %dma_start3A_618 = arith.constant 0 : i32
        %dma_start3A_619 = tpu.memref_slice %arg20[%dma_start3A_617, %dma_start3A_618] : memref<5120x128xf32, #tpu.memory_space<vmem_shared>> -> memref<5120x128xf32, #tpu.memory_space<vmem_shared>>
        tpu.enqueue_indirect_dma source(%arg19 : memref<64x128xf32, #tpu.memory_space<vmem>>) target(%dma_start3A_619 : memref<5120x128xf32, #tpu.memory_space<vmem_shared>>) offsets(%dma_start3A_616 : memref<64xi32, #tpu.memory_space<vmem>>) semaphore(%arg24 : memref<!tpu.dma_semaphore, #tpu.memory_space<semaphore_mem>>) {add = true}
      }
      %scan3A_67 = arith.constant 79 : i32
      %dma_wait3A = arith.constant 0 : i32
      %dma_wait3A_68 = arith.constant 0 : i32
      %dma_wait3A_69 = tpu.memref_slice %arg2[%dma_wait3A, %dma_wait3A_68] : memref<10000x128xf32, #tpu.memory_space<hbm>> -> memref<64x128xf32, #tpu.memory_space<hbm>>
      %dma_wait3A_70 = arith.constant 0 : i32
      %dma_wait3A_71 = arith.constant 0 : i32
      %dma_wait3A_72 = tpu.memref_slice %arg2[%dma_wait3A_70, %dma_wait3A_71] : memref<10000x128xf32, #tpu.memory_space<hbm>> -> memref<64x128xf32, #tpu.memory_space<hbm>>
      tpu.wait_dma2 semaphore(%arg23 : memref<!tpu.dma_semaphore, #tpu.memory_space<semaphore_mem>>) src(%dma_wait3A_72 : memref<64x128xf32, #tpu.memory_space<hbm>>) dst(%arg18 : memref<64x128xf32, #tpu.memory_space<vmem>>)
      %dma_wait3A_73 = arith.constant 0 : i32
      %dma_wait3A_74 = arith.constant 0 : i32
      %dma_wait3A_75 = tpu.memref_slice %arg2[%dma_wait3A_73, %dma_wait3A_74] : memref<10000x128xf32, #tpu.memory_space<hbm>> -> memref<64x128xf32, #tpu.memory_space<hbm>>
      %dma_wait3A_76 = arith.constant 0 : i32
      %dma_wait3A_77 = arith.constant 0 : i32
      %dma_wait3A_78 = tpu.memref_slice %arg2[%dma_wait3A_76, %dma_wait3A_77] : memref<10000x128xf32, #tpu.memory_space<hbm>> -> memref<64x128xf32, #tpu.memory_space<hbm>>
      tpu.wait_dma2 semaphore(%arg24 : memref<!tpu.dma_semaphore, #tpu.memory_space<semaphore_mem>>) src(%dma_wait3A_78 : memref<64x128xf32, #tpu.memory_space<hbm>>) dst(%arg19 : memref<64x128xf32, #tpu.memory_space<vmem>>)
      %barrier3A_79 = arith.constant 0 : index
      tpu.barrier barrier_id(%barrier3A_79)
      %add3A_80 = arith.constant 0 : i32
      %add3A_81 = arith.addi %mul3A_3, %add3A_80 : i32
      %add3A_82 = arith.constant 0 : i32
      %add3A_83 = arith.addi %mul3A_3, %add3A_82 : i32
      "tpu.region"() ({
        %run_scoped3A_106 = tpu.sem_alloc : memref<!tpu.dma_semaphore, #tpu.memory_space<semaphore_mem>>
        %dma_start3A_107 = arith.constant 0 : i32
        %dma_start3A_108 = tpu.memref_slice %arg8[%scan3A_25, %arg0, %add3A_83, %dma_start3A_107] : memref<3x2x5120x128xf32, #tpu.memory_space<hbm>> -> memref<1x1x64x128xf32, #tpu.memory_space<hbm>>
        %dma_start3A_109 = tpu.memref_squeeze %dma_start3A_108 : memref<1x1x64x128xf32, #tpu.memory_space<hbm>> -> memref<64x128xf32, #tpu.memory_space<hbm>>
        %dma_start3A_110 = arith.constant 0 : i32
        %dma_start3A_111 = tpu.memref_slice %arg20[%add3A_81, %dma_start3A_110] : memref<5120x128xf32, #tpu.memory_space<vmem_shared>> -> memref<64x128xf32, #tpu.memory_space<vmem_shared>>
        tpu.enqueue_dma source(%dma_start3A_111 : memref<64x128xf32, #tpu.memory_space<vmem_shared>>) target(%dma_start3A_109 : memref<64x128xf32, #tpu.memory_space<hbm>>) target_semaphore(%run_scoped3A_106 : memref<!tpu.dma_semaphore, #tpu.memory_space<semaphore_mem>>)
        %dma_wait3A_112 = arith.constant 0 : i32
        %dma_wait3A_113 = tpu.memref_slice %arg8[%scan3A_25, %arg0, %add3A_83, %dma_wait3A_112] : memref<3x2x5120x128xf32, #tpu.memory_space<hbm>> -> memref<1x1x64x128xf32, #tpu.memory_space<hbm>>
        %dma_wait3A_114 = tpu.memref_squeeze %dma_wait3A_113 : memref<1x1x64x128xf32, #tpu.memory_space<hbm>> -> memref<64x128xf32, #tpu.memory_space<hbm>>
        %dma_wait3A_115 = arith.constant 0 : i32
        %dma_wait3A_116 = tpu.memref_slice %arg20[%add3A_81, %dma_wait3A_115] : memref<5120x128xf32, #tpu.memory_space<vmem_shared>> -> memref<64x128xf32, #tpu.memory_space<vmem_shared>>
        tpu.wait_dma2 semaphore(%run_scoped3A_106 : memref<!tpu.dma_semaphore, #tpu.memory_space<semaphore_mem>>) src(%dma_wait3A_116 : memref<64x128xf32, #tpu.memory_space<vmem_shared>>) dst(%dma_wait3A_114 : memref<64x128xf32, #tpu.memory_space<hbm>>)
        tpu.yield
      }) : () -> ()
      %add3A_84 = arith.constant 64 : i32
      %add3A_85 = arith.addi %mul3A_3, %add3A_84 : i32
      %add3A_86 = arith.constant 64 : i32
      %add3A_87 = arith.addi %mul3A_3, %add3A_86 : i32
      "tpu.region"() ({
        %run_scoped3A_106 = tpu.sem_alloc : memref<!tpu.dma_semaphore, #tpu.memory_space<semaphore_mem>>
        %dma_start3A_107 = arith.constant 0 : i32
        %dma_start3A_108 = tpu.memref_slice %arg8[%scan3A_25, %arg0, %add3A_87, %dma_start3A_107] : memref<3x2x5120x128xf32, #tpu.memory_space<hbm>> -> memref<1x1x64x128xf32, #tpu.memory_space<hbm>>
        %dma_start3A_109 = tpu.memref_squeeze %dma_start3A_108 : memref<1x1x64x128xf32, #tpu.memory_space<hbm>> -> memref<64x128xf32, #tpu.memory_space<hbm>>
        %dma_start3A_110 = arith.constant 0 : i32
        %dma_start3A_111 = tpu.memref_slice %arg20[%add3A_85, %dma_start3A_110] : memref<5120x128xf32, #tpu.memory_space<vmem_shared>> -> memref<64x128xf32, #tpu.memory_space<vmem_shared>>
        tpu.enqueue_dma source(%dma_start3A_111 : memref<64x128xf32, #tpu.memory_space<vmem_shared>>) target(%dma_start3A_109 : memref<64x128xf32, #tpu.memory_space<hbm>>) target_semaphore(%run_scoped3A_106 : memref<!tpu.dma_semaphore, #tpu.memory_space<semaphore_mem>>)
        %dma_wait3A_112 = arith.constant 0 : i32
        %dma_wait3A_113 = tpu.memref_slice %arg8[%scan3A_25, %arg0, %add3A_87, %dma_wait3A_112] : memref<3x2x5120x128xf32, #tpu.memory_space<hbm>> -> memref<1x1x64x128xf32, #tpu.memory_space<hbm>>
        %dma_wait3A_114 = tpu.memref_squeeze %dma_wait3A_113 : memref<1x1x64x128xf32, #tpu.memory_space<hbm>> -> memref<64x128xf32, #tpu.memory_space<hbm>>
        %dma_wait3A_115 = arith.constant 0 : i32
        %dma_wait3A_116 = tpu.memref_slice %arg20[%add3A_85, %dma_wait3A_115] : memref<5120x128xf32, #tpu.memory_space<vmem_shared>> -> memref<64x128xf32, #tpu.memory_space<vmem_shared>>
        tpu.wait_dma2 semaphore(%run_scoped3A_106 : memref<!tpu.dma_semaphore, #tpu.memory_space<semaphore_mem>>) src(%dma_wait3A_116 : memref<64x128xf32, #tpu.memory_space<vmem_shared>>) dst(%dma_wait3A_114 : memref<64x128xf32, #tpu.memory_space<hbm>>)
        tpu.yield
      }) : () -> ()
      %add3A_88 = arith.constant 128 : i32
      %add3A_89 = arith.addi %mul3A_3, %add3A_88 : i32
      %add3A_90 = arith.constant 128 : i32
      %add3A_91 = arith.addi %mul3A_3, %add3A_90 : i32
      "tpu.region"() ({
        %run_scoped3A_106 = tpu.sem_alloc : memref<!tpu.dma_semaphore, #tpu.memory_space<semaphore_mem>>
        %dma_start3A_107 = arith.constant 0 : i32
        %dma_start3A_108 = tpu.memref_slice %arg8[%scan3A_25, %arg0, %add3A_91, %dma_start3A_107] : memref<3x2x5120x128xf32, #tpu.memory_space<hbm>> -> memref<1x1x64x128xf32, #tpu.memory_space<hbm>>
        %dma_start3A_109 = tpu.memref_squeeze %dma_start3A_108 : memref<1x1x64x128xf32, #tpu.memory_space<hbm>> -> memref<64x128xf32, #tpu.memory_space<hbm>>
        %dma_start3A_110 = arith.constant 0 : i32
        %dma_start3A_111 = tpu.memref_slice %arg20[%add3A_89, %dma_start3A_110] : memref<5120x128xf32, #tpu.memory_space<vmem_shared>> -> memref<64x128xf32, #tpu.memory_space<vmem_shared>>
        tpu.enqueue_dma source(%dma_start3A_111 : memref<64x128xf32, #tpu.memory_space<vmem_shared>>) target(%dma_start3A_109 : memref<64x128xf32, #tpu.memory_space<hbm>>) target_semaphore(%run_scoped3A_106 : memref<!tpu.dma_semaphore, #tpu.memory_space<semaphore_mem>>)
        %dma_wait3A_112 = arith.constant 0 : i32
        %dma_wait3A_113 = tpu.memref_slice %arg8[%scan3A_25, %arg0, %add3A_91, %dma_wait3A_112] : memref<3x2x5120x128xf32, #tpu.memory_space<hbm>> -> memref<1x1x64x128xf32, #tpu.memory_space<hbm>>
        %dma_wait3A_114 = tpu.memref_squeeze %dma_wait3A_113 : memref<1x1x64x128xf32, #tpu.memory_space<hbm>> -> memref<64x128xf32, #tpu.memory_space<hbm>>
        %dma_wait3A_115 = arith.constant 0 : i32
        %dma_wait3A_116 = tpu.memref_slice %arg20[%add3A_89, %dma_wait3A_115] : memref<5120x128xf32, #tpu.memory_space<vmem_shared>> -> memref<64x128xf32, #tpu.memory_space<vmem_shared>>
        tpu.wait_dma2 semaphore(%run_scoped3A_106 : memref<!tpu.dma_semaphore, #tpu.memory_space<semaphore_mem>>) src(%dma_wait3A_116 : memref<64x128xf32, #tpu.memory_space<vmem_shared>>) dst(%dma_wait3A_114 : memref<64x128xf32, #tpu.memory_space<hbm>>)
        tpu.yield
      }) : () -> ()
      %add3A_92 = arith.constant 192 : i32
      %add3A_93 = arith.addi %mul3A_3, %add3A_92 : i32
      %add3A_94 = arith.constant 192 : i32
      %add3A_95 = arith.addi %mul3A_3, %add3A_94 : i32
      "tpu.region"() ({
        %run_scoped3A_106 = tpu.sem_alloc : memref<!tpu.dma_semaphore, #tpu.memory_space<semaphore_mem>>
        %dma_start3A_107 = arith.constant 0 : i32
        %dma_start3A_108 = tpu.memref_slice %arg8[%scan3A_25, %arg0, %add3A_95, %dma_start3A_107] : memref<3x2x5120x128xf32, #tpu.memory_space<hbm>> -> memref<1x1x64x128xf32, #tpu.memory_space<hbm>>
        %dma_start3A_109 = tpu.memref_squeeze %dma_start3A_108 : memref<1x1x64x128xf32, #tpu.memory_space<hbm>> -> memref<64x128xf32, #tpu.memory_space<hbm>>
        %dma_start3A_110 = arith.constant 0 : i32
        %dma_start3A_111 = tpu.memref_slice %arg20[%add3A_93, %dma_start3A_110] : memref<5120x128xf32, #tpu.memory_space<vmem_shared>> -> memref<64x128xf32, #tpu.memory_space<vmem_shared>>
        tpu.enqueue_dma source(%dma_start3A_111 : memref<64x128xf32, #tpu.memory_space<vmem_shared>>) target(%dma_start3A_109 : memref<64x128xf32, #tpu.memory_space<hbm>>) target_semaphore(%run_scoped3A_106 : memref<!tpu.dma_semaphore, #tpu.memory_space<semaphore_mem>>)
        %dma_wait3A_112 = arith.constant 0 : i32
        %dma_wait3A_113 = tpu.memref_slice %arg8[%scan3A_25, %arg0, %add3A_95, %dma_wait3A_112] : memref<3x2x5120x128xf32, #tpu.memory_space<hbm>> -> memref<1x1x64x128xf32, #tpu.memory_space<hbm>>
        %dma_wait3A_114 = tpu.memref_squeeze %dma_wait3A_113 : memref<1x1x64x128xf32, #tpu.memory_space<hbm>> -> memref<64x128xf32, #tpu.memory_space<hbm>>
        %dma_wait3A_115 = arith.constant 0 : i32
        %dma_wait3A_116 = tpu.memref_slice %arg20[%add3A_93, %dma_wait3A_115] : memref<5120x128xf32, #tpu.memory_space<vmem_shared>> -> memref<64x128xf32, #tpu.memory_space<vmem_shared>>
        tpu.wait_dma2 semaphore(%run_scoped3A_106 : memref<!tpu.dma_semaphore, #tpu.memory_space<semaphore_mem>>) src(%dma_wait3A_116 : memref<64x128xf32, #tpu.memory_space<vmem_shared>>) dst(%dma_wait3A_114 : memref<64x128xf32, #tpu.memory_space<hbm>>)
        tpu.yield
      }) : () -> ()
      %add3A_96 = arith.constant 256 : i32
      %add3A_97 = arith.addi %mul3A_3, %add3A_96 : i32
      %add3A_98 = arith.constant 256 : i32
      %add3A_99 = arith.addi %mul3A_3, %add3A_98 : i32
      "tpu.region"() ({
        %run_scoped3A_106 = tpu.sem_alloc : memref<!tpu.dma_semaphore, #tpu.memory_space<semaphore_mem>>
        %dma_start3A_107 = arith.constant 0 : i32
        %dma_start3A_108 = tpu.memref_slice %arg8[%scan3A_25, %arg0, %add3A_99, %dma_start3A_107] : memref<3x2x5120x128xf32, #tpu.memory_space<hbm>> -> memref<1x1x64x128xf32, #tpu.memory_space<hbm>>
        %dma_start3A_109 = tpu.memref_squeeze %dma_start3A_108 : memref<1x1x64x128xf32, #tpu.memory_space<hbm>> -> memref<64x128xf32, #tpu.memory_space<hbm>>
        %dma_start3A_110 = arith.constant 0 : i32
        %dma_start3A_111 = tpu.memref_slice %arg20[%add3A_97, %dma_start3A_110] : memref<5120x128xf32, #tpu.memory_space<vmem_shared>> -> memref<64x128xf32, #tpu.memory_space<vmem_shared>>
        tpu.enqueue_dma source(%dma_start3A_111 : memref<64x128xf32, #tpu.memory_space<vmem_shared>>) target(%dma_start3A_109 : memref<64x128xf32, #tpu.memory_space<hbm>>) target_semaphore(%run_scoped3A_106 : memref<!tpu.dma_semaphore, #tpu.memory_space<semaphore_mem>>)
        %dma_wait3A_112 = arith.constant 0 : i32
        %dma_wait3A_113 = tpu.memref_slice %arg8[%scan3A_25, %arg0, %add3A_99, %dma_wait3A_112] : memref<3x2x5120x128xf32, #tpu.memory_space<hbm>> -> memref<1x1x64x128xf32, #tpu.memory_space<hbm>>
        %dma_wait3A_114 = tpu.memref_squeeze %dma_wait3A_113 : memref<1x1x64x128xf32, #tpu.memory_space<hbm>> -> memref<64x128xf32, #tpu.memory_space<hbm>>
        %dma_wait3A_115 = arith.constant 0 : i32
        %dma_wait3A_116 = tpu.memref_slice %arg20[%add3A_97, %dma_wait3A_115] : memref<5120x128xf32, #tpu.memory_space<vmem_shared>> -> memref<64x128xf32, #tpu.memory_space<vmem_shared>>
        tpu.wait_dma2 semaphore(%run_scoped3A_106 : memref<!tpu.dma_semaphore, #tpu.memory_space<semaphore_mem>>) src(%dma_wait3A_116 : memref<64x128xf32, #tpu.memory_space<vmem_shared>>) dst(%dma_wait3A_114 : memref<64x128xf32, #tpu.memory_space<hbm>>)
        tpu.yield
      }) : () -> ()
      %lt3A_100 = arith.constant 2 : i32
      %lt3A_101 = arith.cmpi slt, %scan3A_25, %lt3A_100 : i32
      %convert_element_type3A_102 = arith.extui %lt3A_101 : i1 to i32
      %cond3A_103 = arith.constant 0 : i32
      %cond3A_104 = arith.cmpi ne, %convert_element_type3A_102, %cond3A_103 : i32
      scf.if %cond3A_104 {
        %scan3A_106 = arith.constant 0 : i32
        %scan3A_107 = arith.constant 0 : i32
        %scan3A_108 = arith.constant 64 : i32
        %scan3A_109 = arith.addi %scan3A_107, %scan3A_108 : i32
        %scan3A_110 = arith.constant 1 : i32
        scf.for %scan3A_122 = %scan3A_107 to %scan3A_109 step %scan3A_110  : i32 {
          %swap3A = arith.index_cast %scan3A_122 : i32 to index
          %swap3A_123 = arith.constant 0 : index
          %swap3A_124 = tpu.vector_load %arg18[%swap3A, %swap3A_123] {strides = array<i32>} : memref<64x128xf32, #tpu.memory_space<vmem>>, vector<16xf32>,
          tpu.vector_store %arg18[%swap3A, %swap3A_123], %broadcast_in_dim3A_1 {strides = array<i32>} : memref<64x128xf32, #tpu.memory_space<vmem>>, vector<16xf32>,
          %swap3A_125 = arith.index_cast %scan3A_122 : i32 to index
          %swap3A_126 = arith.constant 16 : index
          %swap3A_127 = tpu.vector_load %arg18[%swap3A_125, %swap3A_126] {strides = array<i32>} : memref<64x128xf32, #tpu.memory_space<vmem>>, vector<16xf32>,
          tpu.vector_store %arg18[%swap3A_125, %swap3A_126], %broadcast_in_dim3A_1 {strides = array<i32>} : memref<64x128xf32, #tpu.memory_space<vmem>>, vector<16xf32>,
          %swap3A_128 = arith.index_cast %scan3A_122 : i32 to index
          %swap3A_129 = arith.constant 32 : index
          %swap3A_130 = tpu.vector_load %arg18[%swap3A_128, %swap3A_129] {strides = array<i32>} : memref<64x128xf32, #tpu.memory_space<vmem>>, vector<16xf32>,
          tpu.vector_store %arg18[%swap3A_128, %swap3A_129], %broadcast_in_dim3A_1 {strides = array<i32>} : memref<64x128xf32, #tpu.memory_space<vmem>>, vector<16xf32>,
          %swap3A_131 = arith.index_cast %scan3A_122 : i32 to index
          %swap3A_132 = arith.constant 48 : index
          %swap3A_133 = tpu.vector_load %arg18[%swap3A_131, %swap3A_132] {strides = array<i32>} : memref<64x128xf32, #tpu.memory_space<vmem>>, vector<16xf32>,
          tpu.vector_store %arg18[%swap3A_131, %swap3A_132], %broadcast_in_dim3A_1 {strides = array<i32>} : memref<64x128xf32, #tpu.memory_space<vmem>>, vector<16xf32>,
          %swap3A_134 = arith.index_cast %scan3A_122 : i32 to index
          %swap3A_135 = arith.constant 64 : index
          %swap3A_136 = tpu.vector_load %arg18[%swap3A_134, %swap3A_135] {strides = array<i32>} : memref<64x128xf32, #tpu.memory_space<vmem>>, vector<16xf32>,
          tpu.vector_store %arg18[%swap3A_134, %swap3A_135], %broadcast_in_dim3A_1 {strides = array<i32>} : memref<64x128xf32, #tpu.memory_space<vmem>>, vector<16xf32>,
          %swap3A_137 = arith.index_cast %scan3A_122 : i32 to index
          %swap3A_138 = arith.constant 80 : index
          %swap3A_139 = tpu.vector_load %arg18[%swap3A_137, %swap3A_138] {strides = array<i32>} : memref<64x128xf32, #tpu.memory_space<vmem>>, vector<16xf32>,
          tpu.vector_store %arg18[%swap3A_137, %swap3A_138], %broadcast_in_dim3A_1 {strides = array<i32>} : memref<64x128xf32, #tpu.memory_space<vmem>>, vector<16xf32>,
          %swap3A_140 = arith.index_cast %scan3A_122 : i32 to index
          %swap3A_141 = arith.constant 96 : index
          %swap3A_142 = tpu.vector_load %arg18[%swap3A_140, %swap3A_141] {strides = array<i32>} : memref<64x128xf32, #tpu.memory_space<vmem>>, vector<16xf32>,
          tpu.vector_store %arg18[%swap3A_140, %swap3A_141], %broadcast_in_dim3A_1 {strides = array<i32>} : memref<64x128xf32, #tpu.memory_space<vmem>>, vector<16xf32>,
          %swap3A_143 = arith.index_cast %scan3A_122 : i32 to index
          %swap3A_144 = arith.constant 112 : index
          %swap3A_145 = tpu.vector_load %arg18[%swap3A_143, %swap3A_144] {strides = array<i32>} : memref<64x128xf32, #tpu.memory_space<vmem>>, vector<16xf32>,
          tpu.vector_store %arg18[%swap3A_143, %swap3A_144], %broadcast_in_dim3A_1 {strides = array<i32>} : memref<64x128xf32, #tpu.memory_space<vmem>>, vector<16xf32>,
        }
        %scan3A_111 = arith.constant 64 : i32
        %add3A_112 = arith.constant 0 : i32
        %add3A_113 = arith.addi %mul3A_3, %add3A_112 : i32
        "tpu.region"() ({
          %run_scoped3A_122 = tpu.sem_alloc : memref<!tpu.dma_semaphore, #tpu.memory_space<semaphore_mem>>
          %dma_start3A_123 = arith.constant 0 : i32
          %dma_start3A_124 = arith.constant 0 : i32
          %dma_start3A_125 = tpu.memref_slice %arg18[%dma_start3A_123, %dma_start3A_124] : memref<64x128xf32, #tpu.memory_space<vmem>> -> memref<64x128xf32, #tpu.memory_space<vmem>>
          %dma_start3A_126 = arith.constant 0 : i32
          %dma_start3A_127 = tpu.memref_slice %arg20[%add3A_113, %dma_start3A_126] : memref<5120x128xf32, #tpu.memory_space<vmem_shared>> -> memref<64x128xf32, #tpu.memory_space<vmem_shared>>
          %dma_start3A_128 = arith.constant 0 : i32
          %dma_start3A_129 = tpu.memref_slice %arg20[%add3A_113, %dma_start3A_128] : memref<5120x128xf32, #tpu.memory_space<vmem_shared>> -> memref<64x128xf32, #tpu.memory_space<vmem_shared>>
          %dma_start3A_130 = arith.constant 0 : i32
          %dma_start3A_131 = arith.constant 0 : i32
          %dma_start3A_132 = tpu.memref_slice %arg18[%dma_start3A_130, %dma_start3A_131] : memref<64x128xf32, #tpu.memory_space<vmem>> -> memref<64x128xf32, #tpu.memory_space<vmem>>
          tpu.enqueue_dma source(%dma_start3A_132 : memref<64x128xf32, #tpu.memory_space<vmem>>) target(%dma_start3A_129 : memref<64x128xf32, #tpu.memory_space<vmem_shared>>) target_semaphore(%run_scoped3A_122 : memref<!tpu.dma_semaphore, #tpu.memory_space<semaphore_mem>>)
          %dma_wait3A_133 = arith.constant 0 : i32
          %dma_wait3A_134 = arith.constant 0 : i32
          %dma_wait3A_135 = tpu.memref_slice %arg18[%dma_wait3A_133, %dma_wait3A_134] : memref<64x128xf32, #tpu.memory_space<vmem>> -> memref<64x128xf32, #tpu.memory_space<vmem>>
          %dma_wait3A_136 = arith.constant 0 : i32
          %dma_wait3A_137 = tpu.memref_slice %arg20[%add3A_113, %dma_wait3A_136] : memref<5120x128xf32, #tpu.memory_space<vmem_shared>> -> memref<64x128xf32, #tpu.memory_space<vmem_shared>>
          %dma_wait3A_138 = arith.constant 0 : i32
          %dma_wait3A_139 = tpu.memref_slice %arg20[%add3A_113, %dma_wait3A_138] : memref<5120x128xf32, #tpu.memory_space<vmem_shared>> -> memref<64x128xf32, #tpu.memory_space<vmem_shared>>
          %dma_wait3A_140 = arith.constant 0 : i32
          %dma_wait3A_141 = arith.constant 0 : i32
          %dma_wait3A_142 = tpu.memref_slice %arg18[%dma_wait3A_140, %dma_wait3A_141] : memref<64x128xf32, #tpu.memory_space<vmem>> -> memref<64x128xf32, #tpu.memory_space<vmem>>
          tpu.wait_dma2 semaphore(%run_scoped3A_122 : memref<!tpu.dma_semaphore, #tpu.memory_space<semaphore_mem>>) src(%dma_wait3A_142 : memref<64x128xf32, #tpu.memory_space<vmem>>) dst(%dma_wait3A_139 : memref<64x128xf32, #tpu.memory_space<vmem_shared>>)
          tpu.yield
        }) : () -> ()
        %add3A_114 = arith.constant 64 : i32
        %add3A_115 = arith.addi %mul3A_3, %add3A_114 : i32
        "tpu.region"() ({
          %run_scoped3A_122 = tpu.sem_alloc : memref<!tpu.dma_semaphore, #tpu.memory_space<semaphore_mem>>
          %dma_start3A_123 = arith.constant 0 : i32
          %dma_start3A_124 = arith.constant 0 : i32
          %dma_start3A_125 = tpu.memref_slice %arg18[%dma_start3A_123, %dma_start3A_124] : memref<64x128xf32, #tpu.memory_space<vmem>> -> memref<64x128xf32, #tpu.memory_space<vmem>>
          %dma_start3A_126 = arith.constant 0 : i32
          %dma_start3A_127 = tpu.memref_slice %arg20[%add3A_115, %dma_start3A_126] : memref<5120x128xf32, #tpu.memory_space<vmem_shared>> -> memref<64x128xf32, #tpu.memory_space<vmem_shared>>
          %dma_start3A_128 = arith.constant 0 : i32
          %dma_start3A_129 = tpu.memref_slice %arg20[%add3A_115, %dma_start3A_128] : memref<5120x128xf32, #tpu.memory_space<vmem_shared>> -> memref<64x128xf32, #tpu.memory_space<vmem_shared>>
          %dma_start3A_130 = arith.constant 0 : i32
          %dma_start3A_131 = arith.constant 0 : i32
          %dma_start3A_132 = tpu.memref_slice %arg18[%dma_start3A_130, %dma_start3A_131] : memref<64x128xf32, #tpu.memory_space<vmem>> -> memref<64x128xf32, #tpu.memory_space<vmem>>
          tpu.enqueue_dma source(%dma_start3A_132 : memref<64x128xf32, #tpu.memory_space<vmem>>) target(%dma_start3A_129 : memref<64x128xf32, #tpu.memory_space<vmem_shared>>) target_semaphore(%run_scoped3A_122 : memref<!tpu.dma_semaphore, #tpu.memory_space<semaphore_mem>>)
          %dma_wait3A_133 = arith.constant 0 : i32
          %dma_wait3A_134 = arith.constant 0 : i32
          %dma_wait3A_135 = tpu.memref_slice %arg18[%dma_wait3A_133, %dma_wait3A_134] : memref<64x128xf32, #tpu.memory_space<vmem>> -> memref<64x128xf32, #tpu.memory_space<vmem>>
          %dma_wait3A_136 = arith.constant 0 : i32
          %dma_wait3A_137 = tpu.memref_slice %arg20[%add3A_115, %dma_wait3A_136] : memref<5120x128xf32, #tpu.memory_space<vmem_shared>> -> memref<64x128xf32, #tpu.memory_space<vmem_shared>>
          %dma_wait3A_138 = arith.constant 0 : i32
          %dma_wait3A_139 = tpu.memref_slice %arg20[%add3A_115, %dma_wait3A_138] : memref<5120x128xf32, #tpu.memory_space<vmem_shared>> -> memref<64x128xf32, #tpu.memory_space<vmem_shared>>
          %dma_wait3A_140 = arith.constant 0 : i32
          %dma_wait3A_141 = arith.constant 0 : i32
          %dma_wait3A_142 = tpu.memref_slice %arg18[%dma_wait3A_140, %dma_wait3A_141] : memref<64x128xf32, #tpu.memory_space<vmem>> -> memref<64x128xf32, #tpu.memory_space<vmem>>
          tpu.wait_dma2 semaphore(%run_scoped3A_122 : memref<!tpu.dma_semaphore, #tpu.memory_space<semaphore_mem>>) src(%dma_wait3A_142 : memref<64x128xf32, #tpu.memory_space<vmem>>) dst(%dma_wait3A_139 : memref<64x128xf32, #tpu.memory_space<vmem_shared>>)
          tpu.yield
        }) : () -> ()
        %add3A_116 = arith.constant 128 : i32
        %add3A_117 = arith.addi %mul3A_3, %add3A_116 : i32
        "tpu.region"() ({
          %run_scoped3A_122 = tpu.sem_alloc : memref<!tpu.dma_semaphore, #tpu.memory_space<semaphore_mem>>
          %dma_start3A_123 = arith.constant 0 : i32
          %dma_start3A_124 = arith.constant 0 : i32
          %dma_start3A_125 = tpu.memref_slice %arg18[%dma_start3A_123, %dma_start3A_124] : memref<64x128xf32, #tpu.memory_space<vmem>> -> memref<64x128xf32, #tpu.memory_space<vmem>>
          %dma_start3A_126 = arith.constant 0 : i32
          %dma_start3A_127 = tpu.memref_slice %arg20[%add3A_117, %dma_start3A_126] : memref<5120x128xf32, #tpu.memory_space<vmem_shared>> -> memref<64x128xf32, #tpu.memory_space<vmem_shared>>
          %dma_start3A_128 = arith.constant 0 : i32
          %dma_start3A_129 = tpu.memref_slice %arg20[%add3A_117, %dma_start3A_128] : memref<5120x128xf32, #tpu.memory_space<vmem_shared>> -> memref<64x128xf32, #tpu.memory_space<vmem_shared>>
          %dma_start3A_130 = arith.constant 0 : i32
          %dma_start3A_131 = arith.constant 0 : i32
          %dma_start3A_132 = tpu.memref_slice %arg18[%dma_start3A_130, %dma_start3A_131] : memref<64x128xf32, #tpu.memory_space<vmem>> -> memref<64x128xf32, #tpu.memory_space<vmem>>
          tpu.enqueue_dma source(%dma_start3A_132 : memref<64x128xf32, #tpu.memory_space<vmem>>) target(%dma_start3A_129 : memref<64x128xf32, #tpu.memory_space<vmem_shared>>) target_semaphore(%run_scoped3A_122 : memref<!tpu.dma_semaphore, #tpu.memory_space<semaphore_mem>>)
          %dma_wait3A_133 = arith.constant 0 : i32
          %dma_wait3A_134 = arith.constant 0 : i32
          %dma_wait3A_135 = tpu.memref_slice %arg18[%dma_wait3A_133, %dma_wait3A_134] : memref<64x128xf32, #tpu.memory_space<vmem>> -> memref<64x128xf32, #tpu.memory_space<vmem>>
          %dma_wait3A_136 = arith.constant 0 : i32
          %dma_wait3A_137 = tpu.memref_slice %arg20[%add3A_117, %dma_wait3A_136] : memref<5120x128xf32, #tpu.memory_space<vmem_shared>> -> memref<64x128xf32, #tpu.memory_space<vmem_shared>>
          %dma_wait3A_138 = arith.constant 0 : i32
          %dma_wait3A_139 = tpu.memref_slice %arg20[%add3A_117, %dma_wait3A_138] : memref<5120x128xf32, #tpu.memory_space<vmem_shared>> -> memref<64x128xf32, #tpu.memory_space<vmem_shared>>
          %dma_wait3A_140 = arith.constant 0 : i32
          %dma_wait3A_141 = arith.constant 0 : i32
          %dma_wait3A_142 = tpu.memref_slice %arg18[%dma_wait3A_140, %dma_wait3A_141] : memref<64x128xf32, #tpu.memory_space<vmem>> -> memref<64x128xf32, #tpu.memory_space<vmem>>
          tpu.wait_dma2 semaphore(%run_scoped3A_122 : memref<!tpu.dma_semaphore, #tpu.memory_space<semaphore_mem>>) src(%dma_wait3A_142 : memref<64x128xf32, #tpu.memory_space<vmem>>) dst(%dma_wait3A_139 : memref<64x128xf32, #tpu.memory_space<vmem_shared>>)
          tpu.yield
        }) : () -> ()
        %add3A_118 = arith.constant 192 : i32
        %add3A_119 = arith.addi %mul3A_3, %add3A_118 : i32
        "tpu.region"() ({
          %run_scoped3A_122 = tpu.sem_alloc : memref<!tpu.dma_semaphore, #tpu.memory_space<semaphore_mem>>
          %dma_start3A_123 = arith.constant 0 : i32
          %dma_start3A_124 = arith.constant 0 : i32
          %dma_start3A_125 = tpu.memref_slice %arg18[%dma_start3A_123, %dma_start3A_124] : memref<64x128xf32, #tpu.memory_space<vmem>> -> memref<64x128xf32, #tpu.memory_space<vmem>>
          %dma_start3A_126 = arith.constant 0 : i32
          %dma_start3A_127 = tpu.memref_slice %arg20[%add3A_119, %dma_start3A_126] : memref<5120x128xf32, #tpu.memory_space<vmem_shared>> -> memref<64x128xf32, #tpu.memory_space<vmem_shared>>
          %dma_start3A_128 = arith.constant 0 : i32
          %dma_start3A_129 = tpu.memref_slice %arg20[%add3A_119, %dma_start3A_128] : memref<5120x128xf32, #tpu.memory_space<vmem_shared>> -> memref<64x128xf32, #tpu.memory_space<vmem_shared>>
          %dma_start3A_130 = arith.constant 0 : i32
          %dma_start3A_131 = arith.constant 0 : i32
          %dma_start3A_132 = tpu.memref_slice %arg18[%dma_start3A_130, %dma_start3A_131] : memref<64x128xf32, #tpu.memory_space<vmem>> -> memref<64x128xf32, #tpu.memory_space<vmem>>
          tpu.enqueue_dma source(%dma_start3A_132 : memref<64x128xf32, #tpu.memory_space<vmem>>) target(%dma_start3A_129 : memref<64x128xf32, #tpu.memory_space<vmem_shared>>) target_semaphore(%run_scoped3A_122 : memref<!tpu.dma_semaphore, #tpu.memory_space<semaphore_mem>>)
          %dma_wait3A_133 = arith.constant 0 : i32
          %dma_wait3A_134 = arith.constant 0 : i32
          %dma_wait3A_135 = tpu.memref_slice %arg18[%dma_wait3A_133, %dma_wait3A_134] : memref<64x128xf32, #tpu.memory_space<vmem>> -> memref<64x128xf32, #tpu.memory_space<vmem>>
          %dma_wait3A_136 = arith.constant 0 : i32
          %dma_wait3A_137 = tpu.memref_slice %arg20[%add3A_119, %dma_wait3A_136] : memref<5120x128xf32, #tpu.memory_space<vmem_shared>> -> memref<64x128xf32, #tpu.memory_space<vmem_shared>>
          %dma_wait3A_138 = arith.constant 0 : i32
          %dma_wait3A_139 = tpu.memref_slice %arg20[%add3A_119, %dma_wait3A_138] : memref<5120x128xf32, #tpu.memory_space<vmem_shared>> -> memref<64x128xf32, #tpu.memory_space<vmem_shared>>
          %dma_wait3A_140 = arith.constant 0 : i32
          %dma_wait3A_141 = arith.constant 0 : i32
          %dma_wait3A_142 = tpu.memref_slice %arg18[%dma_wait3A_140, %dma_wait3A_141] : memref<64x128xf32, #tpu.memory_space<vmem>> -> memref<64x128xf32, #tpu.memory_space<vmem>>
          tpu.wait_dma2 semaphore(%run_scoped3A_122 : memref<!tpu.dma_semaphore, #tpu.memory_space<semaphore_mem>>) src(%dma_wait3A_142 : memref<64x128xf32, #tpu.memory_space<vmem>>) dst(%dma_wait3A_139 : memref<64x128xf32, #tpu.memory_space<vmem_shared>>)
          tpu.yield
        }) : () -> ()
        %add3A_120 = arith.constant 256 : i32
        %add3A_121 = arith.addi %mul3A_3, %add3A_120 : i32
        "tpu.region"() ({
          %run_scoped3A_122 = tpu.sem_alloc : memref<!tpu.dma_semaphore, #tpu.memory_space<semaphore_mem>>
          %dma_start3A_123 = arith.constant 0 : i32
          %dma_start3A_124 = arith.constant 0 : i32
          %dma_start3A_125 = tpu.memref_slice %arg18[%dma_start3A_123, %dma_start3A_124] : memref<64x128xf32, #tpu.memory_space<vmem>> -> memref<64x128xf32, #tpu.memory_space<vmem>>
          %dma_start3A_126 = arith.constant 0 : i32
          %dma_start3A_127 = tpu.memref_slice %arg20[%add3A_121, %dma_start3A_126] : memref<5120x128xf32, #tpu.memory_space<vmem_shared>> -> memref<64x128xf32, #tpu.memory_space<vmem_shared>>
          %dma_start3A_128 = arith.constant 0 : i32
          %dma_start3A_129 = tpu.memref_slice %arg20[%add3A_121, %dma_start3A_128] : memref<5120x128xf32, #tpu.memory_space<vmem_shared>> -> memref<64x128xf32, #tpu.memory_space<vmem_shared>>
          %dma_start3A_130 = arith.constant 0 : i32
          %dma_start3A_131 = arith.constant 0 : i32
          %dma_start3A_132 = tpu.memref_slice %arg18[%dma_start3A_130, %dma_start3A_131] : memref<64x128xf32, #tpu.memory_space<vmem>> -> memref<64x128xf32, #tpu.memory_space<vmem>>
          tpu.enqueue_dma source(%dma_start3A_132 : memref<64x128xf32, #tpu.memory_space<vmem>>) target(%dma_start3A_129 : memref<64x128xf32, #tpu.memory_space<vmem_shared>>) target_semaphore(%run_scoped3A_122 : memref<!tpu.dma_semaphore, #tpu.memory_space<semaphore_mem>>)
          %dma_wait3A_133 = arith.constant 0 : i32
          %dma_wait3A_134 = arith.constant 0 : i32
          %dma_wait3A_135 = tpu.memref_slice %arg18[%dma_wait3A_133, %dma_wait3A_134] : memref<64x128xf32, #tpu.memory_space<vmem>> -> memref<64x128xf32, #tpu.memory_space<vmem>>
          %dma_wait3A_136 = arith.constant 0 : i32
          %dma_wait3A_137 = tpu.memref_slice %arg20[%add3A_121, %dma_wait3A_136] : memref<5120x128xf32, #tpu.memory_space<vmem_shared>> -> memref<64x128xf32, #tpu.memory_space<vmem_shared>>
          %dma_wait3A_138 = arith.constant 0 : i32
          %dma_wait3A_139 = tpu.memref_slice %arg20[%add3A_121, %dma_wait3A_138] : memref<5120x128xf32, #tpu.memory_space<vmem_shared>> -> memref<64x128xf32, #tpu.memory_space<vmem_shared>>
          %dma_wait3A_140 = arith.constant 0 : i32
          %dma_wait3A_141 = arith.constant 0 : i32
          %dma_wait3A_142 = tpu.memref_slice %arg18[%dma_wait3A_140, %dma_wait3A_141] : memref<64x128xf32, #tpu.memory_space<vmem>> -> memref<64x128xf32, #tpu.memory_space<vmem>>
          tpu.wait_dma2 semaphore(%run_scoped3A_122 : memref<!tpu.dma_semaphore, #tpu.memory_space<semaphore_mem>>) src(%dma_wait3A_142 : memref<64x128xf32, #tpu.memory_space<vmem>>) dst(%dma_wait3A_139 : memref<64x128xf32, #tpu.memory_space<vmem_shared>>)
          tpu.yield
        }) : () -> ()
      } else {
      }
      %barrier3A_105 = arith.constant 0 : index
      tpu.barrier barrier_id(%barrier3A_105)
    }
    %scan3A_24 = arith.constant 3 : i32
    return
  }
}

module attributes {stable_mosaic.version = 14 : i64} {
  func.func @_pre_body(%arg0: i32, %arg1: memref<2000x128xf32, #tpu.memory_space<vmem>>, %arg2: memref<128x128xf32, #tpu.memory_space<vmem>>, %arg3: memref<128x1xf32, #tpu.memory_space<vmem>>, %arg4: memref<128x1xf32, #tpu.memory_space<vmem>>, %arg5: memref<2000x128xf32, #tpu.memory_space<vmem>>, %arg6: memref<2000x1xf32, #tpu.memory_space<vmem>>, %arg7: memref<2000x1xf32, #tpu.memory_space<vmem>>, %arg8: memref<8x128xf32, #tpu.memory_space<vmem>>, %arg9: memref<2xf32, #tpu.memory_space<smem>>) attributes {dimension_semantics = [#tpu.dimension_semantics<arbitrary>], iteration_bounds = array<i64: 5>, scalar_prefetch = 0 : i64, scratch_operands = 1 : i64, tpu.core_type = #tpu.core_type<tc>, window_params = [{transform_indices = @transform_0, window_bounds = array<i64: 2000, 128>}, {pipeline_mode = #tpu.pipeline_mode<synchronous>, transform_indices = @transform_1, window_bounds = array<i64: 128, 128>}, {pipeline_mode = #tpu.pipeline_mode<synchronous>, transform_indices = @transform_2, window_bounds = array<i64: 128, 1>}, {pipeline_mode = #tpu.pipeline_mode<synchronous>, transform_indices = @transform_3, window_bounds = array<i64: 128, 1>}, {transform_indices = @transform_4, window_bounds = array<i64: 2000, 128>}, {transform_indices = @transform_5, window_bounds = array<i64: 2000, 1>}, {transform_indices = @transform_6, window_bounds = array<i64: 2000, 1>}, {pipeline_mode = #tpu.pipeline_mode<synchronous>, transform_indices = @transform_7, window_bounds = array<i64: 8, 128>}]} {
    %get3A = arith.constant 0 : index
    %get3A_0 = arith.constant 0 : index
    %get3A_1 = vector.load %arg1[%get3A, %get3A_0] : memref<2000x128xf32, #tpu.memory_space<vmem>>, vector<2000x128xf32>
    %get3A_2 = arith.constant 0 : index
    %get3A_3 = arith.constant 0 : index
    %get3A_4 = vector.load %arg2[%get3A_2, %get3A_3] : memref<128x128xf32, #tpu.memory_space<vmem>>, vector<128x128xf32>
    %dot_general3A = arith.constant dense<0.000000e+00> : vector<2000x128xf32>
    %dot_general3A_5 = tpu.matmul %get3A_1, %get3A_4, %dot_general3A {dimension_numbers = #tpu.dot_dimension_numbers<[1], [0], [0], [1], [0, 0, 1, 1], [], []>, transpose_lhs_hint = false} : vector<2000x128xf32>, vector<128x128xf32>, vector<2000x128xf32> -> vector<2000x128xf32>
    %swap3A = arith.constant 0 : index
    %swap3A_6 = arith.constant 0 : index
    %swap3A_7 = vector.load %arg5[%swap3A, %swap3A_6] : memref<2000x128xf32, #tpu.memory_space<vmem>>, vector<2000x128xf32>
    tpu.vector_store %arg5[%swap3A, %swap3A_6], %dot_general3A_5 {strides = array<i32>} : memref<2000x128xf32, #tpu.memory_space<vmem>>, vector<2000x128xf32>,
    %get3A_8 = arith.constant 0 : index
    %get3A_9 = arith.constant 0 : index
    %get3A_10 = vector.load %arg3[%get3A_8, %get3A_9] : memref<128x1xf32, #tpu.memory_space<vmem>>, vector<128x1xf32>
    %dot_general3A_11 = arith.constant dense<0.000000e+00> : vector<2000x1xf32>
    %dot_general3A_12 = tpu.matmul %dot_general3A_5, %get3A_10, %dot_general3A_11 {dimension_numbers = #tpu.dot_dimension_numbers<[1], [0], [0], [1], [0, 0, 1, 1], [], []>, transpose_lhs_hint = false} : vector<2000x128xf32>, vector<128x1xf32>, vector<2000x1xf32> -> vector<2000x1xf32>
    %get3A_13 = arith.constant 0 : index
    %get3A_14 = arith.constant 0 : index
    %get3A_15 = vector.load %arg4[%get3A_13, %get3A_14] : memref<128x1xf32, #tpu.memory_space<vmem>>, vector<128x1xf32>
    %dot_general3A_16 = arith.constant dense<0.000000e+00> : vector<2000x1xf32>
    %dot_general3A_17 = tpu.matmul %dot_general3A_5, %get3A_15, %dot_general3A_16 {dimension_numbers = #tpu.dot_dimension_numbers<[1], [0], [0], [1], [0, 0, 1, 1], [], []>, transpose_lhs_hint = false} : vector<2000x128xf32>, vector<128x1xf32>, vector<2000x1xf32> -> vector<2000x1xf32>
    %swap3A_18 = arith.constant 0 : index
    %swap3A_19 = arith.constant 0 : index
    %swap3A_20 = vector.load %arg6[%swap3A_18, %swap3A_19] : memref<2000x1xf32, #tpu.memory_space<vmem>>, vector<2000x1xf32>
    tpu.vector_store %arg6[%swap3A_18, %swap3A_19], %dot_general3A_12 {strides = array<i32>} : memref<2000x1xf32, #tpu.memory_space<vmem>>, vector<2000x1xf32>,
    %swap3A_21 = arith.constant 0 : index
    %swap3A_22 = arith.constant 0 : index
    %swap3A_23 = vector.load %arg7[%swap3A_21, %swap3A_22] : memref<2000x1xf32, #tpu.memory_space<vmem>>, vector<2000x1xf32>
    tpu.vector_store %arg7[%swap3A_21, %swap3A_22], %dot_general3A_17 {strides = array<i32>} : memref<2000x1xf32, #tpu.memory_space<vmem>>, vector<2000x1xf32>,
    %reduce_max3A = vector.shape_cast %dot_general3A_12 : vector<2000x1xf32> to vector<1x2000x1xf32>
    %reduce_max3A_24 = arith.constant dense<0xFF800000> : vector<1xf32>
    %reduce_max3A_25 = vector.multi_reduction <maximumf>, %reduce_max3A, %reduce_max3A_24 [1, 2] : vector<1x2000x1xf32> to vector<1xf32>
    %reduce_max3A_26 = vector.shape_cast %reduce_max3A_25 : vector<1xf32> to vector<1x1x1xf32>
    %reduce_max3A_27 = vector.extract %reduce_max3A_26[0, 0, 0] : f32 from vector<1x1x1xf32>
    %reduce_max3A_28 = vector.shape_cast %dot_general3A_17 : vector<2000x1xf32> to vector<1x2000x1xf32>
    %reduce_max3A_29 = arith.constant dense<0xFF800000> : vector<1xf32>
    %reduce_max3A_30 = vector.multi_reduction <maximumf>, %reduce_max3A_28, %reduce_max3A_29 [1, 2] : vector<1x2000x1xf32> to vector<1xf32>
    %reduce_max3A_31 = vector.shape_cast %reduce_max3A_30 : vector<1xf32> to vector<1x1x1xf32>
    %reduce_max3A_32 = vector.extract %reduce_max3A_31[0, 0, 0] : f32 from vector<1x1x1xf32>
    %eq3A = arith.constant 0 : i32
    %eq3A_33 = arith.cmpi eq, %arg0, %eq3A : i32
    %convert_element_type3A = arith.extui %eq3A_33 : i1 to i32
    %cond3A = arith.constant 0 : i32
    %cond3A_34 = arith.cmpi ne, %convert_element_type3A, %cond3A : i32
    scf.if %cond3A_34 {
      %swap3A_44 = arith.constant 0 : index
      %swap3A_45 = memref.load %arg9[%swap3A_44] : memref<2xf32, #tpu.memory_space<smem>>
      memref.store %reduce_max3A_27, %arg9[%swap3A_44] : memref<2xf32, #tpu.memory_space<smem>>
      %swap3A_46 = arith.constant 1 : index
      %swap3A_47 = memref.load %arg9[%swap3A_46] : memref<2xf32, #tpu.memory_space<smem>>
      memref.store %reduce_max3A_32, %arg9[%swap3A_46] : memref<2xf32, #tpu.memory_space<smem>>
    } else {
    }
    %gt3A = arith.constant 0 : i32
    %gt3A_35 = arith.cmpi sgt, %arg0, %gt3A : i32
    %convert_element_type3A_36 = arith.extui %gt3A_35 : i1 to i32
    %cond3A_37 = arith.constant 0 : i32
    %cond3A_38 = arith.cmpi ne, %convert_element_type3A_36, %cond3A_37 : i32
    scf.if %cond3A_38 {
      %get3A_44 = arith.constant 0 : index
      %get3A_45 = memref.load %arg9[%get3A_44] : memref<2xf32, #tpu.memory_space<smem>>
      %max3A = arith.maximumf %get3A_45, %reduce_max3A_27 : f32
      %swap3A_46 = arith.constant 0 : index
      %swap3A_47 = memref.load %arg9[%swap3A_46] : memref<2xf32, #tpu.memory_space<smem>>
      memref.store %max3A, %arg9[%swap3A_46] : memref<2xf32, #tpu.memory_space<smem>>
      %get3A_48 = arith.constant 1 : index
      %get3A_49 = memref.load %arg9[%get3A_48] : memref<2xf32, #tpu.memory_space<smem>>
      %max3A_50 = arith.maximumf %get3A_49, %reduce_max3A_32 : f32
      %swap3A_51 = arith.constant 1 : index
      %swap3A_52 = memref.load %arg9[%swap3A_51] : memref<2xf32, #tpu.memory_space<smem>>
      memref.store %max3A_50, %arg9[%swap3A_51] : memref<2xf32, #tpu.memory_space<smem>>
    } else {
    }
    %eq3A_39 = arith.constant 4 : i32
    %eq3A_40 = arith.cmpi eq, %arg0, %eq3A_39 : i32
    %convert_element_type3A_41 = arith.extui %eq3A_40 : i1 to i32
    %cond3A_42 = arith.constant 0 : i32
    %cond3A_43 = arith.cmpi ne, %convert_element_type3A_41, %cond3A_42 : i32
    scf.if %cond3A_43 {
      %get3A_44 = arith.constant 0 : index
      %get3A_45 = memref.load %arg9[%get3A_44] : memref<2xf32, #tpu.memory_space<smem>>
      %get3A_46 = arith.constant 1 : index
      %get3A_47 = memref.load %arg9[%get3A_46] : memref<2xf32, #tpu.memory_space<smem>>
      %add3A = arith.addf %get3A_45, %get3A_47 : f32
      %lt3A = arith.constant 0.000000e+00 : f32
      %lt3A_48 = arith.cmpf olt, %add3A, %lt3A : f32
      %mul3A = arith.constant 2.000000e-01 : f32
      %mul3A_49 = arith.mulf %mul3A, %add3A : f32
      %select_n3A = arith.select %lt3A_48, %mul3A_49, %add3A : f32
      %broadcast_in_dim3A = vector.broadcast %select_n3A : f32 to vector<8x128xf32>
      %swap3A_50 = arith.constant 0 : index
      %swap3A_51 = arith.constant 0 : index
      %swap3A_52 = vector.load %arg8[%swap3A_50, %swap3A_51] : memref<8x128xf32, #tpu.memory_space<vmem>>, vector<8x128xf32>
      tpu.vector_store %arg8[%swap3A_50, %swap3A_51], %broadcast_in_dim3A {strides = array<i32>} : memref<8x128xf32, #tpu.memory_space<vmem>>, vector<8x128xf32>,
    } else {
    }
    return
  }
  func.func @transform_0(%arg0: i32) -> (i32, i32) {
    %c0_i32 = arith.constant 0 : i32
    %c0_i32_0 = arith.constant 0 : i32
    return %arg0, %c0_i32 : i32, i32
  }
  func.func @transform_1(%arg0: i32) -> (i32, i32) {
    %c0_i32 = arith.constant 0 : i32
    %c0_i32_0 = arith.constant 0 : i32
    %c0_i32_1 = arith.constant 0 : i32
    return %c0_i32, %c0_i32_0 : i32, i32
  }
  func.func @transform_2(%arg0: i32) -> (i32, i32) {
    %c0_i32 = arith.constant 0 : i32
    %c0_i32_0 = arith.constant 0 : i32
    %c0_i32_1 = arith.constant 0 : i32
    return %c0_i32, %c0_i32_0 : i32, i32
  }
  func.func @transform_3(%arg0: i32) -> (i32, i32) {
    %c0_i32 = arith.constant 0 : i32
    %c0_i32_0 = arith.constant 0 : i32
    %c0_i32_1 = arith.constant 0 : i32
    return %c0_i32, %c0_i32_0 : i32, i32
  }
  func.func @transform_4(%arg0: i32) -> (i32, i32) {
    %c0_i32 = arith.constant 0 : i32
    %c0_i32_0 = arith.constant 0 : i32
    return %arg0, %c0_i32 : i32, i32
  }
  func.func @transform_5(%arg0: i32) -> (i32, i32) {
    %c0_i32 = arith.constant 0 : i32
    %c0_i32_0 = arith.constant 0 : i32
    return %arg0, %c0_i32 : i32, i32
  }
  func.func @transform_6(%arg0: i32) -> (i32, i32) {
    %c0_i32 = arith.constant 0 : i32
    %c0_i32_0 = arith.constant 0 : i32
    return %arg0, %c0_i32 : i32, i32
  }
  func.func @transform_7(%arg0: i32) -> (i32, i32) {
    %c0_i32 = arith.constant 0 : i32
    %c0_i32_0 = arith.constant 0 : i32
    %c0_i32_1 = arith.constant 0 : i32
    return %c0_i32, %c0_i32_0 : i32, i32
  }
}

module attributes {stable_mosaic.version = 14 : i64} {
  func.func @_mid_body(%arg0: i32, %arg1: memref<2x2000x64xf32, #tpu.memory_space<vmem>>, %arg2: memref<2x2000x64xf32, #tpu.memory_space<vmem>>, %arg3: memref<2x2000x64xf32, #tpu.memory_space<vmem>>, %arg4: memref<1x128xf32, #tpu.memory_space<vmem>>, %arg5: memref<128x128xf32, #tpu.memory_space<vmem>>, %arg6: memref<128x1xf32, #tpu.memory_space<vmem>>, %arg7: memref<128x1xf32, #tpu.memory_space<vmem>>, %arg8: memref<2000x128xf32, #tpu.memory_space<vmem>>, %arg9: memref<2000x1xf32, #tpu.memory_space<vmem>>, %arg10: memref<2000x1xf32, #tpu.memory_space<vmem>>, %arg11: memref<8x128xf32, #tpu.memory_space<vmem>>, %arg12: memref<2xf32, #tpu.memory_space<smem>>) attributes {dimension_semantics = [#tpu.dimension_semantics<arbitrary>], iteration_bounds = array<i64: 5>, scalar_prefetch = 0 : i64, scratch_operands = 1 : i64, tpu.core_type = #tpu.core_type<tc>, window_params = [{transform_indices = @transform_0, window_bounds = array<i64: 2, 2000, 64>}, {transform_indices = @transform_1, window_bounds = array<i64: 2, 2000, 64>}, {transform_indices = @transform_2, window_bounds = array<i64: 2, 2000, 64>}, {pipeline_mode = #tpu.pipeline_mode<synchronous>, transform_indices = @transform_3, window_bounds = array<i64: 1, 128>}, {pipeline_mode = #tpu.pipeline_mode<synchronous>, transform_indices = @transform_4, window_bounds = array<i64: 128, 128>}, {pipeline_mode = #tpu.pipeline_mode<synchronous>, transform_indices = @transform_5, window_bounds = array<i64: 128, 1>}, {pipeline_mode = #tpu.pipeline_mode<synchronous>, transform_indices = @transform_6, window_bounds = array<i64: 128, 1>}, {transform_indices = @transform_7, window_bounds = array<i64: 2000, 128>}, {transform_indices = @transform_8, window_bounds = array<i64: 2000, 1>}, {transform_indices = @transform_9, window_bounds = array<i64: 2000, 1>}, {pipeline_mode = #tpu.pipeline_mode<synchronous>, transform_indices = @transform_10, window_bounds = array<i64: 8, 128>}]} {
    %get3A = arith.constant 0 : index
    %get3A_0 = arith.constant 0 : index
    %get3A_1 = arith.constant 0 : index
    %get3A_2 = vector.load %arg1[%get3A, %get3A_0, %get3A_1] : memref<2x2000x64xf32, #tpu.memory_space<vmem>>, vector<1x2000x64xf32>
    %get3A_3 = vector.shape_cast %get3A_2 : vector<1x2000x64xf32> to vector<2000x64xf32>
    %get3A_4 = arith.constant 1 : index
    %get3A_5 = arith.constant 0 : index
    %get3A_6 = arith.constant 0 : index
    %get3A_7 = vector.load %arg1[%get3A_4, %get3A_5, %get3A_6] : memref<2x2000x64xf32, #tpu.memory_space<vmem>>, vector<1x2000x64xf32>
    %get3A_8 = vector.shape_cast %get3A_7 : vector<1x2000x64xf32> to vector<2000x64xf32>
    %add3A = arith.addf %get3A_3, %get3A_8 : vector<2000x64xf32>
    %get3A_9 = arith.constant 0 : index
    %get3A_10 = arith.constant 0 : index
    %get3A_11 = arith.constant 0 : index
    %get3A_12 = vector.load %arg2[%get3A_9, %get3A_10, %get3A_11] : memref<2x2000x64xf32, #tpu.memory_space<vmem>>, vector<1x2000x64xf32>
    %get3A_13 = vector.shape_cast %get3A_12 : vector<1x2000x64xf32> to vector<2000x64xf32>
    %get3A_14 = arith.constant 1 : index
    %get3A_15 = arith.constant 0 : index
    %get3A_16 = arith.constant 0 : index
    %get3A_17 = vector.load %arg2[%get3A_14, %get3A_15, %get3A_16] : memref<2x2000x64xf32, #tpu.memory_space<vmem>>, vector<1x2000x64xf32>
    %get3A_18 = vector.shape_cast %get3A_17 : vector<1x2000x64xf32> to vector<2000x64xf32>
    %add3A_19 = arith.addf %get3A_13, %get3A_18 : vector<2000x64xf32>
    %concatenate3A = tpu.concatenate %add3A, %add3A_19 in 1 : vector<2000x64xf32>, vector<2000x64xf32> -> vector<2000x128xf32>
    %get3A_20 = arith.constant 0 : index
    %get3A_21 = arith.constant 0 : index
    %get3A_22 = arith.constant 0 : index
    %get3A_23 = vector.load %arg3[%get3A_20, %get3A_21, %get3A_22] : memref<2x2000x64xf32, #tpu.memory_space<vmem>>, vector<1x2000x64xf32>
    %get3A_24 = vector.shape_cast %get3A_23 : vector<1x2000x64xf32> to vector<2000x64xf32>
    %get3A_25 = arith.constant 1 : index
    %get3A_26 = arith.constant 0 : index
    %get3A_27 = arith.constant 0 : index
    %get3A_28 = vector.load %arg3[%get3A_25, %get3A_26, %get3A_27] : memref<2x2000x64xf32, #tpu.memory_space<vmem>>, vector<1x2000x64xf32>
    %get3A_29 = vector.shape_cast %get3A_28 : vector<1x2000x64xf32> to vector<2000x64xf32>
    %add3A_30 = arith.addf %get3A_24, %get3A_29 : vector<2000x64xf32>
    %slice3A = vector.extract_strided_slice %add3A_30 {offsets = [0, 0], sizes = [2000, 1], strides = [1, 1]} : vector<2000x64xf32> to vector<2000x1xf32>
    %add3A_31 = arith.constant 1.000000e-16 : f32
    %add3A_32 = vector.broadcast %add3A_31 : f32 to vector<2000x1xf32>
    %add3A_33 = arith.addf %slice3A, %add3A_32 : vector<2000x1xf32>
    %div3A = vector.broadcast %add3A_33 : vector<2000x1xf32> to vector<2000x128xf32>
    %div3A_34 = arith.divf %concatenate3A, %div3A : vector<2000x128xf32>
    %get3A_35 = arith.constant 0 : index
    %get3A_36 = arith.constant 0 : index
    %get3A_37 = vector.load %arg4[%get3A_35, %get3A_36] : memref<1x128xf32, #tpu.memory_space<vmem>>, vector<1x128xf32>
    %add3A_38 = vector.broadcast %get3A_37 : vector<1x128xf32> to vector<2000x128xf32>
    %add3A_39 = arith.addf %div3A_34, %add3A_38 : vector<2000x128xf32>
    %max3A = arith.constant 0.000000e+00 : f32
    %max3A_40 = vector.broadcast %max3A : f32 to vector<2000x128xf32>
    %max3A_41 = arith.maximumf %add3A_39, %max3A_40 : vector<2000x128xf32>
    %get3A_42 = arith.constant 0 : index
    %get3A_43 = arith.constant 0 : index
    %get3A_44 = vector.load %arg5[%get3A_42, %get3A_43] : memref<128x128xf32, #tpu.memory_space<vmem>>, vector<128x128xf32>
    %dot_general3A = arith.constant dense<0.000000e+00> : vector<2000x128xf32>
    %dot_general3A_45 = tpu.matmul %max3A_41, %get3A_44, %dot_general3A {dimension_numbers = #tpu.dot_dimension_numbers<[1], [0], [0], [1], [0, 0, 1, 1], [], []>, transpose_lhs_hint = false} : vector<2000x128xf32>, vector<128x128xf32>, vector<2000x128xf32> -> vector<2000x128xf32>
    %swap3A = arith.constant 0 : index
    %swap3A_46 = arith.constant 0 : index
    %swap3A_47 = vector.load %arg8[%swap3A, %swap3A_46] : memref<2000x128xf32, #tpu.memory_space<vmem>>, vector<2000x128xf32>
    tpu.vector_store %arg8[%swap3A, %swap3A_46], %dot_general3A_45 {strides = array<i32>} : memref<2000x128xf32, #tpu.memory_space<vmem>>, vector<2000x128xf32>,
    %get3A_48 = arith.constant 0 : index
    %get3A_49 = arith.constant 0 : index
    %get3A_50 = vector.load %arg6[%get3A_48, %get3A_49] : memref<128x1xf32, #tpu.memory_space<vmem>>, vector<128x1xf32>
    %dot_general3A_51 = arith.constant dense<0.000000e+00> : vector<2000x1xf32>
    %dot_general3A_52 = tpu.matmul %dot_general3A_45, %get3A_50, %dot_general3A_51 {dimension_numbers = #tpu.dot_dimension_numbers<[1], [0], [0], [1], [0, 0, 1, 1], [], []>, transpose_lhs_hint = false} : vector<2000x128xf32>, vector<128x1xf32>, vector<2000x1xf32> -> vector<2000x1xf32>
    %get3A_53 = arith.constant 0 : index
    %get3A_54 = arith.constant 0 : index
    %get3A_55 = vector.load %arg7[%get3A_53, %get3A_54] : memref<128x1xf32, #tpu.memory_space<vmem>>, vector<128x1xf32>
    %dot_general3A_56 = arith.constant dense<0.000000e+00> : vector<2000x1xf32>
    %dot_general3A_57 = tpu.matmul %dot_general3A_45, %get3A_55, %dot_general3A_56 {dimension_numbers = #tpu.dot_dimension_numbers<[1], [0], [0], [1], [0, 0, 1, 1], [], []>, transpose_lhs_hint = false} : vector<2000x128xf32>, vector<128x1xf32>, vector<2000x1xf32> -> vector<2000x1xf32>
    %swap3A_58 = arith.constant 0 : index
    %swap3A_59 = arith.constant 0 : index
    %swap3A_60 = vector.load %arg9[%swap3A_58, %swap3A_59] : memref<2000x1xf32, #tpu.memory_space<vmem>>, vector<2000x1xf32>
    tpu.vector_store %arg9[%swap3A_58, %swap3A_59], %dot_general3A_52 {strides = array<i32>} : memref<2000x1xf32, #tpu.memory_space<vmem>>, vector<2000x1xf32>,
    %swap3A_61 = arith.constant 0 : index
    %swap3A_62 = arith.constant 0 : index
    %swap3A_63 = vector.load %arg10[%swap3A_61, %swap3A_62] : memref<2000x1xf32, #tpu.memory_space<vmem>>, vector<2000x1xf32>
    tpu.vector_store %arg10[%swap3A_61, %swap3A_62], %dot_general3A_57 {strides = array<i32>} : memref<2000x1xf32, #tpu.memory_space<vmem>>, vector<2000x1xf32>,
    %reduce_max3A = vector.shape_cast %dot_general3A_52 : vector<2000x1xf32> to vector<1x2000x1xf32>
    %reduce_max3A_64 = arith.constant dense<0xFF800000> : vector<1xf32>
    %reduce_max3A_65 = vector.multi_reduction <maximumf>, %reduce_max3A, %reduce_max3A_64 [1, 2] : vector<1x2000x1xf32> to vector<1xf32>
    %reduce_max3A_66 = vector.shape_cast %reduce_max3A_65 : vector<1xf32> to vector<1x1x1xf32>
    %reduce_max3A_67 = vector.extract %reduce_max3A_66[0, 0, 0] : f32 from vector<1x1x1xf32>
    %reduce_max3A_68 = vector.shape_cast %dot_general3A_57 : vector<2000x1xf32> to vector<1x2000x1xf32>
    %reduce_max3A_69 = arith.constant dense<0xFF800000> : vector<1xf32>
    %reduce_max3A_70 = vector.multi_reduction <maximumf>, %reduce_max3A_68, %reduce_max3A_69 [1, 2] : vector<1x2000x1xf32> to vector<1xf32>
    %reduce_max3A_71 = vector.shape_cast %reduce_max3A_70 : vector<1xf32> to vector<1x1x1xf32>
    %reduce_max3A_72 = vector.extract %reduce_max3A_71[0, 0, 0] : f32 from vector<1x1x1xf32>
    %eq3A = arith.constant 0 : i32
    %eq3A_73 = arith.cmpi eq, %arg0, %eq3A : i32
    %convert_element_type3A = arith.extui %eq3A_73 : i1 to i32
    %cond3A = arith.constant 0 : i32
    %cond3A_74 = arith.cmpi ne, %convert_element_type3A, %cond3A : i32
    scf.if %cond3A_74 {
      %swap3A_84 = arith.constant 0 : index
      %swap3A_85 = memref.load %arg12[%swap3A_84] : memref<2xf32, #tpu.memory_space<smem>>
      memref.store %reduce_max3A_67, %arg12[%swap3A_84] : memref<2xf32, #tpu.memory_space<smem>>
      %swap3A_86 = arith.constant 1 : index
      %swap3A_87 = memref.load %arg12[%swap3A_86] : memref<2xf32, #tpu.memory_space<smem>>
      memref.store %reduce_max3A_72, %arg12[%swap3A_86] : memref<2xf32, #tpu.memory_space<smem>>
    } else {
    }
    %gt3A = arith.constant 0 : i32
    %gt3A_75 = arith.cmpi sgt, %arg0, %gt3A : i32
    %convert_element_type3A_76 = arith.extui %gt3A_75 : i1 to i32
    %cond3A_77 = arith.constant 0 : i32
    %cond3A_78 = arith.cmpi ne, %convert_element_type3A_76, %cond3A_77 : i32
    scf.if %cond3A_78 {
      %get3A_84 = arith.constant 0 : index
      %get3A_85 = memref.load %arg12[%get3A_84] : memref<2xf32, #tpu.memory_space<smem>>
      %max3A_86 = arith.maximumf %get3A_85, %reduce_max3A_67 : f32
      %swap3A_87 = arith.constant 0 : index
      %swap3A_88 = memref.load %arg12[%swap3A_87] : memref<2xf32, #tpu.memory_space<smem>>
      memref.store %max3A_86, %arg12[%swap3A_87] : memref<2xf32, #tpu.memory_space<smem>>
      %get3A_89 = arith.constant 1 : index
      %get3A_90 = memref.load %arg12[%get3A_89] : memref<2xf32, #tpu.memory_space<smem>>
      %max3A_91 = arith.maximumf %get3A_90, %reduce_max3A_72 : f32
      %swap3A_92 = arith.constant 1 : index
      %swap3A_93 = memref.load %arg12[%swap3A_92] : memref<2xf32, #tpu.memory_space<smem>>
      memref.store %max3A_91, %arg12[%swap3A_92] : memref<2xf32, #tpu.memory_space<smem>>
    } else {
    }
    %eq3A_79 = arith.constant 4 : i32
    %eq3A_80 = arith.cmpi eq, %arg0, %eq3A_79 : i32
    %convert_element_type3A_81 = arith.extui %eq3A_80 : i1 to i32
    %cond3A_82 = arith.constant 0 : i32
    %cond3A_83 = arith.cmpi ne, %convert_element_type3A_81, %cond3A_82 : i32
    scf.if %cond3A_83 {
      %get3A_84 = arith.constant 0 : index
      %get3A_85 = memref.load %arg12[%get3A_84] : memref<2xf32, #tpu.memory_space<smem>>
      %get3A_86 = arith.constant 1 : index
      %get3A_87 = memref.load %arg12[%get3A_86] : memref<2xf32, #tpu.memory_space<smem>>
      %add3A_88 = arith.addf %get3A_85, %get3A_87 : f32
      %lt3A = arith.constant 0.000000e+00 : f32
      %lt3A_89 = arith.cmpf olt, %add3A_88, %lt3A : f32
      %mul3A = arith.constant 2.000000e-01 : f32
      %mul3A_90 = arith.mulf %mul3A, %add3A_88 : f32
      %select_n3A = arith.select %lt3A_89, %mul3A_90, %add3A_88 : f32
      %broadcast_in_dim3A = vector.broadcast %select_n3A : f32 to vector<8x128xf32>
      %swap3A_91 = arith.constant 0 : index
      %swap3A_92 = arith.constant 0 : index
      %swap3A_93 = vector.load %arg11[%swap3A_91, %swap3A_92] : memref<8x128xf32, #tpu.memory_space<vmem>>, vector<8x128xf32>
      tpu.vector_store %arg11[%swap3A_91, %swap3A_92], %broadcast_in_dim3A {strides = array<i32>} : memref<8x128xf32, #tpu.memory_space<vmem>>, vector<8x128xf32>,
    } else {
    }
    return
  }
  func.func @transform_0(%arg0: i32) -> (i32, i32, i32) {
    %c0_i32 = arith.constant 0 : i32
    %c0_i32_0 = arith.constant 0 : i32
    %c0_i32_1 = arith.constant 0 : i32
    return %c0_i32, %arg0, %c0_i32_0 : i32, i32, i32
  }
  func.func @transform_1(%arg0: i32) -> (i32, i32, i32) {
    %c0_i32 = arith.constant 0 : i32
    %c0_i32_0 = arith.constant 0 : i32
    %c0_i32_1 = arith.constant 0 : i32
    return %c0_i32, %arg0, %c0_i32_0 : i32, i32, i32
  }
  func.func @transform_2(%arg0: i32) -> (i32, i32, i32) {
    %c0_i32 = arith.constant 0 : i32
    %c0_i32_0 = arith.constant 0 : i32
    %c0_i32_1 = arith.constant 0 : i32
    return %c0_i32, %arg0, %c0_i32_0 : i32, i32, i32
  }
  func.func @transform_3(%arg0: i32) -> (i32, i32) {
    %c0_i32 = arith.constant 0 : i32
    %c0_i32_0 = arith.constant 0 : i32
    %c0_i32_1 = arith.constant 0 : i32
    return %c0_i32, %c0_i32_0 : i32, i32
  }
  func.func @transform_4(%arg0: i32) -> (i32, i32) {
    %c0_i32 = arith.constant 0 : i32
    %c0_i32_0 = arith.constant 0 : i32
    %c0_i32_1 = arith.constant 0 : i32
    return %c0_i32, %c0_i32_0 : i32, i32
  }
  func.func @transform_5(%arg0: i32) -> (i32, i32) {
    %c0_i32 = arith.constant 0 : i32
    %c0_i32_0 = arith.constant 0 : i32
    %c0_i32_1 = arith.constant 0 : i32
    return %c0_i32, %c0_i32_0 : i32, i32
  }
  func.func @transform_6(%arg0: i32) -> (i32, i32) {
    %c0_i32 = arith.constant 0 : i32
    %c0_i32_0 = arith.constant 0 : i32
    %c0_i32_1 = arith.constant 0 : i32
    return %c0_i32, %c0_i32_0 : i32, i32
  }
  func.func @transform_7(%arg0: i32) -> (i32, i32) {
    %c0_i32 = arith.constant 0 : i32
    %c0_i32_0 = arith.constant 0 : i32
    return %arg0, %c0_i32 : i32, i32
  }
  func.func @transform_8(%arg0: i32) -> (i32, i32) {
    %c0_i32 = arith.constant 0 : i32
    %c0_i32_0 = arith.constant 0 : i32
    return %arg0, %c0_i32 : i32, i32
  }
  func.func @transform_9(%arg0: i32) -> (i32, i32) {
    %c0_i32 = arith.constant 0 : i32
    %c0_i32_0 = arith.constant 0 : i32
    return %arg0, %c0_i32 : i32, i32
  }
  func.func @transform_10(%arg0: i32) -> (i32, i32) {
    %c0_i32 = arith.constant 0 : i32
    %c0_i32_0 = arith.constant 0 : i32
    %c0_i32_1 = arith.constant 0 : i32
    return %c0_i32, %c0_i32_0 : i32, i32
  }
}

module attributes {stable_mosaic.version = 14 : i64} {
  func.func @_post_body(%arg0: i32, %arg1: memref<2x2000x64xf32, #tpu.memory_space<vmem>>, %arg2: memref<2x2000x64xf32, #tpu.memory_space<vmem>>, %arg3: memref<2x2000x64xf32, #tpu.memory_space<vmem>>, %arg4: memref<1x128xf32, #tpu.memory_space<vmem>>, %arg5: memref<128x384xf32, #tpu.memory_space<vmem>>, %arg6: memref<1x384xf32, #tpu.memory_space<vmem>>, %arg7: memref<1x384xf32, #tpu.memory_space<vmem>>, %arg8: memref<1x1x2000xi32, #tpu.memory_space<vmem>>, %arg9: memref<128x128xf32, #tpu.memory_space<vmem>>, %arg10: memref<1x128xf32, #tpu.memory_space<vmem>>, %arg11: memref<128x128xf32, #tpu.memory_space<vmem>>, %arg12: memref<1x128xf32, #tpu.memory_space<vmem>>) attributes {dimension_semantics = [#tpu.dimension_semantics<arbitrary>], iteration_bounds = array<i64: 5>, scalar_prefetch = 0 : i64, scratch_operands = 0 : i64, tpu.core_type = #tpu.core_type<tc>, window_params = [{transform_indices = @transform_0, window_bounds = array<i64: 2, 2000, 64>}, {transform_indices = @transform_1, window_bounds = array<i64: 2, 2000, 64>}, {transform_indices = @transform_2, window_bounds = array<i64: 2, 2000, 64>}, {pipeline_mode = #tpu.pipeline_mode<synchronous>, transform_indices = @transform_3, window_bounds = array<i64: 1, 128>}, {pipeline_mode = #tpu.pipeline_mode<synchronous>, transform_indices = @transform_4, window_bounds = array<i64: 128, 384>}, {pipeline_mode = #tpu.pipeline_mode<synchronous>, transform_indices = @transform_5, window_bounds = array<i64: 1, 384>}, {pipeline_mode = #tpu.pipeline_mode<synchronous>, transform_indices = @transform_6, window_bounds = array<i64: 1, 384>}, {transform_indices = @transform_7, window_bounds = array<i64: 1, 1, 2000>}, {pipeline_mode = #tpu.pipeline_mode<synchronous>, transform_indices = @transform_8, window_bounds = array<i64: 128, 128>}, {pipeline_mode = #tpu.pipeline_mode<synchronous>, transform_indices = @transform_9, window_bounds = array<i64: 1, 128>}, {pipeline_mode = #tpu.pipeline_mode<synchronous>, transform_indices = @transform_10, window_bounds = array<i64: 128, 128>}, {pipeline_mode = #tpu.pipeline_mode<synchronous>, transform_indices = @transform_11, window_bounds = array<i64: 1, 128>}]} {
    %get3A = arith.constant 0 : index
    %get3A_0 = arith.constant 0 : index
    %get3A_1 = arith.constant 0 : index
    %get3A_2 = vector.load %arg1[%get3A, %get3A_0, %get3A_1] : memref<2x2000x64xf32, #tpu.memory_space<vmem>>, vector<1x2000x64xf32>
    %get3A_3 = vector.shape_cast %get3A_2 : vector<1x2000x64xf32> to vector<2000x64xf32>
    %get3A_4 = arith.constant 1 : index
    %get3A_5 = arith.constant 0 : index
    %get3A_6 = arith.constant 0 : index
    %get3A_7 = vector.load %arg1[%get3A_4, %get3A_5, %get3A_6] : memref<2x2000x64xf32, #tpu.memory_space<vmem>>, vector<1x2000x64xf32>
    %get3A_8 = vector.shape_cast %get3A_7 : vector<1x2000x64xf32> to vector<2000x64xf32>
    %add3A = arith.addf %get3A_3, %get3A_8 : vector<2000x64xf32>
    %get3A_9 = arith.constant 0 : index
    %get3A_10 = arith.constant 0 : index
    %get3A_11 = arith.constant 0 : index
    %get3A_12 = vector.load %arg2[%get3A_9, %get3A_10, %get3A_11] : memref<2x2000x64xf32, #tpu.memory_space<vmem>>, vector<1x2000x64xf32>
    %get3A_13 = vector.shape_cast %get3A_12 : vector<1x2000x64xf32> to vector<2000x64xf32>
    %get3A_14 = arith.constant 1 : index
    %get3A_15 = arith.constant 0 : index
    %get3A_16 = arith.constant 0 : index
    %get3A_17 = vector.load %arg2[%get3A_14, %get3A_15, %get3A_16] : memref<2x2000x64xf32, #tpu.memory_space<vmem>>, vector<1x2000x64xf32>
    %get3A_18 = vector.shape_cast %get3A_17 : vector<1x2000x64xf32> to vector<2000x64xf32>
    %add3A_19 = arith.addf %get3A_13, %get3A_18 : vector<2000x64xf32>
    %concatenate3A = tpu.concatenate %add3A, %add3A_19 in 1 : vector<2000x64xf32>, vector<2000x64xf32> -> vector<2000x128xf32>
    %get3A_20 = arith.constant 0 : index
    %get3A_21 = arith.constant 0 : index
    %get3A_22 = arith.constant 0 : index
    %get3A_23 = vector.load %arg3[%get3A_20, %get3A_21, %get3A_22] : memref<2x2000x64xf32, #tpu.memory_space<vmem>>, vector<1x2000x64xf32>
    %get3A_24 = vector.shape_cast %get3A_23 : vector<1x2000x64xf32> to vector<2000x64xf32>
    %get3A_25 = arith.constant 1 : index
    %get3A_26 = arith.constant 0 : index
    %get3A_27 = arith.constant 0 : index
    %get3A_28 = vector.load %arg3[%get3A_25, %get3A_26, %get3A_27] : memref<2x2000x64xf32, #tpu.memory_space<vmem>>, vector<1x2000x64xf32>
    %get3A_29 = vector.shape_cast %get3A_28 : vector<1x2000x64xf32> to vector<2000x64xf32>
    %add3A_30 = arith.addf %get3A_24, %get3A_29 : vector<2000x64xf32>
    %slice3A = vector.extract_strided_slice %add3A_30 {offsets = [0, 0], sizes = [2000, 1], strides = [1, 1]} : vector<2000x64xf32> to vector<2000x1xf32>
    %add3A_31 = arith.constant 1.000000e-16 : f32
    %add3A_32 = vector.broadcast %add3A_31 : f32 to vector<2000x1xf32>
    %add3A_33 = arith.addf %slice3A, %add3A_32 : vector<2000x1xf32>
    %div3A = vector.broadcast %add3A_33 : vector<2000x1xf32> to vector<2000x128xf32>
    %div3A_34 = arith.divf %concatenate3A, %div3A : vector<2000x128xf32>
    %get3A_35 = arith.constant 0 : index
    %get3A_36 = arith.constant 0 : index
    %get3A_37 = vector.load %arg4[%get3A_35, %get3A_36] : memref<1x128xf32, #tpu.memory_space<vmem>>, vector<1x128xf32>
    %add3A_38 = vector.broadcast %get3A_37 : vector<1x128xf32> to vector<2000x128xf32>
    %add3A_39 = arith.addf %div3A_34, %add3A_38 : vector<2000x128xf32>
    %max3A = arith.constant 0.000000e+00 : f32
    %max3A_40 = vector.broadcast %max3A : f32 to vector<2000x128xf32>
    %max3A_41 = arith.maximumf %add3A_39, %max3A_40 : vector<2000x128xf32>
    %get3A_42 = arith.constant 0 : index
    %get3A_43 = arith.constant 0 : index
    %get3A_44 = vector.load %arg5[%get3A_42, %get3A_43] : memref<128x384xf32, #tpu.memory_space<vmem>>, vector<128x384xf32>
    %dot_general3A = arith.constant dense<0.000000e+00> : vector<2000x384xf32>
    %dot_general3A_45 = tpu.matmul %max3A_41, %get3A_44, %dot_general3A {dimension_numbers = #tpu.dot_dimension_numbers<[1], [0], [0], [1], [0, 0, 1, 1], [], []>, transpose_lhs_hint = false} : vector<2000x128xf32>, vector<128x384xf32>, vector<2000x384xf32> -> vector<2000x384xf32>
    %get3A_46 = arith.constant 0 : index
    %get3A_47 = arith.constant 0 : index
    %get3A_48 = vector.load %arg6[%get3A_46, %get3A_47] : memref<1x384xf32, #tpu.memory_space<vmem>>, vector<1x384xf32>
    %add3A_49 = vector.broadcast %get3A_48 : vector<1x384xf32> to vector<2000x384xf32>
    %add3A_50 = arith.addf %dot_general3A_45, %add3A_49 : vector<2000x384xf32>
    %get3A_51 = arith.constant 0 : index
    %get3A_52 = arith.constant 0 : index
    %get3A_53 = vector.load %arg7[%get3A_51, %get3A_52] : memref<1x384xf32, #tpu.memory_space<vmem>>, vector<1x384xf32>
    %slice3A_54 = vector.extract_strided_slice %add3A_50 {offsets = [0, 0], sizes = [2000, 128], strides = [1, 1]} : vector<2000x384xf32> to vector<2000x128xf32>
    %slice3A_55 = vector.extract_strided_slice %get3A_53 {offsets = [0, 0], sizes = [1, 128], strides = [1, 1]} : vector<1x384xf32> to vector<1x128xf32>
    %add3A_56 = vector.broadcast %slice3A_55 : vector<1x128xf32> to vector<2000x128xf32>
    %add3A_57 = arith.addf %slice3A_54, %add3A_56 : vector<2000x128xf32>
    %logistic3A = arith.negf %add3A_57 : vector<2000x128xf32>
    %logistic3A_58 = math.exp %logistic3A : vector<2000x128xf32>
    %logistic3A_59 = arith.constant 1.000000e+00 : f32
    %logistic3A_60 = vector.broadcast %logistic3A_59 : f32 to vector<2000x128xf32>
    %logistic3A_61 = arith.addf %logistic3A_60, %logistic3A_58 : vector<2000x128xf32>
    %logistic3A_62 = arith.divf %logistic3A_60, %logistic3A_61 : vector<2000x128xf32>
    %slice3A_63 = vector.extract_strided_slice %add3A_50 {offsets = [0, 128], sizes = [2000, 128], strides = [1, 1]} : vector<2000x384xf32> to vector<2000x128xf32>
    %slice3A_64 = vector.extract_strided_slice %get3A_53 {offsets = [0, 128], sizes = [1, 128], strides = [1, 1]} : vector<1x384xf32> to vector<1x128xf32>
    %add3A_65 = vector.broadcast %slice3A_64 : vector<1x128xf32> to vector<2000x128xf32>
    %add3A_66 = arith.addf %slice3A_63, %add3A_65 : vector<2000x128xf32>
    %logistic3A_67 = arith.negf %add3A_66 : vector<2000x128xf32>
    %logistic3A_68 = math.exp %logistic3A_67 : vector<2000x128xf32>
    %logistic3A_69 = arith.constant 1.000000e+00 : f32
    %logistic3A_70 = vector.broadcast %logistic3A_69 : f32 to vector<2000x128xf32>
    %logistic3A_71 = arith.addf %logistic3A_70, %logistic3A_68 : vector<2000x128xf32>
    %logistic3A_72 = arith.divf %logistic3A_70, %logistic3A_71 : vector<2000x128xf32>
    %slice3A_73 = vector.extract_strided_slice %add3A_50 {offsets = [0, 256], sizes = [2000, 128], strides = [1, 1]} : vector<2000x384xf32> to vector<2000x128xf32>
    %slice3A_74 = vector.extract_strided_slice %get3A_53 {offsets = [0, 256], sizes = [1, 128], strides = [1, 1]} : vector<1x384xf32> to vector<1x128xf32>
    %mul3A = vector.broadcast %slice3A_74 : vector<1x128xf32> to vector<2000x128xf32>
    %mul3A_75 = arith.mulf %logistic3A_62, %mul3A : vector<2000x128xf32>
    %add3A_76 = arith.addf %slice3A_73, %mul3A_75 : vector<2000x128xf32>
    %tanh3A = math.tanh %add3A_76 : vector<2000x128xf32>
    %sub3A = arith.constant 1.000000e+00 : f32
    %sub3A_77 = vector.broadcast %sub3A : f32 to vector<2000x128xf32>
    %sub3A_78 = arith.subf %sub3A_77, %logistic3A_72 : vector<2000x128xf32>
    %mul3A_79 = arith.mulf %sub3A_78, %tanh3A : vector<2000x128xf32>
    %iota3A = tpu.iota {dimensions = array<i32: 0>} : vector<128x2000xi32>
    %get3A_80 = arith.constant 0 : index
    %get3A_81 = arith.constant 0 : index
    %get3A_82 = arith.constant 0 : index
    %get3A_83 = vector.load %arg8[%get3A_80, %get3A_81, %get3A_82] : memref<1x1x2000xi32, #tpu.memory_space<vmem>>, vector<1x1x2000xi32>
    %get3A_84 = vector.shape_cast %get3A_83 : vector<1x1x2000xi32> to vector<1x2000xi32>
    %eq3A = vector.broadcast %get3A_84 : vector<1x2000xi32> to vector<128x2000xi32>
    %eq3A_85 = arith.cmpi eq, %iota3A, %eq3A : vector<128x2000xi32>
    %convert_element_type3A = arith.extui %eq3A_85 : vector<128x2000xi1> to vector<128x2000xi32>
    %convert_element_type3A_86 = arith.sitofp %convert_element_type3A : vector<128x2000xi32> to vector<128x2000xf32>
    %dot_general3A_87 = arith.constant dense<0.000000e+00> : vector<128x128xf32>
    %dot_general3A_88 = tpu.matmul %convert_element_type3A_86, %mul3A_79, %dot_general3A_87 {dimension_numbers = #tpu.dot_dimension_numbers<[1], [0], [0], [1], [0, 0, 1, 1], [], []>, transpose_lhs_hint = false} : vector<128x2000xf32>, vector<2000x128xf32>, vector<128x128xf32> -> vector<128x128xf32>
    %eq3A_89 = arith.constant 0 : i32
    %eq3A_90 = arith.cmpi eq, %arg0, %eq3A_89 : i32
    %convert_element_type3A_91 = arith.extui %eq3A_90 : i1 to i32
    %cond3A = arith.constant 0 : i32
    %cond3A_92 = arith.cmpi ne, %convert_element_type3A_91, %cond3A : i32
    scf.if %cond3A_92 {
      %swap3A = arith.constant 0 : index
      %swap3A_102 = arith.constant 0 : index
      %swap3A_103 = vector.load %arg11[%swap3A, %swap3A_102] : memref<128x128xf32, #tpu.memory_space<vmem>>, vector<128x128xf32>
      tpu.vector_store %arg11[%swap3A, %swap3A_102], %dot_general3A_88 {strides = array<i32>} : memref<128x128xf32, #tpu.memory_space<vmem>>, vector<128x128xf32>,
    } else {
    }
    %gt3A = arith.constant 0 : i32
    %gt3A_93 = arith.cmpi sgt, %arg0, %gt3A : i32
    %convert_element_type3A_94 = arith.extui %gt3A_93 : i1 to i32
    %cond3A_95 = arith.constant 0 : i32
    %cond3A_96 = arith.cmpi ne, %convert_element_type3A_94, %cond3A_95 : i32
    scf.if %cond3A_96 {
      %get3A_102 = arith.constant 0 : index
      %get3A_103 = arith.constant 0 : index
      %get3A_104 = vector.load %arg11[%get3A_102, %get3A_103] : memref<128x128xf32, #tpu.memory_space<vmem>>, vector<128x128xf32>
      %add3A_105 = arith.addf %get3A_104, %dot_general3A_88 : vector<128x128xf32>
      %swap3A = arith.constant 0 : index
      %swap3A_106 = arith.constant 0 : index
      %swap3A_107 = vector.load %arg11[%swap3A, %swap3A_106] : memref<128x128xf32, #tpu.memory_space<vmem>>, vector<128x128xf32>
      tpu.vector_store %arg11[%swap3A, %swap3A_106], %add3A_105 {strides = array<i32>} : memref<128x128xf32, #tpu.memory_space<vmem>>, vector<128x128xf32>,
    } else {
    }
    %eq3A_97 = arith.constant 4 : i32
    %eq3A_98 = arith.cmpi eq, %arg0, %eq3A_97 : i32
    %convert_element_type3A_99 = arith.extui %eq3A_98 : i1 to i32
    %cond3A_100 = arith.constant 0 : i32
    %cond3A_101 = arith.cmpi ne, %convert_element_type3A_99, %cond3A_100 : i32
    scf.if %cond3A_101 {
      %get3A_102 = arith.constant 0 : index
      %get3A_103 = arith.constant 0 : index
      %get3A_104 = vector.load %arg11[%get3A_102, %get3A_103] : memref<128x128xf32, #tpu.memory_space<vmem>>, vector<128x128xf32>
      %reduce_sum3A = arith.constant dense<0.000000e+00> : vector<128xf32>
      %reduce_sum3A_105 = vector.multi_reduction <add>, %get3A_104, %reduce_sum3A [0] : vector<128x128xf32> to vector<128xf32>
      %broadcast_in_dim3A = vector.shape_cast %reduce_sum3A_105 : vector<128xf32> to vector<1x128xf32>
      %mul3A_106 = arith.constant 7.812500e-03 : f32
      %mul3A_107 = vector.broadcast %mul3A_106 : f32 to vector<1x128xf32>
      %mul3A_108 = arith.mulf %broadcast_in_dim3A, %mul3A_107 : vector<1x128xf32>
      %get3A_109 = arith.constant 0 : index
      %get3A_110 = arith.constant 0 : index
      %get3A_111 = vector.load %arg9[%get3A_109, %get3A_110] : memref<128x128xf32, #tpu.memory_space<vmem>>, vector<128x128xf32>
      %dot_general3A_112 = arith.constant dense<0.000000e+00> : vector<1x128xf32>
      %dot_general3A_113 = tpu.matmul %mul3A_108, %get3A_111, %dot_general3A_112 {dimension_numbers = #tpu.dot_dimension_numbers<[1], [0], [0], [1], [0, 0, 1, 1], [], []>, transpose_lhs_hint = false} : vector<1x128xf32>, vector<128x128xf32>, vector<1x128xf32> -> vector<1x128xf32>
      %get3A_114 = arith.constant 0 : index
      %get3A_115 = arith.constant 0 : index
      %get3A_116 = vector.load %arg10[%get3A_114, %get3A_115] : memref<1x128xf32, #tpu.memory_space<vmem>>, vector<1x128xf32>
      %add3A_117 = arith.addf %dot_general3A_113, %get3A_116 : vector<1x128xf32>
      %max3A_118 = arith.constant 0.000000e+00 : f32
      %max3A_119 = vector.broadcast %max3A_118 : f32 to vector<1x128xf32>
      %max3A_120 = arith.maximumf %add3A_117, %max3A_119 : vector<1x128xf32>
      %swap3A = arith.constant 0 : index
      %swap3A_121 = arith.constant 0 : index
      %swap3A_122 = vector.load %arg12[%swap3A, %swap3A_121] : memref<1x128xf32, #tpu.memory_space<vmem>>, vector<1x128xf32>
      tpu.vector_store %arg12[%swap3A, %swap3A_121], %max3A_120 {strides = array<i32>} : memref<1x128xf32, #tpu.memory_space<vmem>>, vector<1x128xf32>,
    } else {
    }
    return
  }
  func.func @transform_0(%arg0: i32) -> (i32, i32, i32) {
    %c0_i32 = arith.constant 0 : i32
    %c0_i32_0 = arith.constant 0 : i32
    %c0_i32_1 = arith.constant 0 : i32
    return %c0_i32, %arg0, %c0_i32_0 : i32, i32, i32
  }
  func.func @transform_1(%arg0: i32) -> (i32, i32, i32) {
    %c0_i32 = arith.constant 0 : i32
    %c0_i32_0 = arith.constant 0 : i32
    %c0_i32_1 = arith.constant 0 : i32
    return %c0_i32, %arg0, %c0_i32_0 : i32, i32, i32
  }
  func.func @transform_2(%arg0: i32) -> (i32, i32, i32) {
    %c0_i32 = arith.constant 0 : i32
    %c0_i32_0 = arith.constant 0 : i32
    %c0_i32_1 = arith.constant 0 : i32
    return %c0_i32, %arg0, %c0_i32_0 : i32, i32, i32
  }
  func.func @transform_3(%arg0: i32) -> (i32, i32) {
    %c0_i32 = arith.constant 0 : i32
    %c0_i32_0 = arith.constant 0 : i32
    %c0_i32_1 = arith.constant 0 : i32
    return %c0_i32, %c0_i32_0 : i32, i32
  }
  func.func @transform_4(%arg0: i32) -> (i32, i32) {
    %c0_i32 = arith.constant 0 : i32
    %c0_i32_0 = arith.constant 0 : i32
    %c0_i32_1 = arith.constant 0 : i32
    return %c0_i32, %c0_i32_0 : i32, i32
  }
  func.func @transform_5(%arg0: i32) -> (i32, i32) {
    %c0_i32 = arith.constant 0 : i32
    %c0_i32_0 = arith.constant 0 : i32
    %c0_i32_1 = arith.constant 0 : i32
    return %c0_i32, %c0_i32_0 : i32, i32
  }
  func.func @transform_6(%arg0: i32) -> (i32, i32) {
    %c0_i32 = arith.constant 0 : i32
    %c0_i32_0 = arith.constant 0 : i32
    %c0_i32_1 = arith.constant 0 : i32
    return %c0_i32, %c0_i32_0 : i32, i32
  }
  func.func @transform_7(%arg0: i32) -> (i32, i32, i32) {
    %c0_i32 = arith.constant 0 : i32
    %c0_i32_0 = arith.constant 0 : i32
    %c0_i32_1 = arith.constant 0 : i32
    return %arg0, %c0_i32, %c0_i32_0 : i32, i32, i32
  }
  func.func @transform_8(%arg0: i32) -> (i32, i32) {
    %c0_i32 = arith.constant 0 : i32
    %c0_i32_0 = arith.constant 0 : i32
    %c0_i32_1 = arith.constant 0 : i32
    return %c0_i32, %c0_i32_0 : i32, i32
  }
  func.func @transform_9(%arg0: i32) -> (i32, i32) {
    %c0_i32 = arith.constant 0 : i32
    %c0_i32_0 = arith.constant 0 : i32
    %c0_i32_1 = arith.constant 0 : i32
    return %c0_i32, %c0_i32_0 : i32, i32
  }
  func.func @transform_10(%arg0: i32) -> (i32, i32) {
    %c0_i32 = arith.constant 0 : i32
    %c0_i32_0 = arith.constant 0 : i32
    %c0_i32_1 = arith.constant 0 : i32
    return %c0_i32, %c0_i32_0 : i32, i32
  }
  func.func @transform_11(%arg0: i32) -> (i32, i32) {
    %c0_i32 = arith.constant 0 : i32
    %c0_i32_0 = arith.constant 0 : i32
    %c0_i32_1 = arith.constant 0 : i32
    return %c0_i32, %c0_i32_0 : i32, i32
  }
}

</mosaic_0001>

<sc_bundles>
// kernel: kernel.10.cloned.1.call-start
scs
__scs_entry_jumppad:
0x0: {  	(pc) =	sbr.rel $0x88, $3  }
0x1: {  	(tag) =	ssettag $0x0;
	lr =	simm.s32 $0x1  }
0x2: {  	[smem:$0x3F91] =	sst lr;
	_ =	strace $0xD0000000  }
0x3: {  	_ = 	snop  }
0x4: {  	_ = 	snop  }
0x5: {  	_ = 	snop  }
0x6: {  	_ = 	snop  }
0x7: {  	_ = 	snop  }
__scs_overlays_trampoline_lowered:
0x8: {  	[smem:$0x3FA0] =	sst s0  }
0x9: {  	[smem:$0x3FA1] =	sst s1  }
0xa: {  	[smem:$0x3FA2] =	sst s2  }
0xb: {  	[smem:$0x3FA3] =	sst s3  }
0xc: {  	[smem:$0x3FA4] =	sst s4  }
0xd: {  	[smem:$0x3FA5] =	sst s5  }
0xe: {  	[smem:$0x3FA6] =	sst s6  }
0xf: {  	[smem:$0x3FA7] =	sst s7  }
0x10: {  	[smem:$0x3FA8] =	sst s8  }
0x11: {  	[smem:$0x3FA9] =	sst s9;
	s0 =	simm.s32 @!p0 $0x0  }
0x12: {  	s1 =	sld [smem:$0x3F8F];
	s0 =	simm.s32 @p0 $0x1  }
0x13: {  	[smem:$0x3FAA] =	sst s0;
	s0 =	simm.s32 @!p1 $0x0  }
0x14: {  	s2 =	sld [smem:$0x3F8E];
	s0 =	simm.s32 @p1 $0x1  }
0x15: {  	[smem:$0x3FAB] =	sst s0;
	s0 =	simm.s32 @!p2 $0x0  }
0x16: {  	s3 =	sld [smem:$0x3FDB];
	s0 =	simm.s32 @p2 $0x1  }
0x17: {  	s4 =	simm.s32 $0x1BF5;
	[smem:$0x3FAD] =	sst s0  }
0x18: {  	s0 =	sld [smem:$0x3F90];
	_ =	swait.ge [sflag:s4], $0x0  }
0x19: {  	s7 =	sld [smem:$0x3F91]  }
0x1a: {  	s8 =	sadd.s32 $0xFFFFE003, lr  }
0x1b: {  	s9 =	sadd.s32 $0xFFFFFEF7, lr;
	s5 =	simm.s32 $0xFFFFFFFF;
	p2 =	slt.u32 s8, $0xFFFFF086  }
0x1c: {  	p1 =	slt.u32 s9, $0xF7A;
	s5 =	simm.s32 @!p2 $0x0  }
0x1d: {  	s5 =	simm.s32 @p1 $0x1;
	p0 =	seq.s32 s7, s2  }
0x1e: {  	s7 =	smul.u32 @!p0 $0xF7A, s2;
	p2 =	seq.s32 @!p0 s5, $0x0  }
0x1f: {  	s9 =	smul.u32 $0xF7A, s1;
	s8 =	simm.s32 @!p0 $0x1BF5;
	p2 =	por !p2, p0  }
0x20: {  	[sflag:s8] =	ssyncset.s32 @!p0 $0xFFFFF086;
	s6 =	sadd.s32 @!p0 s3, s7;
	s7 =	simm.s32 @!p0 $0x108  }
0x21: {  	s3 =	sadd.s32 s3, s9;
	s6 =	sadd.s32 @!p0 $0x88, s6;
	s7 =	simm.s32 @p2 $0x1082  }
0x22: {  	[simem:s7], [sflag:s8] =	dma.local @!p0 [hbm:s6], $0xF7A  }
0x23: {  	s9 =	sor.u32 $0xD0000000, s2;
	s6 =	simm.s32 $0x108;
	_ =	swait.ge @!p0 [sflag:s8], $0x0  }
0x24: {  	s3 =	sadd.s32 $0x88, s3;
	s6 =	simm.s32 @!p1 $0x1082;
	[sflag:s4] =	ssyncset.s32 $0xFFFFF086  }
0x25: {  	[simem:s6], [sflag:s4] =	dma.local [hbm:s3], $0xF7A  }
0x26: {  	[smem:$0x3F91] =	sst s1;
	(tag) =	ssettag s2;
	_ =	strace s9  }
0x27: {  	s1 =	sld [smem:$0x3FA1]  }
0x28: {  	s2 =	sld [smem:$0x3FA2]  }
0x29: {  	s4 =	sld [smem:$0x3FA4]  }
0x2a: {  	p0 =	seq.s32 s5, $0x0;
	s5 =	sld [smem:$0x3FA5]  }
0x2b: {  	s6 =	sld [smem:$0x3FA6]  }
0x2c: {  	s7 =	sld [smem:$0x3FA7]  }
0x2d: {  	s3 =	simm.s32 $0x108;
	s8 =	sld [smem:$0x3FA8]  }
0x2e: {  	s3 =	simm.s32 @!p0 $0x1082;
	s9 =	sld [smem:$0x3FA9]  }
0x2f: {  	lr =	sadd.s32 s0, s3;
	s0 =	sld [smem:$0x3FA0]  }
0x30: {  	s3 =	sld [smem:$0x3FA3]  }
0x31: {  	[smem:$0x3FAC] =	sst s10  }
0x32: {  	s10 =	sld [smem:$0x3FAA];
	_ =	sdelay $0x3  }
0x33: {  	p0 =	seq.s32 s10, $0x1;
	s10 =	sld [smem:$0x3FAC];
	_ =	sdelay $0x3  }
0x34: {  	[smem:$0x3FAC] =	sst s10  }
0x35: {  	s10 =	sld [smem:$0x3FAB];
	_ =	sdelay $0x3  }
0x36: {  	p1 =	seq.s32 s10, $0x1;
	s10 =	sld [smem:$0x3FAC];
	_ =	sdelay $0x3  }
0x37: {  	[smem:$0x3FAC] =	sst s10  }
0x38: {  	s10 =	sld [smem:$0x3FAD]  }
0x39: {  	_ = 	snop;
	(pc) =	sbr.ind lr, $3  }
0x3a: {  	_ = 	snop  }
0x3b: {  	_ = 	snop  }
0x3c: {  	p2 =	seq.s32 s10, $0x1;
	s10 =	sld [smem:$0x3FAC]  }
0x3d: {  	_ =	shalt  }
0x3e: {  	_ =	shalt  }
0x3f: {  	_ =	shalt  }
0x40: {  	_ =	shalt  }
0x41: {  	_ =	shalt  }
0x42: {  	_ =	shalt  }
0x43: {  	_ =	shalt  }
0x44: {  	_ =	shalt  }
0x45: {  	_ =	shalt  }
0x46: {  	_ =	shalt  }
0x47: {  	_ =	shalt  }
0x48: {  	_ =	shalt  }
0x49: {  	_ =	shalt  }
0x4a: {  	_ =	shalt  }
0x4b: {  	_ =	shalt  }
0x4c: {  	_ =	shalt  }
0x4d: {  	_ =	shalt  }
0x4e: {  	_ =	shalt  }
0x4f: {  	_ =	shalt  }
0x50: {  	_ =	shalt  }
0x51: {  	_ =	shalt  }
0x52: {  	_ =	shalt  }
0x53: {  	_ =	shalt  }
0x54: {  	_ =	shalt  }
0x55: {  	_ =	shalt  }
0x56: {  	_ =	shalt  }
0x57: {  	_ =	shalt  }
0x58: {  	_ =	shalt  }
0x59: {  	_ =	shalt  }
0x5a: {  	_ =	shalt  }
0x5b: {  	_ =	shalt  }
0x5c: {  	_ =	shalt  }
0x5d: {  	_ =	shalt  }
0x5e: {  	_ =	shalt  }
0x5f: {  	_ =	shalt  }
0x60: {  	_ =	shalt  }
0x61: {  	_ =	shalt  }
0x62: {  	_ =	shalt  }
0x63: {  	_ =	shalt  }
0x64: {  	_ =	shalt  }
0x65: {  	_ =	shalt  }
0x66: {  	_ =	shalt  }
0x67: {  	_ =	shalt  }
0x68: {  	_ =	shalt  }
0x69: {  	_ =	shalt  }
0x6a: {  	_ =	shalt  }
0x6b: {  	_ =	shalt  }
0x6c: {  	_ =	shalt  }
0x6d: {  	_ =	shalt  }
0x6e: {  	_ =	shalt  }
0x6f: {  	_ =	shalt  }
0x70: {  	_ =	shalt  }
0x71: {  	_ =	shalt  }
0x72: {  	_ =	shalt  }
0x73: {  	_ =	shalt  }
0x74: {  	_ =	shalt  }
0x75: {  	_ =	shalt  }
0x76: {  	_ =	shalt  }
0x77: {  	_ =	shalt  }
0x78: {  	_ =	shalt  }
0x79: {  	_ =	shalt  }
0x7a: {  	_ =	shalt  }
0x7b: {  	_ =	shalt  }
0x7c: {  	_ =	shalt  }
0x7d: {  	_ =	shalt  }
0x7e: {  	_ =	shalt  }
0x7f: {  	_ =	shalt  }
0x80: {  	_ =	shalt  }
0x81: {  	_ =	shalt  }
0x82: {  	_ =	shalt  }
0x83: {  	_ =	shalt  }
0x84: {  	_ =	shalt  }
0x85: {  	_ =	shalt  }
0x86: {  	_ =	shalt  }
0x87: {  	_ =	shalt  }
.Lfunc_end0:
.L_simem_size_0:
called_computation.1_lowered:
.L_overlay_start_0:
0x88: {  	s2 =	sld [smem:$0x3FD9]  }
0x89: {  	s3 =	sld [smem:$0x3FFE];
	_ =	sdelay $0x1  }
0x8a: {  	s1 =	srdreg.scid  }
0x8b: {  	s0 =	sand.u32 $0x1, s1  }
0x8c: {  	s17 =	sshll.u32 s0, $0xA;
	s2 =	sadd.s32 s3, s2  }
0x8d: {  	s2 =	sadd.s32 s2, s17  }
0x8e: {  	[smem:$0x3FB8] =	sst s2  }
0x8f: {  	_ = 	snop  }
0x90: {  	s2 =	sld [smem:$0x3FD0];
	(tm) =	ssettm $0x1  }
0x91: {  	s18 =	sld [smem:$0x3FFB];
	_ =	sdelay $0x3  }
0x92: {  	_ =	strace s18  }
0x93: {  	s3 =	sld [smem:$0x3FFC];
	_ =	sdelay $0x3  }
0x94: {  	_ =	strace s3  }
0x95: {  	s3 =	sld [smem:$0x3FFD];
	_ =	sdelay $0x3  }
0x96: {  	_ =	strace s3  }
0x97: {  	_ =	strace $0x8FFFFFFF  }
0x98: {  	s19 =	sld [smem:$0x3FDB];
	_ =	sdelay $0x1  }
0x99: {  	s4 =	simm.s32 $_scs_section_size  }
0x9a: {  	s5 =	simm.s32 $_size__tile_overlayer_lowered;
	s6 =	simm.s32 $_tile_overlayer_lowered  }
0x9b: {  	s22 =	simm.s32 $0x1BFF;
	s21 =	sshll.u32 s6, $0x1;
	s3 =	sadd.s32 s4, s19  }
0x9c: {  	s7 =	simm.s32 $0x0;
	s20 =	sshll.u32 s5, $0x1;
	s5 =	sadd.s32 s21, s3  }
0x9d: {  	[timem:s7], [sflag:s22] =	dma.local [hbm:s5], s20  }
0x9e: {  	_ =	swait.ge [sflag:s22], s20  }
0x9f: {  	s4 =	ssub.s32 $0x0, s20;
	[sflag:s22] =	ssyncset.done $0x0  }
0xa0: {  	[sflag:s22] =	ssyncadd.s32 s4;
	_ =	sdelay $0x1  }
0xa1: {  	s23 =	simm.s32 $0x1B8B  }
0xa2: {  	_ =	swait.ge [sflag:s23], $0x1  }
0xa3: {  	[sflag:s23] =	ssyncset.done $0x0  }
0xa4: {  	s25 =	simm.s32 $0x1B8E;
	s24 =	sld [smem:$0x3FFE];
	[sflag:s23] =	ssyncadd.s32 $0xFFFFFFFF  }
0xa5: {  	s26 =	simm.s32 $execute0_lowered;
	[smem:$0x3FD2] =	sst s25  }
0xa6: {  	s5 =	sshll.u32 s26, $0x1;
	_ =	strace $0x80000049;
	[dreg:$0x1] =	wrdreg $0xFFFFFFFF  }
0xa7: {  	s28 =	simm.s32 $_size_execute0_lowered;
	s3 =	sadd.s32 s3, s5;
	[dreg:$0x0] =	wrdreg $0x0  }
0xa8: {  	s5 =	sshll.u32 s28, $0x1;
	[dreg:$0x2] =	wrdreg s3  }
0xa9: {  	[dreg:$0x3] =	wrdreg s5  }
0xaa: {  	[dreg:$0x4] =	wrdreg $0xC0  }
0xab: {  	_ =	task [dreg:s7], $0x5FFFF  }
0xac: {  	[dreg:$0x1] =	wrdreg $0xFFFFFFFF  }
0xad: {  	[dreg:$0x0] =	wrdreg $0x60  }
0xae: {  	[dreg:$0x2] =	wrdreg s24  }
0xaf: {  	[dreg:$0x3] =	wrdreg s2  }
0xb0: {  	[dreg:$0x4] =	wrdreg $0xD3800  }
0xb1: {  	[dreg:$0x5] =	wrdreg $0x9  }
0xb2: {  	_ =	task.clear_ibuf [dreg:s7], $0x6FFFF;
	_ =	strace $0x90000049  }
0xb3: {  	s29 =	simm.s32 $0x9;
	_ =	strace $0x8000004B  }
0xb4: {  	_ =	swait.ge [sflag:s29], $0x1  }
0xb5: {  	[sflag:s29] =	ssyncadd.s32 $0xFFFFFFFF  }
0xb6: {  	_ =	strace $0x9000004B  }
0xb7: {  	_ =	sfence  }
0xb8: {  	s30 =	sld [smem:$0x0];
	_ =	sdelay $0x2  }
0xb9: {  	s31 =	sshll.u32 s1, $0xD;
	s1 =	sshrl.u32 s1, $0x2  }
0xba: {  	s3 =	sand.u32 $0x4000, s31;
	s1 =	sadd.s32 s1, s30  }
0xbb: {  	s0 =	sor.u32 s3, s0;
	s1 =	sshll.u32 s1, $0x11  }
0xbc: {  	s0 =	sor.u32 s1, s0  }
0xbd: {  	s0 =	sadd.s32 $0x8F2B, s0  }
0xbe: {  	[sflag:s0] =	ssyncadd.remote.s32 $0x1  }
0xbf: {  	_ =	sfence.sel $0xFFFF  }
0xc0: {  	[dreg:$0x0] =	wrdreg $0xFFFFFFFF;
	(pc) =	sbr.abs _section_cstart, $3  }
0xc1: {  	[dreg:$0x1] =	wrdreg $0xFFFFFFFF  }
0xc2: {  	_ =	task.clear_ibuf [dreg:s7], $0x2FFFF;
	_ =	strace $0x9FFFFFFF  }
0xc3: {  	(tm) =	ssettm $0x7FFFFFFF  }
tec
execute0_lowered:
.L_overlay_start_1:
0x0: {  	(tag) =	ssettag $0x1  }
0x1: {  	s0 =	rddreg [dreg:$0x0]  }
0x2: {  	s2 =	rddreg [dreg:$0x2];
	s3 =	simm.s32 $0x0  }
0x3: {  	s14 =	srdreg.scid;
	s11 =	stileid.u32;
	s29 =	simm.s32 $0x400  }
0x4: {  	s30 =	simm.s32 $0x6;
	s31 =	simm.s32 $0x2B80;
	[smem:$0x7FF] =	sst s3  }
0x5: {  	s4 =	sadd.s32 $0x1200, s0;
	s1 =	sadd.s32 $0x28400, s0;
	s13 =	sadd.s32 $0x28A00, s0  }
0x6: {  	s8 =	sadd.s32 $0x28C00, s0;
	s9 =	sadd.s32 $0x3CC00, s0;
	s10 =	sadd.s32 $0x50C00, s0  }
0x7: {  	s15 =	sand.u32 $0x1, s14;
	s5 =	sshll.u32 s11, $0x1;
	s6 =	smul.u32 $0x28000, s11  }
0x8: {  	s11 =	smul.u32 $0xA000, s11;
	_ =	strace $0x8000004A;
	[dreg:$0x4] =	wrdreg s1  }
0x9: {  	s14 =	simm.s32 $0xB380;
	[dreg:$0x5] =	wrdreg s13;
	s1 =	ssub.s32 $0x2, s15  }
0xa: {  	s5 =	sor.u32 s15, s5;
	s0 =	smul.u32 $0xA0000, s15;
	s15 =	simm.s32 $0x0  }
0xb: {  	s7 =	sshrl.u32 s1, $0x1;
	s16 =	sadd.s32 $0x2000, s11;
	[dreg:$0x6] =	wrdreg s11  }
0xc: {  	s6 =	sshrl.u32 s6, $0x2;
	s17 =	sadd.s32 $0x4000, s11;
	[dreg:$0x8] =	wrdreg s16  }
0xd: {  	s12 =	smul.u32 $0x5000, s5;
	s19 =	sadd.s32 $0x6000, s11;
	[dreg:$0x9] =	wrdreg s17  }
0xe: {  	s11 =	sadd.s32 $0x8000, s11;
	s1 =	ssub.s32 s1, s7;
	[dreg:$0x12] =	wrdreg s0  }
0xf: {  	s21 =	sadd.s32 s6, s2;
	s22 =	sadd.s32 s16, s2;
	[dreg:$0xc] =	wrdreg s19  }
0x10: {  	s23 =	sadd.s32 s17, s2;
	[dreg:$0xd] =	wrdreg s11;
	s28 =	sadd.s32 s11, s2  }
0x11: {  	s7 =	simm.s32 $0x300;
	s0 =	simm.s32 $0x40;
	[dreg:$0x7] =	wrdreg s21  }
0x12: {  	s6 =	simm.s32 $0x4;
	s11 =	simm.s32 $0x280;
	[dreg:$0xa] =	wrdreg s22  }
0x13: {  	s18 =	sshrl.u32 s12, $0x3;
	s26 =	smax.u32 s1, $0x1;
	[dreg:$0xb] =	wrdreg s23  }
0x14: {  	s20 =	sor.u32 $0x10, s18;
	s13 =	sadd.s32 s8, s18;
	[dreg:$0x13] =	wrdreg s26  }
.Ltmp0:
0x15: {  	s5 =	sadd.s32 s9, s18;
	[dreg:$0xe] =	wrdreg s13;
	(pc) =	sbr.rel .LBB2_1-.Ltmp0, $4  }
0x16: {  	s1 =	simm.s32 $0x9380;
	[dreg:$0xf] =	wrdreg s5;
	s24 =	sadd.s32 s8, s20  }
0x17: {  	s18 =	simm.s32 $0x2;
	s25 =	sadd.s32 s9, s20;
	[dreg:$0x10] =	wrdreg s24  }
0x18: {  	s5 =	simm.s32 $0x200;
	[dreg:$0x11] =	wrdreg s25;
	s24 =	sadd.s32 s19, s2  }
0x19: {  	v0 =	vimm.f32 $0.0e+00;
	vm0 =	vmxor vm0, vm0;
	vm1 =	vmmov $0x1;
	s25 =	simm.s32 $0x5;
	s19 =	simm.s32 $0x5380;
	[dreg:$0x14] =	wrdreg s24  }
.LBB2_21:
0x1a: {  	s15 =	rddreg [dreg:$0x15]  }
0x1b: {  	s13 =	rddreg [dreg:$0x13];
	s15 =	sadd.s32 $0x1, s15  }
0x1c: {  	p0 =	sne.s32 s15, s13  }
.Ltmp1:
0x1d: {  	_ = 	snop;
	(pc) =	sbr.rel @!p0 .LBB2_22-.Ltmp1, $2  }
0x1e: {  	_ =	sdelay $0x1  }
0x1f: {  	[bflag:$0x0] =	sbarrier.arrive $0xFFFF;
	_ =	sdelay $0x1  }
.LBB2_1:
0x20: {  	[dreg:$0x15] =	wrdreg s15  }
0x21: {  	s13 =	rddreg [dreg:$0x1]  }
0x22: {  	[tilespmem:s29], [sflag:$0x6] =	stream.linear.gather [hbm4b:s13+s3], $0x2780, $0x38;
	[tilespmem:$0x17380] =	vst v63  }
0x23: {  	_ =	swait.ge [sflag:s30], $0x2780  }
0x24: {  	[sflag:s30] =	ssyncset.done $0x0  }
0x25: {  	s17 =	rddreg [dreg:$0x4];
	[sflag:s30] =	ssyncadd.s32 $0xFFFFD880  }
0x26: {  	[tilespmem:s31], [sflag:$0x6] =	stream.linear.gather [hbm4b:s17+s3], $0x2780, $0x38;
	[tilespmem:$0x17380] =	vst v63  }
0x27: {  	_ =	swait.ge [sflag:s30], $0x2780  }
0x28: {  	[sflag:s30] =	ssyncset.done $0x0  }
0x29: {  	s26 =	simm.s32 $0x5300;
	s20 =	rddreg [dreg:$0x5];
	[sflag:s30] =	ssyncadd.s32 $0xFFFFD880  }
0x2a: {  	[tilespmem:s26], [sflag:$0x6] =	stream.linear.gather [hbm4b:s20+s3], $0x80, $0x38;
	[tilespmem:$0x17380] =	vst v63  }
0x2b: {  	_ =	swait.ge [sflag:s30], $0x80  }
0x2c: {  	[sflag:s30] =	ssyncset.done $0x0  }
0x2d: {  	s15 =	simm.s32 $0x200;
	s13 =	simm.s32 $0x0;
	[sflag:s30] =	ssyncadd.s32 $0xFFFFFF80  }
.LBB2_2:
0x2e: {  	p0 =	sne.s32 s15, $0x7E00;
	[tilespmem:s13+$0x93F0] =	vst v0  }
0x2f: {  	[tilespmem:s13+$0x9380] =	vst v0  }
0x30: {  	[tilespmem:s13+$0x9390] =	vst v0  }
.Ltmp2:
0x31: {  	[tilespmem:s13+$0x93A0] =	vst v0;
	(pc) =	sbr.rel @p0 .LBB2_2-.Ltmp2, $4  }
0x32: {  	[tilespmem:s13+$0x93B0] =	vst v0  }
0x33: {  	[tilespmem:s13+$0x93C0] =	vst v0  }
0x34: {  	[tilespmem:s13+$0x93D0] =	vst v0  }
0x35: {  	[tilespmem:s13+$0x93E0] =	vst v0;
	s13 =	sshra.s32 s15, $0x2;
	s15 =	sadd.s32 $0x200, s15  }
0x36: {  	[tilespmem:s13+$0x93F0] =	vst v0  }
0x37: {  	[tilespmem:s13+$0x9380] =	vst v0  }
0x38: {  	[tilespmem:s13+$0x9390] =	vst v0  }
0x39: {  	[tilespmem:s13+$0x93A0] =	vst v0  }
0x3a: {  	[tilespmem:s13+$0x93B0] =	vst v0  }
0x3b: {  	[tilespmem:s13+$0x93C0] =	vst v0  }
0x3c: {  	[tilespmem:s13+$0x93D0] =	vst v0  }
0x3d: {  	[tilespmem:s13+$0x93E0] =	vst v0  }
0x3e: {  	[spmem:s21] =	stream.linear.scatter [tilespmem:s1], [sflag:$0x6], $0x2000, $0x38;
	[tilespmem:$0x17380] =	vst v63  }
0x3f: {  	_ =	swait.ge [sflag:s30], $0x2000  }
0x40: {  	[sflag:s30] =	ssyncset.done $0x0  }
0x41: {  	[sflag:s30] =	ssyncadd.s32 $0xFFFFE000  }
0x42: {  	[spmem:s22] =	stream.linear.scatter [tilespmem:s1], [sflag:$0x6], $0x2000, $0x38;
	[tilespmem:$0x17380] =	vst v63  }
0x43: {  	_ =	swait.ge [sflag:s30], $0x2000  }
0x44: {  	[sflag:s30] =	ssyncset.done $0x0  }
0x45: {  	[sflag:s30] =	ssyncadd.s32 $0xFFFFE000  }
0x46: {  	[spmem:s23] =	stream.linear.scatter [tilespmem:s1], [sflag:$0x6], $0x2000, $0x38;
	[tilespmem:$0x17380] =	vst v63  }
0x47: {  	_ =	swait.ge [sflag:s30], $0x2000  }
0x48: {  	[sflag:s30] =	ssyncset.done $0x0  }
0x49: {  	[sflag:s30] =	ssyncadd.s32 $0xFFFFE000  }
0x4a: {  	[spmem:s24] =	stream.linear.scatter [tilespmem:s1], [sflag:$0x6], $0x2000, $0x38;
	[tilespmem:$0x17380] =	vst v63  }
0x4b: {  	_ =	swait.ge [sflag:s30], $0x2000  }
0x4c: {  	[sflag:s30] =	ssyncset.done $0x0  }
0x4d: {  	[sflag:s30] =	ssyncadd.s32 $0xFFFFE000  }
0x4e: {  	[spmem:s28] =	stream.linear.scatter [tilespmem:s1], [sflag:$0x6], $0x2000, $0x38;
	[tilespmem:$0x17380] =	vst v63  }
0x4f: {  	_ =	swait.ge [sflag:s30], $0x2000  }
0x50: {  	[sflag:s30] =	ssyncset.done $0x0  }
0x51: {  	[sflag:s30] =	ssyncadd.s32 $0xFFFFE000  }
0x52: {  	s20 =	simm.s32 $0x0;
	[bflag:$0x0] =	sbarrier.arrive $0xFFFF  }
.LBB2_4:
0x53: {  	s13 =	rddreg [dreg:$0xe]  }
0x54: {  	[tilespmem:s3], [sflag:$0x6] =	stream.linear.gather [hbm4b:s13+s3], $0x80, $0x38;
	[tilespmem:$0x17380] =	vst v63  }
0x55: {  	_ =	swait.ge [sflag:s30], $0x80  }
0x56: {  	[sflag:s30] =	ssyncset.done $0x0  }
0x57: {  	s15 =	simm.s32 $0x100;
	s21 =	rddreg [dreg:$0xf];
	[sflag:s30] =	ssyncadd.s32 $0xFFFFFF80  }
0x58: {  	[tilespmem:s15], [sflag:$0x6] =	stream.linear.gather [hbm4b:s21+s3], $0x80, $0x38;
	[tilespmem:$0x17380] =	vst v63  }
0x59: {  	_ =	swait.ge [sflag:s30], $0x80  }
0x5a: {  	[sflag:s30] =	ssyncset.done $0x0  }
0x5b: {  	s23 =	simm.s32 $0x80;
	s22 =	rddreg [dreg:$0x10];
	[sflag:s30] =	ssyncadd.s32 $0xFFFFFF80  }
0x5c: {  	[tilespmem:s23], [sflag:$0x5] =	stream.linear.gather [hbm4b:s22+s3], $0x80, $0x38;
	[tilespmem:$0x17380] =	vst v63  }
0x5d: {  	s26 =	simm.s32 $0x180;
	p0 =	seq.s32 s20, $0x2;
	s24 =	rddreg [dreg:$0x11]  }
0x5e: {  	[tilespmem:s26], [sflag:$0x5] =	stream.linear.gather [hbm4b:s24+s3], $0x80, $0x38;
	[tilespmem:$0x17380] =	vst v63  }
0x5f: {  	s13 =	simm.s32 @!p0 $0x0;
	s21 =	simm.s32 @!p0 $0x40;
	s15 =	simm.s32 @!p0 $0x5380  }
0x60: {  	[tilespmem:s15], [sflag:$0x1] =	stream.indirect.gather @!p0 [hbm4b:s4+s21], $0x80, s13, s21, $0xb8;
	[tilespmem:$0x17380] =	vst v63  }
0x61: {  	p1 =	sgt.s32 s20, $0x1;
	vm2 =	vmmov vm0;
	p2 =	seq.s32 s20, $0x0;
	s13 =	simm.s32 $0x0  }
0x62: {  	vm2 =	vmneg @p1 vm2;
	s13 =	simm.s32 @!p2 $0x40  }
0x63: {  	vm3 =	vmneg vm2;
	s24 =	simm.s32 $0x0;
	s17 =	sor.u32 $0x53A0, s13;
	s23 =	sor.u32 $0x73A0, s13  }
.LBB2_5:
0x64: {  	_ =	swait.ge [sflag:s25], $0x80  }
0x65: {  	[sflag:s25] =	ssyncset.done $0x0  }
0x66: {  	[sflag:s25] =	ssyncadd.s32 $0xFFFFFF80  }
0x67: {  	_ =	swait.ge [sflag:s25], $0x80  }
0x68: {  	[sflag:s25] =	ssyncset.done $0x0  }
0x69: {  	s13 =	simm.s32 @!p0 $0x80;
	s15 =	simm.s32 @!p0 $0x7380;
	[sflag:s25] =	ssyncadd.s32 $0xFFFFFF80  }
0x6a: {  	[tilespmem:s15], [sflag:$0x2] =	stream.indirect.gather @!p0 [hbm4b:s4+s21], $0x80, s13, s21, $0xb8;
	[tilespmem:$0x17380] =	vst v63  }
0x6b: {  	s13 =	simm.s32 @!p0 $0x1  }
0x6c: {  	_ =	swait.ge @!p0 [sflag:s13], $0x2000  }
0x6d: {  	p3 =	seq.s32 s24, $0x0;
	[sflag:s13] =	ssyncset.done @!p0 $0x0  }
0x6e: {  	[sflag:s13] =	ssyncadd.s32 @!p0 $0xFFFFE000;
	s13 =	simm.s32 @!p3 $0x3  }
0x6f: {  	_ =	swait.ge @!p3 [sflag:s13], $0x2000  }
0x70: {  	[sflag:s13] =	ssyncset.done @!p3 $0x0  }
0x71: {  	[sflag:s13] =	ssyncadd.s32 @!p3 $0xFFFFE000  }
0x72: {  	v1 =	vld [tilespmem:$0x0]  }
0x73: {  	v2 =	vld [tilespmem:$0x100];
	_ =	sdelay $0x6  }
0x74: {  	v1 =	vld.idx.msk [tilespmem:v1+s29+$0x0], $0xffff  }
0x75: {  	v3 =	vld.idx.msk [tilespmem:v2+s31+$0x0], $0xffff;
	_ =	sdelay $0x4  }
0x76: {  	v1 =	vadd.f32 v3, v1;
	v3 =	vld [tilespmem:$0x5300];
	_ =	sdelay $0x1  }
0x77: {  	v4 =	vmul.f32 $2.000000030e-01, v1  }
0x78: {  	vm4 =	vlt.f32 v1, $0.0e+00  }
0x79: {  	v1 =	vsel vm4, v4, v1  }
0x7a: {  	v1 =	vsub.f32 v1, v3;
	_ =	sdelay $0x1  }
0x7b: {  	v1 =	vmul.f32 $1.442695020e+00, v1;
	_ =	sdelay $0x1  }
0x7c: {  	(erf) = vpow2.f32 v1;
	_ =	sdelay $0x5  }
0x7d: {  	v1 =	vld [tilespmem:$0x10]  }
0x7e: {  	v3 =	vld [tilespmem:$0x110];
	_ =	sdelay $0x1  }
0x7f: {  	v4 =	vpop (erf)  }
0x80: {  	v5 =	vand.u32 $0x1, v2;
	v6 =	vsub.f32 $0.0e+00, v4  }
0x81: {  	v2 =	vshrl.u32 v2, $0x1;
	vm4 =	veq.s32 v5, $0x0  }
0x82: {  	[tilespmem:$0x200] =	vst v2;
	v4 =	vsel vm4, v4, v6  }
0x83: {  	[tilespmem:$0x300] =	vst v4  }
0x84: {  	v1 =	vld.idx.msk [tilespmem:v1+s29+$0x0], $0xffff  }
0x85: {  	v2 =	vld.idx.msk [tilespmem:v3+s31+$0x0], $0xffff;
	_ =	sdelay $0x4  }
0x86: {  	v1 =	vadd.f32 v2, v1;
	v2 =	vld [tilespmem:$0x5300];
	_ =	sdelay $0x1  }
0x87: {  	v4 =	vmul.f32 $2.000000030e-01, v1  }
0x88: {  	vm4 =	vlt.f32 v1, $0.0e+00  }
0x89: {  	v1 =	vsel vm4, v4, v1  }
0x8a: {  	v1 =	vsub.f32 v1, v2;
	_ =	sdelay $0x1  }
0x8b: {  	v1 =	vmul.f32 $1.442695020e+00, v1;
	_ =	sdelay $0x1  }
0x8c: {  	(erf) = vpow2.f32 v1;
	_ =	sdelay $0x6  }
0x8d: {  	s15 =	sshll.u32 s24, $0x7  }
0x8e: {  	s16 =	sor.u32 $0x10, s15;
	v1 =	vld [tilespmem:$0x20]  }
0x8f: {  	p2 =	slt.u32 s16, $0x2710;
	v4 =	vld [tilespmem:$0x120];
	v2 =	vpop (erf)  }
0x90: {  	v2 =	vpsel !p2, $0x0, v2  }
0x91: {  	v5 =	vand.u32 $0x1, v3;
	v62 =	vsub.f32 $0.0e+00, v2  }
0x92: {  	vm4 =	veq.s32 v5, $0x0  }
0x93: {  	v2 =	vsel vm4, v2, v62  }
0x94: {  	[tilespmem:$0x310] =	vst v2;
	v2 =	vshrl.u32 v3, $0x1  }
0x95: {  	[tilespmem:$0x210] =	vst v2  }
0x96: {  	v1 =	vld.idx.msk [tilespmem:v1+s29+$0x0], $0xffff  }
0x97: {  	v2 =	vld.idx.msk [tilespmem:v4+s31+$0x0], $0xffff;
	_ =	sdelay $0x4  }
0x98: {  	v1 =	vadd.f32 v2, v1;
	v2 =	vld [tilespmem:$0x5300];
	_ =	sdelay $0x1  }
0x99: {  	v3 =	vmul.f32 $2.000000030e-01, v1  }
0x9a: {  	vm4 =	vlt.f32 v1, $0.0e+00  }
0x9b: {  	v1 =	vsel vm4, v3, v1  }
0x9c: {  	v1 =	vsub.f32 v1, v2;
	_ =	sdelay $0x1  }
0x9d: {  	v1 =	vmul.f32 $1.442695020e+00, v1;
	_ =	sdelay $0x1  }
0x9e: {  	(erf) = vpow2.f32 v1;
	_ =	sdelay $0x7  }
0x9f: {  	s22 =	sor.u32 $0x20, s15;
	v1 =	vld [tilespmem:$0x30]  }
0xa0: {  	p6 =	slt.u32 s22, $0x2710;
	v3 =	vld [tilespmem:$0x130];
	v2 =	vpop (erf)  }
0xa1: {  	v2 =	vpsel !p6, $0x0, v2  }
0xa2: {  	v5 =	vand.u32 $0x1, v4;
	v63 =	vsub.f32 $0.0e+00, v2  }
0xa3: {  	vm4 =	veq.s32 v5, $0x0  }
0xa4: {  	v2 =	vsel vm4, v2, v63  }
0xa5: {  	[tilespmem:$0x320] =	vst v2;
	v2 =	vshrl.u32 v4, $0x1  }
0xa6: {  	[tilespmem:$0x220] =	vst v2  }
0xa7: {  	v1 =	vld.idx.msk [tilespmem:v1+s29+$0x0], $0xffff  }
0xa8: {  	v2 =	vld.idx.msk [tilespmem:v3+s31+$0x0], $0xffff;
	_ =	sdelay $0x4  }
0xa9: {  	v1 =	vadd.f32 v2, v1;
	v2 =	vld [tilespmem:$0x5300];
	_ =	sdelay $0x1  }
0xaa: {  	v4 =	vmul.f32 $2.000000030e-01, v1  }
0xab: {  	vm4 =	vlt.f32 v1, $0.0e+00  }
0xac: {  	v1 =	vsel vm4, v4, v1  }
0xad: {  	v1 =	vsub.f32 v1, v2;
	_ =	sdelay $0x1  }
0xae: {  	v1 =	vmul.f32 $1.442695020e+00, v1;
	_ =	sdelay $0x1  }
0xaf: {  	(erf) = vpow2.f32 v1;
	_ =	sdelay $0x7  }
0xb0: {  	s16 =	sor.u32 $0x30, s15  }
0xb1: {  	p4 =	slt.u32 s16, $0x2710;
	s13 =	sshll.u32 s24, $0x8;
	p2 =	seq.s32 s24, $0x4E;
	v1 =	vpop (erf)  }
0xb2: {  	s16 =	sadd.s32 @!p2 $0x100, s13;
	v1 =	vpsel !p4, $0x0, v1  }
0xb3: {  	s22 =	sand.u32 @!p2 $0xFC00, s16;
	v2 =	vand.u32 $0x1, v3;
	v4 =	vsub.f32 $0.0e+00, v1  }
0xb4: {  	s16 =	sand.u32 @!p2 $0x300, s16;
	s22 =	sadd.s32 @!p2 s12, s22;
	vm4 =	veq.s32 v2, $0x0  }
0xb5: {  	s26 =	simm.s32 $0x0;
	s16 =	sor.u32 @!p2 s16, s22;
	v1 =	vsel vm4, v1, v4  }
0xb6: {  	s16 =	sshrl.u32 @!p2 s16, $0x3;
	v2 =	vmov s26;
	[tilespmem:$0x330] =	vst v1;
	v1 =	vshrl.u32 v3, $0x1  }
0xb7: {  	s22 =	sadd.s32 @!p2 s8, s16;
	s26 =	simm.s32 @!p2 $0x0;
	[tilespmem:$0x230] =	vst v1  }
0xb8: {  	[tilespmem:s26], [sflag:$0x5] =	stream.linear.gather @!p2 [hbm4b:s22+s26], $0x80, $0x38;
	[tilespmem:$0x17380] =	vst v63  }
0xb9: {  	s16 =	sadd.s32 @!p2 s9, s16;
	s22 =	simm.s32 @!p2 $0x100  }
0xba: {  	[tilespmem:s22], [sflag:$0x5] =	stream.linear.gather @!p2 [hbm4b:s16+s26], $0x80, $0x38;
	[tilespmem:$0x17380] =	vst v63  }
0xbb: {  	v2 =	vld.idx.msk [tilespmem:v2+s7+$0x0], $0xffff  }
0xbc: {  	v3 =	vld [tilespmem:s17+$0xFFFFFFE0];
	_ =	sdelay $0x3  }
0xbd: {  	v1 =	vand.u32 $0x7FFFFFFF, v2  }
0xbe: {  	v3 =	vmul.f32 v1, v3  }
0xbf: {  	v4 =	vnsel vm1, $0x0, v1  }
0xc0: {  	vm4 =	vlt.f32 v2, $0.0e+00;
	v2 =	vpsel p1, v4, v3  }
0xc1: {  	s16 =	simm.s32 $0x93C0;
	v2 =	vsel vm4, $0x0, v2  }
0xc2: {  	[tilespmem:s16+$0xFFFFFFC0] =	vst v2  }
0xc3: {  	v2 =	vld [tilespmem:s17+$0xFFFFFFF0];
	_ =	sdelay $0x4  }
0xc4: {  	v2 =	vmul.f32 v2, v1  }
0xc5: {  	vm5 =	vmor vm4, vm2  }
0xc6: {  	v2 =	vsel vm5, $0x0, v2  }
0xc7: {  	[tilespmem:s16+$0xFFFFFFD0] =	vst v2  }
0xc8: {  	v2 =	vld [tilespmem:s17+$0x0];
	_ =	sdelay $0x4  }
0xc9: {  	v2 =	vmul.f32 v2, v1;
	_ =	sdelay $0x1  }
0xca: {  	v2 =	vsel vm5, $0x0, v2  }
0xcb: {  	[tilespmem:s16+$0xFFFFFFE0] =	vst v2  }
0xcc: {  	v2 =	vld [tilespmem:s17+$0x10];
	_ =	sdelay $0x4  }
0xcd: {  	v2 =	vmul.f32 v2, v1;
	_ =	sdelay $0x1  }
0xce: {  	v2 =	vsel vm5, $0x0, v2  }
0xcf: {  	[tilespmem:s16+$0xFFFFFFF0] =	vst v2  }
0xd0: {  	v2 =	vld [tilespmem:s17+$0xFFFFFFE0];
	_ =	sdelay $0x4  }
0xd1: {  	v2 =	vmul.f32 v2, v1;
	_ =	sdelay $0x1  }
0xd2: {  	v2 =	vpsel p1, v4, v2  }
0xd3: {  	v2 =	vnsel vm4, $0x0, v2  }
0xd4: {  	[tilespmem:s16+$0x0] =	vst v2  }
0xd5: {  	v2 =	vld [tilespmem:s17+$0xFFFFFFF0];
	_ =	sdelay $0x4  }
0xd6: {  	v2 =	vmul.f32 v2, v1  }
0xd7: {  	vm4 =	vmand vm4, vm3  }
0xd8: {  	v2 =	vnsel vm4, $0x0, v2  }
0xd9: {  	[tilespmem:s16+$0x10] =	vst v2  }
0xda: {  	v2 =	vld [tilespmem:s17+$0x0];
	_ =	sdelay $0x4  }
0xdb: {  	v2 =	vmul.f32 v2, v1;
	_ =	sdelay $0x1  }
0xdc: {  	v2 =	vnsel vm4, $0x0, v2  }
0xdd: {  	[tilespmem:s16+$0x20] =	vst v2  }
0xde: {  	v3 =	vld [tilespmem:s17+$0x10];
	_ =	sdelay $0x2  }
0xdf: {  	s26 =	simm.s32 $0x1  }
0xe0: {  	s22 =	smov.u32 s17;
	v2 =	vmov s26;
	s26 =	simm.s32 $0x2  }
.LBB2_6:
0xe1: {  	p4 =	sne.s32 s26, $0x3F;
	v1 =	vmul.f32 v3, v1;
	_ =	sdelay $0x1  }
0xe2: {  	v1 =	vnsel vm4, $0x0, v1  }
0xe3: {  	[tilespmem:s16+$0x30] =	vst v1  }
0xe4: {  	s22 =	sadd.s32 $0x80, s22;
	v2 =	vld.idx.msk [tilespmem:v2+s7+$0x0], $0xffff  }
0xe5: {  	v3 =	vld [tilespmem:s22+$0xFFFFFFE0];
	_ =	sdelay $0x4  }
0xe6: {  	v1 =	vand.u32 $0x7FFFFFFF, v2  }
0xe7: {  	v3 =	vmul.f32 v1, v3  }
0xe8: {  	v4 =	vnsel vm1, $0x0, v1  }
0xe9: {  	vm5 =	vlt.f32 v2, $0.0e+00;
	v2 =	vpsel p1, v4, v3  }
0xea: {  	s16 =	sadd.s32 $0x80, s16;
	vm6 =	vmor vm5, vm2;
	vm4 =	vmand vm5, vm3;
	v2 =	vsel vm5, $0x0, v2  }
0xeb: {  	[tilespmem:s16+$0xFFFFFFC0] =	vst v2  }
0xec: {  	v2 =	vld [tilespmem:s22+$0xFFFFFFF0];
	_ =	sdelay $0x4  }
0xed: {  	v2 =	vmul.f32 v2, v1;
	_ =	sdelay $0x1  }
0xee: {  	v2 =	vsel vm6, $0x0, v2  }
0xef: {  	[tilespmem:s16+$0xFFFFFFD0] =	vst v2  }
0xf0: {  	v2 =	vld [tilespmem:s22+$0x0];
	_ =	sdelay $0x4  }
0xf1: {  	v2 =	vmul.f32 v2, v1;
	_ =	sdelay $0x1  }
0xf2: {  	v2 =	vsel vm6, $0x0, v2  }
0xf3: {  	[tilespmem:s16+$0xFFFFFFE0] =	vst v2  }
0xf4: {  	v2 =	vld [tilespmem:s22+$0x10];
	_ =	sdelay $0x4  }
0xf5: {  	v2 =	vmul.f32 v2, v1;
	_ =	sdelay $0x1  }
0xf6: {  	v2 =	vsel vm6, $0x0, v2  }
0xf7: {  	[tilespmem:s16+$0xFFFFFFF0] =	vst v2  }
0xf8: {  	v2 =	vld [tilespmem:s22+$0xFFFFFFE0];
	_ =	sdelay $0x4  }
0xf9: {  	v2 =	vmul.f32 v2, v1;
	_ =	sdelay $0x1  }
0xfa: {  	v2 =	vpsel p1, v4, v2  }
0xfb: {  	v2 =	vnsel vm5, $0x0, v2  }
0xfc: {  	[tilespmem:s16+$0x0] =	vst v2  }
0xfd: {  	v2 =	vld [tilespmem:s22+$0xFFFFFFF0];
	_ =	sdelay $0x4  }
0xfe: {  	v2 =	vmul.f32 v2, v1;
	_ =	sdelay $0x1  }
0xff: {  	v2 =	vnsel vm4, $0x0, v2  }
0x100: {  	[tilespmem:s16+$0x10] =	vst v2  }
0x101: {  	v2 =	vld [tilespmem:s22+$0x0];
	_ =	sdelay $0x4  }
0x102: {  	v2 =	vmul.f32 v2, v1;
	_ =	sdelay $0x1  }
0x103: {  	v2 =	vnsel vm4, $0x0, v2  }
0x104: {  	[tilespmem:s16+$0x20] =	vst v2  }
.Ltmp3:
0x105: {  	v3 =	vld [tilespmem:s22+$0x10];
	(pc) =	sbr.rel @p4 .LBB2_6-.Ltmp3, $2  }
0x106: {  	_ =	sdelay $0x2  }
0x107: {  	v2 =	vmov s26;
	s26 =	sadd.s32 $0x1, s26  }
0x108: {  	v1 =	vmul.f32 v3, v1;
	_ =	sdelay $0x1  }
0x109: {  	v1 =	vnsel vm4, $0x0, v1  }
0x10a: {  	[tilespmem:s16+$0x30] =	vst v1  }
0x10b: {  	s22 =	sadd.s32 $0x80, s22;
	v1 =	vld.idx.msk [tilespmem:v2+s7+$0x0], $0xffff  }
0x10c: {  	v2 =	vld [tilespmem:s22+$0xFFFFFFE0];
	_ =	sdelay $0x3  }
0x10d: {  	v3 =	vand.u32 $0x7FFFFFFF, v1  }
0x10e: {  	v2 =	vmul.f32 v3, v2  }
0x10f: {  	v4 =	vnsel vm1, $0x0, v3  }
0x110: {  	vm4 =	vlt.f32 v1, $0.0e+00;
	v1 =	vpsel p1, v4, v2  }
0x111: {  	s26 =	sadd.s32 $0x80, s16;
	v1 =	vsel vm4, $0x0, v1  }
0x112: {  	[tilespmem:s26+$0xFFFFFFC0] =	vst v1  }
0x113: {  	v1 =	vld [tilespmem:s22+$0xFFFFFFF0];
	_ =	sdelay $0x4  }
0x114: {  	v1 =	vmul.f32 v1, v3  }
0x115: {  	vm5 =	vmor vm4, vm2  }
0x116: {  	v1 =	vsel vm5, $0x0, v1  }
0x117: {  	[tilespmem:s26+$0xFFFFFFD0] =	vst v1  }
0x118: {  	v1 =	vld [tilespmem:s22+$0x0];
	_ =	sdelay $0x4  }
0x119: {  	v1 =	vmul.f32 v1, v3;
	_ =	sdelay $0x1  }
0x11a: {  	v1 =	vsel vm5, $0x0, v1  }
0x11b: {  	[tilespmem:s26+$0xFFFFFFE0] =	vst v1  }
0x11c: {  	v1 =	vld [tilespmem:s22+$0x10];
	_ =	sdelay $0x4  }
0x11d: {  	v1 =	vmul.f32 v1, v3;
	_ =	sdelay $0x1  }
0x11e: {  	v1 =	vsel vm5, $0x0, v1  }
0x11f: {  	[tilespmem:s26+$0xFFFFFFF0] =	vst v1  }
0x120: {  	v1 =	vld [tilespmem:s22+$0xFFFFFFE0];
	_ =	sdelay $0x4  }
0x121: {  	v1 =	vmul.f32 v1, v3;
	_ =	sdelay $0x1  }
0x122: {  	v1 =	vpsel p1, v4, v1  }
0x123: {  	v1 =	vnsel vm4, $0x0, v1  }
0x124: {  	[tilespmem:s26+$0x0] =	vst v1  }
0x125: {  	v1 =	vld [tilespmem:s22+$0xFFFFFFF0];
	_ =	sdelay $0x4  }
0x126: {  	v1 =	vmul.f32 v1, v3  }
0x127: {  	vm4 =	vmand vm4, vm3  }
0x128: {  	v1 =	vnsel vm4, $0x0, v1  }
0x129: {  	[tilespmem:s26+$0x10] =	vst v1  }
0x12a: {  	v1 =	vld [tilespmem:s22+$0x0];
	_ =	sdelay $0x4  }
0x12b: {  	v1 =	vmul.f32 v1, v3;
	_ =	sdelay $0x1  }
0x12c: {  	v1 =	vnsel vm4, $0x0, v1  }
0x12d: {  	[tilespmem:s26+$0x20] =	vst v1  }
0x12e: {  	v1 =	vld [tilespmem:s22+$0x10];
	_ =	sdelay $0x4  }
.Ltmp4:
0x12f: {  	v1 =	vmul.f32 v1, v3;
	(pc) =	sbr.rel @!p2 .LBB2_8-.Ltmp4, $4  }
0x130: {  	_ = 	snop  }
0x131: {  	v1 =	vnsel vm4, $0x0, v1  }
0x132: {  	[tilespmem:s26+$0x30] =	vst v1  }
0x133: {  	[spmem:s2] =	stream.indirect.scatter.add.f32 [tilespmem:s1], [sflag:$0x3], $0x80, s5, s0, $0xb8;
	[tilespmem:$0x17380] =	vst v63  }
.Ltmp5:
0x134: {  	(pc) =	sbr.rel @p0 .LBB2_13-.Ltmp5, $4  }
.Ltmp6:
0x135: {  	(pc) =	sbr.rel @!p0 .LBB2_11-.Ltmp6, $4  }
0x136: {  	_ = 	snop  }
0x137: {  	_ = 	snop  }
0x138: {  	_ = 	snop  }
0x139: {  	_ = 	snop  }
.LBB2_8:
0x13a: {  	_ =	swait.ge [sflag:s25], $0x80  }
.Ltmp7:
0x13b: {  	[sflag:s25] =	ssyncset.done $0x0;
	(pc) =	sbr.rel @p0 .LBB2_12-.Ltmp7, $4  }
0x13c: {  	[sflag:s25] =	ssyncadd.s32 $0xFFFFFF80  }
0x13d: {  	_ =	swait.ge [sflag:s25], $0x80  }
0x13e: {  	[sflag:s25] =	ssyncset.done $0x0  }
0x13f: {  	[sflag:s25] =	ssyncadd.s32 $0xFFFFFF80  }
0x140: {  	[tilespmem:s19], [sflag:$0x1] =	stream.indirect.gather [hbm4b:s4+s0], $0x80, s3, s0, $0xb8;
	[tilespmem:$0x17380] =	vst v63  }
.LBB2_11:
0x141: {  	_ =	swait.ge [sflag:s18], $0x2000  }
0x142: {  	[sflag:s18] =	ssyncset.done $0x0  }
0x143: {  	[sflag:s18] =	ssyncadd.s32 $0xFFFFE000  }
.LBB2_12:
.Ltmp8:
0x144: {  	(pc) =	sbr.rel @p3 .LBB2_14-.Ltmp8, $1  }
0x145: {  	_ =	sdelay $0x3  }
.LBB2_13:
0x146: {  	_ =	swait.ge [sflag:s6], $0x2000  }
0x147: {  	[sflag:s6] =	ssyncset.done $0x0  }
0x148: {  	[sflag:s6] =	ssyncadd.s32 $0xFFFFE000  }
.LBB2_14:
0x149: {  	v1 =	vld [tilespmem:$0x80]  }
0x14a: {  	v2 =	vld [tilespmem:$0x180];
	_ =	sdelay $0x6  }
0x14b: {  	v1 =	vld.idx.msk [tilespmem:v1+s29+$0x0], $0xffff  }
0x14c: {  	v3 =	vld.idx.msk [tilespmem:v2+s31+$0x0], $0xffff;
	_ =	sdelay $0x4  }
0x14d: {  	v1 =	vadd.f32 v3, v1;
	v3 =	vld [tilespmem:$0x5300];
	_ =	sdelay $0x1  }
0x14e: {  	v4 =	vmul.f32 $2.000000030e-01, v1  }
0x14f: {  	vm4 =	vlt.f32 v1, $0.0e+00  }
0x150: {  	v1 =	vsel vm4, v4, v1  }
0x151: {  	v1 =	vsub.f32 v1, v3;
	_ =	sdelay $0x1  }
0x152: {  	v1 =	vmul.f32 $1.442695020e+00, v1;
	_ =	sdelay $0x1  }
0x153: {  	(erf) = vpow2.f32 v1;
	_ =	sdelay $0x6  }
0x154: {  	v1 =	vld [tilespmem:$0x90]  }
0x155: {  	s16 =	sor.u32 $0x40, s15;
	v4 =	vld [tilespmem:$0x190]  }
0x156: {  	p3 =	slt.u32 s16, $0x2710;
	v3 =	vpop (erf)  }
0x157: {  	v3 =	vpsel !p3, $0x0, v3  }
0x158: {  	v5 =	vand.u32 $0x1, v2;
	v6 =	vsub.f32 $0.0e+00, v3  }
0x159: {  	v2 =	vshrl.u32 v2, $0x1;
	vm4 =	veq.s32 v5, $0x0  }
0x15a: {  	[tilespmem:$0x280] =	vst v2;
	v3 =	vsel vm4, v3, v6  }
0x15b: {  	[tilespmem:$0x380] =	vst v3  }
0x15c: {  	v1 =	vld.idx.msk [tilespmem:v1+s29+$0x0], $0xffff  }
0x15d: {  	v2 =	vld.idx.msk [tilespmem:v4+s31+$0x0], $0xffff;
	_ =	sdelay $0x4  }
0x15e: {  	v1 =	vadd.f32 v2, v1;
	v2 =	vld [tilespmem:$0x5300];
	_ =	sdelay $0x1  }
0x15f: {  	v3 =	vmul.f32 $2.000000030e-01, v1  }
0x160: {  	vm4 =	vlt.f32 v1, $0.0e+00  }
0x161: {  	v1 =	vsel vm4, v3, v1  }
0x162: {  	v1 =	vsub.f32 v1, v2;
	_ =	sdelay $0x1  }
0x163: {  	v1 =	vmul.f32 $1.442695020e+00, v1;
	_ =	sdelay $0x1  }
0x164: {  	(erf) = vpow2.f32 v1;
	_ =	sdelay $0x7  }
0x165: {  	s22 =	sor.u32 $0x50, s15;
	v1 =	vld [tilespmem:$0xA0]  }
0x166: {  	p4 =	slt.u32 s22, $0x2710;
	v3 =	vld [tilespmem:$0x1A0];
	v2 =	vpop (erf)  }
0x167: {  	v2 =	vpsel !p4, $0x0, v2  }
0x168: {  	v5 =	vand.u32 $0x1, v4;
	v62 =	vsub.f32 $0.0e+00, v2  }
0x169: {  	vm4 =	veq.s32 v5, $0x0  }
0x16a: {  	v2 =	vsel vm4, v2, v62  }
0x16b: {  	[tilespmem:$0x390] =	vst v2;
	v2 =	vshrl.u32 v4, $0x1  }
0x16c: {  	[tilespmem:$0x290] =	vst v2  }
0x16d: {  	v1 =	vld.idx.msk [tilespmem:v1+s29+$0x0], $0xffff  }
0x16e: {  	v2 =	vld.idx.msk [tilespmem:v3+s31+$0x0], $0xffff;
	_ =	sdelay $0x4  }
0x16f: {  	v1 =	vadd.f32 v2, v1;
	v2 =	vld [tilespmem:$0x5300];
	_ =	sdelay $0x1  }
0x170: {  	v4 =	vmul.f32 $2.000000030e-01, v1  }
0x171: {  	vm4 =	vlt.f32 v1, $0.0e+00  }
0x172: {  	v1 =	vsel vm4, v4, v1  }
0x173: {  	v1 =	vsub.f32 v1, v2;
	_ =	sdelay $0x1  }
0x174: {  	v1 =	vmul.f32 $1.442695020e+00, v1;
	_ =	sdelay $0x1  }
0x175: {  	(erf) = vpow2.f32 v1;
	_ =	sdelay $0x7  }
0x176: {  	s26 =	sor.u32 $0x60, s15;
	v1 =	vld [tilespmem:$0xB0]  }
0x177: {  	p5 =	slt.u32 s26, $0x2710;
	v4 =	vld [tilespmem:$0x1B0];
	v2 =	vpop (erf)  }
0x178: {  	v2 =	vpsel !p5, $0x0, v2  }
0x179: {  	v5 =	vand.u32 $0x1, v3;
	v63 =	vsub.f32 $0.0e+00, v2  }
0x17a: {  	vm4 =	veq.s32 v5, $0x0  }
0x17b: {  	v2 =	vsel vm4, v2, v63  }
0x17c: {  	[tilespmem:$0x3A0] =	vst v2;
	v2 =	vshrl.u32 v3, $0x1  }
0x17d: {  	[tilespmem:$0x2A0] =	vst v2  }
0x17e: {  	v1 =	vld.idx.msk [tilespmem:v1+s29+$0x0], $0xffff  }
0x17f: {  	v2 =	vld.idx.msk [tilespmem:v4+s31+$0x0], $0xffff;
	_ =	sdelay $0x4  }
0x180: {  	v1 =	vadd.f32 v2, v1;
	v2 =	vld [tilespmem:$0x5300];
	_ =	sdelay $0x1  }
0x181: {  	v3 =	vmul.f32 $2.000000030e-01, v1  }
0x182: {  	vm4 =	vlt.f32 v1, $0.0e+00  }
0x183: {  	v1 =	vsel vm4, v3, v1  }
0x184: {  	v1 =	vsub.f32 v1, v2;
	_ =	sdelay $0x1  }
0x185: {  	v1 =	vmul.f32 $1.442695020e+00, v1;
	_ =	sdelay $0x1  }
0x186: {  	(erf) = vpow2.f32 v1;
	_ =	sdelay $0x7  }
0x187: {  	s16 =	sor.u32 $0x70, s15  }
0x188: {  	s22 =	simm.s32 $0x0;
	p6 =	slt.u32 s16, $0x2710;
	v1 =	vpop (erf)  }
0x189: {  	s13 =	sadd.s32 @!p2 $0x180, s13;
	v2 =	vmov s22;
	v1 =	vpsel !p6, $0x0, v1  }
0x18a: {  	s15 =	sand.u32 @!p2 $0xFC00, s13;
	v3 =	vand.u32 $0x1, v4;
	v2 =	vand.u32 $0x7F, v2;
	v5 =	vsub.f32 $0.0e+00, v1  }
0x18b: {  	s13 =	sand.u32 @!p2 $0x380, s13;
	s15 =	sadd.s32 @!p2 s12, s15;
	vm4 =	veq.s32 v3, $0x0;
	v2 =	vor.u32 $0x80, v2  }
0x18c: {  	s13 =	sor.u32 @!p2 s13, s15;
	v2 =	vbroadcast v2, $0x0;
	v1 =	vsel vm4, v1, v5  }
0x18d: {  	s13 =	sshrl.u32 @!p2 s13, $0x3;
	[tilespmem:$0x3B0] =	vst v1;
	v1 =	vshrl.u32 v4, $0x1  }
0x18e: {  	s16 =	simm.s32 @!p2 $0x0;
	s15 =	sadd.s32 @!p2 s8, s13;
	s22 =	simm.s32 @!p2 $0x80;
	[tilespmem:$0x2B0] =	vst v1  }
0x18f: {  	[tilespmem:s22], [sflag:$0x5] =	stream.linear.gather @!p2 [hbm4b:s15+s16], $0x80, $0x38;
	[tilespmem:$0x17380] =	vst v63  }
0x190: {  	s13 =	sadd.s32 @!p2 s9, s13;
	s15 =	simm.s32 @!p2 $0x180  }
0x191: {  	[tilespmem:s15], [sflag:$0x5] =	stream.linear.gather @!p2 [hbm4b:s13+s16], $0x80, $0x38;
	[tilespmem:$0x17380] =	vst v63  }
0x192: {  	v2 =	vld.idx.msk [tilespmem:v2+s7+$0x0], $0xffff  }
0x193: {  	v3 =	vld [tilespmem:s23+$0xFFFFFFE0];
	_ =	sdelay $0x3  }
0x194: {  	v1 =	vand.u32 $0x7FFFFFFF, v2  }
0x195: {  	v3 =	vmul.f32 v1, v3  }
0x196: {  	v4 =	vnsel vm1, $0x0, v1  }
0x197: {  	vm4 =	vlt.f32 v2, $0.0e+00;
	v2 =	vpsel p1, v4, v3  }
0x198: {  	s13 =	simm.s32 $0xB3C0;
	v2 =	vsel vm4, $0x0, v2  }
0x199: {  	[tilespmem:s13+$0xFFFFFFC0] =	vst v2  }
0x19a: {  	v2 =	vld [tilespmem:s23+$0xFFFFFFF0];
	_ =	sdelay $0x4  }
0x19b: {  	v2 =	vmul.f32 v2, v1  }
0x19c: {  	vm5 =	vmor vm4, vm2  }
0x19d: {  	v2 =	vsel vm5, $0x0, v2  }
0x19e: {  	[tilespmem:s13+$0xFFFFFFD0] =	vst v2  }
0x19f: {  	v2 =	vld [tilespmem:s23+$0x0];
	_ =	sdelay $0x4  }
0x1a0: {  	v2 =	vmul.f32 v2, v1;
	_ =	sdelay $0x1  }
0x1a1: {  	v2 =	vsel vm5, $0x0, v2  }
0x1a2: {  	[tilespmem:s13+$0xFFFFFFE0] =	vst v2  }
0x1a3: {  	v2 =	vld [tilespmem:s23+$0x10];
	_ =	sdelay $0x4  }
0x1a4: {  	v2 =	vmul.f32 v2, v1;
	_ =	sdelay $0x1  }
0x1a5: {  	v2 =	vsel vm5, $0x0, v2  }
0x1a6: {  	[tilespmem:s13+$0xFFFFFFF0] =	vst v2  }
0x1a7: {  	v2 =	vld [tilespmem:s23+$0xFFFFFFE0];
	_ =	sdelay $0x4  }
0x1a8: {  	v2 =	vmul.f32 v2, v1;
	_ =	sdelay $0x1  }
0x1a9: {  	v2 =	vpsel p1, v4, v2  }
0x1aa: {  	v2 =	vnsel vm4, $0x0, v2  }
0x1ab: {  	[tilespmem:s13+$0x0] =	vst v2  }
0x1ac: {  	v2 =	vld [tilespmem:s23+$0xFFFFFFF0];
	_ =	sdelay $0x4  }
0x1ad: {  	v2 =	vmul.f32 v2, v1  }
0x1ae: {  	vm4 =	vmand vm4, vm3  }
0x1af: {  	v2 =	vnsel vm4, $0x0, v2  }
0x1b0: {  	[tilespmem:s13+$0x10] =	vst v2  }
0x1b1: {  	v2 =	vld [tilespmem:s23+$0x0];
	_ =	sdelay $0x4  }
0x1b2: {  	v2 =	vmul.f32 v2, v1;
	_ =	sdelay $0x1  }
0x1b3: {  	v2 =	vnsel vm4, $0x0, v2  }
0x1b4: {  	s26 =	simm.s32 $0x1;
	[tilespmem:s13+$0x20] =	vst v2  }
0x1b5: {  	s16 =	simm.s32 $0x2;
	s15 =	smov.u32 s23;
	v3 =	vmov s26;
	v2 =	vld [tilespmem:s23+$0x10]  }
.LBB2_15:
0x1b6: {  	p2 =	sne.s32 s16, $0x3F;
	v3 =	vand.u32 $0x7F, v3  }
0x1b7: {  	v3 =	vor.u32 $0x80, v3  }
0x1b8: {  	v3 =	vbroadcast v3, $0x0;
	_ =	sdelay $0x1  }
0x1b9: {  	v1 =	vmul.f32 v2, v1;
	_ =	sdelay $0x1  }
0x1ba: {  	v1 =	vnsel vm4, $0x0, v1  }
0x1bb: {  	[tilespmem:s13+$0x30] =	vst v1  }
0x1bc: {  	s15 =	sadd.s32 $0x80, s15;
	v2 =	vld.idx.msk [tilespmem:v3+s7+$0x0], $0xffff  }
0x1bd: {  	v3 =	vld [tilespmem:s15+$0xFFFFFFE0];
	_ =	sdelay $0x4  }
0x1be: {  	v1 =	vand.u32 $0x7FFFFFFF, v2  }
0x1bf: {  	v3 =	vmul.f32 v1, v3  }
0x1c0: {  	v4 =	vnsel vm1, $0x0, v1  }
0x1c1: {  	vm5 =	vlt.f32 v2, $0.0e+00;
	v2 =	vpsel p1, v4, v3  }
0x1c2: {  	s13 =	sadd.s32 $0x80, s13;
	vm6 =	vmor vm5, vm2;
	vm4 =	vmand vm5, vm3;
	v2 =	vsel vm5, $0x0, v2  }
0x1c3: {  	[tilespmem:s13+$0xFFFFFFC0] =	vst v2  }
0x1c4: {  	v2 =	vld [tilespmem:s15+$0xFFFFFFF0];
	_ =	sdelay $0x4  }
0x1c5: {  	v2 =	vmul.f32 v2, v1;
	_ =	sdelay $0x1  }
0x1c6: {  	v2 =	vsel vm6, $0x0, v2  }
0x1c7: {  	[tilespmem:s13+$0xFFFFFFD0] =	vst v2  }
0x1c8: {  	v2 =	vld [tilespmem:s15+$0x0];
	_ =	sdelay $0x4  }
0x1c9: {  	v2 =	vmul.f32 v2, v1;
	_ =	sdelay $0x1  }
0x1ca: {  	v2 =	vsel vm6, $0x0, v2  }
0x1cb: {  	[tilespmem:s13+$0xFFFFFFE0] =	vst v2  }
0x1cc: {  	v2 =	vld [tilespmem:s15+$0x10];
	_ =	sdelay $0x4  }
0x1cd: {  	v2 =	vmul.f32 v2, v1;
	_ =	sdelay $0x1  }
0x1ce: {  	v2 =	vsel vm6, $0x0, v2  }
0x1cf: {  	[tilespmem:s13+$0xFFFFFFF0] =	vst v2  }
0x1d0: {  	v2 =	vld [tilespmem:s15+$0xFFFFFFE0];
	_ =	sdelay $0x4  }
0x1d1: {  	v2 =	vmul.f32 v2, v1;
	_ =	sdelay $0x1  }
0x1d2: {  	v2 =	vpsel p1, v4, v2  }
0x1d3: {  	v2 =	vnsel vm5, $0x0, v2  }
0x1d4: {  	[tilespmem:s13+$0x0] =	vst v2  }
0x1d5: {  	v2 =	vld [tilespmem:s15+$0xFFFFFFF0];
	_ =	sdelay $0x4  }
0x1d6: {  	v2 =	vmul.f32 v2, v1;
	_ =	sdelay $0x1  }
0x1d7: {  	v2 =	vnsel vm4, $0x0, v2  }
0x1d8: {  	[tilespmem:s13+$0x10] =	vst v2  }
0x1d9: {  	v2 =	vld [tilespmem:s15+$0x0];
	_ =	sdelay $0x4  }
.Ltmp9:
0x1da: {  	v2 =	vmul.f32 v2, v1;
	(pc) =	sbr.rel @p2 .LBB2_15-.Ltmp9, $4  }
0x1db: {  	_ = 	snop  }
0x1dc: {  	v2 =	vnsel vm4, $0x0, v2  }
0x1dd: {  	[tilespmem:s13+$0x20] =	vst v2  }
0x1de: {  	v3 =	vmov s16;
	s16 =	sadd.s32 $0x1, s16;
	v2 =	vld [tilespmem:s15+$0x10]  }
0x1df: {  	v3 =	vand.u32 $0x7F, v3  }
0x1e0: {  	v3 =	vor.u32 $0x80, v3  }
0x1e1: {  	v3 =	vbroadcast v3, $0x0;
	_ =	sdelay $0x1  }
0x1e2: {  	v1 =	vmul.f32 v2, v1;
	_ =	sdelay $0x1  }
0x1e3: {  	v1 =	vnsel vm4, $0x0, v1  }
0x1e4: {  	[tilespmem:s13+$0x30] =	vst v1  }
0x1e5: {  	s15 =	sadd.s32 $0x80, s15;
	v1 =	vld.idx.msk [tilespmem:v3+s7+$0x0], $0xffff  }
0x1e6: {  	v2 =	vld [tilespmem:s15+$0xFFFFFFE0];
	_ =	sdelay $0x3  }
0x1e7: {  	v3 =	vand.u32 $0x7FFFFFFF, v1  }
0x1e8: {  	v2 =	vmul.f32 v3, v2  }
0x1e9: {  	v4 =	vnsel vm1, $0x0, v3  }
0x1ea: {  	vm4 =	vlt.f32 v1, $0.0e+00;
	v1 =	vpsel p1, v4, v2  }
0x1eb: {  	s26 =	sadd.s32 $0x80, s13;
	v1 =	vsel vm4, $0x0, v1  }
0x1ec: {  	[tilespmem:s26+$0xFFFFFFC0] =	vst v1  }
0x1ed: {  	v1 =	vld [tilespmem:s15+$0xFFFFFFF0];
	_ =	sdelay $0x4  }
0x1ee: {  	v1 =	vmul.f32 v1, v3  }
0x1ef: {  	vm5 =	vmor vm4, vm2  }
0x1f0: {  	v1 =	vsel vm5, $0x0, v1  }
0x1f1: {  	[tilespmem:s26+$0xFFFFFFD0] =	vst v1  }
0x1f2: {  	v1 =	vld [tilespmem:s15+$0x0];
	_ =	sdelay $0x4  }
0x1f3: {  	v1 =	vmul.f32 v1, v3;
	_ =	sdelay $0x1  }
0x1f4: {  	v1 =	vsel vm5, $0x0, v1  }
0x1f5: {  	[tilespmem:s26+$0xFFFFFFE0] =	vst v1  }
0x1f6: {  	v1 =	vld [tilespmem:s15+$0x10];
	_ =	sdelay $0x4  }
0x1f7: {  	v1 =	vmul.f32 v1, v3;
	_ =	sdelay $0x1  }
0x1f8: {  	v1 =	vsel vm5, $0x0, v1  }
0x1f9: {  	[tilespmem:s26+$0xFFFFFFF0] =	vst v1  }
0x1fa: {  	v1 =	vld [tilespmem:s15+$0xFFFFFFE0];
	_ =	sdelay $0x4  }
0x1fb: {  	v1 =	vmul.f32 v1, v3;
	_ =	sdelay $0x1  }
0x1fc: {  	v1 =	vpsel p1, v4, v1  }
0x1fd: {  	v1 =	vnsel vm4, $0x0, v1  }
0x1fe: {  	[tilespmem:s26+$0x0] =	vst v1  }
0x1ff: {  	v1 =	vld [tilespmem:s15+$0xFFFFFFF0];
	_ =	sdelay $0x4  }
0x200: {  	v1 =	vmul.f32 v1, v3  }
0x201: {  	vm4 =	vmand vm4, vm3  }
0x202: {  	v1 =	vnsel vm4, $0x0, v1  }
0x203: {  	[tilespmem:s26+$0x10] =	vst v1  }
0x204: {  	v1 =	vld [tilespmem:s15+$0x0];
	_ =	sdelay $0x4  }
0x205: {  	v1 =	vmul.f32 v1, v3;
	_ =	sdelay $0x1  }
0x206: {  	v1 =	vnsel vm4, $0x0, v1  }
0x207: {  	[tilespmem:s26+$0x20] =	vst v1  }
0x208: {  	v1 =	vld [tilespmem:s15+$0x10];
	_ =	sdelay $0x2  }
0x209: {  	s24 =	sadd.s32 $0x1, s24  }
0x20a: {  	p2 =	sne.s32 s24, $0x4F  }
.Ltmp10:
0x20b: {  	v1 =	vmul.f32 v1, v3;
	(pc) =	sbr.rel @p2 .LBB2_5-.Ltmp10, $4  }
0x20c: {  	_ = 	snop  }
0x20d: {  	v1 =	vnsel vm4, $0x0, v1  }
0x20e: {  	[tilespmem:s26+$0x30] =	vst v1  }
0x20f: {  	[spmem:s2] =	stream.indirect.scatter.add.f32 [tilespmem:s14], [sflag:$0x4], $0x80, s11, s0, $0xb8;
	[tilespmem:$0x17380] =	vst v63  }
0x210: {  	s13 =	simm.s32 $0x3  }
0x211: {  	_ =	swait.ge [sflag:s13], $0x2000  }
0x212: {  	[sflag:s13] =	ssyncset.done $0x0  }
0x213: {  	[sflag:s13] =	ssyncadd.s32 $0xFFFFE000  }
0x214: {  	s17 =	smul.u32 $0x140000, s20;
	_ =	swait.ge [sflag:s6], $0x2000  }
0x215: {  	[sflag:s6] =	ssyncset.done $0x0;
	s15 =	rddreg [dreg:$0x12]  }
0x216: {  	s21 =	rddreg [dreg:$0x6];
	s13 =	sadd.s32 s15, s17;
	[sflag:s6] =	ssyncadd.s32 $0xFFFFE000  }
0x217: {  	s16 =	stileid.u32;
	s15 =	sadd.s32 s21, s13;
	[bflag:$0x0] =	sbarrier.arrive $0xFFFF  }
0x218: {  	s16 =	sshll.u32 s16, $0x6;
	s15 =	sshrl.u32 s15, $0x3;
	s21 =	rddreg [dreg:$0x7]  }
0x219: {  	s16 =	sor.u32 $0x1C06, s16;
	s15 =	sadd.s32 s10, s15;
	s17 =	sshrl.u32 s21, $0x3  }
0x21a: {  	[hbm:s15], [sflag:s16] =	dma.local [spmem:s17], $0x400  }
0x21b: {  	_ =	swait.ge [sflag:s30], $0x400  }
0x21c: {  	s22 =	rddreg [dreg:$0x8]  }
0x21d: {  	s15 =	sadd.s32 s22, s13  }
0x21e: {  	[sflag:s30] =	ssyncset.done $0x0;
	s22 =	rddreg [dreg:$0xa];
	s15 =	sshrl.u32 s15, $0x3  }
0x21f: {  	[sflag:s30] =	ssyncadd.s32 $0xFFFFFC00;
	s23 =	sshrl.u32 s22, $0x3;
	s15 =	sadd.s32 s10, s15  }
0x220: {  	[hbm:s15], [sflag:s16] =	dma.local [spmem:s23], $0x400  }
0x221: {  	_ =	swait.ge [sflag:s30], $0x400  }
0x222: {  	s24 =	rddreg [dreg:$0x9]  }
0x223: {  	s15 =	sadd.s32 s24, s13  }
0x224: {  	[sflag:s30] =	ssyncset.done $0x0;
	s23 =	rddreg [dreg:$0xb];
	s15 =	sshrl.u32 s15, $0x3  }
0x225: {  	[sflag:s30] =	ssyncadd.s32 $0xFFFFFC00;
	s26 =	sshrl.u32 s23, $0x3;
	s15 =	sadd.s32 s10, s15  }
0x226: {  	[hbm:s15], [sflag:s16] =	dma.local [spmem:s26], $0x400  }
0x227: {  	_ =	swait.ge [sflag:s30], $0x400  }
0x228: {  	s24 =	rddreg [dreg:$0xc]  }
0x229: {  	s15 =	sadd.s32 s24, s13  }
0x22a: {  	[sflag:s30] =	ssyncset.done $0x0;
	s24 =	rddreg [dreg:$0x14];
	s15 =	sshrl.u32 s15, $0x3  }
0x22b: {  	[sflag:s30] =	ssyncadd.s32 $0xFFFFFC00;
	s26 =	sshrl.u32 s24, $0x3;
	s15 =	sadd.s32 s10, s15  }
0x22c: {  	[hbm:s15], [sflag:s16] =	dma.local [spmem:s26], $0x400  }
0x22d: {  	_ =	swait.ge [sflag:s30], $0x400  }
0x22e: {  	s17 =	rddreg [dreg:$0xd]  }
0x22f: {  	s13 =	sadd.s32 s17, s13  }
0x230: {  	s26 =	sshrl.u32 s28, $0x3;
	[sflag:s30] =	ssyncset.done $0x0;
	s13 =	sshrl.u32 s13, $0x3  }
.Ltmp11:
0x231: {  	[sflag:s30] =	ssyncadd.s32 $0xFFFFFC00;
	s13 =	sadd.s32 s10, s13;
	(pc) =	sbr.rel @p0 .LBB2_21-.Ltmp11, $4  }
0x232: {  	[hbm:s13], [sflag:s16] =	dma.local [spmem:s26], $0x400  }
0x233: {  	_ =	swait.ge [sflag:s30], $0x400  }
0x234: {  	[sflag:s30] =	ssyncset.done $0x0  }
0x235: {  	s15 =	simm.s32 $0x0;
	[sflag:s30] =	ssyncadd.s32 $0xFFFFFC00  }
0x236: {  	s13 =	sshra.s32 s15, $0x2;
	s15 =	sadd.s32 $0x200, s15  }
.LBB2_19:
0x237: {  	p0 =	sne.s32 s15, $0x7E00;
	[tilespmem:s13+$0x93F0] =	vst v0  }
0x238: {  	[tilespmem:s13+$0x9380] =	vst v0  }
0x239: {  	[tilespmem:s13+$0x9390] =	vst v0  }
.Ltmp12:
0x23a: {  	[tilespmem:s13+$0x93A0] =	vst v0;
	(pc) =	sbr.rel @p0 .LBB2_19-.Ltmp12, $4  }
0x23b: {  	[tilespmem:s13+$0x93B0] =	vst v0  }
0x23c: {  	[tilespmem:s13+$0x93C0] =	vst v0  }
0x23d: {  	[tilespmem:s13+$0x93D0] =	vst v0  }
0x23e: {  	[tilespmem:s13+$0x93E0] =	vst v0;
	s13 =	sshra.s32 s15, $0x2;
	s15 =	sadd.s32 $0x200, s15  }
0x23f: {  	[tilespmem:s13+$0x93F0] =	vst v0  }
0x240: {  	[tilespmem:s13+$0x9380] =	vst v0  }
0x241: {  	[tilespmem:s13+$0x9390] =	vst v0  }
0x242: {  	[tilespmem:s13+$0x93A0] =	vst v0  }
0x243: {  	[tilespmem:s13+$0x93B0] =	vst v0  }
0x244: {  	[tilespmem:s13+$0x93C0] =	vst v0  }
0x245: {  	[tilespmem:s13+$0x93D0] =	vst v0  }
0x246: {  	[tilespmem:s13+$0x93E0] =	vst v0  }
0x247: {  	[spmem:s21] =	stream.linear.scatter [tilespmem:s1], [sflag:$0x6], $0x2000, $0x38;
	[tilespmem:$0x17380] =	vst v63  }
0x248: {  	_ =	swait.ge [sflag:s30], $0x2000  }
0x249: {  	[sflag:s30] =	ssyncset.done $0x0  }
0x24a: {  	[sflag:s30] =	ssyncadd.s32 $0xFFFFE000  }
0x24b: {  	[spmem:s22] =	stream.linear.scatter [tilespmem:s1], [sflag:$0x6], $0x2000, $0x38;
	[tilespmem:$0x17380] =	vst v63  }
0x24c: {  	_ =	swait.ge [sflag:s30], $0x2000  }
0x24d: {  	[sflag:s30] =	ssyncset.done $0x0  }
0x24e: {  	[sflag:s30] =	ssyncadd.s32 $0xFFFFE000  }
0x24f: {  	[spmem:s23] =	stream.linear.scatter [tilespmem:s1], [sflag:$0x6], $0x2000, $0x38;
	[tilespmem:$0x17380] =	vst v63  }
0x250: {  	_ =	swait.ge [sflag:s30], $0x2000  }
0x251: {  	[sflag:s30] =	ssyncset.done $0x0  }
0x252: {  	[sflag:s30] =	ssyncadd.s32 $0xFFFFE000  }
0x253: {  	[spmem:s24] =	stream.linear.scatter [tilespmem:s1], [sflag:$0x6], $0x2000, $0x38;
	[tilespmem:$0x17380] =	vst v63  }
0x254: {  	_ =	swait.ge [sflag:s30], $0x2000  }
0x255: {  	[sflag:s30] =	ssyncset.done $0x0  }
0x256: {  	[sflag:s30] =	ssyncadd.s32 $0xFFFFE000  }
0x257: {  	[spmem:s28] =	stream.linear.scatter [tilespmem:s1], [sflag:$0x6], $0x2000, $0x38;
	[tilespmem:$0x17380] =	vst v63  }
.Ltmp13:
0x258: {  	_ =	swait.ge [sflag:s30], $0x2000;
	(pc) =	sbr.rel .LBB2_4-.Ltmp13, $4  }
0x259: {  	[sflag:s30] =	ssyncset.done $0x0  }
0x25a: {  	[sflag:s30] =	ssyncadd.s32 $0xFFFFE000  }
0x25b: {  	[bflag:$0x0] =	sbarrier.arrive $0xFFFF  }
0x25c: {  	s20 =	sadd.s32 $0x1, s20  }
.LBB2_22:
0x25d: {  	_ =	sfence.sel $0x180000  }
0x25e: {  	[bflag:$0x0] =	sbarrier.arrive $0xFFFF  }
0x25f: {  	_ =	strace $0x9000004A  }
0x260: {  	s0 =	stileid.u32;
	[bflag:$0x2] =	sbarrier.arrive $0xFFFF  }
0x261: {  	p0 =	sne.s32 s0, $0x0;
	s0 =	rddreg [dreg:$0x3]  }
0x262: {  	s0 =	sadd.s32 @!p0 $0x100000, s0  }
0x263: {  	[sflag:s0] =	ssyncadd.tile.s32 @!p0 $0x1;
	_ =	shalt  }
.Lfunc_end2:
_tile_overlayer_lowered:
.L_overlay_start_2:
0x264: {  	(tag) =	ssettag $0x2  }
0x265: {  	s0 =	rddreg [dreg:$0x0];
	s2 =	stileid.u32  }
0x266: {  	s1 =	rddreg [dreg:$0x1];
	p0 =	sne.s32 s2, $0x0  }
0x267: {  	s3 =	rddreg [dreg:$0x2];
	[bflag:$0x3] =	sbarrier.arrive $0xFFFF;
	s2 =	simm.s32 @!p0 $0x1C06  }
0x268: {  	[timem:s3], [sflag:s2] =	dma.local @!p0 [hbm:s0], s1  }
0x269: {  	s0 =	simm.s32 @!p0 $0x6  }
0x26a: {  	_ =	swait.ge @!p0 [sflag:s0], s1  }
0x26b: {  	s1 =	ssub.s32 @!p0 $0x0, s1;
	[sflag:s0] =	ssyncset.done @!p0 $0x0  }
0x26c: {  	[sflag:s0] =	ssyncadd.s32 @!p0 s1  }
0x26d: {  	[bflag:$0x3] =	sbarrier.arrive $0xFFFF  }
0x26e: {  	_ =	shalt  }

// kernel: kernel.7.cloned.1.call-start
scs
__scs_entry_jumppad:
0x0: {  	(pc) =	sbr.rel $0x88, $3  }
0x1: {  	(tag) =	ssettag $0x0;
	lr =	simm.s32 $0x1  }
0x2: {  	[smem:$0x3F91] =	sst lr;
	_ =	strace $0xD0000000  }
0x3: {  	_ = 	snop  }
0x4: {  	_ = 	snop  }
0x5: {  	_ = 	snop  }
0x6: {  	_ = 	snop  }
0x7: {  	_ = 	snop  }
__scs_overlays_trampoline_lowered:
0x8: {  	[smem:$0x3FA0] =	sst s0  }
0x9: {  	[smem:$0x3FA1] =	sst s1  }
0xa: {  	[smem:$0x3FA2] =	sst s2  }
0xb: {  	[smem:$0x3FA3] =	sst s3  }
0xc: {  	[smem:$0x3FA4] =	sst s4  }
0xd: {  	[smem:$0x3FA5] =	sst s5  }
0xe: {  	[smem:$0x3FA6] =	sst s6  }
0xf: {  	[smem:$0x3FA7] =	sst s7  }
0x10: {  	[smem:$0x3FA8] =	sst s8  }
0x11: {  	[smem:$0x3FA9] =	sst s9;
	s0 =	simm.s32 @!p0 $0x0  }
0x12: {  	s1 =	sld [smem:$0x3F8F];
	s0 =	simm.s32 @p0 $0x1  }
0x13: {  	[smem:$0x3FAA] =	sst s0;
	s0 =	simm.s32 @!p1 $0x0  }
0x14: {  	s2 =	sld [smem:$0x3F8E];
	s0 =	simm.s32 @p1 $0x1  }
0x15: {  	[smem:$0x3FAB] =	sst s0;
	s0 =	simm.s32 @!p2 $0x0  }
0x16: {  	s3 =	sld [smem:$0x3FDB];
	s0 =	simm.s32 @p2 $0x1  }
0x17: {  	s4 =	simm.s32 $0x1BF5;
	[smem:$0x3FAD] =	sst s0  }
0x18: {  	s0 =	sld [smem:$0x3F90];
	_ =	swait.ge [sflag:s4], $0x0  }
0x19: {  	s7 =	sld [smem:$0x3F91]  }
0x1a: {  	s8 =	sadd.s32 $0xFFFFE003, lr  }
0x1b: {  	s9 =	sadd.s32 $0xFFFFFEF7, lr;
	s5 =	simm.s32 $0xFFFFFFFF;
	p2 =	slt.u32 s8, $0xFFFFF086  }
0x1c: {  	p1 =	slt.u32 s9, $0xF7A;
	s5 =	simm.s32 @!p2 $0x0  }
0x1d: {  	s5 =	simm.s32 @p1 $0x1;
	p0 =	seq.s32 s7, s2  }
0x1e: {  	s7 =	smul.u32 @!p0 $0xF7A, s2;
	p2 =	seq.s32 @!p0 s5, $0x0  }
0x1f: {  	s9 =	smul.u32 $0xF7A, s1;
	s8 =	simm.s32 @!p0 $0x1BF5;
	p2 =	por !p2, p0  }
0x20: {  	[sflag:s8] =	ssyncset.s32 @!p0 $0xFFFFF086;
	s6 =	sadd.s32 @!p0 s3, s7;
	s7 =	simm.s32 @!p0 $0x108  }
0x21: {  	s3 =	sadd.s32 s3, s9;
	s6 =	sadd.s32 @!p0 $0x88, s6;
	s7 =	simm.s32 @p2 $0x1082  }
0x22: {  	[simem:s7], [sflag:s8] =	dma.local @!p0 [hbm:s6], $0xF7A  }
0x23: {  	s9 =	sor.u32 $0xD0000000, s2;
	s6 =	simm.s32 $0x108;
	_ =	swait.ge @!p0 [sflag:s8], $0x0  }
0x24: {  	s3 =	sadd.s32 $0x88, s3;
	s6 =	simm.s32 @!p1 $0x1082;
	[sflag:s4] =	ssyncset.s32 $0xFFFFF086  }
0x25: {  	[simem:s6], [sflag:s4] =	dma.local [hbm:s3], $0xF7A  }
0x26: {  	[smem:$0x3F91] =	sst s1;
	(tag) =	ssettag s2;
	_ =	strace s9  }
0x27: {  	s1 =	sld [smem:$0x3FA1]  }
0x28: {  	s2 =	sld [smem:$0x3FA2]  }
0x29: {  	s4 =	sld [smem:$0x3FA4]  }
0x2a: {  	p0 =	seq.s32 s5, $0x0;
	s5 =	sld [smem:$0x3FA5]  }
0x2b: {  	s6 =	sld [smem:$0x3FA6]  }
0x2c: {  	s7 =	sld [smem:$0x3FA7]  }
0x2d: {  	s3 =	simm.s32 $0x108;
	s8 =	sld [smem:$0x3FA8]  }
0x2e: {  	s3 =	simm.s32 @!p0 $0x1082;
	s9 =	sld [smem:$0x3FA9]  }
0x2f: {  	lr =	sadd.s32 s0, s3;
	s0 =	sld [smem:$0x3FA0]  }
0x30: {  	s3 =	sld [smem:$0x3FA3]  }
0x31: {  	[smem:$0x3FAC] =	sst s10  }
0x32: {  	s10 =	sld [smem:$0x3FAA];
	_ =	sdelay $0x3  }
0x33: {  	p0 =	seq.s32 s10, $0x1;
	s10 =	sld [smem:$0x3FAC];
	_ =	sdelay $0x3  }
0x34: {  	[smem:$0x3FAC] =	sst s10  }
0x35: {  	s10 =	sld [smem:$0x3FAB];
	_ =	sdelay $0x3  }
0x36: {  	p1 =	seq.s32 s10, $0x1;
	s10 =	sld [smem:$0x3FAC];
	_ =	sdelay $0x3  }
0x37: {  	[smem:$0x3FAC] =	sst s10  }
0x38: {  	s10 =	sld [smem:$0x3FAD]  }
0x39: {  	_ = 	snop;
	(pc) =	sbr.ind lr, $3  }
0x3a: {  	_ = 	snop  }
0x3b: {  	_ = 	snop  }
0x3c: {  	p2 =	seq.s32 s10, $0x1;
	s10 =	sld [smem:$0x3FAC]  }
0x3d: {  	_ =	shalt  }
0x3e: {  	_ =	shalt  }
0x3f: {  	_ =	shalt  }
0x40: {  	_ =	shalt  }
0x41: {  	_ =	shalt  }
0x42: {  	_ =	shalt  }
0x43: {  	_ =	shalt  }
0x44: {  	_ =	shalt  }
0x45: {  	_ =	shalt  }
0x46: {  	_ =	shalt  }
0x47: {  	_ =	shalt  }
0x48: {  	_ =	shalt  }
0x49: {  	_ =	shalt  }
0x4a: {  	_ =	shalt  }
0x4b: {  	_ =	shalt  }
0x4c: {  	_ =	shalt  }
0x4d: {  	_ =	shalt  }
0x4e: {  	_ =	shalt  }
0x4f: {  	_ =	shalt  }
0x50: {  	_ =	shalt  }
0x51: {  	_ =	shalt  }
0x52: {  	_ =	shalt  }
0x53: {  	_ =	shalt  }
0x54: {  	_ =	shalt  }
0x55: {  	_ =	shalt  }
0x56: {  	_ =	shalt  }
0x57: {  	_ =	shalt  }
0x58: {  	_ =	shalt  }
0x59: {  	_ =	shalt  }
0x5a: {  	_ =	shalt  }
0x5b: {  	_ =	shalt  }
0x5c: {  	_ =	shalt  }
0x5d: {  	_ =	shalt  }
0x5e: {  	_ =	shalt  }
0x5f: {  	_ =	shalt  }
0x60: {  	_ =	shalt  }
0x61: {  	_ =	shalt  }
0x62: {  	_ =	shalt  }
0x63: {  	_ =	shalt  }
0x64: {  	_ =	shalt  }
0x65: {  	_ =	shalt  }
0x66: {  	_ =	shalt  }
0x67: {  	_ =	shalt  }
0x68: {  	_ =	shalt  }
0x69: {  	_ =	shalt  }
0x6a: {  	_ =	shalt  }
0x6b: {  	_ =	shalt  }
0x6c: {  	_ =	shalt  }
0x6d: {  	_ =	shalt  }
0x6e: {  	_ =	shalt  }
0x6f: {  	_ =	shalt  }
0x70: {  	_ =	shalt  }
0x71: {  	_ =	shalt  }
0x72: {  	_ =	shalt  }
0x73: {  	_ =	shalt  }
0x74: {  	_ =	shalt  }
0x75: {  	_ =	shalt  }
0x76: {  	_ =	shalt  }
0x77: {  	_ =	shalt  }
0x78: {  	_ =	shalt  }
0x79: {  	_ =	shalt  }
0x7a: {  	_ =	shalt  }
0x7b: {  	_ =	shalt  }
0x7c: {  	_ =	shalt  }
0x7d: {  	_ =	shalt  }
0x7e: {  	_ =	shalt  }
0x7f: {  	_ =	shalt  }
0x80: {  	_ =	shalt  }
0x81: {  	_ =	shalt  }
0x82: {  	_ =	shalt  }
0x83: {  	_ =	shalt  }
0x84: {  	_ =	shalt  }
0x85: {  	_ =	shalt  }
0x86: {  	_ =	shalt  }
0x87: {  	_ =	shalt  }
.Lfunc_end0:
.L_simem_size_0:
called_computation_lowered:
.L_overlay_start_0:
0x88: {  	s2 =	sld [smem:$0x3FD9]  }
0x89: {  	s3 =	sld [smem:$0x3FFE];
	_ =	sdelay $0x1  }
0x8a: {  	s1 =	srdreg.scid  }
0x8b: {  	s0 =	sand.u32 $0x1, s1  }
0x8c: {  	s17 =	sshll.u32 s0, $0xA;
	s2 =	sadd.s32 s3, s2  }
0x8d: {  	s2 =	sadd.s32 s2, s17  }
0x8e: {  	[smem:$0x3FB8] =	sst s2  }
0x8f: {  	_ = 	snop  }
0x90: {  	s2 =	sld [smem:$0x3FD0];
	(tm) =	ssettm $0x1  }
0x91: {  	s18 =	sld [smem:$0x3FFB];
	_ =	sdelay $0x3  }
0x92: {  	_ =	strace s18  }
0x93: {  	s3 =	sld [smem:$0x3FFC];
	_ =	sdelay $0x3  }
0x94: {  	_ =	strace s3  }
0x95: {  	s3 =	sld [smem:$0x3FFD];
	_ =	sdelay $0x3  }
0x96: {  	_ =	strace s3  }
0x97: {  	_ =	strace $0x8FFFFFFF  }
0x98: {  	s19 =	sld [smem:$0x3FDB];
	_ =	sdelay $0x1  }
0x99: {  	s4 =	simm.s32 $_scs_section_size  }
0x9a: {  	s5 =	simm.s32 $_size__tile_overlayer_lowered;
	s6 =	simm.s32 $_tile_overlayer_lowered  }
0x9b: {  	s22 =	simm.s32 $0x1BFF;
	s21 =	sshll.u32 s6, $0x1;
	s3 =	sadd.s32 s4, s19  }
0x9c: {  	s7 =	simm.s32 $0x0;
	s20 =	sshll.u32 s5, $0x1;
	s5 =	sadd.s32 s21, s3  }
0x9d: {  	[timem:s7], [sflag:s22] =	dma.local [hbm:s5], s20  }
0x9e: {  	_ =	swait.ge [sflag:s22], s20  }
0x9f: {  	s4 =	ssub.s32 $0x0, s20;
	[sflag:s22] =	ssyncset.done $0x0  }
0xa0: {  	[sflag:s22] =	ssyncadd.s32 s4;
	_ =	sdelay $0x1  }
0xa1: {  	s23 =	simm.s32 $0x1B8B  }
0xa2: {  	_ =	swait.ge [sflag:s23], $0x1  }
0xa3: {  	[sflag:s23] =	ssyncset.done $0x0  }
0xa4: {  	s25 =	simm.s32 $0x1B8E;
	s24 =	sld [smem:$0x3FFE];
	[sflag:s23] =	ssyncadd.s32 $0xFFFFFFFF  }
0xa5: {  	s26 =	simm.s32 $execute0_lowered;
	[smem:$0x3FD2] =	sst s25  }
0xa6: {  	s5 =	sshll.u32 s26, $0x1;
	_ =	strace $0x80000046;
	[dreg:$0x1] =	wrdreg $0xFFFFFFFF  }
0xa7: {  	s28 =	simm.s32 $_size_execute0_lowered;
	s3 =	sadd.s32 s3, s5;
	[dreg:$0x0] =	wrdreg $0x0  }
0xa8: {  	s5 =	sshll.u32 s28, $0x1;
	[dreg:$0x2] =	wrdreg s3  }
0xa9: {  	[dreg:$0x3] =	wrdreg s5  }
0xaa: {  	[dreg:$0x4] =	wrdreg $0xC0  }
0xab: {  	_ =	task [dreg:s7], $0x5FFFF  }
0xac: {  	[dreg:$0x1] =	wrdreg $0xFFFFFFFF  }
0xad: {  	[dreg:$0x0] =	wrdreg $0x60  }
0xae: {  	[dreg:$0x2] =	wrdreg s24  }
0xaf: {  	[dreg:$0x3] =	wrdreg s2  }
0xb0: {  	[dreg:$0x4] =	wrdreg $0xD3800  }
0xb1: {  	[dreg:$0x5] =	wrdreg $0x9  }
0xb2: {  	_ =	task.clear_ibuf [dreg:s7], $0x6FFFF;
	_ =	strace $0x90000046  }
0xb3: {  	s29 =	simm.s32 $0x9;
	_ =	strace $0x80000048  }
0xb4: {  	_ =	swait.ge [sflag:s29], $0x1  }
0xb5: {  	[sflag:s29] =	ssyncadd.s32 $0xFFFFFFFF  }
0xb6: {  	_ =	strace $0x90000048  }
0xb7: {  	_ =	sfence  }
0xb8: {  	s30 =	sld [smem:$0x0];
	_ =	sdelay $0x2  }
0xb9: {  	s31 =	sshll.u32 s1, $0xD;
	s1 =	sshrl.u32 s1, $0x2  }
0xba: {  	s3 =	sand.u32 $0x4000, s31;
	s1 =	sadd.s32 s1, s30  }
0xbb: {  	s0 =	sor.u32 s3, s0;
	s1 =	sshll.u32 s1, $0x11  }
0xbc: {  	s0 =	sor.u32 s1, s0  }
0xbd: {  	s0 =	sadd.s32 $0x8F2B, s0  }
0xbe: {  	[sflag:s0] =	ssyncadd.remote.s32 $0x1  }
0xbf: {  	_ =	sfence.sel $0xFFFF  }
0xc0: {  	[dreg:$0x0] =	wrdreg $0xFFFFFFFF;
	(pc) =	sbr.abs _section_cstart, $3  }
0xc1: {  	[dreg:$0x1] =	wrdreg $0xFFFFFFFF  }
0xc2: {  	_ =	task.clear_ibuf [dreg:s7], $0x2FFFF;
	_ =	strace $0x9FFFFFFF  }
0xc3: {  	(tm) =	ssettm $0x7FFFFFFF  }
tec
execute0_lowered:
.L_overlay_start_1:
0x0: {  	(tag) =	ssettag $0x1  }
0x1: {  	s0 =	rddreg [dreg:$0x0]  }
0x2: {  	s2 =	rddreg [dreg:$0x2];
	s3 =	simm.s32 $0x0  }
0x3: {  	s14 =	srdreg.scid;
	s11 =	stileid.u32;
	s29 =	simm.s32 $0x400  }
0x4: {  	s30 =	simm.s32 $0x6;
	s31 =	simm.s32 $0x2B80;
	[smem:$0x7FF] =	sst s3  }
0x5: {  	s4 =	sadd.s32 $0x1200, s0;
	s1 =	sadd.s32 $0x28400, s0;
	s13 =	sadd.s32 $0x28A00, s0  }
0x6: {  	s8 =	sadd.s32 $0x28C00, s0;
	s9 =	sadd.s32 $0x3CC00, s0;
	s10 =	sadd.s32 $0x50C00, s0  }
0x7: {  	s15 =	sand.u32 $0x1, s14;
	s5 =	sshll.u32 s11, $0x1;
	s6 =	smul.u32 $0x28000, s11  }
0x8: {  	s11 =	smul.u32 $0xA000, s11;
	_ =	strace $0x80000047;
	[dreg:$0x4] =	wrdreg s1  }
0x9: {  	s14 =	simm.s32 $0xB380;
	[dreg:$0x5] =	wrdreg s13;
	s1 =	ssub.s32 $0x2, s15  }
0xa: {  	s5 =	sor.u32 s15, s5;
	s0 =	smul.u32 $0xA0000, s15;
	s15 =	simm.s32 $0x0  }
0xb: {  	s7 =	sshrl.u32 s1, $0x1;
	s16 =	sadd.s32 $0x2000, s11;
	[dreg:$0x6] =	wrdreg s11  }
0xc: {  	s6 =	sshrl.u32 s6, $0x2;
	s17 =	sadd.s32 $0x4000, s11;
	[dreg:$0x8] =	wrdreg s16  }
0xd: {  	s12 =	smul.u32 $0x5000, s5;
	s19 =	sadd.s32 $0x6000, s11;
	[dreg:$0x9] =	wrdreg s17  }
0xe: {  	s11 =	sadd.s32 $0x8000, s11;
	s1 =	ssub.s32 s1, s7;
	[dreg:$0x12] =	wrdreg s0  }
0xf: {  	s21 =	sadd.s32 s6, s2;
	s22 =	sadd.s32 s16, s2;
	[dreg:$0xc] =	wrdreg s19  }
0x10: {  	s23 =	sadd.s32 s17, s2;
	[dreg:$0xd] =	wrdreg s11;
	s28 =	sadd.s32 s11, s2  }
0x11: {  	s7 =	simm.s32 $0x300;
	s0 =	simm.s32 $0x40;
	[dreg:$0x7] =	wrdreg s21  }
0x12: {  	s6 =	simm.s32 $0x4;
	s11 =	simm.s32 $0x280;
	[dreg:$0xa] =	wrdreg s22  }
0x13: {  	s18 =	sshrl.u32 s12, $0x3;
	s26 =	smax.u32 s1, $0x1;
	[dreg:$0xb] =	wrdreg s23  }
0x14: {  	s20 =	sor.u32 $0x10, s18;
	s13 =	sadd.s32 s8, s18;
	[dreg:$0x13] =	wrdreg s26  }
.Ltmp0:
0x15: {  	s5 =	sadd.s32 s9, s18;
	[dreg:$0xe] =	wrdreg s13;
	(pc) =	sbr.rel .LBB2_1-.Ltmp0, $4  }
0x16: {  	s1 =	simm.s32 $0x9380;
	[dreg:$0xf] =	wrdreg s5;
	s24 =	sadd.s32 s8, s20  }
0x17: {  	s18 =	simm.s32 $0x2;
	s25 =	sadd.s32 s9, s20;
	[dreg:$0x10] =	wrdreg s24  }
0x18: {  	s5 =	simm.s32 $0x200;
	[dreg:$0x11] =	wrdreg s25;
	s24 =	sadd.s32 s19, s2  }
0x19: {  	v0 =	vimm.f32 $0.0e+00;
	vm0 =	vmxor vm0, vm0;
	vm1 =	vmmov $0x1;
	s25 =	simm.s32 $0x5;
	s19 =	simm.s32 $0x5380;
	[dreg:$0x14] =	wrdreg s24  }
.LBB2_21:
0x1a: {  	s15 =	rddreg [dreg:$0x15]  }
0x1b: {  	s13 =	rddreg [dreg:$0x13];
	s15 =	sadd.s32 $0x1, s15  }
0x1c: {  	p0 =	sne.s32 s15, s13  }
.Ltmp1:
0x1d: {  	_ = 	snop;
	(pc) =	sbr.rel @!p0 .LBB2_22-.Ltmp1, $2  }
0x1e: {  	_ =	sdelay $0x1  }
0x1f: {  	[bflag:$0x0] =	sbarrier.arrive $0xFFFF;
	_ =	sdelay $0x1  }
.LBB2_1:
0x20: {  	[dreg:$0x15] =	wrdreg s15  }
0x21: {  	s13 =	rddreg [dreg:$0x1]  }
0x22: {  	[tilespmem:s29], [sflag:$0x6] =	stream.linear.gather [hbm4b:s13+s3], $0x2780, $0x38;
	[tilespmem:$0x17380] =	vst v63  }
0x23: {  	_ =	swait.ge [sflag:s30], $0x2780  }
0x24: {  	[sflag:s30] =	ssyncset.done $0x0  }
0x25: {  	s17 =	rddreg [dreg:$0x4];
	[sflag:s30] =	ssyncadd.s32 $0xFFFFD880  }
0x26: {  	[tilespmem:s31], [sflag:$0x6] =	stream.linear.gather [hbm4b:s17+s3], $0x2780, $0x38;
	[tilespmem:$0x17380] =	vst v63  }
0x27: {  	_ =	swait.ge [sflag:s30], $0x2780  }
0x28: {  	[sflag:s30] =	ssyncset.done $0x0  }
0x29: {  	s26 =	simm.s32 $0x5300;
	s20 =	rddreg [dreg:$0x5];
	[sflag:s30] =	ssyncadd.s32 $0xFFFFD880  }
0x2a: {  	[tilespmem:s26], [sflag:$0x6] =	stream.linear.gather [hbm4b:s20+s3], $0x80, $0x38;
	[tilespmem:$0x17380] =	vst v63  }
0x2b: {  	_ =	swait.ge [sflag:s30], $0x80  }
0x2c: {  	[sflag:s30] =	ssyncset.done $0x0  }
0x2d: {  	s15 =	simm.s32 $0x200;
	s13 =	simm.s32 $0x0;
	[sflag:s30] =	ssyncadd.s32 $0xFFFFFF80  }
.LBB2_2:
0x2e: {  	p0 =	sne.s32 s15, $0x7E00;
	[tilespmem:s13+$0x93F0] =	vst v0  }
0x2f: {  	[tilespmem:s13+$0x9380] =	vst v0  }
0x30: {  	[tilespmem:s13+$0x9390] =	vst v0  }
.Ltmp2:
0x31: {  	[tilespmem:s13+$0x93A0] =	vst v0;
	(pc) =	sbr.rel @p0 .LBB2_2-.Ltmp2, $4  }
0x32: {  	[tilespmem:s13+$0x93B0] =	vst v0  }
0x33: {  	[tilespmem:s13+$0x93C0] =	vst v0  }
0x34: {  	[tilespmem:s13+$0x93D0] =	vst v0  }
0x35: {  	[tilespmem:s13+$0x93E0] =	vst v0;
	s13 =	sshra.s32 s15, $0x2;
	s15 =	sadd.s32 $0x200, s15  }
0x36: {  	[tilespmem:s13+$0x93F0] =	vst v0  }
0x37: {  	[tilespmem:s13+$0x9380] =	vst v0  }
0x38: {  	[tilespmem:s13+$0x9390] =	vst v0  }
0x39: {  	[tilespmem:s13+$0x93A0] =	vst v0  }
0x3a: {  	[tilespmem:s13+$0x93B0] =	vst v0  }
0x3b: {  	[tilespmem:s13+$0x93C0] =	vst v0  }
0x3c: {  	[tilespmem:s13+$0x93D0] =	vst v0  }
0x3d: {  	[tilespmem:s13+$0x93E0] =	vst v0  }
0x3e: {  	[spmem:s21] =	stream.linear.scatter [tilespmem:s1], [sflag:$0x6], $0x2000, $0x38;
	[tilespmem:$0x17380] =	vst v63  }
0x3f: {  	_ =	swait.ge [sflag:s30], $0x2000  }
0x40: {  	[sflag:s30] =	ssyncset.done $0x0  }
0x41: {  	[sflag:s30] =	ssyncadd.s32 $0xFFFFE000  }
0x42: {  	[spmem:s22] =	stream.linear.scatter [tilespmem:s1], [sflag:$0x6], $0x2000, $0x38;
	[tilespmem:$0x17380] =	vst v63  }
0x43: {  	_ =	swait.ge [sflag:s30], $0x2000  }
0x44: {  	[sflag:s30] =	ssyncset.done $0x0  }
0x45: {  	[sflag:s30] =	ssyncadd.s32 $0xFFFFE000  }
0x46: {  	[spmem:s23] =	stream.linear.scatter [tilespmem:s1], [sflag:$0x6], $0x2000, $0x38;
	[tilespmem:$0x17380] =	vst v63  }
0x47: {  	_ =	swait.ge [sflag:s30], $0x2000  }
0x48: {  	[sflag:s30] =	ssyncset.done $0x0  }
0x49: {  	[sflag:s30] =	ssyncadd.s32 $0xFFFFE000  }
0x4a: {  	[spmem:s24] =	stream.linear.scatter [tilespmem:s1], [sflag:$0x6], $0x2000, $0x38;
	[tilespmem:$0x17380] =	vst v63  }
0x4b: {  	_ =	swait.ge [sflag:s30], $0x2000  }
0x4c: {  	[sflag:s30] =	ssyncset.done $0x0  }
0x4d: {  	[sflag:s30] =	ssyncadd.s32 $0xFFFFE000  }
0x4e: {  	[spmem:s28] =	stream.linear.scatter [tilespmem:s1], [sflag:$0x6], $0x2000, $0x38;
	[tilespmem:$0x17380] =	vst v63  }
0x4f: {  	_ =	swait.ge [sflag:s30], $0x2000  }
0x50: {  	[sflag:s30] =	ssyncset.done $0x0  }
0x51: {  	[sflag:s30] =	ssyncadd.s32 $0xFFFFE000  }
0x52: {  	s20 =	simm.s32 $0x0;
	[bflag:$0x0] =	sbarrier.arrive $0xFFFF  }
.LBB2_4:
0x53: {  	s13 =	rddreg [dreg:$0xe]  }
0x54: {  	[tilespmem:s3], [sflag:$0x6] =	stream.linear.gather [hbm4b:s13+s3], $0x80, $0x38;
	[tilespmem:$0x17380] =	vst v63  }
0x55: {  	_ =	swait.ge [sflag:s30], $0x80  }
0x56: {  	[sflag:s30] =	ssyncset.done $0x0  }
0x57: {  	s15 =	simm.s32 $0x100;
	s21 =	rddreg [dreg:$0xf];
	[sflag:s30] =	ssyncadd.s32 $0xFFFFFF80  }
0x58: {  	[tilespmem:s15], [sflag:$0x6] =	stream.linear.gather [hbm4b:s21+s3], $0x80, $0x38;
	[tilespmem:$0x17380] =	vst v63  }
0x59: {  	_ =	swait.ge [sflag:s30], $0x80  }
0x5a: {  	[sflag:s30] =	ssyncset.done $0x0  }
0x5b: {  	s23 =	simm.s32 $0x80;
	s22 =	rddreg [dreg:$0x10];
	[sflag:s30] =	ssyncadd.s32 $0xFFFFFF80  }
0x5c: {  	[tilespmem:s23], [sflag:$0x5] =	stream.linear.gather [hbm4b:s22+s3], $0x80, $0x38;
	[tilespmem:$0x17380] =	vst v63  }
0x5d: {  	s26 =	simm.s32 $0x180;
	p0 =	seq.s32 s20, $0x2;
	s24 =	rddreg [dreg:$0x11]  }
0x5e: {  	[tilespmem:s26], [sflag:$0x5] =	stream.linear.gather [hbm4b:s24+s3], $0x80, $0x38;
	[tilespmem:$0x17380] =	vst v63  }
0x5f: {  	s13 =	simm.s32 @!p0 $0x0;
	s21 =	simm.s32 @!p0 $0x40;
	s15 =	simm.s32 @!p0 $0x5380  }
0x60: {  	[tilespmem:s15], [sflag:$0x1] =	stream.indirect.gather @!p0 [hbm4b:s4+s21], $0x80, s13, s21, $0xb8;
	[tilespmem:$0x17380] =	vst v63  }
0x61: {  	p1 =	sgt.s32 s20, $0x1;
	vm2 =	vmmov vm0;
	p2 =	seq.s32 s20, $0x0;
	s13 =	simm.s32 $0x0  }
0x62: {  	vm2 =	vmneg @p1 vm2;
	s13 =	simm.s32 @!p2 $0x40  }
0x63: {  	vm3 =	vmneg vm2;
	s24 =	simm.s32 $0x0;
	s17 =	sor.u32 $0x53A0, s13;
	s23 =	sor.u32 $0x73A0, s13  }
.LBB2_5:
0x64: {  	_ =	swait.ge [sflag:s25], $0x80  }
0x65: {  	[sflag:s25] =	ssyncset.done $0x0  }
0x66: {  	[sflag:s25] =	ssyncadd.s32 $0xFFFFFF80  }
0x67: {  	_ =	swait.ge [sflag:s25], $0x80  }
0x68: {  	[sflag:s25] =	ssyncset.done $0x0  }
0x69: {  	s13 =	simm.s32 @!p0 $0x80;
	s15 =	simm.s32 @!p0 $0x7380;
	[sflag:s25] =	ssyncadd.s32 $0xFFFFFF80  }
0x6a: {  	[tilespmem:s15], [sflag:$0x2] =	stream.indirect.gather @!p0 [hbm4b:s4+s21], $0x80, s13, s21, $0xb8;
	[tilespmem:$0x17380] =	vst v63  }
0x6b: {  	s13 =	simm.s32 @!p0 $0x1  }
0x6c: {  	_ =	swait.ge @!p0 [sflag:s13], $0x2000  }
0x6d: {  	p3 =	seq.s32 s24, $0x0;
	[sflag:s13] =	ssyncset.done @!p0 $0x0  }
0x6e: {  	[sflag:s13] =	ssyncadd.s32 @!p0 $0xFFFFE000;
	s13 =	simm.s32 @!p3 $0x3  }
0x6f: {  	_ =	swait.ge @!p3 [sflag:s13], $0x2000  }
0x70: {  	[sflag:s13] =	ssyncset.done @!p3 $0x0  }
0x71: {  	[sflag:s13] =	ssyncadd.s32 @!p3 $0xFFFFE000  }
0x72: {  	v1 =	vld [tilespmem:$0x0]  }
0x73: {  	v2 =	vld [tilespmem:$0x100];
	_ =	sdelay $0x6  }
0x74: {  	v1 =	vld.idx.msk [tilespmem:v1+s29+$0x0], $0xffff  }
0x75: {  	v3 =	vld.idx.msk [tilespmem:v2+s31+$0x0], $0xffff;
	_ =	sdelay $0x4  }
0x76: {  	v1 =	vadd.f32 v3, v1;
	v3 =	vld [tilespmem:$0x5300];
	_ =	sdelay $0x1  }
0x77: {  	v4 =	vmul.f32 $2.000000030e-01, v1  }
0x78: {  	vm4 =	vlt.f32 v1, $0.0e+00  }
0x79: {  	v1 =	vsel vm4, v4, v1  }
0x7a: {  	v1 =	vsub.f32 v1, v3;
	_ =	sdelay $0x1  }
0x7b: {  	v1 =	vmul.f32 $1.442695020e+00, v1;
	_ =	sdelay $0x1  }
0x7c: {  	(erf) = vpow2.f32 v1;
	_ =	sdelay $0x5  }
0x7d: {  	v1 =	vld [tilespmem:$0x10]  }
0x7e: {  	v3 =	vld [tilespmem:$0x110];
	_ =	sdelay $0x1  }
0x7f: {  	v4 =	vpop (erf)  }
0x80: {  	v5 =	vand.u32 $0x1, v2;
	v6 =	vsub.f32 $0.0e+00, v4  }
0x81: {  	v2 =	vshrl.u32 v2, $0x1;
	vm4 =	veq.s32 v5, $0x0  }
0x82: {  	[tilespmem:$0x200] =	vst v2;
	v4 =	vsel vm4, v4, v6  }
0x83: {  	[tilespmem:$0x300] =	vst v4  }
0x84: {  	v1 =	vld.idx.msk [tilespmem:v1+s29+$0x0], $0xffff  }
0x85: {  	v2 =	vld.idx.msk [tilespmem:v3+s31+$0x0], $0xffff;
	_ =	sdelay $0x4  }
0x86: {  	v1 =	vadd.f32 v2, v1;
	v2 =	vld [tilespmem:$0x5300];
	_ =	sdelay $0x1  }
0x87: {  	v4 =	vmul.f32 $2.000000030e-01, v1  }
0x88: {  	vm4 =	vlt.f32 v1, $0.0e+00  }
0x89: {  	v1 =	vsel vm4, v4, v1  }
0x8a: {  	v1 =	vsub.f32 v1, v2;
	_ =	sdelay $0x1  }
0x8b: {  	v1 =	vmul.f32 $1.442695020e+00, v1;
	_ =	sdelay $0x1  }
0x8c: {  	(erf) = vpow2.f32 v1;
	_ =	sdelay $0x6  }
0x8d: {  	s15 =	sshll.u32 s24, $0x7  }
0x8e: {  	s16 =	sor.u32 $0x10, s15;
	v1 =	vld [tilespmem:$0x20]  }
0x8f: {  	p2 =	slt.u32 s16, $0x2710;
	v4 =	vld [tilespmem:$0x120];
	v2 =	vpop (erf)  }
0x90: {  	v2 =	vpsel !p2, $0x0, v2  }
0x91: {  	v5 =	vand.u32 $0x1, v3;
	v62 =	vsub.f32 $0.0e+00, v2  }
0x92: {  	vm4 =	veq.s32 v5, $0x0  }
0x93: {  	v2 =	vsel vm4, v2, v62  }
0x94: {  	[tilespmem:$0x310] =	vst v2;
	v2 =	vshrl.u32 v3, $0x1  }
0x95: {  	[tilespmem:$0x210] =	vst v2  }
0x96: {  	v1 =	vld.idx.msk [tilespmem:v1+s29+$0x0], $0xffff  }
0x97: {  	v2 =	vld.idx.msk [tilespmem:v4+s31+$0x0], $0xffff;
	_ =	sdelay $0x4  }
0x98: {  	v1 =	vadd.f32 v2, v1;
	v2 =	vld [tilespmem:$0x5300];
	_ =	sdelay $0x1  }
0x99: {  	v3 =	vmul.f32 $2.000000030e-01, v1  }
0x9a: {  	vm4 =	vlt.f32 v1, $0.0e+00  }
0x9b: {  	v1 =	vsel vm4, v3, v1  }
0x9c: {  	v1 =	vsub.f32 v1, v2;
	_ =	sdelay $0x1  }
0x9d: {  	v1 =	vmul.f32 $1.442695020e+00, v1;
	_ =	sdelay $0x1  }
0x9e: {  	(erf) = vpow2.f32 v1;
	_ =	sdelay $0x7  }
0x9f: {  	s22 =	sor.u32 $0x20, s15;
	v1 =	vld [tilespmem:$0x30]  }
0xa0: {  	p6 =	slt.u32 s22, $0x2710;
	v3 =	vld [tilespmem:$0x130];
	v2 =	vpop (erf)  }
0xa1: {  	v2 =	vpsel !p6, $0x0, v2  }
0xa2: {  	v5 =	vand.u32 $0x1, v4;
	v63 =	vsub.f32 $0.0e+00, v2  }
0xa3: {  	vm4 =	veq.s32 v5, $0x0  }
0xa4: {  	v2 =	vsel vm4, v2, v63  }
0xa5: {  	[tilespmem:$0x320] =	vst v2;
	v2 =	vshrl.u32 v4, $0x1  }
0xa6: {  	[tilespmem:$0x220] =	vst v2  }
0xa7: {  	v1 =	vld.idx.msk [tilespmem:v1+s29+$0x0], $0xffff  }
0xa8: {  	v2 =	vld.idx.msk [tilespmem:v3+s31+$0x0], $0xffff;
	_ =	sdelay $0x4  }
0xa9: {  	v1 =	vadd.f32 v2, v1;
	v2 =	vld [tilespmem:$0x5300];
	_ =	sdelay $0x1  }
0xaa: {  	v4 =	vmul.f32 $2.000000030e-01, v1  }
0xab: {  	vm4 =	vlt.f32 v1, $0.0e+00  }
0xac: {  	v1 =	vsel vm4, v4, v1  }
0xad: {  	v1 =	vsub.f32 v1, v2;
	_ =	sdelay $0x1  }
0xae: {  	v1 =	vmul.f32 $1.442695020e+00, v1;
	_ =	sdelay $0x1  }
0xaf: {  	(erf) = vpow2.f32 v1;
	_ =	sdelay $0x7  }
0xb0: {  	s16 =	sor.u32 $0x30, s15  }
0xb1: {  	p4 =	slt.u32 s16, $0x2710;
	s13 =	sshll.u32 s24, $0x8;
	p2 =	seq.s32 s24, $0x4E;
	v1 =	vpop (erf)  }
0xb2: {  	s16 =	sadd.s32 @!p2 $0x100, s13;
	v1 =	vpsel !p4, $0x0, v1  }
0xb3: {  	s22 =	sand.u32 @!p2 $0xFC00, s16;
	v2 =	vand.u32 $0x1, v3;
	v4 =	vsub.f32 $0.0e+00, v1  }
0xb4: {  	s16 =	sand.u32 @!p2 $0x300, s16;
	s22 =	sadd.s32 @!p2 s12, s22;
	vm4 =	veq.s32 v2, $0x0  }
0xb5: {  	s26 =	simm.s32 $0x0;
	s16 =	sor.u32 @!p2 s16, s22;
	v1 =	vsel vm4, v1, v4  }
0xb6: {  	s16 =	sshrl.u32 @!p2 s16, $0x3;
	v2 =	vmov s26;
	[tilespmem:$0x330] =	vst v1;
	v1 =	vshrl.u32 v3, $0x1  }
0xb7: {  	s22 =	sadd.s32 @!p2 s8, s16;
	s26 =	simm.s32 @!p2 $0x0;
	[tilespmem:$0x230] =	vst v1  }
0xb8: {  	[tilespmem:s26], [sflag:$0x5] =	stream.linear.gather @!p2 [hbm4b:s22+s26], $0x80, $0x38;
	[tilespmem:$0x17380] =	vst v63  }
0xb9: {  	s16 =	sadd.s32 @!p2 s9, s16;
	s22 =	simm.s32 @!p2 $0x100  }
0xba: {  	[tilespmem:s22], [sflag:$0x5] =	stream.linear.gather @!p2 [hbm4b:s16+s26], $0x80, $0x38;
	[tilespmem:$0x17380] =	vst v63  }
0xbb: {  	v2 =	vld.idx.msk [tilespmem:v2+s7+$0x0], $0xffff  }
0xbc: {  	v3 =	vld [tilespmem:s17+$0xFFFFFFE0];
	_ =	sdelay $0x3  }
0xbd: {  	v1 =	vand.u32 $0x7FFFFFFF, v2  }
0xbe: {  	v3 =	vmul.f32 v1, v3  }
0xbf: {  	v4 =	vnsel vm1, $0x0, v1  }
0xc0: {  	vm4 =	vlt.f32 v2, $0.0e+00;
	v2 =	vpsel p1, v4, v3  }
0xc1: {  	s16 =	simm.s32 $0x93C0;
	v2 =	vsel vm4, $0x0, v2  }
0xc2: {  	[tilespmem:s16+$0xFFFFFFC0] =	vst v2  }
0xc3: {  	v2 =	vld [tilespmem:s17+$0xFFFFFFF0];
	_ =	sdelay $0x4  }
0xc4: {  	v2 =	vmul.f32 v2, v1  }
0xc5: {  	vm5 =	vmor vm4, vm2  }
0xc6: {  	v2 =	vsel vm5, $0x0, v2  }
0xc7: {  	[tilespmem:s16+$0xFFFFFFD0] =	vst v2  }
0xc8: {  	v2 =	vld [tilespmem:s17+$0x0];
	_ =	sdelay $0x4  }
0xc9: {  	v2 =	vmul.f32 v2, v1;
	_ =	sdelay $0x1  }
0xca: {  	v2 =	vsel vm5, $0x0, v2  }
0xcb: {  	[tilespmem:s16+$0xFFFFFFE0] =	vst v2  }
0xcc: {  	v2 =	vld [tilespmem:s17+$0x10];
	_ =	sdelay $0x4  }
0xcd: {  	v2 =	vmul.f32 v2, v1;
	_ =	sdelay $0x1  }
0xce: {  	v2 =	vsel vm5, $0x0, v2  }
0xcf: {  	[tilespmem:s16+$0xFFFFFFF0] =	vst v2  }
0xd0: {  	v2 =	vld [tilespmem:s17+$0xFFFFFFE0];
	_ =	sdelay $0x4  }
0xd1: {  	v2 =	vmul.f32 v2, v1;
	_ =	sdelay $0x1  }
0xd2: {  	v2 =	vpsel p1, v4, v2  }
0xd3: {  	v2 =	vnsel vm4, $0x0, v2  }
0xd4: {  	[tilespmem:s16+$0x0] =	vst v2  }
0xd5: {  	v2 =	vld [tilespmem:s17+$0xFFFFFFF0];
	_ =	sdelay $0x4  }
0xd6: {  	v2 =	vmul.f32 v2, v1  }
0xd7: {  	vm4 =	vmand vm4, vm3  }
0xd8: {  	v2 =	vnsel vm4, $0x0, v2  }
0xd9: {  	[tilespmem:s16+$0x10] =	vst v2  }
0xda: {  	v2 =	vld [tilespmem:s17+$0x0];
	_ =	sdelay $0x4  }
0xdb: {  	v2 =	vmul.f32 v2, v1;
	_ =	sdelay $0x1  }
0xdc: {  	v2 =	vnsel vm4, $0x0, v2  }
0xdd: {  	[tilespmem:s16+$0x20] =	vst v2  }
0xde: {  	v3 =	vld [tilespmem:s17+$0x10];
	_ =	sdelay $0x2  }
0xdf: {  	s26 =	simm.s32 $0x1  }
0xe0: {  	s22 =	smov.u32 s17;
	v2 =	vmov s26;
	s26 =	simm.s32 $0x2  }
.LBB2_6:
0xe1: {  	p4 =	sne.s32 s26, $0x3F;
	v1 =	vmul.f32 v3, v1;
	_ =	sdelay $0x1  }
0xe2: {  	v1 =	vnsel vm4, $0x0, v1  }
0xe3: {  	[tilespmem:s16+$0x30] =	vst v1  }
0xe4: {  	s22 =	sadd.s32 $0x80, s22;
	v2 =	vld.idx.msk [tilespmem:v2+s7+$0x0], $0xffff  }
0xe5: {  	v3 =	vld [tilespmem:s22+$0xFFFFFFE0];
	_ =	sdelay $0x4  }
0xe6: {  	v1 =	vand.u32 $0x7FFFFFFF, v2  }
0xe7: {  	v3 =	vmul.f32 v1, v3  }
0xe8: {  	v4 =	vnsel vm1, $0x0, v1  }
0xe9: {  	vm5 =	vlt.f32 v2, $0.0e+00;
	v2 =	vpsel p1, v4, v3  }
0xea: {  	s16 =	sadd.s32 $0x80, s16;
	vm6 =	vmor vm5, vm2;
	vm4 =	vmand vm5, vm3;
	v2 =	vsel vm5, $0x0, v2  }
0xeb: {  	[tilespmem:s16+$0xFFFFFFC0] =	vst v2  }
0xec: {  	v2 =	vld [tilespmem:s22+$0xFFFFFFF0];
	_ =	sdelay $0x4  }
0xed: {  	v2 =	vmul.f32 v2, v1;
	_ =	sdelay $0x1  }
0xee: {  	v2 =	vsel vm6, $0x0, v2  }
0xef: {  	[tilespmem:s16+$0xFFFFFFD0] =	vst v2  }
0xf0: {  	v2 =	vld [tilespmem:s22+$0x0];
	_ =	sdelay $0x4  }
0xf1: {  	v2 =	vmul.f32 v2, v1;
	_ =	sdelay $0x1  }
0xf2: {  	v2 =	vsel vm6, $0x0, v2  }
0xf3: {  	[tilespmem:s16+$0xFFFFFFE0] =	vst v2  }
0xf4: {  	v2 =	vld [tilespmem:s22+$0x10];
	_ =	sdelay $0x4  }
0xf5: {  	v2 =	vmul.f32 v2, v1;
	_ =	sdelay $0x1  }
0xf6: {  	v2 =	vsel vm6, $0x0, v2  }
0xf7: {  	[tilespmem:s16+$0xFFFFFFF0] =	vst v2  }
0xf8: {  	v2 =	vld [tilespmem:s22+$0xFFFFFFE0];
	_ =	sdelay $0x4  }
0xf9: {  	v2 =	vmul.f32 v2, v1;
	_ =	sdelay $0x1  }
0xfa: {  	v2 =	vpsel p1, v4, v2  }
0xfb: {  	v2 =	vnsel vm5, $0x0, v2  }
0xfc: {  	[tilespmem:s16+$0x0] =	vst v2  }
0xfd: {  	v2 =	vld [tilespmem:s22+$0xFFFFFFF0];
	_ =	sdelay $0x4  }
0xfe: {  	v2 =	vmul.f32 v2, v1;
	_ =	sdelay $0x1  }
0xff: {  	v2 =	vnsel vm4, $0x0, v2  }
0x100: {  	[tilespmem:s16+$0x10] =	vst v2  }
0x101: {  	v2 =	vld [tilespmem:s22+$0x0];
	_ =	sdelay $0x4  }
0x102: {  	v2 =	vmul.f32 v2, v1;
	_ =	sdelay $0x1  }
0x103: {  	v2 =	vnsel vm4, $0x0, v2  }
0x104: {  	[tilespmem:s16+$0x20] =	vst v2  }
.Ltmp3:
0x105: {  	v3 =	vld [tilespmem:s22+$0x10];
	(pc) =	sbr.rel @p4 .LBB2_6-.Ltmp3, $2  }
0x106: {  	_ =	sdelay $0x2  }
0x107: {  	v2 =	vmov s26;
	s26 =	sadd.s32 $0x1, s26  }
0x108: {  	v1 =	vmul.f32 v3, v1;
	_ =	sdelay $0x1  }
0x109: {  	v1 =	vnsel vm4, $0x0, v1  }
0x10a: {  	[tilespmem:s16+$0x30] =	vst v1  }
0x10b: {  	s22 =	sadd.s32 $0x80, s22;
	v1 =	vld.idx.msk [tilespmem:v2+s7+$0x0], $0xffff  }
0x10c: {  	v2 =	vld [tilespmem:s22+$0xFFFFFFE0];
	_ =	sdelay $0x3  }
0x10d: {  	v3 =	vand.u32 $0x7FFFFFFF, v1  }
0x10e: {  	v2 =	vmul.f32 v3, v2  }
0x10f: {  	v4 =	vnsel vm1, $0x0, v3  }
0x110: {  	vm4 =	vlt.f32 v1, $0.0e+00;
	v1 =	vpsel p1, v4, v2  }
0x111: {  	s26 =	sadd.s32 $0x80, s16;
	v1 =	vsel vm4, $0x0, v1  }
0x112: {  	[tilespmem:s26+$0xFFFFFFC0] =	vst v1  }
0x113: {  	v1 =	vld [tilespmem:s22+$0xFFFFFFF0];
	_ =	sdelay $0x4  }
0x114: {  	v1 =	vmul.f32 v1, v3  }
0x115: {  	vm5 =	vmor vm4, vm2  }
0x116: {  	v1 =	vsel vm5, $0x0, v1  }
0x117: {  	[tilespmem:s26+$0xFFFFFFD0] =	vst v1  }
0x118: {  	v1 =	vld [tilespmem:s22+$0x0];
	_ =	sdelay $0x4  }
0x119: {  	v1 =	vmul.f32 v1, v3;
	_ =	sdelay $0x1  }
0x11a: {  	v1 =	vsel vm5, $0x0, v1  }
0x11b: {  	[tilespmem:s26+$0xFFFFFFE0] =	vst v1  }
0x11c: {  	v1 =	vld [tilespmem:s22+$0x10];
	_ =	sdelay $0x4  }
0x11d: {  	v1 =	vmul.f32 v1, v3;
	_ =	sdelay $0x1  }
0x11e: {  	v1 =	vsel vm5, $0x0, v1  }
0x11f: {  	[tilespmem:s26+$0xFFFFFFF0] =	vst v1  }
0x120: {  	v1 =	vld [tilespmem:s22+$0xFFFFFFE0];
	_ =	sdelay $0x4  }
0x121: {  	v1 =	vmul.f32 v1, v3;
	_ =	sdelay $0x1  }
0x122: {  	v1 =	vpsel p1, v4, v1  }
0x123: {  	v1 =	vnsel vm4, $0x0, v1  }
0x124: {  	[tilespmem:s26+$0x0] =	vst v1  }
0x125: {  	v1 =	vld [tilespmem:s22+$0xFFFFFFF0];
	_ =	sdelay $0x4  }
0x126: {  	v1 =	vmul.f32 v1, v3  }
0x127: {  	vm4 =	vmand vm4, vm3  }
0x128: {  	v1 =	vnsel vm4, $0x0, v1  }
0x129: {  	[tilespmem:s26+$0x10] =	vst v1  }
0x12a: {  	v1 =	vld [tilespmem:s22+$0x0];
	_ =	sdelay $0x4  }
0x12b: {  	v1 =	vmul.f32 v1, v3;
	_ =	sdelay $0x1  }
0x12c: {  	v1 =	vnsel vm4, $0x0, v1  }
0x12d: {  	[tilespmem:s26+$0x20] =	vst v1  }
0x12e: {  	v1 =	vld [tilespmem:s22+$0x10];
	_ =	sdelay $0x4  }
.Ltmp4:
0x12f: {  	v1 =	vmul.f32 v1, v3;
	(pc) =	sbr.rel @!p2 .LBB2_8-.Ltmp4, $4  }
0x130: {  	_ = 	snop  }
0x131: {  	v1 =	vnsel vm4, $0x0, v1  }
0x132: {  	[tilespmem:s26+$0x30] =	vst v1  }
0x133: {  	[spmem:s2] =	stream.indirect.scatter.add.f32 [tilespmem:s1], [sflag:$0x3], $0x80, s5, s0, $0xb8;
	[tilespmem:$0x17380] =	vst v63  }
.Ltmp5:
0x134: {  	(pc) =	sbr.rel @p0 .LBB2_13-.Ltmp5, $4  }
.Ltmp6:
0x135: {  	(pc) =	sbr.rel @!p0 .LBB2_11-.Ltmp6, $4  }
0x136: {  	_ = 	snop  }
0x137: {  	_ = 	snop  }
0x138: {  	_ = 	snop  }
0x139: {  	_ = 	snop  }
.LBB2_8:
0x13a: {  	_ =	swait.ge [sflag:s25], $0x80  }
.Ltmp7:
0x13b: {  	[sflag:s25] =	ssyncset.done $0x0;
	(pc) =	sbr.rel @p0 .LBB2_12-.Ltmp7, $4  }
0x13c: {  	[sflag:s25] =	ssyncadd.s32 $0xFFFFFF80  }
0x13d: {  	_ =	swait.ge [sflag:s25], $0x80  }
0x13e: {  	[sflag:s25] =	ssyncset.done $0x0  }
0x13f: {  	[sflag:s25] =	ssyncadd.s32 $0xFFFFFF80  }
0x140: {  	[tilespmem:s19], [sflag:$0x1] =	stream.indirect.gather [hbm4b:s4+s0], $0x80, s3, s0, $0xb8;
	[tilespmem:$0x17380] =	vst v63  }
.LBB2_11:
0x141: {  	_ =	swait.ge [sflag:s18], $0x2000  }
0x142: {  	[sflag:s18] =	ssyncset.done $0x0  }
0x143: {  	[sflag:s18] =	ssyncadd.s32 $0xFFFFE000  }
.LBB2_12:
.Ltmp8:
0x144: {  	(pc) =	sbr.rel @p3 .LBB2_14-.Ltmp8, $1  }
0x145: {  	_ =	sdelay $0x3  }
.LBB2_13:
0x146: {  	_ =	swait.ge [sflag:s6], $0x2000  }
0x147: {  	[sflag:s6] =	ssyncset.done $0x0  }
0x148: {  	[sflag:s6] =	ssyncadd.s32 $0xFFFFE000  }
.LBB2_14:
0x149: {  	v1 =	vld [tilespmem:$0x80]  }
0x14a: {  	v2 =	vld [tilespmem:$0x180];
	_ =	sdelay $0x6  }
0x14b: {  	v1 =	vld.idx.msk [tilespmem:v1+s29+$0x0], $0xffff  }
0x14c: {  	v3 =	vld.idx.msk [tilespmem:v2+s31+$0x0], $0xffff;
	_ =	sdelay $0x4  }
0x14d: {  	v1 =	vadd.f32 v3, v1;
	v3 =	vld [tilespmem:$0x5300];
	_ =	sdelay $0x1  }
0x14e: {  	v4 =	vmul.f32 $2.000000030e-01, v1  }
0x14f: {  	vm4 =	vlt.f32 v1, $0.0e+00  }
0x150: {  	v1 =	vsel vm4, v4, v1  }
0x151: {  	v1 =	vsub.f32 v1, v3;
	_ =	sdelay $0x1  }
0x152: {  	v1 =	vmul.f32 $1.442695020e+00, v1;
	_ =	sdelay $0x1  }
0x153: {  	(erf) = vpow2.f32 v1;
	_ =	sdelay $0x6  }
0x154: {  	v1 =	vld [tilespmem:$0x90]  }
0x155: {  	s16 =	sor.u32 $0x40, s15;
	v4 =	vld [tilespmem:$0x190]  }
0x156: {  	p3 =	slt.u32 s16, $0x2710;
	v3 =	vpop (erf)  }
0x157: {  	v3 =	vpsel !p3, $0x0, v3  }
0x158: {  	v5 =	vand.u32 $0x1, v2;
	v6 =	vsub.f32 $0.0e+00, v3  }
0x159: {  	v2 =	vshrl.u32 v2, $0x1;
	vm4 =	veq.s32 v5, $0x0  }
0x15a: {  	[tilespmem:$0x280] =	vst v2;
	v3 =	vsel vm4, v3, v6  }
0x15b: {  	[tilespmem:$0x380] =	vst v3  }
0x15c: {  	v1 =	vld.idx.msk [tilespmem:v1+s29+$0x0], $0xffff  }
0x15d: {  	v2 =	vld.idx.msk [tilespmem:v4+s31+$0x0], $0xffff;
	_ =	sdelay $0x4  }
0x15e: {  	v1 =	vadd.f32 v2, v1;
	v2 =	vld [tilespmem:$0x5300];
	_ =	sdelay $0x1  }
0x15f: {  	v3 =	vmul.f32 $2.000000030e-01, v1  }
0x160: {  	vm4 =	vlt.f32 v1, $0.0e+00  }
0x161: {  	v1 =	vsel vm4, v3, v1  }
0x162: {  	v1 =	vsub.f32 v1, v2;
	_ =	sdelay $0x1  }
0x163: {  	v1 =	vmul.f32 $1.442695020e+00, v1;
	_ =	sdelay $0x1  }
0x164: {  	(erf) = vpow2.f32 v1;
	_ =	sdelay $0x7  }
0x165: {  	s22 =	sor.u32 $0x50, s15;
	v1 =	vld [tilespmem:$0xA0]  }
0x166: {  	p4 =	slt.u32 s22, $0x2710;
	v3 =	vld [tilespmem:$0x1A0];
	v2 =	vpop (erf)  }
0x167: {  	v2 =	vpsel !p4, $0x0, v2  }
0x168: {  	v5 =	vand.u32 $0x1, v4;
	v62 =	vsub.f32 $0.0e+00, v2  }
0x169: {  	vm4 =	veq.s32 v5, $0x0  }
0x16a: {  	v2 =	vsel vm4, v2, v62  }
0x16b: {  	[tilespmem:$0x390] =	vst v2;
	v2 =	vshrl.u32 v4, $0x1  }
0x16c: {  	[tilespmem:$0x290] =	vst v2  }
0x16d: {  	v1 =	vld.idx.msk [tilespmem:v1+s29+$0x0], $0xffff  }
0x16e: {  	v2 =	vld.idx.msk [tilespmem:v3+s31+$0x0], $0xffff;
	_ =	sdelay $0x4  }
0x16f: {  	v1 =	vadd.f32 v2, v1;
	v2 =	vld [tilespmem:$0x5300];
	_ =	sdelay $0x1  }
0x170: {  	v4 =	vmul.f32 $2.000000030e-01, v1  }
0x171: {  	vm4 =	vlt.f32 v1, $0.0e+00  }
0x172: {  	v1 =	vsel vm4, v4, v1  }
0x173: {  	v1 =	vsub.f32 v1, v2;
	_ =	sdelay $0x1  }
0x174: {  	v1 =	vmul.f32 $1.442695020e+00, v1;
	_ =	sdelay $0x1  }
0x175: {  	(erf) = vpow2.f32 v1;
	_ =	sdelay $0x7  }
0x176: {  	s26 =	sor.u32 $0x60, s15;
	v1 =	vld [tilespmem:$0xB0]  }
0x177: {  	p5 =	slt.u32 s26, $0x2710;
	v4 =	vld [tilespmem:$0x1B0];
	v2 =	vpop (erf)  }
0x178: {  	v2 =	vpsel !p5, $0x0, v2  }
0x179: {  	v5 =	vand.u32 $0x1, v3;
	v63 =	vsub.f32 $0.0e+00, v2  }
0x17a: {  	vm4 =	veq.s32 v5, $0x0  }
0x17b: {  	v2 =	vsel vm4, v2, v63  }
0x17c: {  	[tilespmem:$0x3A0] =	vst v2;
	v2 =	vshrl.u32 v3, $0x1  }
0x17d: {  	[tilespmem:$0x2A0] =	vst v2  }
0x17e: {  	v1 =	vld.idx.msk [tilespmem:v1+s29+$0x0], $0xffff  }
0x17f: {  	v2 =	vld.idx.msk [tilespmem:v4+s31+$0x0], $0xffff;
	_ =	sdelay $0x4  }
0x180: {  	v1 =	vadd.f32 v2, v1;
	v2 =	vld [tilespmem:$0x5300];
	_ =	sdelay $0x1  }
0x181: {  	v3 =	vmul.f32 $2.000000030e-01, v1  }
0x182: {  	vm4 =	vlt.f32 v1, $0.0e+00  }
0x183: {  	v1 =	vsel vm4, v3, v1  }
0x184: {  	v1 =	vsub.f32 v1, v2;
	_ =	sdelay $0x1  }
0x185: {  	v1 =	vmul.f32 $1.442695020e+00, v1;
	_ =	sdelay $0x1  }
0x186: {  	(erf) = vpow2.f32 v1;
	_ =	sdelay $0x7  }
0x187: {  	s16 =	sor.u32 $0x70, s15  }
0x188: {  	s22 =	simm.s32 $0x0;
	p6 =	slt.u32 s16, $0x2710;
	v1 =	vpop (erf)  }
0x189: {  	s13 =	sadd.s32 @!p2 $0x180, s13;
	v2 =	vmov s22;
	v1 =	vpsel !p6, $0x0, v1  }
0x18a: {  	s15 =	sand.u32 @!p2 $0xFC00, s13;
	v3 =	vand.u32 $0x1, v4;
	v2 =	vand.u32 $0x7F, v2;
	v5 =	vsub.f32 $0.0e+00, v1  }
0x18b: {  	s13 =	sand.u32 @!p2 $0x380, s13;
	s15 =	sadd.s32 @!p2 s12, s15;
	vm4 =	veq.s32 v3, $0x0;
	v2 =	vor.u32 $0x80, v2  }
0x18c: {  	s13 =	sor.u32 @!p2 s13, s15;
	v2 =	vbroadcast v2, $0x0;
	v1 =	vsel vm4, v1, v5  }
0x18d: {  	s13 =	sshrl.u32 @!p2 s13, $0x3;
	[tilespmem:$0x3B0] =	vst v1;
	v1 =	vshrl.u32 v4, $0x1  }
0x18e: {  	s16 =	simm.s32 @!p2 $0x0;
	s15 =	sadd.s32 @!p2 s8, s13;
	s22 =	simm.s32 @!p2 $0x80;
	[tilespmem:$0x2B0] =	vst v1  }
0x18f: {  	[tilespmem:s22], [sflag:$0x5] =	stream.linear.gather @!p2 [hbm4b:s15+s16], $0x80, $0x38;
	[tilespmem:$0x17380] =	vst v63  }
0x190: {  	s13 =	sadd.s32 @!p2 s9, s13;
	s15 =	simm.s32 @!p2 $0x180  }
0x191: {  	[tilespmem:s15], [sflag:$0x5] =	stream.linear.gather @!p2 [hbm4b:s13+s16], $0x80, $0x38;
	[tilespmem:$0x17380] =	vst v63  }
0x192: {  	v2 =	vld.idx.msk [tilespmem:v2+s7+$0x0], $0xffff  }
0x193: {  	v3 =	vld [tilespmem:s23+$0xFFFFFFE0];
	_ =	sdelay $0x3  }
0x194: {  	v1 =	vand.u32 $0x7FFFFFFF, v2  }
0x195: {  	v3 =	vmul.f32 v1, v3  }
0x196: {  	v4 =	vnsel vm1, $0x0, v1  }
0x197: {  	vm4 =	vlt.f32 v2, $0.0e+00;
	v2 =	vpsel p1, v4, v3  }
0x198: {  	s13 =	simm.s32 $0xB3C0;
	v2 =	vsel vm4, $0x0, v2  }
0x199: {  	[tilespmem:s13+$0xFFFFFFC0] =	vst v2  }
0x19a: {  	v2 =	vld [tilespmem:s23+$0xFFFFFFF0];
	_ =	sdelay $0x4  }
0x19b: {  	v2 =	vmul.f32 v2, v1  }
0x19c: {  	vm5 =	vmor vm4, vm2  }
0x19d: {  	v2 =	vsel vm5, $0x0, v2  }
0x19e: {  	[tilespmem:s13+$0xFFFFFFD0] =	vst v2  }
0x19f: {  	v2 =	vld [tilespmem:s23+$0x0];
	_ =	sdelay $0x4  }
0x1a0: {  	v2 =	vmul.f32 v2, v1;
	_ =	sdelay $0x1  }
0x1a1: {  	v2 =	vsel vm5, $0x0, v2  }
0x1a2: {  	[tilespmem:s13+$0xFFFFFFE0] =	vst v2  }
0x1a3: {  	v2 =	vld [tilespmem:s23+$0x10];
	_ =	sdelay $0x4  }
0x1a4: {  	v2 =	vmul.f32 v2, v1;
	_ =	sdelay $0x1  }
0x1a5: {  	v2 =	vsel vm5, $0x0, v2  }
0x1a6: {  	[tilespmem:s13+$0xFFFFFFF0] =	vst v2  }
0x1a7: {  	v2 =	vld [tilespmem:s23+$0xFFFFFFE0];
	_ =	sdelay $0x4  }
0x1a8: {  	v2 =	vmul.f32 v2, v1;
	_ =	sdelay $0x1  }
0x1a9: {  	v2 =	vpsel p1, v4, v2  }
0x1aa: {  	v2 =	vnsel vm4, $0x0, v2  }
0x1ab: {  	[tilespmem:s13+$0x0] =	vst v2  }
0x1ac: {  	v2 =	vld [tilespmem:s23+$0xFFFFFFF0];
	_ =	sdelay $0x4  }
0x1ad: {  	v2 =	vmul.f32 v2, v1  }
0x1ae: {  	vm4 =	vmand vm4, vm3  }
0x1af: {  	v2 =	vnsel vm4, $0x0, v2  }
0x1b0: {  	[tilespmem:s13+$0x10] =	vst v2  }
0x1b1: {  	v2 =	vld [tilespmem:s23+$0x0];
	_ =	sdelay $0x4  }
0x1b2: {  	v2 =	vmul.f32 v2, v1;
	_ =	sdelay $0x1  }
0x1b3: {  	v2 =	vnsel vm4, $0x0, v2  }
0x1b4: {  	s26 =	simm.s32 $0x1;
	[tilespmem:s13+$0x20] =	vst v2  }
0x1b5: {  	s16 =	simm.s32 $0x2;
	s15 =	smov.u32 s23;
	v3 =	vmov s26;
	v2 =	vld [tilespmem:s23+$0x10]  }
.LBB2_15:
0x1b6: {  	p2 =	sne.s32 s16, $0x3F;
	v3 =	vand.u32 $0x7F, v3  }
0x1b7: {  	v3 =	vor.u32 $0x80, v3  }
0x1b8: {  	v3 =	vbroadcast v3, $0x0;
	_ =	sdelay $0x1  }
0x1b9: {  	v1 =	vmul.f32 v2, v1;
	_ =	sdelay $0x1  }
0x1ba: {  	v1 =	vnsel vm4, $0x0, v1  }
0x1bb: {  	[tilespmem:s13+$0x30] =	vst v1  }
0x1bc: {  	s15 =	sadd.s32 $0x80, s15;
	v2 =	vld.idx.msk [tilespmem:v3+s7+$0x0], $0xffff  }
0x1bd: {  	v3 =	vld [tilespmem:s15+$0xFFFFFFE0];
	_ =	sdelay $0x4  }
0x1be: {  	v1 =	vand.u32 $0x7FFFFFFF, v2  }
0x1bf: {  	v3 =	vmul.f32 v1, v3  }
0x1c0: {  	v4 =	vnsel vm1, $0x0, v1  }
0x1c1: {  	vm5 =	vlt.f32 v2, $0.0e+00;
	v2 =	vpsel p1, v4, v3  }
0x1c2: {  	s13 =	sadd.s32 $0x80, s13;
	vm6 =	vmor vm5, vm2;
	vm4 =	vmand vm5, vm3;
	v2 =	vsel vm5, $0x0, v2  }
0x1c3: {  	[tilespmem:s13+$0xFFFFFFC0] =	vst v2  }
0x1c4: {  	v2 =	vld [tilespmem:s15+$0xFFFFFFF0];
	_ =	sdelay $0x4  }
0x1c5: {  	v2 =	vmul.f32 v2, v1;
	_ =	sdelay $0x1  }
0x1c6: {  	v2 =	vsel vm6, $0x0, v2  }
0x1c7: {  	[tilespmem:s13+$0xFFFFFFD0] =	vst v2  }
0x1c8: {  	v2 =	vld [tilespmem:s15+$0x0];
	_ =	sdelay $0x4  }
0x1c9: {  	v2 =	vmul.f32 v2, v1;
	_ =	sdelay $0x1  }
0x1ca: {  	v2 =	vsel vm6, $0x0, v2  }
0x1cb: {  	[tilespmem:s13+$0xFFFFFFE0] =	vst v2  }
0x1cc: {  	v2 =	vld [tilespmem:s15+$0x10];
	_ =	sdelay $0x4  }
0x1cd: {  	v2 =	vmul.f32 v2, v1;
	_ =	sdelay $0x1  }
0x1ce: {  	v2 =	vsel vm6, $0x0, v2  }
0x1cf: {  	[tilespmem:s13+$0xFFFFFFF0] =	vst v2  }
0x1d0: {  	v2 =	vld [tilespmem:s15+$0xFFFFFFE0];
	_ =	sdelay $0x4  }
0x1d1: {  	v2 =	vmul.f32 v2, v1;
	_ =	sdelay $0x1  }
0x1d2: {  	v2 =	vpsel p1, v4, v2  }
0x1d3: {  	v2 =	vnsel vm5, $0x0, v2  }
0x1d4: {  	[tilespmem:s13+$0x0] =	vst v2  }
0x1d5: {  	v2 =	vld [tilespmem:s15+$0xFFFFFFF0];
	_ =	sdelay $0x4  }
0x1d6: {  	v2 =	vmul.f32 v2, v1;
	_ =	sdelay $0x1  }
0x1d7: {  	v2 =	vnsel vm4, $0x0, v2  }
0x1d8: {  	[tilespmem:s13+$0x10] =	vst v2  }
0x1d9: {  	v2 =	vld [tilespmem:s15+$0x0];
	_ =	sdelay $0x4  }
.Ltmp9:
0x1da: {  	v2 =	vmul.f32 v2, v1;
	(pc) =	sbr.rel @p2 .LBB2_15-.Ltmp9, $4  }
0x1db: {  	_ = 	snop  }
0x1dc: {  	v2 =	vnsel vm4, $0x0, v2  }
0x1dd: {  	[tilespmem:s13+$0x20] =	vst v2  }
0x1de: {  	v3 =	vmov s16;
	s16 =	sadd.s32 $0x1, s16;
	v2 =	vld [tilespmem:s15+$0x10]  }
0x1df: {  	v3 =	vand.u32 $0x7F, v3  }
0x1e0: {  	v3 =	vor.u32 $0x80, v3  }
0x1e1: {  	v3 =	vbroadcast v3, $0x0;
	_ =	sdelay $0x1  }
0x1e2: {  	v1 =	vmul.f32 v2, v1;
	_ =	sdelay $0x1  }
0x1e3: {  	v1 =	vnsel vm4, $0x0, v1  }
0x1e4: {  	[tilespmem:s13+$0x30] =	vst v1  }
0x1e5: {  	s15 =	sadd.s32 $0x80, s15;
	v1 =	vld.idx.msk [tilespmem:v3+s7+$0x0], $0xffff  }
0x1e6: {  	v2 =	vld [tilespmem:s15+$0xFFFFFFE0];
	_ =	sdelay $0x3  }
0x1e7: {  	v3 =	vand.u32 $0x7FFFFFFF, v1  }
0x1e8: {  	v2 =	vmul.f32 v3, v2  }
0x1e9: {  	v4 =	vnsel vm1, $0x0, v3  }
0x1ea: {  	vm4 =	vlt.f32 v1, $0.0e+00;
	v1 =	vpsel p1, v4, v2  }
0x1eb: {  	s26 =	sadd.s32 $0x80, s13;
	v1 =	vsel vm4, $0x0, v1  }
0x1ec: {  	[tilespmem:s26+$0xFFFFFFC0] =	vst v1  }
0x1ed: {  	v1 =	vld [tilespmem:s15+$0xFFFFFFF0];
	_ =	sdelay $0x4  }
0x1ee: {  	v1 =	vmul.f32 v1, v3  }
0x1ef: {  	vm5 =	vmor vm4, vm2  }
0x1f0: {  	v1 =	vsel vm5, $0x0, v1  }
0x1f1: {  	[tilespmem:s26+$0xFFFFFFD0] =	vst v1  }
0x1f2: {  	v1 =	vld [tilespmem:s15+$0x0];
	_ =	sdelay $0x4  }
0x1f3: {  	v1 =	vmul.f32 v1, v3;
	_ =	sdelay $0x1  }
0x1f4: {  	v1 =	vsel vm5, $0x0, v1  }
0x1f5: {  	[tilespmem:s26+$0xFFFFFFE0] =	vst v1  }
0x1f6: {  	v1 =	vld [tilespmem:s15+$0x10];
	_ =	sdelay $0x4  }
0x1f7: {  	v1 =	vmul.f32 v1, v3;
	_ =	sdelay $0x1  }
0x1f8: {  	v1 =	vsel vm5, $0x0, v1  }
0x1f9: {  	[tilespmem:s26+$0xFFFFFFF0] =	vst v1  }
0x1fa: {  	v1 =	vld [tilespmem:s15+$0xFFFFFFE0];
	_ =	sdelay $0x4  }
0x1fb: {  	v1 =	vmul.f32 v1, v3;
	_ =	sdelay $0x1  }
0x1fc: {  	v1 =	vpsel p1, v4, v1  }
0x1fd: {  	v1 =	vnsel vm4, $0x0, v1  }
0x1fe: {  	[tilespmem:s26+$0x0] =	vst v1  }
0x1ff: {  	v1 =	vld [tilespmem:s15+$0xFFFFFFF0];
	_ =	sdelay $0x4  }
0x200: {  	v1 =	vmul.f32 v1, v3  }
0x201: {  	vm4 =	vmand vm4, vm3  }
0x202: {  	v1 =	vnsel vm4, $0x0, v1  }
0x203: {  	[tilespmem:s26+$0x10] =	vst v1  }
0x204: {  	v1 =	vld [tilespmem:s15+$0x0];
	_ =	sdelay $0x4  }
0x205: {  	v1 =	vmul.f32 v1, v3;
	_ =	sdelay $0x1  }
0x206: {  	v1 =	vnsel vm4, $0x0, v1  }
0x207: {  	[tilespmem:s26+$0x20] =	vst v1  }
0x208: {  	v1 =	vld [tilespmem:s15+$0x10];
	_ =	sdelay $0x2  }
0x209: {  	s24 =	sadd.s32 $0x1, s24  }
0x20a: {  	p2 =	sne.s32 s24, $0x4F  }
.Ltmp10:
0x20b: {  	v1 =	vmul.f32 v1, v3;
	(pc) =	sbr.rel @p2 .LBB2_5-.Ltmp10, $4  }
0x20c: {  	_ = 	snop  }
0x20d: {  	v1 =	vnsel vm4, $0x0, v1  }
0x20e: {  	[tilespmem:s26+$0x30] =	vst v1  }
0x20f: {  	[spmem:s2] =	stream.indirect.scatter.add.f32 [tilespmem:s14], [sflag:$0x4], $0x80, s11, s0, $0xb8;
	[tilespmem:$0x17380] =	vst v63  }
0x210: {  	s13 =	simm.s32 $0x3  }
0x211: {  	_ =	swait.ge [sflag:s13], $0x2000  }
0x212: {  	[sflag:s13] =	ssyncset.done $0x0  }
0x213: {  	[sflag:s13] =	ssyncadd.s32 $0xFFFFE000  }
0x214: {  	s17 =	smul.u32 $0x140000, s20;
	_ =	swait.ge [sflag:s6], $0x2000  }
0x215: {  	[sflag:s6] =	ssyncset.done $0x0;
	s15 =	rddreg [dreg:$0x12]  }
0x216: {  	s21 =	rddreg [dreg:$0x6];
	s13 =	sadd.s32 s15, s17;
	[sflag:s6] =	ssyncadd.s32 $0xFFFFE000  }
0x217: {  	s16 =	stileid.u32;
	s15 =	sadd.s32 s21, s13;
	[bflag:$0x0] =	sbarrier.arrive $0xFFFF  }
0x218: {  	s16 =	sshll.u32 s16, $0x6;
	s15 =	sshrl.u32 s15, $0x3;
	s21 =	rddreg [dreg:$0x7]  }
0x219: {  	s16 =	sor.u32 $0x1C06, s16;
	s15 =	sadd.s32 s10, s15;
	s17 =	sshrl.u32 s21, $0x3  }
0x21a: {  	[hbm:s15], [sflag:s16] =	dma.local [spmem:s17], $0x400  }
0x21b: {  	_ =	swait.ge [sflag:s30], $0x400  }
0x21c: {  	s22 =	rddreg [dreg:$0x8]  }
0x21d: {  	s15 =	sadd.s32 s22, s13  }
0x21e: {  	[sflag:s30] =	ssyncset.done $0x0;
	s22 =	rddreg [dreg:$0xa];
	s15 =	sshrl.u32 s15, $0x3  }
0x21f: {  	[sflag:s30] =	ssyncadd.s32 $0xFFFFFC00;
	s23 =	sshrl.u32 s22, $0x3;
	s15 =	sadd.s32 s10, s15  }
0x220: {  	[hbm:s15], [sflag:s16] =	dma.local [spmem:s23], $0x400  }
0x221: {  	_ =	swait.ge [sflag:s30], $0x400  }
0x222: {  	s24 =	rddreg [dreg:$0x9]  }
0x223: {  	s15 =	sadd.s32 s24, s13  }
0x224: {  	[sflag:s30] =	ssyncset.done $0x0;
	s23 =	rddreg [dreg:$0xb];
	s15 =	sshrl.u32 s15, $0x3  }
0x225: {  	[sflag:s30] =	ssyncadd.s32 $0xFFFFFC00;
	s26 =	sshrl.u32 s23, $0x3;
	s15 =	sadd.s32 s10, s15  }
0x226: {  	[hbm:s15], [sflag:s16] =	dma.local [spmem:s26], $0x400  }
0x227: {  	_ =	swait.ge [sflag:s30], $0x400  }
0x228: {  	s24 =	rddreg [dreg:$0xc]  }
0x229: {  	s15 =	sadd.s32 s24, s13  }
0x22a: {  	[sflag:s30] =	ssyncset.done $0x0;
	s24 =	rddreg [dreg:$0x14];
	s15 =	sshrl.u32 s15, $0x3  }
0x22b: {  	[sflag:s30] =	ssyncadd.s32 $0xFFFFFC00;
	s26 =	sshrl.u32 s24, $0x3;
	s15 =	sadd.s32 s10, s15  }
0x22c: {  	[hbm:s15], [sflag:s16] =	dma.local [spmem:s26], $0x400  }
0x22d: {  	_ =	swait.ge [sflag:s30], $0x400  }
0x22e: {  	s17 =	rddreg [dreg:$0xd]  }
0x22f: {  	s13 =	sadd.s32 s17, s13  }
0x230: {  	s26 =	sshrl.u32 s28, $0x3;
	[sflag:s30] =	ssyncset.done $0x0;
	s13 =	sshrl.u32 s13, $0x3  }
.Ltmp11:
0x231: {  	[sflag:s30] =	ssyncadd.s32 $0xFFFFFC00;
	s13 =	sadd.s32 s10, s13;
	(pc) =	sbr.rel @p0 .LBB2_21-.Ltmp11, $4  }
0x232: {  	[hbm:s13], [sflag:s16] =	dma.local [spmem:s26], $0x400  }
0x233: {  	_ =	swait.ge [sflag:s30], $0x400  }
0x234: {  	[sflag:s30] =	ssyncset.done $0x0  }
0x235: {  	s15 =	simm.s32 $0x0;
	[sflag:s30] =	ssyncadd.s32 $0xFFFFFC00  }
0x236: {  	s13 =	sshra.s32 s15, $0x2;
	s15 =	sadd.s32 $0x200, s15  }
.LBB2_19:
0x237: {  	p0 =	sne.s32 s15, $0x7E00;
	[tilespmem:s13+$0x93F0] =	vst v0  }
0x238: {  	[tilespmem:s13+$0x9380] =	vst v0  }
0x239: {  	[tilespmem:s13+$0x9390] =	vst v0  }
.Ltmp12:
0x23a: {  	[tilespmem:s13+$0x93A0] =	vst v0;
	(pc) =	sbr.rel @p0 .LBB2_19-.Ltmp12, $4  }
0x23b: {  	[tilespmem:s13+$0x93B0] =	vst v0  }
0x23c: {  	[tilespmem:s13+$0x93C0] =	vst v0  }
0x23d: {  	[tilespmem:s13+$0x93D0] =	vst v0  }
0x23e: {  	[tilespmem:s13+$0x93E0] =	vst v0;
	s13 =	sshra.s32 s15, $0x2;
	s15 =	sadd.s32 $0x200, s15  }
0x23f: {  	[tilespmem:s13+$0x93F0] =	vst v0  }
0x240: {  	[tilespmem:s13+$0x9380] =	vst v0  }
0x241: {  	[tilespmem:s13+$0x9390] =	vst v0  }
0x242: {  	[tilespmem:s13+$0x93A0] =	vst v0  }
0x243: {  	[tilespmem:s13+$0x93B0] =	vst v0  }
0x244: {  	[tilespmem:s13+$0x93C0] =	vst v0  }
0x245: {  	[tilespmem:s13+$0x93D0] =	vst v0  }
0x246: {  	[tilespmem:s13+$0x93E0] =	vst v0  }
0x247: {  	[spmem:s21] =	stream.linear.scatter [tilespmem:s1], [sflag:$0x6], $0x2000, $0x38;
	[tilespmem:$0x17380] =	vst v63  }
0x248: {  	_ =	swait.ge [sflag:s30], $0x2000  }
0x249: {  	[sflag:s30] =	ssyncset.done $0x0  }
0x24a: {  	[sflag:s30] =	ssyncadd.s32 $0xFFFFE000  }
0x24b: {  	[spmem:s22] =	stream.linear.scatter [tilespmem:s1], [sflag:$0x6], $0x2000, $0x38;
	[tilespmem:$0x17380] =	vst v63  }
0x24c: {  	_ =	swait.ge [sflag:s30], $0x2000  }
0x24d: {  	[sflag:s30] =	ssyncset.done $0x0  }
0x24e: {  	[sflag:s30] =	ssyncadd.s32 $0xFFFFE000  }
0x24f: {  	[spmem:s23] =	stream.linear.scatter [tilespmem:s1], [sflag:$0x6], $0x2000, $0x38;
	[tilespmem:$0x17380] =	vst v63  }
0x250: {  	_ =	swait.ge [sflag:s30], $0x2000  }
0x251: {  	[sflag:s30] =	ssyncset.done $0x0  }
0x252: {  	[sflag:s30] =	ssyncadd.s32 $0xFFFFE000  }
0x253: {  	[spmem:s24] =	stream.linear.scatter [tilespmem:s1], [sflag:$0x6], $0x2000, $0x38;
	[tilespmem:$0x17380] =	vst v63  }
0x254: {  	_ =	swait.ge [sflag:s30], $0x2000  }
0x255: {  	[sflag:s30] =	ssyncset.done $0x0  }
0x256: {  	[sflag:s30] =	ssyncadd.s32 $0xFFFFE000  }
0x257: {  	[spmem:s28] =	stream.linear.scatter [tilespmem:s1], [sflag:$0x6], $0x2000, $0x38;
	[tilespmem:$0x17380] =	vst v63  }
.Ltmp13:
0x258: {  	_ =	swait.ge [sflag:s30], $0x2000;
	(pc) =	sbr.rel .LBB2_4-.Ltmp13, $4  }
0x259: {  	[sflag:s30] =	ssyncset.done $0x0  }
0x25a: {  	[sflag:s30] =	ssyncadd.s32 $0xFFFFE000  }
0x25b: {  	[bflag:$0x0] =	sbarrier.arrive $0xFFFF  }
0x25c: {  	s20 =	sadd.s32 $0x1, s20  }
.LBB2_22:
0x25d: {  	_ =	sfence.sel $0x180000  }
0x25e: {  	[bflag:$0x0] =	sbarrier.arrive $0xFFFF  }
0x25f: {  	_ =	strace $0x90000047  }
0x260: {  	s0 =	stileid.u32;
	[bflag:$0x2] =	sbarrier.arrive $0xFFFF  }
0x261: {  	p0 =	sne.s32 s0, $0x0;
	s0 =	rddreg [dreg:$0x3]  }
0x262: {  	s0 =	sadd.s32 @!p0 $0x100000, s0  }
0x263: {  	[sflag:s0] =	ssyncadd.tile.s32 @!p0 $0x1;
	_ =	shalt  }
.Lfunc_end2:
_tile_overlayer_lowered:
.L_overlay_start_2:
0x264: {  	(tag) =	ssettag $0x2  }
0x265: {  	s0 =	rddreg [dreg:$0x0];
	s2 =	stileid.u32  }
0x266: {  	s1 =	rddreg [dreg:$0x1];
	p0 =	sne.s32 s2, $0x0  }
0x267: {  	s3 =	rddreg [dreg:$0x2];
	[bflag:$0x3] =	sbarrier.arrive $0xFFFF;
	s2 =	simm.s32 @!p0 $0x1C06  }
0x268: {  	[timem:s3], [sflag:s2] =	dma.local @!p0 [hbm:s0], s1  }
0x269: {  	s0 =	simm.s32 @!p0 $0x6  }
0x26a: {  	_ =	swait.ge @!p0 [sflag:s0], s1  }
0x26b: {  	s1 =	ssub.s32 @!p0 $0x0, s1;
	[sflag:s0] =	ssyncset.done @!p0 $0x0  }
0x26c: {  	[sflag:s0] =	ssyncadd.s32 @!p0 s1  }
0x26d: {  	[bflag:$0x3] =	sbarrier.arrive $0xFFFF  }
0x26e: {  	_ =	shalt  }

</sc_bundles>
